<compile_context>
chip_gen: v7x
topology: tpu7x:2x2x1
jax: 0.10.2.dev20260603
libtpu: 0.0.44.dev20260713+nightly
codegen_flags: <defaults>
</compile_context>

<pallas_src>
import jax
import jax.numpy as jnp
from jax import lax
from jax.experimental import pallas as pl
from jax.experimental.pallas import tpu as pltpu
from jax.experimental.pallas import tpu_sc as plsc

_B = 16
_MAXLEN = 4096
_N = 32768
_DLOC = 16
_DOUT = 256
_HALF = _MAXLEN // 2
_NBLK = _HALF // 16
_FBUF = _MAXLEN + 256
_AT0MAX = _N - _FBUF


def _sc_body(feats_hbm, bidx_hbm, w1_hbm, b1_hbm,
             lfeat_hbm, psums_hbm, counts_hbm,
             bidx_v, feats_v, w1_v, b1_v, stage_v, acc_v, ps_v, cf_v, cb_v):
    c = lax.axis_index("c")
    s = lax.axis_index("s")
    w = s * 2 + c
    b = w // 2
    dhalf = w % 2

    pltpu.sync_copy(bidx_hbm, bidx_v)
    pltpu.sync_copy(w1_hbm, w1_v)
    pltpu.sync_copy(b1_hbm, b1_v)

    iota = lax.broadcasted_iota(jnp.int32, (16,), 0)

    def lower_bound(target):
        lo = jnp.zeros((16,), jnp.int32)
        for k in range(16):
            stepsz = 32768 >> k
            cand = lo + stepsz
            idx = jnp.minimum(cand, _N) - 1
            vals = plsc.load_gather(bidx_v, [idx])
            pred = (cand <= _N) & (vals < target)
            lo = jnp.where(pred, cand, lo)
        return lo

    starts = lower_bound(iota)
    ends = lower_bound(iota + 1)
    cnts = ends - starts
    cf_v[...] = cnts.astype(jnp.float32)

    zero16i = jnp.zeros((16,), jnp.int32)
    start_b = jnp.sum(jnp.where(iota == b, starts, zero16i))
    cnt_b = jnp.sum(jnp.where(iota == b, cnts, zero16i))
    nvalid = jnp.minimum(cnt_b, _MAXLEN)
    at0 = jnp.minimum((start_b >> 7) << 7, _AT0MAX)
    off = start_b - at0

    fstart = pl.multiple_of(at0, 128)
    pltpu.sync_copy(feats_hbm.at[:, pl.ds(fstart, _FBUF)], feats_v)

    zero16 = jnp.zeros((16,), jnp.float32)

    d0 = dhalf * 8
    w1rows = [w1_v[k] for k in range(3)] + [b1_v[...]]
    w1s = [[jnp.sum(jnp.where(iota == d0 + i, w1rows[k], 0.0))
            for k in range(4)] for i in range(8)]

    def gather3(j):
        rows = jnp.minimum(off + j * 16 + iota, _FBUF - 1)
        return tuple(plsc.load_gather(feats_v, [zero16i + k, rows])
                     for k in range(3))

    def halfblock(j, fs, accs):
        f0, f1, f2 = fs
        p0 = j * 16
        mask = (p0 + iota) < nvalid
        new_accs = []
        for i in range(8):
            v = f0 * w1s[i][0] + f1 * w1s[i][1] + f2 * w1s[i][2] + w1s[i][3]
            v = jnp.maximum(v, 0.0)
            v = jnp.where(mask, v, 0.0)
            stage_v[i, pl.ds(p0, 16)] = v
            new_accs.append(accs[i] + v)
        return tuple(new_accs)

    def block(i, carry):
        fs0, accs = carry
        j0 = i * 4
        fs1 = gather3(j0 + 1)
        fs2 = gather3(j0 + 2)
        fs3 = gather3(j0 + 3)
        fs_next = gather3(j0 + 4)
        accs = halfblock(j0, fs0, accs)
        accs = halfblock(j0 + 1, fs1, accs)
        accs = halfblock(j0 + 2, fs2, accs)
        accs = halfblock(j0 + 3, fs3, accs)
        return (fs_next, accs)

    ntrip = (nvalid + 63) // 64
    _, accs = lax.fori_loop(0, ntrip, block,
                            (gather3(0), (zero16,) * 8))

    def zblock(j, carry):
        p0 = j * 16
        for i in range(8):
            stage_v[i, pl.ds(p0, 16)] = zero16
        return carry

    lax.fori_loop(ntrip * 4, _MAXLEN // 16, zblock, 0)

    for i in range(8):
        acc_v[i] = accs[i]

    dsl = pl.multiple_of(d0, 8)
    pltpu.sync_copy(stage_v, lfeat_hbm.at[b, pl.ds(dsl, 8), :])

    rowsel = jnp.clip(iota - d0, 0, 7)
    inhalf = (iota >= d0) & (iota < d0 + 8)
    psum_row = jnp.zeros((16,), jnp.float32)
    for l in range(16):
        psum_row = psum_row + plsc.load_gather(
            acc_v, [rowsel, jnp.full((16,), l, jnp.int32)])
    ps_v[...] = jnp.where(inhalf, psum_row, 0.0)
    pltpu.sync_copy(ps_v, psums_hbm.at[dhalf, b])

    @pl.when(w == 0)
    def _():
        for bb in range(_B):
            cb_v[bb] = plsc.load_gather(cf_v, [jnp.full((16,), bb, jnp.int32)])
        pltpu.sync_copy(cb_v, counts_hbm)


def _tc_body(psums_ref, counts_ref, w2_ref, b2_ref, out_ref):
    pooled_sum = psums_ref[0] + psums_ref[1]
    denom = jnp.maximum(counts_ref[...], 1.0)
    pooled = pooled_sum / denom
    o = jnp.dot(pooled, w2_ref[...], preferred_element_type=jnp.float32)
    o = o + b2_ref[...]
    nrm = jnp.sqrt(jnp.sum(o * o, axis=1, keepdims=True))
    out_ref[...] = o / jnp.maximum(nrm, 1e-12)


def kernel(feats, batch_idx, W1, b1, W2, b2):
    feats_t = feats.T

    mesh = plsc.VectorSubcoreMesh(core_axis_name="c", subcore_axis_name="s")
    sc = pl.kernel(
        _sc_body,
        out_type=(
            jax.ShapeDtypeStruct((_B, _DLOC, _MAXLEN), jnp.float32),
            jax.ShapeDtypeStruct((2, _B, _DLOC), jnp.float32),
            jax.ShapeDtypeStruct((_B, _B), jnp.float32),
        ),
        mesh=mesh,
        scratch_types=[
            pltpu.VMEM((_N,), jnp.int32),
            pltpu.VMEM((3, _FBUF), jnp.float32),
            pltpu.VMEM((3, 16), jnp.float32),
            pltpu.VMEM((16,), jnp.float32),
            pltpu.VMEM((8, _MAXLEN), jnp.float32),
            pltpu.VMEM((8, 16), jnp.float32),
            pltpu.VMEM((16,), jnp.float32),
            pltpu.VMEM((16,), jnp.float32),
            pltpu.VMEM((_B, _B), jnp.float32),
        ],
        compiler_params=pltpu.CompilerParams(needs_layout_passes=False),
        name="spgap_sc",
    )
    lfeat, psums, counts_m = sc(feats_t, batch_idx, W1, b1)

    out = pl.pallas_call(
        _tc_body,
        out_shape=jax.ShapeDtypeStruct((_B, _DOUT), jnp.float32),
    )(psums, counts_m, W2, b2.reshape(1, _DOUT))
    return out, lfeat

# --- scband reference (transcript-rebuilt; emitter-appended) ---
"""Pipeline reference for scband-spgap-24635932410131 (READ-ONLY COPY).

The authoritative reference and input builder live on the scoring server;
editing this copy changes nothing except your own understanding.
"""

import jax, jax.numpy as jnp
import numpy as np

B = 16
MAXLEN = 4096
N = 32768
DIN = 3
DLOC = 16
DOUT = 256


def setup_inputs(seed: int = 0) -> dict:
    key = jax.random.key(seed)
    k1, k2, k3, k4 = jax.random.split(key, 4)
    feats = jax.random.normal(k1, (N, DIN), dtype=jnp.float32)
    batch_idx = jnp.sort(jax.random.randint(k2, (N,), 0, B)).astype(jnp.int32)
    W1 = jax.random.normal(k3, (DIN, DLOC), dtype=jnp.float32) * 0.1
    b1 = jnp.zeros((DLOC,), dtype=jnp.float32)
    W2 = jax.random.normal(k4, (DLOC, DOUT), dtype=jnp.float32) * 0.1
    b2 = jnp.zeros((DOUT,), dtype=jnp.float32)
    return {"feats": feats, "batch_idx": batch_idx, "W1": W1, "b1": b1, "W2": W2, "b2": b2}


def reference(feats, batch_idx, W1, b1, W2, b2):
    # backbone (spvcnnx stub): pointwise MLP producing local_feat_dim features per point
    h = jax.nn.relu(feats @ W1 + b1)  # [N, DLOC]
    # torch.unique(x.C[:, -1], return_counts=True) -> per-batch counts
    counts = jnp.bincount(batch_idx, length=B)  # [B]
    offsets = jnp.concatenate([jnp.zeros((1,), dtype=jnp.int32),
                               jnp.cumsum(counts)[:-1].astype(jnp.int32)])
    # position of each token within its segment (batch_idx is sorted)
    pos = jnp.arange(h.shape[0], dtype=jnp.int32) - jnp.take(offsets, batch_idx)
    valid = pos < MAXLEN
    safe_pos = jnp.where(valid, pos, MAXLEN - 1)
    # torch.split + pad_sequence -> padded [B, MAXLEN, DLOC] via scatter-add
    padded = jnp.zeros((B, MAXLEN, DLOC), dtype=jnp.float32).at[batch_idx, safe_pos].add(
        jnp.where(valid[:, None], h, 0.0))
    # .permute(1, 2, 0) on pad_sequence output [L, B, D] -> [B, D, L]
    lfeat = jnp.transpose(padded, (0, 2, 1))  # [B, DLOC, MAXLEN]
    # SPoC head: global average pooling over valid tokens, fc to output_dim, L2-normalize
    denom = jnp.maximum(counts, 1).astype(jnp.float32)[:, None]
    pooled = jnp.sum(lfeat, axis=2) / denom  # [B, DLOC]
    out = pooled @ W2 + b2  # [B, DOUT]
    out = out / jnp.clip(jnp.linalg.norm(out, axis=1, keepdims=True), 1e-12)
    return out, lfeat

if __name__ == "__main__":
    import jax
    _d = setup_inputs()
    print(jax.jit(kernel)(*tuple(_d.values())))

</pallas_src>

<mosaic_0001>
#map = affine_map<(d0, d1) -> (0, 0)>
#map1 = affine_map<(d0, d1) -> (0)>
#map2 = affine_map<(d0, d1) -> (0, 0, 0)>
module attributes {stable_mosaic.version = 14 : i64} {
  func.func @spgap_sc(%arg0: i32, %arg1: i32, %arg2: memref<3x32768xf32, #tpu.memory_space<hbm>>, %arg3: memref<32768xi32, #tpu.memory_space<hbm>>, %arg4: memref<3x16xf32, #tpu.memory_space<hbm>>, %arg5: memref<16xf32, #tpu.memory_space<hbm>>, %arg6: memref<16x16x4096xf32, #tpu.memory_space<hbm>>, %arg7: memref<2x16x16xf32, #tpu.memory_space<hbm>>, %arg8: memref<16x16xf32, #tpu.memory_space<hbm>>, %arg9: memref<32768xi32, #tpu.memory_space<vmem>>, %arg10: memref<3x4352xf32, #tpu.memory_space<vmem>>, %arg11: memref<3x16xf32, #tpu.memory_space<vmem>>, %arg12: memref<16xf32, #tpu.memory_space<vmem>>, %arg13: memref<8x4096xf32, #tpu.memory_space<vmem>>, %arg14: memref<8x16xf32, #tpu.memory_space<vmem>>, %arg15: memref<16xf32, #tpu.memory_space<vmem>>, %arg16: memref<16xf32, #tpu.memory_space<vmem>>, %arg17: memref<16x16xf32, #tpu.memory_space<vmem>>) attributes {dimension_semantics = [#tpu.dimension_semantics<core_parallel>, #tpu.dimension_semantics<subcore_parallel>], iteration_bounds = array<i64: 2, 16>, scalar_prefetch = 0 : i64, scratch_operands = 9 : i64, tpu.core_type = #tpu.core_type<sc_vector_subcore>, window_params = [{transform_indices = #map}, {transform_indices = #map1}, {transform_indices = #map}, {transform_indices = #map1}, {transform_indices = #map2}, {transform_indices = #map2}, {transform_indices = #map}]} {
    %mul3A = arith.constant 2 : i32
    %mul3A_0 = arith.muli %arg1, %mul3A : i32
    %add3A = arith.addi %mul3A_0, %arg0 : i32
    %jit3A = arith.constant 2 : i32
    %div3A = arith.divsi %add3A, %jit3A : i32
    %sign3A = arith.constant 0 : i32
    %sign3A_1 = arith.cmpi sgt, %add3A, %sign3A : i32
    %sign3A_2 = arith.extui %sign3A_1 : i1 to i32
    %sign3A_3 = arith.constant 0 : i32
    %sign3A_4 = arith.cmpi slt, %add3A, %sign3A_3 : i32
    %sign3A_5 = arith.extui %sign3A_4 : i1 to i32
    %sign3A_6 = arith.subi %sign3A_2, %sign3A_5 : i32
    %sign3A_7 = arith.constant 0 : i32
    %sign3A_8 = arith.cmpi sgt, %jit3A, %sign3A_7 : i32
    %sign3A_9 = arith.extui %sign3A_8 : i1 to i32
    %sign3A_10 = arith.constant 0 : i32
    %sign3A_11 = arith.cmpi slt, %jit3A, %sign3A_10 : i32
    %sign3A_12 = arith.extui %sign3A_11 : i1 to i32
    %sign3A_13 = arith.subi %sign3A_9, %sign3A_12 : i32
    %ne3A = arith.cmpi ne, %sign3A_6, %sign3A_13 : i32
    %rem3A = arith.remsi %add3A, %jit3A : i32
    %ne3A_14 = arith.constant 0 : i32
    %ne3A_15 = arith.cmpi ne, %rem3A, %ne3A_14 : i32
    %and3A = arith.andi %ne3A, %ne3A_15 : i1
    %sub3A = arith.constant 1 : i32
    %sub3A_16 = arith.subi %div3A, %sub3A : i32
    %select_n3A = arith.select %and3A, %sub3A_16, %div3A : i32
    %jit3A_17 = arith.constant 2 : i32
    %eq3A = arith.constant 0 : i32
    %eq3A_18 = arith.cmpi eq, %jit3A_17, %eq3A : i32
    %jit3A_19 = arith.constant 1 : i32
    %select_n3A_20 = arith.select %eq3A_18, %jit3A_19, %jit3A_17 : i32
    %rem3A_21 = arith.remsi %add3A, %select_n3A_20 : i32
    %ne3A_22 = arith.constant 0 : i32
    %ne3A_23 = arith.cmpi ne, %rem3A_21, %ne3A_22 : i32
    %lt3A = arith.constant 0 : i32
    %lt3A_24 = arith.cmpi slt, %rem3A_21, %lt3A : i32
    %lt3A_25 = arith.constant 0 : i32
    %lt3A_26 = arith.cmpi slt, %select_n3A_20, %lt3A_25 : i32
    %ne3A_27 = arith.xori %lt3A_24, %lt3A_26 : i1
    %and3A_28 = arith.andi %ne3A_27, %ne3A_23 : i1
    %add3A_29 = arith.addi %rem3A_21, %select_n3A_20 : i32
    %select_n3A_30 = arith.select %and3A_28, %add3A_29, %rem3A_21 : i32
    "tpu.region"() ({
      %run_scoped3A = tpu.sem_alloc : memref<!tpu.dma_semaphore, #tpu.memory_space<semaphore_mem>>
      tpu.enqueue_dma source(%arg3 : memref<32768xi32, #tpu.memory_space<hbm>>) target(%arg9 : memref<32768xi32, #tpu.memory_space<vmem>>) target_semaphore(%run_scoped3A : memref<!tpu.dma_semaphore, #tpu.memory_space<semaphore_mem>>)
      tpu.wait_dma2 semaphore(%run_scoped3A : memref<!tpu.dma_semaphore, #tpu.memory_space<semaphore_mem>>) src(%arg3 : memref<32768xi32, #tpu.memory_space<hbm>>) dst(%arg9 : memref<32768xi32, #tpu.memory_space<vmem>>)
      tpu.yield
    }) : () -> ()
    "tpu.region"() ({
      %run_scoped3A = tpu.sem_alloc : memref<!tpu.dma_semaphore, #tpu.memory_space<semaphore_mem>>
      tpu.enqueue_dma source(%arg4 : memref<3x16xf32, #tpu.memory_space<hbm>>) target(%arg11 : memref<3x16xf32, #tpu.memory_space<vmem>>) target_semaphore(%run_scoped3A : memref<!tpu.dma_semaphore, #tpu.memory_space<semaphore_mem>>)
      tpu.wait_dma2 semaphore(%run_scoped3A : memref<!tpu.dma_semaphore, #tpu.memory_space<semaphore_mem>>) src(%arg4 : memref<3x16xf32, #tpu.memory_space<hbm>>) dst(%arg11 : memref<3x16xf32, #tpu.memory_space<vmem>>)
      tpu.yield
    }) : () -> ()
    "tpu.region"() ({
      %run_scoped3A = tpu.sem_alloc : memref<!tpu.dma_semaphore, #tpu.memory_space<semaphore_mem>>
      tpu.enqueue_dma source(%arg5 : memref<16xf32, #tpu.memory_space<hbm>>) target(%arg12 : memref<16xf32, #tpu.memory_space<vmem>>) target_semaphore(%run_scoped3A : memref<!tpu.dma_semaphore, #tpu.memory_space<semaphore_mem>>)
      tpu.wait_dma2 semaphore(%run_scoped3A : memref<!tpu.dma_semaphore, #tpu.memory_space<semaphore_mem>>) src(%arg5 : memref<16xf32, #tpu.memory_space<hbm>>) dst(%arg12 : memref<16xf32, #tpu.memory_space<vmem>>)
      tpu.yield
    }) : () -> ()
    %iota3A = tpu.iota {dimensions = array<i32: 0>} : vector<16xi32>
    %broadcast_in_dim3A = arith.constant 0 : i32
    %broadcast_in_dim3A_31 = vector.broadcast %broadcast_in_dim3A : i32 to vector<16xi32>
    %add3A_32 = arith.constant 32768 : i32
    %add3A_33 = vector.broadcast %add3A_32 : i32 to vector<16xi32>
    %add3A_34 = arith.addi %broadcast_in_dim3A_31, %add3A_33 : vector<16xi32>
    %min3A = arith.constant 32768 : i32
    %min3A_35 = vector.broadcast %min3A : i32 to vector<16xi32>
    %min3A_36 = arith.minsi %add3A_34, %min3A_35 : vector<16xi32>
    %sub3A_37 = arith.constant 1 : i32
    %sub3A_38 = vector.broadcast %sub3A_37 : i32 to vector<16xi32>
    %sub3A_39 = arith.subi %min3A_36, %sub3A_38 : vector<16xi32>
    %gather3A = tpu.vector_load_idx %arg9[%sub3A_39] : memref<32768xi32, #tpu.memory_space<vmem>>[vector<16xi32>], vector<16xi32>,
    %le3A = arith.constant 32768 : i32
    %le3A_40 = vector.broadcast %le3A : i32 to vector<16xi32>
    %le3A_41 = arith.cmpi sle, %add3A_34, %le3A_40 : vector<16xi32>
    %lt3A_42 = arith.cmpi slt, %gather3A, %iota3A : vector<16xi32>
    %and3A_43 = arith.andi %le3A_41, %lt3A_42 : vector<16xi1>
    %select_n3A_44 = arith.select %and3A_43, %add3A_34, %broadcast_in_dim3A_31 : vector<16xi1>, vector<16xi32>
    %add3A_45 = arith.constant 16384 : i32
    %add3A_46 = vector.broadcast %add3A_45 : i32 to vector<16xi32>
    %add3A_47 = arith.addi %select_n3A_44, %add3A_46 : vector<16xi32>
    %min3A_48 = arith.constant 32768 : i32
    %min3A_49 = vector.broadcast %min3A_48 : i32 to vector<16xi32>
    %min3A_50 = arith.minsi %add3A_47, %min3A_49 : vector<16xi32>
    %sub3A_51 = arith.constant 1 : i32
    %sub3A_52 = vector.broadcast %sub3A_51 : i32 to vector<16xi32>
    %sub3A_53 = arith.subi %min3A_50, %sub3A_52 : vector<16xi32>
    %gather3A_54 = tpu.vector_load_idx %arg9[%sub3A_53] : memref<32768xi32, #tpu.memory_space<vmem>>[vector<16xi32>], vector<16xi32>,
    %le3A_55 = arith.constant 32768 : i32
    %le3A_56 = vector.broadcast %le3A_55 : i32 to vector<16xi32>
    %le3A_57 = arith.cmpi sle, %add3A_47, %le3A_56 : vector<16xi32>
    %lt3A_58 = arith.cmpi slt, %gather3A_54, %iota3A : vector<16xi32>
    %and3A_59 = arith.andi %le3A_57, %lt3A_58 : vector<16xi1>
    %select_n3A_60 = arith.select %and3A_59, %add3A_47, %select_n3A_44 : vector<16xi1>, vector<16xi32>
    %add3A_61 = arith.constant 8192 : i32
    %add3A_62 = vector.broadcast %add3A_61 : i32 to vector<16xi32>
    %add3A_63 = arith.addi %select_n3A_60, %add3A_62 : vector<16xi32>
    %min3A_64 = arith.constant 32768 : i32
    %min3A_65 = vector.broadcast %min3A_64 : i32 to vector<16xi32>
    %min3A_66 = arith.minsi %add3A_63, %min3A_65 : vector<16xi32>
    %sub3A_67 = arith.constant 1 : i32
    %sub3A_68 = vector.broadcast %sub3A_67 : i32 to vector<16xi32>
    %sub3A_69 = arith.subi %min3A_66, %sub3A_68 : vector<16xi32>
    %gather3A_70 = tpu.vector_load_idx %arg9[%sub3A_69] : memref<32768xi32, #tpu.memory_space<vmem>>[vector<16xi32>], vector<16xi32>,
    %le3A_71 = arith.constant 32768 : i32
    %le3A_72 = vector.broadcast %le3A_71 : i32 to vector<16xi32>
    %le3A_73 = arith.cmpi sle, %add3A_63, %le3A_72 : vector<16xi32>
    %lt3A_74 = arith.cmpi slt, %gather3A_70, %iota3A : vector<16xi32>
    %and3A_75 = arith.andi %le3A_73, %lt3A_74 : vector<16xi1>
    %select_n3A_76 = arith.select %and3A_75, %add3A_63, %select_n3A_60 : vector<16xi1>, vector<16xi32>
    %add3A_77 = arith.constant 4096 : i32
    %add3A_78 = vector.broadcast %add3A_77 : i32 to vector<16xi32>
    %add3A_79 = arith.addi %select_n3A_76, %add3A_78 : vector<16xi32>
    %min3A_80 = arith.constant 32768 : i32
    %min3A_81 = vector.broadcast %min3A_80 : i32 to vector<16xi32>
    %min3A_82 = arith.minsi %add3A_79, %min3A_81 : vector<16xi32>
    %sub3A_83 = arith.constant 1 : i32
    %sub3A_84 = vector.broadcast %sub3A_83 : i32 to vector<16xi32>
    %sub3A_85 = arith.subi %min3A_82, %sub3A_84 : vector<16xi32>
    %gather3A_86 = tpu.vector_load_idx %arg9[%sub3A_85] : memref<32768xi32, #tpu.memory_space<vmem>>[vector<16xi32>], vector<16xi32>,
    %le3A_87 = arith.constant 32768 : i32
    %le3A_88 = vector.broadcast %le3A_87 : i32 to vector<16xi32>
    %le3A_89 = arith.cmpi sle, %add3A_79, %le3A_88 : vector<16xi32>
    %lt3A_90 = arith.cmpi slt, %gather3A_86, %iota3A : vector<16xi32>
    %and3A_91 = arith.andi %le3A_89, %lt3A_90 : vector<16xi1>
    %select_n3A_92 = arith.select %and3A_91, %add3A_79, %select_n3A_76 : vector<16xi1>, vector<16xi32>
    %add3A_93 = arith.constant 2048 : i32
    %add3A_94 = vector.broadcast %add3A_93 : i32 to vector<16xi32>
    %add3A_95 = arith.addi %select_n3A_92, %add3A_94 : vector<16xi32>
    %min3A_96 = arith.constant 32768 : i32
    %min3A_97 = vector.broadcast %min3A_96 : i32 to vector<16xi32>
    %min3A_98 = arith.minsi %add3A_95, %min3A_97 : vector<16xi32>
    %sub3A_99 = arith.constant 1 : i32
    %sub3A_100 = vector.broadcast %sub3A_99 : i32 to vector<16xi32>
    %sub3A_101 = arith.subi %min3A_98, %sub3A_100 : vector<16xi32>
    %gather3A_102 = tpu.vector_load_idx %arg9[%sub3A_101] : memref<32768xi32, #tpu.memory_space<vmem>>[vector<16xi32>], vector<16xi32>,
    %le3A_103 = arith.constant 32768 : i32
    %le3A_104 = vector.broadcast %le3A_103 : i32 to vector<16xi32>
    %le3A_105 = arith.cmpi sle, %add3A_95, %le3A_104 : vector<16xi32>
    %lt3A_106 = arith.cmpi slt, %gather3A_102, %iota3A : vector<16xi32>
    %and3A_107 = arith.andi %le3A_105, %lt3A_106 : vector<16xi1>
    %select_n3A_108 = arith.select %and3A_107, %add3A_95, %select_n3A_92 : vector<16xi1>, vector<16xi32>
    %add3A_109 = arith.constant 1024 : i32
    %add3A_110 = vector.broadcast %add3A_109 : i32 to vector<16xi32>
    %add3A_111 = arith.addi %select_n3A_108, %add3A_110 : vector<16xi32>
    %min3A_112 = arith.constant 32768 : i32
    %min3A_113 = vector.broadcast %min3A_112 : i32 to vector<16xi32>
    %min3A_114 = arith.minsi %add3A_111, %min3A_113 : vector<16xi32>
    %sub3A_115 = arith.constant 1 : i32
    %sub3A_116 = vector.broadcast %sub3A_115 : i32 to vector<16xi32>
    %sub3A_117 = arith.subi %min3A_114, %sub3A_116 : vector<16xi32>
    %gather3A_118 = tpu.vector_load_idx %arg9[%sub3A_117] : memref<32768xi32, #tpu.memory_space<vmem>>[vector<16xi32>], vector<16xi32>,
    %le3A_119 = arith.constant 32768 : i32
    %le3A_120 = vector.broadcast %le3A_119 : i32 to vector<16xi32>
    %le3A_121 = arith.cmpi sle, %add3A_111, %le3A_120 : vector<16xi32>
    %lt3A_122 = arith.cmpi slt, %gather3A_118, %iota3A : vector<16xi32>
    %and3A_123 = arith.andi %le3A_121, %lt3A_122 : vector<16xi1>
    %select_n3A_124 = arith.select %and3A_123, %add3A_111, %select_n3A_108 : vector<16xi1>, vector<16xi32>
    %add3A_125 = arith.constant 512 : i32
    %add3A_126 = vector.broadcast %add3A_125 : i32 to vector<16xi32>
    %add3A_127 = arith.addi %select_n3A_124, %add3A_126 : vector<16xi32>
    %min3A_128 = arith.constant 32768 : i32
    %min3A_129 = vector.broadcast %min3A_128 : i32 to vector<16xi32>
    %min3A_130 = arith.minsi %add3A_127, %min3A_129 : vector<16xi32>
    %sub3A_131 = arith.constant 1 : i32
    %sub3A_132 = vector.broadcast %sub3A_131 : i32 to vector<16xi32>
    %sub3A_133 = arith.subi %min3A_130, %sub3A_132 : vector<16xi32>
    %gather3A_134 = tpu.vector_load_idx %arg9[%sub3A_133] : memref<32768xi32, #tpu.memory_space<vmem>>[vector<16xi32>], vector<16xi32>,
    %le3A_135 = arith.constant 32768 : i32
    %le3A_136 = vector.broadcast %le3A_135 : i32 to vector<16xi32>
    %le3A_137 = arith.cmpi sle, %add3A_127, %le3A_136 : vector<16xi32>
    %lt3A_138 = arith.cmpi slt, %gather3A_134, %iota3A : vector<16xi32>
    %and3A_139 = arith.andi %le3A_137, %lt3A_138 : vector<16xi1>
    %select_n3A_140 = arith.select %and3A_139, %add3A_127, %select_n3A_124 : vector<16xi1>, vector<16xi32>
    %add3A_141 = arith.constant 256 : i32
    %add3A_142 = vector.broadcast %add3A_141 : i32 to vector<16xi32>
    %add3A_143 = arith.addi %select_n3A_140, %add3A_142 : vector<16xi32>
    %min3A_144 = arith.constant 32768 : i32
    %min3A_145 = vector.broadcast %min3A_144 : i32 to vector<16xi32>
    %min3A_146 = arith.minsi %add3A_143, %min3A_145 : vector<16xi32>
    %sub3A_147 = arith.constant 1 : i32
    %sub3A_148 = vector.broadcast %sub3A_147 : i32 to vector<16xi32>
    %sub3A_149 = arith.subi %min3A_146, %sub3A_148 : vector<16xi32>
    %gather3A_150 = tpu.vector_load_idx %arg9[%sub3A_149] : memref<32768xi32, #tpu.memory_space<vmem>>[vector<16xi32>], vector<16xi32>,
    %le3A_151 = arith.constant 32768 : i32
    %le3A_152 = vector.broadcast %le3A_151 : i32 to vector<16xi32>
    %le3A_153 = arith.cmpi sle, %add3A_143, %le3A_152 : vector<16xi32>
    %lt3A_154 = arith.cmpi slt, %gather3A_150, %iota3A : vector<16xi32>
    %and3A_155 = arith.andi %le3A_153, %lt3A_154 : vector<16xi1>
    %select_n3A_156 = arith.select %and3A_155, %add3A_143, %select_n3A_140 : vector<16xi1>, vector<16xi32>
    %add3A_157 = arith.constant 128 : i32
    %add3A_158 = vector.broadcast %add3A_157 : i32 to vector<16xi32>
    %add3A_159 = arith.addi %select_n3A_156, %add3A_158 : vector<16xi32>
    %min3A_160 = arith.constant 32768 : i32
    %min3A_161 = vector.broadcast %min3A_160 : i32 to vector<16xi32>
    %min3A_162 = arith.minsi %add3A_159, %min3A_161 : vector<16xi32>
    %sub3A_163 = arith.constant 1 : i32
    %sub3A_164 = vector.broadcast %sub3A_163 : i32 to vector<16xi32>
    %sub3A_165 = arith.subi %min3A_162, %sub3A_164 : vector<16xi32>
    %gather3A_166 = tpu.vector_load_idx %arg9[%sub3A_165] : memref<32768xi32, #tpu.memory_space<vmem>>[vector<16xi32>], vector<16xi32>,
    %le3A_167 = arith.constant 32768 : i32
    %le3A_168 = vector.broadcast %le3A_167 : i32 to vector<16xi32>
    %le3A_169 = arith.cmpi sle, %add3A_159, %le3A_168 : vector<16xi32>
    %lt3A_170 = arith.cmpi slt, %gather3A_166, %iota3A : vector<16xi32>
    %and3A_171 = arith.andi %le3A_169, %lt3A_170 : vector<16xi1>
    %select_n3A_172 = arith.select %and3A_171, %add3A_159, %select_n3A_156 : vector<16xi1>, vector<16xi32>
    %add3A_173 = arith.constant 64 : i32
    %add3A_174 = vector.broadcast %add3A_173 : i32 to vector<16xi32>
    %add3A_175 = arith.addi %select_n3A_172, %add3A_174 : vector<16xi32>
    %min3A_176 = arith.constant 32768 : i32
    %min3A_177 = vector.broadcast %min3A_176 : i32 to vector<16xi32>
    %min3A_178 = arith.minsi %add3A_175, %min3A_177 : vector<16xi32>
    %sub3A_179 = arith.constant 1 : i32
    %sub3A_180 = vector.broadcast %sub3A_179 : i32 to vector<16xi32>
    %sub3A_181 = arith.subi %min3A_178, %sub3A_180 : vector<16xi32>
    %gather3A_182 = tpu.vector_load_idx %arg9[%sub3A_181] : memref<32768xi32, #tpu.memory_space<vmem>>[vector<16xi32>], vector<16xi32>,
    %le3A_183 = arith.constant 32768 : i32
    %le3A_184 = vector.broadcast %le3A_183 : i32 to vector<16xi32>
    %le3A_185 = arith.cmpi sle, %add3A_175, %le3A_184 : vector<16xi32>
    %lt3A_186 = arith.cmpi slt, %gather3A_182, %iota3A : vector<16xi32>
    %and3A_187 = arith.andi %le3A_185, %lt3A_186 : vector<16xi1>
    %select_n3A_188 = arith.select %and3A_187, %add3A_175, %select_n3A_172 : vector<16xi1>, vector<16xi32>
    %add3A_189 = arith.constant 32 : i32
    %add3A_190 = vector.broadcast %add3A_189 : i32 to vector<16xi32>
    %add3A_191 = arith.addi %select_n3A_188, %add3A_190 : vector<16xi32>
    %min3A_192 = arith.constant 32768 : i32
    %min3A_193 = vector.broadcast %min3A_192 : i32 to vector<16xi32>
    %min3A_194 = arith.minsi %add3A_191, %min3A_193 : vector<16xi32>
    %sub3A_195 = arith.constant 1 : i32
    %sub3A_196 = vector.broadcast %sub3A_195 : i32 to vector<16xi32>
    %sub3A_197 = arith.subi %min3A_194, %sub3A_196 : vector<16xi32>
    %gather3A_198 = tpu.vector_load_idx %arg9[%sub3A_197] : memref<32768xi32, #tpu.memory_space<vmem>>[vector<16xi32>], vector<16xi32>,
    %le3A_199 = arith.constant 32768 : i32
    %le3A_200 = vector.broadcast %le3A_199 : i32 to vector<16xi32>
    %le3A_201 = arith.cmpi sle, %add3A_191, %le3A_200 : vector<16xi32>
    %lt3A_202 = arith.cmpi slt, %gather3A_198, %iota3A : vector<16xi32>
    %and3A_203 = arith.andi %le3A_201, %lt3A_202 : vector<16xi1>
    %select_n3A_204 = arith.select %and3A_203, %add3A_191, %select_n3A_188 : vector<16xi1>, vector<16xi32>
    %add3A_205 = arith.constant 16 : i32
    %add3A_206 = vector.broadcast %add3A_205 : i32 to vector<16xi32>
    %add3A_207 = arith.addi %select_n3A_204, %add3A_206 : vector<16xi32>
    %min3A_208 = arith.constant 32768 : i32
    %min3A_209 = vector.broadcast %min3A_208 : i32 to vector<16xi32>
    %min3A_210 = arith.minsi %add3A_207, %min3A_209 : vector<16xi32>
    %sub3A_211 = arith.constant 1 : i32
    %sub3A_212 = vector.broadcast %sub3A_211 : i32 to vector<16xi32>
    %sub3A_213 = arith.subi %min3A_210, %sub3A_212 : vector<16xi32>
    %gather3A_214 = tpu.vector_load_idx %arg9[%sub3A_213] : memref<32768xi32, #tpu.memory_space<vmem>>[vector<16xi32>], vector<16xi32>,
    %le3A_215 = arith.constant 32768 : i32
    %le3A_216 = vector.broadcast %le3A_215 : i32 to vector<16xi32>
    %le3A_217 = arith.cmpi sle, %add3A_207, %le3A_216 : vector<16xi32>
    %lt3A_218 = arith.cmpi slt, %gather3A_214, %iota3A : vector<16xi32>
    %and3A_219 = arith.andi %le3A_217, %lt3A_218 : vector<16xi1>
    %select_n3A_220 = arith.select %and3A_219, %add3A_207, %select_n3A_204 : vector<16xi1>, vector<16xi32>
    %add3A_221 = arith.constant 8 : i32
    %add3A_222 = vector.broadcast %add3A_221 : i32 to vector<16xi32>
    %add3A_223 = arith.addi %select_n3A_220, %add3A_222 : vector<16xi32>
    %min3A_224 = arith.constant 32768 : i32
    %min3A_225 = vector.broadcast %min3A_224 : i32 to vector<16xi32>
    %min3A_226 = arith.minsi %add3A_223, %min3A_225 : vector<16xi32>
    %sub3A_227 = arith.constant 1 : i32
    %sub3A_228 = vector.broadcast %sub3A_227 : i32 to vector<16xi32>
    %sub3A_229 = arith.subi %min3A_226, %sub3A_228 : vector<16xi32>
    %gather3A_230 = tpu.vector_load_idx %arg9[%sub3A_229] : memref<32768xi32, #tpu.memory_space<vmem>>[vector<16xi32>], vector<16xi32>,
    %le3A_231 = arith.constant 32768 : i32
    %le3A_232 = vector.broadcast %le3A_231 : i32 to vector<16xi32>
    %le3A_233 = arith.cmpi sle, %add3A_223, %le3A_232 : vector<16xi32>
    %lt3A_234 = arith.cmpi slt, %gather3A_230, %iota3A : vector<16xi32>
    %and3A_235 = arith.andi %le3A_233, %lt3A_234 : vector<16xi1>
    %select_n3A_236 = arith.select %and3A_235, %add3A_223, %select_n3A_220 : vector<16xi1>, vector<16xi32>
    %add3A_237 = arith.constant 4 : i32
    %add3A_238 = vector.broadcast %add3A_237 : i32 to vector<16xi32>
    %add3A_239 = arith.addi %select_n3A_236, %add3A_238 : vector<16xi32>
    %min3A_240 = arith.constant 32768 : i32
    %min3A_241 = vector.broadcast %min3A_240 : i32 to vector<16xi32>
    %min3A_242 = arith.minsi %add3A_239, %min3A_241 : vector<16xi32>
    %sub3A_243 = arith.constant 1 : i32
    %sub3A_244 = vector.broadcast %sub3A_243 : i32 to vector<16xi32>
    %sub3A_245 = arith.subi %min3A_242, %sub3A_244 : vector<16xi32>
    %gather3A_246 = tpu.vector_load_idx %arg9[%sub3A_245] : memref<32768xi32, #tpu.memory_space<vmem>>[vector<16xi32>], vector<16xi32>,
    %le3A_247 = arith.constant 32768 : i32
    %le3A_248 = vector.broadcast %le3A_247 : i32 to vector<16xi32>
    %le3A_249 = arith.cmpi sle, %add3A_239, %le3A_248 : vector<16xi32>
    %lt3A_250 = arith.cmpi slt, %gather3A_246, %iota3A : vector<16xi32>
    %and3A_251 = arith.andi %le3A_249, %lt3A_250 : vector<16xi1>
    %select_n3A_252 = arith.select %and3A_251, %add3A_239, %select_n3A_236 : vector<16xi1>, vector<16xi32>
    %add3A_253 = arith.constant 2 : i32
    %add3A_254 = vector.broadcast %add3A_253 : i32 to vector<16xi32>
    %add3A_255 = arith.addi %select_n3A_252, %add3A_254 : vector<16xi32>
    %min3A_256 = arith.constant 32768 : i32
    %min3A_257 = vector.broadcast %min3A_256 : i32 to vector<16xi32>
    %min3A_258 = arith.minsi %add3A_255, %min3A_257 : vector<16xi32>
    %sub3A_259 = arith.constant 1 : i32
    %sub3A_260 = vector.broadcast %sub3A_259 : i32 to vector<16xi32>
    %sub3A_261 = arith.subi %min3A_258, %sub3A_260 : vector<16xi32>
    %gather3A_262 = tpu.vector_load_idx %arg9[%sub3A_261] : memref<32768xi32, #tpu.memory_space<vmem>>[vector<16xi32>], vector<16xi32>,
    %le3A_263 = arith.constant 32768 : i32
    %le3A_264 = vector.broadcast %le3A_263 : i32 to vector<16xi32>
    %le3A_265 = arith.cmpi sle, %add3A_255, %le3A_264 : vector<16xi32>
    %lt3A_266 = arith.cmpi slt, %gather3A_262, %iota3A : vector<16xi32>
    %and3A_267 = arith.andi %le3A_265, %lt3A_266 : vector<16xi1>
    %select_n3A_268 = arith.select %and3A_267, %add3A_255, %select_n3A_252 : vector<16xi1>, vector<16xi32>
    %add3A_269 = arith.constant 1 : i32
    %add3A_270 = vector.broadcast %add3A_269 : i32 to vector<16xi32>
    %add3A_271 = arith.addi %select_n3A_268, %add3A_270 : vector<16xi32>
    %min3A_272 = arith.constant 32768 : i32
    %min3A_273 = vector.broadcast %min3A_272 : i32 to vector<16xi32>
    %min3A_274 = arith.minsi %add3A_271, %min3A_273 : vector<16xi32>
    %sub3A_275 = arith.constant 1 : i32
    %sub3A_276 = vector.broadcast %sub3A_275 : i32 to vector<16xi32>
    %sub3A_277 = arith.subi %min3A_274, %sub3A_276 : vector<16xi32>
    %gather3A_278 = tpu.vector_load_idx %arg9[%sub3A_277] : memref<32768xi32, #tpu.memory_space<vmem>>[vector<16xi32>], vector<16xi32>,
    %le3A_279 = arith.constant 32768 : i32
    %le3A_280 = vector.broadcast %le3A_279 : i32 to vector<16xi32>
    %le3A_281 = arith.cmpi sle, %add3A_271, %le3A_280 : vector<16xi32>
    %lt3A_282 = arith.cmpi slt, %gather3A_278, %iota3A : vector<16xi32>
    %and3A_283 = arith.andi %le3A_281, %lt3A_282 : vector<16xi1>
    %select_n3A_284 = arith.select %and3A_283, %add3A_271, %select_n3A_268 : vector<16xi1>, vector<16xi32>
    %add3A_285 = arith.constant 1 : i32
    %add3A_286 = vector.broadcast %add3A_285 : i32 to vector<16xi32>
    %add3A_287 = arith.addi %iota3A, %add3A_286 : vector<16xi32>
    %broadcast_in_dim3A_288 = arith.constant 0 : i32
    %broadcast_in_dim3A_289 = vector.broadcast %broadcast_in_dim3A_288 : i32 to vector<16xi32>
    %add3A_290 = arith.constant 32768 : i32
    %add3A_291 = vector.broadcast %add3A_290 : i32 to vector<16xi32>
    %add3A_292 = arith.addi %broadcast_in_dim3A_289, %add3A_291 : vector<16xi32>
    %min3A_293 = arith.constant 32768 : i32
    %min3A_294 = vector.broadcast %min3A_293 : i32 to vector<16xi32>
    %min3A_295 = arith.minsi %add3A_292, %min3A_294 : vector<16xi32>
    %sub3A_296 = arith.constant 1 : i32
    %sub3A_297 = vector.broadcast %sub3A_296 : i32 to vector<16xi32>
    %sub3A_298 = arith.subi %min3A_295, %sub3A_297 : vector<16xi32>
    %gather3A_299 = tpu.vector_load_idx %arg9[%sub3A_298] : memref<32768xi32, #tpu.memory_space<vmem>>[vector<16xi32>], vector<16xi32>,
    %le3A_300 = arith.constant 32768 : i32
    %le3A_301 = vector.broadcast %le3A_300 : i32 to vector<16xi32>
    %le3A_302 = arith.cmpi sle, %add3A_292, %le3A_301 : vector<16xi32>
    %lt3A_303 = arith.cmpi slt, %gather3A_299, %add3A_287 : vector<16xi32>
    %and3A_304 = arith.andi %le3A_302, %lt3A_303 : vector<16xi1>
    %select_n3A_305 = arith.select %and3A_304, %add3A_292, %broadcast_in_dim3A_289 : vector<16xi1>, vector<16xi32>
    %add3A_306 = arith.constant 16384 : i32
    %add3A_307 = vector.broadcast %add3A_306 : i32 to vector<16xi32>
    %add3A_308 = arith.addi %select_n3A_305, %add3A_307 : vector<16xi32>
    %min3A_309 = arith.constant 32768 : i32
    %min3A_310 = vector.broadcast %min3A_309 : i32 to vector<16xi32>
    %min3A_311 = arith.minsi %add3A_308, %min3A_310 : vector<16xi32>
    %sub3A_312 = arith.constant 1 : i32
    %sub3A_313 = vector.broadcast %sub3A_312 : i32 to vector<16xi32>
    %sub3A_314 = arith.subi %min3A_311, %sub3A_313 : vector<16xi32>
    %gather3A_315 = tpu.vector_load_idx %arg9[%sub3A_314] : memref<32768xi32, #tpu.memory_space<vmem>>[vector<16xi32>], vector<16xi32>,
    %le3A_316 = arith.constant 32768 : i32
    %le3A_317 = vector.broadcast %le3A_316 : i32 to vector<16xi32>
    %le3A_318 = arith.cmpi sle, %add3A_308, %le3A_317 : vector<16xi32>
    %lt3A_319 = arith.cmpi slt, %gather3A_315, %add3A_287 : vector<16xi32>
    %and3A_320 = arith.andi %le3A_318, %lt3A_319 : vector<16xi1>
    %select_n3A_321 = arith.select %and3A_320, %add3A_308, %select_n3A_305 : vector<16xi1>, vector<16xi32>
    %add3A_322 = arith.constant 8192 : i32
    %add3A_323 = vector.broadcast %add3A_322 : i32 to vector<16xi32>
    %add3A_324 = arith.addi %select_n3A_321, %add3A_323 : vector<16xi32>
    %min3A_325 = arith.constant 32768 : i32
    %min3A_326 = vector.broadcast %min3A_325 : i32 to vector<16xi32>
    %min3A_327 = arith.minsi %add3A_324, %min3A_326 : vector<16xi32>
    %sub3A_328 = arith.constant 1 : i32
    %sub3A_329 = vector.broadcast %sub3A_328 : i32 to vector<16xi32>
    %sub3A_330 = arith.subi %min3A_327, %sub3A_329 : vector<16xi32>
    %gather3A_331 = tpu.vector_load_idx %arg9[%sub3A_330] : memref<32768xi32, #tpu.memory_space<vmem>>[vector<16xi32>], vector<16xi32>,
    %le3A_332 = arith.constant 32768 : i32
    %le3A_333 = vector.broadcast %le3A_332 : i32 to vector<16xi32>
    %le3A_334 = arith.cmpi sle, %add3A_324, %le3A_333 : vector<16xi32>
    %lt3A_335 = arith.cmpi slt, %gather3A_331, %add3A_287 : vector<16xi32>
    %and3A_336 = arith.andi %le3A_334, %lt3A_335 : vector<16xi1>
    %select_n3A_337 = arith.select %and3A_336, %add3A_324, %select_n3A_321 : vector<16xi1>, vector<16xi32>
    %add3A_338 = arith.constant 4096 : i32
    %add3A_339 = vector.broadcast %add3A_338 : i32 to vector<16xi32>
    %add3A_340 = arith.addi %select_n3A_337, %add3A_339 : vector<16xi32>
    %min3A_341 = arith.constant 32768 : i32
    %min3A_342 = vector.broadcast %min3A_341 : i32 to vector<16xi32>
    %min3A_343 = arith.minsi %add3A_340, %min3A_342 : vector<16xi32>
    %sub3A_344 = arith.constant 1 : i32
    %sub3A_345 = vector.broadcast %sub3A_344 : i32 to vector<16xi32>
    %sub3A_346 = arith.subi %min3A_343, %sub3A_345 : vector<16xi32>
    %gather3A_347 = tpu.vector_load_idx %arg9[%sub3A_346] : memref<32768xi32, #tpu.memory_space<vmem>>[vector<16xi32>], vector<16xi32>,
    %le3A_348 = arith.constant 32768 : i32
    %le3A_349 = vector.broadcast %le3A_348 : i32 to vector<16xi32>
    %le3A_350 = arith.cmpi sle, %add3A_340, %le3A_349 : vector<16xi32>
    %lt3A_351 = arith.cmpi slt, %gather3A_347, %add3A_287 : vector<16xi32>
    %and3A_352 = arith.andi %le3A_350, %lt3A_351 : vector<16xi1>
    %select_n3A_353 = arith.select %and3A_352, %add3A_340, %select_n3A_337 : vector<16xi1>, vector<16xi32>
    %add3A_354 = arith.constant 2048 : i32
    %add3A_355 = vector.broadcast %add3A_354 : i32 to vector<16xi32>
    %add3A_356 = arith.addi %select_n3A_353, %add3A_355 : vector<16xi32>
    %min3A_357 = arith.constant 32768 : i32
    %min3A_358 = vector.broadcast %min3A_357 : i32 to vector<16xi32>
    %min3A_359 = arith.minsi %add3A_356, %min3A_358 : vector<16xi32>
    %sub3A_360 = arith.constant 1 : i32
    %sub3A_361 = vector.broadcast %sub3A_360 : i32 to vector<16xi32>
    %sub3A_362 = arith.subi %min3A_359, %sub3A_361 : vector<16xi32>
    %gather3A_363 = tpu.vector_load_idx %arg9[%sub3A_362] : memref<32768xi32, #tpu.memory_space<vmem>>[vector<16xi32>], vector<16xi32>,
    %le3A_364 = arith.constant 32768 : i32
    %le3A_365 = vector.broadcast %le3A_364 : i32 to vector<16xi32>
    %le3A_366 = arith.cmpi sle, %add3A_356, %le3A_365 : vector<16xi32>
    %lt3A_367 = arith.cmpi slt, %gather3A_363, %add3A_287 : vector<16xi32>
    %and3A_368 = arith.andi %le3A_366, %lt3A_367 : vector<16xi1>
    %select_n3A_369 = arith.select %and3A_368, %add3A_356, %select_n3A_353 : vector<16xi1>, vector<16xi32>
    %add3A_370 = arith.constant 1024 : i32
    %add3A_371 = vector.broadcast %add3A_370 : i32 to vector<16xi32>
    %add3A_372 = arith.addi %select_n3A_369, %add3A_371 : vector<16xi32>
    %min3A_373 = arith.constant 32768 : i32
    %min3A_374 = vector.broadcast %min3A_373 : i32 to vector<16xi32>
    %min3A_375 = arith.minsi %add3A_372, %min3A_374 : vector<16xi32>
    %sub3A_376 = arith.constant 1 : i32
    %sub3A_377 = vector.broadcast %sub3A_376 : i32 to vector<16xi32>
    %sub3A_378 = arith.subi %min3A_375, %sub3A_377 : vector<16xi32>
    %gather3A_379 = tpu.vector_load_idx %arg9[%sub3A_378] : memref<32768xi32, #tpu.memory_space<vmem>>[vector<16xi32>], vector<16xi32>,
    %le3A_380 = arith.constant 32768 : i32
    %le3A_381 = vector.broadcast %le3A_380 : i32 to vector<16xi32>
    %le3A_382 = arith.cmpi sle, %add3A_372, %le3A_381 : vector<16xi32>
    %lt3A_383 = arith.cmpi slt, %gather3A_379, %add3A_287 : vector<16xi32>
    %and3A_384 = arith.andi %le3A_382, %lt3A_383 : vector<16xi1>
    %select_n3A_385 = arith.select %and3A_384, %add3A_372, %select_n3A_369 : vector<16xi1>, vector<16xi32>
    %add3A_386 = arith.constant 512 : i32
    %add3A_387 = vector.broadcast %add3A_386 : i32 to vector<16xi32>
    %add3A_388 = arith.addi %select_n3A_385, %add3A_387 : vector<16xi32>
    %min3A_389 = arith.constant 32768 : i32
    %min3A_390 = vector.broadcast %min3A_389 : i32 to vector<16xi32>
    %min3A_391 = arith.minsi %add3A_388, %min3A_390 : vector<16xi32>
    %sub3A_392 = arith.constant 1 : i32
    %sub3A_393 = vector.broadcast %sub3A_392 : i32 to vector<16xi32>
    %sub3A_394 = arith.subi %min3A_391, %sub3A_393 : vector<16xi32>
    %gather3A_395 = tpu.vector_load_idx %arg9[%sub3A_394] : memref<32768xi32, #tpu.memory_space<vmem>>[vector<16xi32>], vector<16xi32>,
    %le3A_396 = arith.constant 32768 : i32
    %le3A_397 = vector.broadcast %le3A_396 : i32 to vector<16xi32>
    %le3A_398 = arith.cmpi sle, %add3A_388, %le3A_397 : vector<16xi32>
    %lt3A_399 = arith.cmpi slt, %gather3A_395, %add3A_287 : vector<16xi32>
    %and3A_400 = arith.andi %le3A_398, %lt3A_399 : vector<16xi1>
    %select_n3A_401 = arith.select %and3A_400, %add3A_388, %select_n3A_385 : vector<16xi1>, vector<16xi32>
    %add3A_402 = arith.constant 256 : i32
    %add3A_403 = vector.broadcast %add3A_402 : i32 to vector<16xi32>
    %add3A_404 = arith.addi %select_n3A_401, %add3A_403 : vector<16xi32>
    %min3A_405 = arith.constant 32768 : i32
    %min3A_406 = vector.broadcast %min3A_405 : i32 to vector<16xi32>
    %min3A_407 = arith.minsi %add3A_404, %min3A_406 : vector<16xi32>
    %sub3A_408 = arith.constant 1 : i32
    %sub3A_409 = vector.broadcast %sub3A_408 : i32 to vector<16xi32>
    %sub3A_410 = arith.subi %min3A_407, %sub3A_409 : vector<16xi32>
    %gather3A_411 = tpu.vector_load_idx %arg9[%sub3A_410] : memref<32768xi32, #tpu.memory_space<vmem>>[vector<16xi32>], vector<16xi32>,
    %le3A_412 = arith.constant 32768 : i32
    %le3A_413 = vector.broadcast %le3A_412 : i32 to vector<16xi32>
    %le3A_414 = arith.cmpi sle, %add3A_404, %le3A_413 : vector<16xi32>
    %lt3A_415 = arith.cmpi slt, %gather3A_411, %add3A_287 : vector<16xi32>
    %and3A_416 = arith.andi %le3A_414, %lt3A_415 : vector<16xi1>
    %select_n3A_417 = arith.select %and3A_416, %add3A_404, %select_n3A_401 : vector<16xi1>, vector<16xi32>
    %add3A_418 = arith.constant 128 : i32
    %add3A_419 = vector.broadcast %add3A_418 : i32 to vector<16xi32>
    %add3A_420 = arith.addi %select_n3A_417, %add3A_419 : vector<16xi32>
    %min3A_421 = arith.constant 32768 : i32
    %min3A_422 = vector.broadcast %min3A_421 : i32 to vector<16xi32>
    %min3A_423 = arith.minsi %add3A_420, %min3A_422 : vector<16xi32>
    %sub3A_424 = arith.constant 1 : i32
    %sub3A_425 = vector.broadcast %sub3A_424 : i32 to vector<16xi32>
    %sub3A_426 = arith.subi %min3A_423, %sub3A_425 : vector<16xi32>
    %gather3A_427 = tpu.vector_load_idx %arg9[%sub3A_426] : memref<32768xi32, #tpu.memory_space<vmem>>[vector<16xi32>], vector<16xi32>,
    %le3A_428 = arith.constant 32768 : i32
    %le3A_429 = vector.broadcast %le3A_428 : i32 to vector<16xi32>
    %le3A_430 = arith.cmpi sle, %add3A_420, %le3A_429 : vector<16xi32>
    %lt3A_431 = arith.cmpi slt, %gather3A_427, %add3A_287 : vector<16xi32>
    %and3A_432 = arith.andi %le3A_430, %lt3A_431 : vector<16xi1>
    %select_n3A_433 = arith.select %and3A_432, %add3A_420, %select_n3A_417 : vector<16xi1>, vector<16xi32>
    %add3A_434 = arith.constant 64 : i32
    %add3A_435 = vector.broadcast %add3A_434 : i32 to vector<16xi32>
    %add3A_436 = arith.addi %select_n3A_433, %add3A_435 : vector<16xi32>
    %min3A_437 = arith.constant 32768 : i32
    %min3A_438 = vector.broadcast %min3A_437 : i32 to vector<16xi32>
    %min3A_439 = arith.minsi %add3A_436, %min3A_438 : vector<16xi32>
    %sub3A_440 = arith.constant 1 : i32
    %sub3A_441 = vector.broadcast %sub3A_440 : i32 to vector<16xi32>
    %sub3A_442 = arith.subi %min3A_439, %sub3A_441 : vector<16xi32>
    %gather3A_443 = tpu.vector_load_idx %arg9[%sub3A_442] : memref<32768xi32, #tpu.memory_space<vmem>>[vector<16xi32>], vector<16xi32>,
    %le3A_444 = arith.constant 32768 : i32
    %le3A_445 = vector.broadcast %le3A_444 : i32 to vector<16xi32>
    %le3A_446 = arith.cmpi sle, %add3A_436, %le3A_445 : vector<16xi32>
    %lt3A_447 = arith.cmpi slt, %gather3A_443, %add3A_287 : vector<16xi32>
    %and3A_448 = arith.andi %le3A_446, %lt3A_447 : vector<16xi1>
    %select_n3A_449 = arith.select %and3A_448, %add3A_436, %select_n3A_433 : vector<16xi1>, vector<16xi32>
    %add3A_450 = arith.constant 32 : i32
    %add3A_451 = vector.broadcast %add3A_450 : i32 to vector<16xi32>
    %add3A_452 = arith.addi %select_n3A_449, %add3A_451 : vector<16xi32>
    %min3A_453 = arith.constant 32768 : i32
    %min3A_454 = vector.broadcast %min3A_453 : i32 to vector<16xi32>
    %min3A_455 = arith.minsi %add3A_452, %min3A_454 : vector<16xi32>
    %sub3A_456 = arith.constant 1 : i32
    %sub3A_457 = vector.broadcast %sub3A_456 : i32 to vector<16xi32>
    %sub3A_458 = arith.subi %min3A_455, %sub3A_457 : vector<16xi32>
    %gather3A_459 = tpu.vector_load_idx %arg9[%sub3A_458] : memref<32768xi32, #tpu.memory_space<vmem>>[vector<16xi32>], vector<16xi32>,
    %le3A_460 = arith.constant 32768 : i32
    %le3A_461 = vector.broadcast %le3A_460 : i32 to vector<16xi32>
    %le3A_462 = arith.cmpi sle, %add3A_452, %le3A_461 : vector<16xi32>
    %lt3A_463 = arith.cmpi slt, %gather3A_459, %add3A_287 : vector<16xi32>
    %and3A_464 = arith.andi %le3A_462, %lt3A_463 : vector<16xi1>
    %select_n3A_465 = arith.select %and3A_464, %add3A_452, %select_n3A_449 : vector<16xi1>, vector<16xi32>
    %add3A_466 = arith.constant 16 : i32
    %add3A_467 = vector.broadcast %add3A_466 : i32 to vector<16xi32>
    %add3A_468 = arith.addi %select_n3A_465, %add3A_467 : vector<16xi32>
    %min3A_469 = arith.constant 32768 : i32
    %min3A_470 = vector.broadcast %min3A_469 : i32 to vector<16xi32>
    %min3A_471 = arith.minsi %add3A_468, %min3A_470 : vector<16xi32>
    %sub3A_472 = arith.constant 1 : i32
    %sub3A_473 = vector.broadcast %sub3A_472 : i32 to vector<16xi32>
    %sub3A_474 = arith.subi %min3A_471, %sub3A_473 : vector<16xi32>
    %gather3A_475 = tpu.vector_load_idx %arg9[%sub3A_474] : memref<32768xi32, #tpu.memory_space<vmem>>[vector<16xi32>], vector<16xi32>,
    %le3A_476 = arith.constant 32768 : i32
    %le3A_477 = vector.broadcast %le3A_476 : i32 to vector<16xi32>
    %le3A_478 = arith.cmpi sle, %add3A_468, %le3A_477 : vector<16xi32>
    %lt3A_479 = arith.cmpi slt, %gather3A_475, %add3A_287 : vector<16xi32>
    %and3A_480 = arith.andi %le3A_478, %lt3A_479 : vector<16xi1>
    %select_n3A_481 = arith.select %and3A_480, %add3A_468, %select_n3A_465 : vector<16xi1>, vector<16xi32>
    %add3A_482 = arith.constant 8 : i32
    %add3A_483 = vector.broadcast %add3A_482 : i32 to vector<16xi32>
    %add3A_484 = arith.addi %select_n3A_481, %add3A_483 : vector<16xi32>
    %min3A_485 = arith.constant 32768 : i32
    %min3A_486 = vector.broadcast %min3A_485 : i32 to vector<16xi32>
    %min3A_487 = arith.minsi %add3A_484, %min3A_486 : vector<16xi32>
    %sub3A_488 = arith.constant 1 : i32
    %sub3A_489 = vector.broadcast %sub3A_488 : i32 to vector<16xi32>
    %sub3A_490 = arith.subi %min3A_487, %sub3A_489 : vector<16xi32>
    %gather3A_491 = tpu.vector_load_idx %arg9[%sub3A_490] : memref<32768xi32, #tpu.memory_space<vmem>>[vector<16xi32>], vector<16xi32>,
    %le3A_492 = arith.constant 32768 : i32
    %le3A_493 = vector.broadcast %le3A_492 : i32 to vector<16xi32>
    %le3A_494 = arith.cmpi sle, %add3A_484, %le3A_493 : vector<16xi32>
    %lt3A_495 = arith.cmpi slt, %gather3A_491, %add3A_287 : vector<16xi32>
    %and3A_496 = arith.andi %le3A_494, %lt3A_495 : vector<16xi1>
    %select_n3A_497 = arith.select %and3A_496, %add3A_484, %select_n3A_481 : vector<16xi1>, vector<16xi32>
    %add3A_498 = arith.constant 4 : i32
    %add3A_499 = vector.broadcast %add3A_498 : i32 to vector<16xi32>
    %add3A_500 = arith.addi %select_n3A_497, %add3A_499 : vector<16xi32>
    %min3A_501 = arith.constant 32768 : i32
    %min3A_502 = vector.broadcast %min3A_501 : i32 to vector<16xi32>
    %min3A_503 = arith.minsi %add3A_500, %min3A_502 : vector<16xi32>
    %sub3A_504 = arith.constant 1 : i32
    %sub3A_505 = vector.broadcast %sub3A_504 : i32 to vector<16xi32>
    %sub3A_506 = arith.subi %min3A_503, %sub3A_505 : vector<16xi32>
    %gather3A_507 = tpu.vector_load_idx %arg9[%sub3A_506] : memref<32768xi32, #tpu.memory_space<vmem>>[vector<16xi32>], vector<16xi32>,
    %le3A_508 = arith.constant 32768 : i32
    %le3A_509 = vector.broadcast %le3A_508 : i32 to vector<16xi32>
    %le3A_510 = arith.cmpi sle, %add3A_500, %le3A_509 : vector<16xi32>
    %lt3A_511 = arith.cmpi slt, %gather3A_507, %add3A_287 : vector<16xi32>
    %and3A_512 = arith.andi %le3A_510, %lt3A_511 : vector<16xi1>
    %select_n3A_513 = arith.select %and3A_512, %add3A_500, %select_n3A_497 : vector<16xi1>, vector<16xi32>
    %add3A_514 = arith.constant 2 : i32
    %add3A_515 = vector.broadcast %add3A_514 : i32 to vector<16xi32>
    %add3A_516 = arith.addi %select_n3A_513, %add3A_515 : vector<16xi32>
    %min3A_517 = arith.constant 32768 : i32
    %min3A_518 = vector.broadcast %min3A_517 : i32 to vector<16xi32>
    %min3A_519 = arith.minsi %add3A_516, %min3A_518 : vector<16xi32>
    %sub3A_520 = arith.constant 1 : i32
    %sub3A_521 = vector.broadcast %sub3A_520 : i32 to vector<16xi32>
    %sub3A_522 = arith.subi %min3A_519, %sub3A_521 : vector<16xi32>
    %gather3A_523 = tpu.vector_load_idx %arg9[%sub3A_522] : memref<32768xi32, #tpu.memory_space<vmem>>[vector<16xi32>], vector<16xi32>,
    %le3A_524 = arith.constant 32768 : i32
    %le3A_525 = vector.broadcast %le3A_524 : i32 to vector<16xi32>
    %le3A_526 = arith.cmpi sle, %add3A_516, %le3A_525 : vector<16xi32>
    %lt3A_527 = arith.cmpi slt, %gather3A_523, %add3A_287 : vector<16xi32>
    %and3A_528 = arith.andi %le3A_526, %lt3A_527 : vector<16xi1>
    %select_n3A_529 = arith.select %and3A_528, %add3A_516, %select_n3A_513 : vector<16xi1>, vector<16xi32>
    %add3A_530 = arith.constant 1 : i32
    %add3A_531 = vector.broadcast %add3A_530 : i32 to vector<16xi32>
    %add3A_532 = arith.addi %select_n3A_529, %add3A_531 : vector<16xi32>
    %min3A_533 = arith.constant 32768 : i32
    %min3A_534 = vector.broadcast %min3A_533 : i32 to vector<16xi32>
    %min3A_535 = arith.minsi %add3A_532, %min3A_534 : vector<16xi32>
    %sub3A_536 = arith.constant 1 : i32
    %sub3A_537 = vector.broadcast %sub3A_536 : i32 to vector<16xi32>
    %sub3A_538 = arith.subi %min3A_535, %sub3A_537 : vector<16xi32>
    %gather3A_539 = tpu.vector_load_idx %arg9[%sub3A_538] : memref<32768xi32, #tpu.memory_space<vmem>>[vector<16xi32>], vector<16xi32>,
    %le3A_540 = arith.constant 32768 : i32
    %le3A_541 = vector.broadcast %le3A_540 : i32 to vector<16xi32>
    %le3A_542 = arith.cmpi sle, %add3A_532, %le3A_541 : vector<16xi32>
    %lt3A_543 = arith.cmpi slt, %gather3A_539, %add3A_287 : vector<16xi32>
    %and3A_544 = arith.andi %le3A_542, %lt3A_543 : vector<16xi1>
    %select_n3A_545 = arith.select %and3A_544, %add3A_532, %select_n3A_529 : vector<16xi1>, vector<16xi32>
    %sub3A_546 = arith.subi %select_n3A_545, %select_n3A_284 : vector<16xi32>
    %convert_element_type3A = arith.sitofp %sub3A_546 : vector<16xi32> to vector<16xf32>
    %swap3A = arith.constant 0 : index
    %swap3A_547 = tpu.vector_load %arg16[%swap3A] {strides = array<i32>} : memref<16xf32, #tpu.memory_space<vmem>>, vector<16xf32>,
    tpu.vector_store %arg16[%swap3A], %convert_element_type3A {strides = array<i32>} : memref<16xf32, #tpu.memory_space<vmem>>, vector<16xf32>,
    %broadcast_in_dim3A_548 = arith.constant 0 : i32
    %broadcast_in_dim3A_549 = vector.broadcast %broadcast_in_dim3A_548 : i32 to vector<16xi32>
    %eq3A_550 = vector.broadcast %select_n3A : i32 to vector<16xi32>
    %eq3A_551 = arith.cmpi eq, %iota3A, %eq3A_550 : vector<16xi32>
    %select_n3A_552 = arith.select %eq3A_551, %select_n3A_284, %broadcast_in_dim3A_549 : vector<16xi1>, vector<16xi32>
    %reduce_sum3A = arith.constant true
    %reduce_sum3A_553 = vector.broadcast %reduce_sum3A : i1 to vector<16xi1>
    %reduce_sum3A_554 = tpu.scan <sum>, %select_n3A_552 masked %reduce_sum3A_553 : vector<16xi32>, vector<16xi1> -> vector<16xi32>
    %reduce_sum3A_555 = vector.extract %reduce_sum3A_554[15] : i32 from vector<16xi32>
    %eq3A_556 = vector.broadcast %select_n3A : i32 to vector<16xi32>
    %eq3A_557 = arith.cmpi eq, %iota3A, %eq3A_556 : vector<16xi32>
    %select_n3A_558 = arith.select %eq3A_557, %sub3A_546, %broadcast_in_dim3A_549 : vector<16xi1>, vector<16xi32>
    %reduce_sum3A_559 = arith.constant true
    %reduce_sum3A_560 = vector.broadcast %reduce_sum3A_559 : i1 to vector<16xi1>
    %reduce_sum3A_561 = tpu.scan <sum>, %select_n3A_558 masked %reduce_sum3A_560 : vector<16xi32>, vector<16xi1> -> vector<16xi32>
    %reduce_sum3A_562 = vector.extract %reduce_sum3A_561[15] : i32 from vector<16xi32>
    %min3A_563 = arith.constant 4096 : i32
    %min3A_564 = arith.minsi %reduce_sum3A_562, %min3A_563 : i32
    %shift_right_arithmetic3A = arith.constant 7 : i32
    %shift_right_arithmetic3A_565 = arith.shrsi %reduce_sum3A_555, %shift_right_arithmetic3A : i32
    %shift_left3A = arith.constant 7 : i32
    %shift_left3A_566 = arith.shli %shift_right_arithmetic3A_565, %shift_left3A : i32
    %min3A_567 = arith.constant 28416 : i32
    %min3A_568 = arith.minsi %shift_left3A_566, %min3A_567 : i32
    %sub3A_569 = arith.subi %reduce_sum3A_555, %min3A_568 : i32
    %multiple_of3A = tpu.assume_multiple %min3A_568, 128 : i32
    "tpu.region"() ({
      %run_scoped3A = tpu.sem_alloc : memref<!tpu.dma_semaphore, #tpu.memory_space<semaphore_mem>>
      %dma_start3A = arith.constant 0 : i32
      %dma_start3A_1127 = tpu.memref_slice %arg2[%dma_start3A, %multiple_of3A] : memref<3x32768xf32, #tpu.memory_space<hbm>> -> memref<3x4352xf32, #tpu.memory_space<hbm>>
      %dma_start3A_1128 = arith.constant 0 : i32
      %dma_start3A_1129 = tpu.memref_slice %arg2[%dma_start3A_1128, %multiple_of3A] : memref<3x32768xf32, #tpu.memory_space<hbm>> -> memref<3x4352xf32, #tpu.memory_space<hbm>>
      tpu.enqueue_dma source(%dma_start3A_1129 : memref<3x4352xf32, #tpu.memory_space<hbm>>) target(%arg10 : memref<3x4352xf32, #tpu.memory_space<vmem>>) target_semaphore(%run_scoped3A : memref<!tpu.dma_semaphore, #tpu.memory_space<semaphore_mem>>)
      %dma_wait3A = arith.constant 0 : i32
      %dma_wait3A_1130 = tpu.memref_slice %arg2[%dma_wait3A, %multiple_of3A] : memref<3x32768xf32, #tpu.memory_space<hbm>> -> memref<3x4352xf32, #tpu.memory_space<hbm>>
      %dma_wait3A_1131 = arith.constant 0 : i32
      %dma_wait3A_1132 = tpu.memref_slice %arg2[%dma_wait3A_1131, %multiple_of3A] : memref<3x32768xf32, #tpu.memory_space<hbm>> -> memref<3x4352xf32, #tpu.memory_space<hbm>>
      tpu.wait_dma2 semaphore(%run_scoped3A : memref<!tpu.dma_semaphore, #tpu.memory_space<semaphore_mem>>) src(%dma_wait3A_1132 : memref<3x4352xf32, #tpu.memory_space<hbm>>) dst(%arg10 : memref<3x4352xf32, #tpu.memory_space<vmem>>)
      tpu.yield
    }) : () -> ()
    %broadcast_in_dim3A_570 = arith.constant 0.000000e+00 : f32
    %broadcast_in_dim3A_571 = vector.broadcast %broadcast_in_dim3A_570 : f32 to vector<16xf32>
    %mul3A_572 = arith.constant 8 : i32
    %mul3A_573 = arith.muli %select_n3A_30, %mul3A_572 : i32
    %get3A = arith.constant 0 : i32
    %get3A_574 = arith.index_cast %get3A : i32 to index
    %get3A_575 = arith.constant 0 : index
    %get3A_576 = tpu.vector_load %arg11[%get3A_574, %get3A_575] {strides = array<i32>} : memref<3x16xf32, #tpu.memory_space<vmem>>, vector<16xf32>,
    %get3A_577 = arith.constant 1 : i32
    %get3A_578 = arith.index_cast %get3A_577 : i32 to index
    %get3A_579 = arith.constant 0 : index
    %get3A_580 = tpu.vector_load %arg11[%get3A_578, %get3A_579] {strides = array<i32>} : memref<3x16xf32, #tpu.memory_space<vmem>>, vector<16xf32>,
    %get3A_581 = arith.constant 2 : i32
    %get3A_582 = arith.index_cast %get3A_581 : i32 to index
    %get3A_583 = arith.constant 0 : index
    %get3A_584 = tpu.vector_load %arg11[%get3A_582, %get3A_583] {strides = array<i32>} : memref<3x16xf32, #tpu.memory_space<vmem>>, vector<16xf32>,
    %get3A_585 = arith.constant 0 : index
    %get3A_586 = tpu.vector_load %arg12[%get3A_585] {strides = array<i32>} : memref<16xf32, #tpu.memory_space<vmem>>, vector<16xf32>,
    %add3A_587 = arith.constant 0 : i32
    %add3A_588 = arith.addi %mul3A_573, %add3A_587 : i32
    %eq3A_589 = vector.broadcast %add3A_588 : i32 to vector<16xi32>
    %eq3A_590 = arith.cmpi eq, %iota3A, %eq3A_589 : vector<16xi32>
    %jit3A_591 = arith.constant 0.000000e+00 : f32
    %broadcast_in_dim3A_592 = vector.broadcast %jit3A_591 : f32 to vector<16xf32>
    %select_n3A_593 = arith.select %eq3A_590, %get3A_576, %broadcast_in_dim3A_592 : vector<16xi1>, vector<16xf32>
    %reduce_sum3A_594 = arith.constant true
    %reduce_sum3A_595 = vector.broadcast %reduce_sum3A_594 : i1 to vector<16xi1>
    %reduce_sum3A_596 = tpu.scan <sum>, %select_n3A_593 masked %reduce_sum3A_595 : vector<16xf32>, vector<16xi1> -> vector<16xf32>
    %reduce_sum3A_597 = vector.extract %reduce_sum3A_596[15] : f32 from vector<16xf32>
    %add3A_598 = arith.constant 0 : i32
    %add3A_599 = arith.addi %mul3A_573, %add3A_598 : i32
    %eq3A_600 = vector.broadcast %add3A_599 : i32 to vector<16xi32>
    %eq3A_601 = arith.cmpi eq, %iota3A, %eq3A_600 : vector<16xi32>
    %jit3A_602 = arith.constant 0.000000e+00 : f32
    %broadcast_in_dim3A_603 = vector.broadcast %jit3A_602 : f32 to vector<16xf32>
    %select_n3A_604 = arith.select %eq3A_601, %get3A_580, %broadcast_in_dim3A_603 : vector<16xi1>, vector<16xf32>
    %reduce_sum3A_605 = arith.constant true
    %reduce_sum3A_606 = vector.broadcast %reduce_sum3A_605 : i1 to vector<16xi1>
    %reduce_sum3A_607 = tpu.scan <sum>, %select_n3A_604 masked %reduce_sum3A_606 : vector<16xf32>, vector<16xi1> -> vector<16xf32>
    %reduce_sum3A_608 = vector.extract %reduce_sum3A_607[15] : f32 from vector<16xf32>
    %add3A_609 = arith.constant 0 : i32
    %add3A_610 = arith.addi %mul3A_573, %add3A_609 : i32
    %eq3A_611 = vector.broadcast %add3A_610 : i32 to vector<16xi32>
    %eq3A_612 = arith.cmpi eq, %iota3A, %eq3A_611 : vector<16xi32>
    %jit3A_613 = arith.constant 0.000000e+00 : f32
    %broadcast_in_dim3A_614 = vector.broadcast %jit3A_613 : f32 to vector<16xf32>
    %select_n3A_615 = arith.select %eq3A_612, %get3A_584, %broadcast_in_dim3A_614 : vector<16xi1>, vector<16xf32>
    %reduce_sum3A_616 = arith.constant true
    %reduce_sum3A_617 = vector.broadcast %reduce_sum3A_616 : i1 to vector<16xi1>
    %reduce_sum3A_618 = tpu.scan <sum>, %select_n3A_615 masked %reduce_sum3A_617 : vector<16xf32>, vector<16xi1> -> vector<16xf32>
    %reduce_sum3A_619 = vector.extract %reduce_sum3A_618[15] : f32 from vector<16xf32>
    %add3A_620 = arith.constant 0 : i32
    %add3A_621 = arith.addi %mul3A_573, %add3A_620 : i32
    %eq3A_622 = vector.broadcast %add3A_621 : i32 to vector<16xi32>
    %eq3A_623 = arith.cmpi eq, %iota3A, %eq3A_622 : vector<16xi32>
    %jit3A_624 = arith.constant 0.000000e+00 : f32
    %broadcast_in_dim3A_625 = vector.broadcast %jit3A_624 : f32 to vector<16xf32>
    %select_n3A_626 = arith.select %eq3A_623, %get3A_586, %broadcast_in_dim3A_625 : vector<16xi1>, vector<16xf32>
    %reduce_sum3A_627 = arith.constant true
    %reduce_sum3A_628 = vector.broadcast %reduce_sum3A_627 : i1 to vector<16xi1>
    %reduce_sum3A_629 = tpu.scan <sum>, %select_n3A_626 masked %reduce_sum3A_628 : vector<16xf32>, vector<16xi1> -> vector<16xf32>
    %reduce_sum3A_630 = vector.extract %reduce_sum3A_629[15] : f32 from vector<16xf32>
    %add3A_631 = arith.constant 1 : i32
    %add3A_632 = arith.addi %mul3A_573, %add3A_631 : i32
    %eq3A_633 = vector.broadcast %add3A_632 : i32 to vector<16xi32>
    %eq3A_634 = arith.cmpi eq, %iota3A, %eq3A_633 : vector<16xi32>
    %jit3A_635 = arith.constant 0.000000e+00 : f32
    %broadcast_in_dim3A_636 = vector.broadcast %jit3A_635 : f32 to vector<16xf32>
    %select_n3A_637 = arith.select %eq3A_634, %get3A_576, %broadcast_in_dim3A_636 : vector<16xi1>, vector<16xf32>
    %reduce_sum3A_638 = arith.constant true
    %reduce_sum3A_639 = vector.broadcast %reduce_sum3A_638 : i1 to vector<16xi1>
    %reduce_sum3A_640 = tpu.scan <sum>, %select_n3A_637 masked %reduce_sum3A_639 : vector<16xf32>, vector<16xi1> -> vector<16xf32>
    %reduce_sum3A_641 = vector.extract %reduce_sum3A_640[15] : f32 from vector<16xf32>
    %add3A_642 = arith.constant 1 : i32
    %add3A_643 = arith.addi %mul3A_573, %add3A_642 : i32
    %eq3A_644 = vector.broadcast %add3A_643 : i32 to vector<16xi32>
    %eq3A_645 = arith.cmpi eq, %iota3A, %eq3A_644 : vector<16xi32>
    %jit3A_646 = arith.constant 0.000000e+00 : f32
    %broadcast_in_dim3A_647 = vector.broadcast %jit3A_646 : f32 to vector<16xf32>
    %select_n3A_648 = arith.select %eq3A_645, %get3A_580, %broadcast_in_dim3A_647 : vector<16xi1>, vector<16xf32>
    %reduce_sum3A_649 = arith.constant true
    %reduce_sum3A_650 = vector.broadcast %reduce_sum3A_649 : i1 to vector<16xi1>
    %reduce_sum3A_651 = tpu.scan <sum>, %select_n3A_648 masked %reduce_sum3A_650 : vector<16xf32>, vector<16xi1> -> vector<16xf32>
    %reduce_sum3A_652 = vector.extract %reduce_sum3A_651[15] : f32 from vector<16xf32>
    %add3A_653 = arith.constant 1 : i32
    %add3A_654 = arith.addi %mul3A_573, %add3A_653 : i32
    %eq3A_655 = vector.broadcast %add3A_654 : i32 to vector<16xi32>
    %eq3A_656 = arith.cmpi eq, %iota3A, %eq3A_655 : vector<16xi32>
    %jit3A_657 = arith.constant 0.000000e+00 : f32
    %broadcast_in_dim3A_658 = vector.broadcast %jit3A_657 : f32 to vector<16xf32>
    %select_n3A_659 = arith.select %eq3A_656, %get3A_584, %broadcast_in_dim3A_658 : vector<16xi1>, vector<16xf32>
    %reduce_sum3A_660 = arith.constant true
    %reduce_sum3A_661 = vector.broadcast %reduce_sum3A_660 : i1 to vector<16xi1>
    %reduce_sum3A_662 = tpu.scan <sum>, %select_n3A_659 masked %reduce_sum3A_661 : vector<16xf32>, vector<16xi1> -> vector<16xf32>
    %reduce_sum3A_663 = vector.extract %reduce_sum3A_662[15] : f32 from vector<16xf32>
    %add3A_664 = arith.constant 1 : i32
    %add3A_665 = arith.addi %mul3A_573, %add3A_664 : i32
    %eq3A_666 = vector.broadcast %add3A_665 : i32 to vector<16xi32>
    %eq3A_667 = arith.cmpi eq, %iota3A, %eq3A_666 : vector<16xi32>
    %jit3A_668 = arith.constant 0.000000e+00 : f32
    %broadcast_in_dim3A_669 = vector.broadcast %jit3A_668 : f32 to vector<16xf32>
    %select_n3A_670 = arith.select %eq3A_667, %get3A_586, %broadcast_in_dim3A_669 : vector<16xi1>, vector<16xf32>
    %reduce_sum3A_671 = arith.constant true
    %reduce_sum3A_672 = vector.broadcast %reduce_sum3A_671 : i1 to vector<16xi1>
    %reduce_sum3A_673 = tpu.scan <sum>, %select_n3A_670 masked %reduce_sum3A_672 : vector<16xf32>, vector<16xi1> -> vector<16xf32>
    %reduce_sum3A_674 = vector.extract %reduce_sum3A_673[15] : f32 from vector<16xf32>
    %add3A_675 = arith.constant 2 : i32
    %add3A_676 = arith.addi %mul3A_573, %add3A_675 : i32
    %eq3A_677 = vector.broadcast %add3A_676 : i32 to vector<16xi32>
    %eq3A_678 = arith.cmpi eq, %iota3A, %eq3A_677 : vector<16xi32>
    %jit3A_679 = arith.constant 0.000000e+00 : f32
    %broadcast_in_dim3A_680 = vector.broadcast %jit3A_679 : f32 to vector<16xf32>
    %select_n3A_681 = arith.select %eq3A_678, %get3A_576, %broadcast_in_dim3A_680 : vector<16xi1>, vector<16xf32>
    %reduce_sum3A_682 = arith.constant true
    %reduce_sum3A_683 = vector.broadcast %reduce_sum3A_682 : i1 to vector<16xi1>
    %reduce_sum3A_684 = tpu.scan <sum>, %select_n3A_681 masked %reduce_sum3A_683 : vector<16xf32>, vector<16xi1> -> vector<16xf32>
    %reduce_sum3A_685 = vector.extract %reduce_sum3A_684[15] : f32 from vector<16xf32>
    %add3A_686 = arith.constant 2 : i32
    %add3A_687 = arith.addi %mul3A_573, %add3A_686 : i32
    %eq3A_688 = vector.broadcast %add3A_687 : i32 to vector<16xi32>
    %eq3A_689 = arith.cmpi eq, %iota3A, %eq3A_688 : vector<16xi32>
    %jit3A_690 = arith.constant 0.000000e+00 : f32
    %broadcast_in_dim3A_691 = vector.broadcast %jit3A_690 : f32 to vector<16xf32>
    %select_n3A_692 = arith.select %eq3A_689, %get3A_580, %broadcast_in_dim3A_691 : vector<16xi1>, vector<16xf32>
    %reduce_sum3A_693 = arith.constant true
    %reduce_sum3A_694 = vector.broadcast %reduce_sum3A_693 : i1 to vector<16xi1>
    %reduce_sum3A_695 = tpu.scan <sum>, %select_n3A_692 masked %reduce_sum3A_694 : vector<16xf32>, vector<16xi1> -> vector<16xf32>
    %reduce_sum3A_696 = vector.extract %reduce_sum3A_695[15] : f32 from vector<16xf32>
    %add3A_697 = arith.constant 2 : i32
    %add3A_698 = arith.addi %mul3A_573, %add3A_697 : i32
    %eq3A_699 = vector.broadcast %add3A_698 : i32 to vector<16xi32>
    %eq3A_700 = arith.cmpi eq, %iota3A, %eq3A_699 : vector<16xi32>
    %jit3A_701 = arith.constant 0.000000e+00 : f32
    %broadcast_in_dim3A_702 = vector.broadcast %jit3A_701 : f32 to vector<16xf32>
    %select_n3A_703 = arith.select %eq3A_700, %get3A_584, %broadcast_in_dim3A_702 : vector<16xi1>, vector<16xf32>
    %reduce_sum3A_704 = arith.constant true
    %reduce_sum3A_705 = vector.broadcast %reduce_sum3A_704 : i1 to vector<16xi1>
    %reduce_sum3A_706 = tpu.scan <sum>, %select_n3A_703 masked %reduce_sum3A_705 : vector<16xf32>, vector<16xi1> -> vector<16xf32>
    %reduce_sum3A_707 = vector.extract %reduce_sum3A_706[15] : f32 from vector<16xf32>
    %add3A_708 = arith.constant 2 : i32
    %add3A_709 = arith.addi %mul3A_573, %add3A_708 : i32
    %eq3A_710 = vector.broadcast %add3A_709 : i32 to vector<16xi32>
    %eq3A_711 = arith.cmpi eq, %iota3A, %eq3A_710 : vector<16xi32>
    %jit3A_712 = arith.constant 0.000000e+00 : f32
    %broadcast_in_dim3A_713 = vector.broadcast %jit3A_712 : f32 to vector<16xf32>
    %select_n3A_714 = arith.select %eq3A_711, %get3A_586, %broadcast_in_dim3A_713 : vector<16xi1>, vector<16xf32>
    %reduce_sum3A_715 = arith.constant true
    %reduce_sum3A_716 = vector.broadcast %reduce_sum3A_715 : i1 to vector<16xi1>
    %reduce_sum3A_717 = tpu.scan <sum>, %select_n3A_714 masked %reduce_sum3A_716 : vector<16xf32>, vector<16xi1> -> vector<16xf32>
    %reduce_sum3A_718 = vector.extract %reduce_sum3A_717[15] : f32 from vector<16xf32>
    %add3A_719 = arith.constant 3 : i32
    %add3A_720 = arith.addi %mul3A_573, %add3A_719 : i32
    %eq3A_721 = vector.broadcast %add3A_720 : i32 to vector<16xi32>
    %eq3A_722 = arith.cmpi eq, %iota3A, %eq3A_721 : vector<16xi32>
    %jit3A_723 = arith.constant 0.000000e+00 : f32
    %broadcast_in_dim3A_724 = vector.broadcast %jit3A_723 : f32 to vector<16xf32>
    %select_n3A_725 = arith.select %eq3A_722, %get3A_576, %broadcast_in_dim3A_724 : vector<16xi1>, vector<16xf32>
    %reduce_sum3A_726 = arith.constant true
    %reduce_sum3A_727 = vector.broadcast %reduce_sum3A_726 : i1 to vector<16xi1>
    %reduce_sum3A_728 = tpu.scan <sum>, %select_n3A_725 masked %reduce_sum3A_727 : vector<16xf32>, vector<16xi1> -> vector<16xf32>
    %reduce_sum3A_729 = vector.extract %reduce_sum3A_728[15] : f32 from vector<16xf32>
    %add3A_730 = arith.constant 3 : i32
    %add3A_731 = arith.addi %mul3A_573, %add3A_730 : i32
    %eq3A_732 = vector.broadcast %add3A_731 : i32 to vector<16xi32>
    %eq3A_733 = arith.cmpi eq, %iota3A, %eq3A_732 : vector<16xi32>
    %jit3A_734 = arith.constant 0.000000e+00 : f32
    %broadcast_in_dim3A_735 = vector.broadcast %jit3A_734 : f32 to vector<16xf32>
    %select_n3A_736 = arith.select %eq3A_733, %get3A_580, %broadcast_in_dim3A_735 : vector<16xi1>, vector<16xf32>
    %reduce_sum3A_737 = arith.constant true
    %reduce_sum3A_738 = vector.broadcast %reduce_sum3A_737 : i1 to vector<16xi1>
    %reduce_sum3A_739 = tpu.scan <sum>, %select_n3A_736 masked %reduce_sum3A_738 : vector<16xf32>, vector<16xi1> -> vector<16xf32>
    %reduce_sum3A_740 = vector.extract %reduce_sum3A_739[15] : f32 from vector<16xf32>
    %add3A_741 = arith.constant 3 : i32
    %add3A_742 = arith.addi %mul3A_573, %add3A_741 : i32
    %eq3A_743 = vector.broadcast %add3A_742 : i32 to vector<16xi32>
    %eq3A_744 = arith.cmpi eq, %iota3A, %eq3A_743 : vector<16xi32>
    %jit3A_745 = arith.constant 0.000000e+00 : f32
    %broadcast_in_dim3A_746 = vector.broadcast %jit3A_745 : f32 to vector<16xf32>
    %select_n3A_747 = arith.select %eq3A_744, %get3A_584, %broadcast_in_dim3A_746 : vector<16xi1>, vector<16xf32>
    %reduce_sum3A_748 = arith.constant true
    %reduce_sum3A_749 = vector.broadcast %reduce_sum3A_748 : i1 to vector<16xi1>
    %reduce_sum3A_750 = tpu.scan <sum>, %select_n3A_747 masked %reduce_sum3A_749 : vector<16xf32>, vector<16xi1> -> vector<16xf32>
    %reduce_sum3A_751 = vector.extract %reduce_sum3A_750[15] : f32 from vector<16xf32>
    %add3A_752 = arith.constant 3 : i32
    %add3A_753 = arith.addi %mul3A_573, %add3A_752 : i32
    %eq3A_754 = vector.broadcast %add3A_753 : i32 to vector<16xi32>
    %eq3A_755 = arith.cmpi eq, %iota3A, %eq3A_754 : vector<16xi32>
    %jit3A_756 = arith.constant 0.000000e+00 : f32
    %broadcast_in_dim3A_757 = vector.broadcast %jit3A_756 : f32 to vector<16xf32>
    %select_n3A_758 = arith.select %eq3A_755, %get3A_586, %broadcast_in_dim3A_757 : vector<16xi1>, vector<16xf32>
    %reduce_sum3A_759 = arith.constant true
    %reduce_sum3A_760 = vector.broadcast %reduce_sum3A_759 : i1 to vector<16xi1>
    %reduce_sum3A_761 = tpu.scan <sum>, %select_n3A_758 masked %reduce_sum3A_760 : vector<16xf32>, vector<16xi1> -> vector<16xf32>
    %reduce_sum3A_762 = vector.extract %reduce_sum3A_761[15] : f32 from vector<16xf32>
    %add3A_763 = arith.constant 4 : i32
    %add3A_764 = arith.addi %mul3A_573, %add3A_763 : i32
    %eq3A_765 = vector.broadcast %add3A_764 : i32 to vector<16xi32>
    %eq3A_766 = arith.cmpi eq, %iota3A, %eq3A_765 : vector<16xi32>
    %jit3A_767 = arith.constant 0.000000e+00 : f32
    %broadcast_in_dim3A_768 = vector.broadcast %jit3A_767 : f32 to vector<16xf32>
    %select_n3A_769 = arith.select %eq3A_766, %get3A_576, %broadcast_in_dim3A_768 : vector<16xi1>, vector<16xf32>
    %reduce_sum3A_770 = arith.constant true
    %reduce_sum3A_771 = vector.broadcast %reduce_sum3A_770 : i1 to vector<16xi1>
    %reduce_sum3A_772 = tpu.scan <sum>, %select_n3A_769 masked %reduce_sum3A_771 : vector<16xf32>, vector<16xi1> -> vector<16xf32>
    %reduce_sum3A_773 = vector.extract %reduce_sum3A_772[15] : f32 from vector<16xf32>
    %add3A_774 = arith.constant 4 : i32
    %add3A_775 = arith.addi %mul3A_573, %add3A_774 : i32
    %eq3A_776 = vector.broadcast %add3A_775 : i32 to vector<16xi32>
    %eq3A_777 = arith.cmpi eq, %iota3A, %eq3A_776 : vector<16xi32>
    %jit3A_778 = arith.constant 0.000000e+00 : f32
    %broadcast_in_dim3A_779 = vector.broadcast %jit3A_778 : f32 to vector<16xf32>
    %select_n3A_780 = arith.select %eq3A_777, %get3A_580, %broadcast_in_dim3A_779 : vector<16xi1>, vector<16xf32>
    %reduce_sum3A_781 = arith.constant true
    %reduce_sum3A_782 = vector.broadcast %reduce_sum3A_781 : i1 to vector<16xi1>
    %reduce_sum3A_783 = tpu.scan <sum>, %select_n3A_780 masked %reduce_sum3A_782 : vector<16xf32>, vector<16xi1> -> vector<16xf32>
    %reduce_sum3A_784 = vector.extract %reduce_sum3A_783[15] : f32 from vector<16xf32>
    %add3A_785 = arith.constant 4 : i32
    %add3A_786 = arith.addi %mul3A_573, %add3A_785 : i32
    %eq3A_787 = vector.broadcast %add3A_786 : i32 to vector<16xi32>
    %eq3A_788 = arith.cmpi eq, %iota3A, %eq3A_787 : vector<16xi32>
    %jit3A_789 = arith.constant 0.000000e+00 : f32
    %broadcast_in_dim3A_790 = vector.broadcast %jit3A_789 : f32 to vector<16xf32>
    %select_n3A_791 = arith.select %eq3A_788, %get3A_584, %broadcast_in_dim3A_790 : vector<16xi1>, vector<16xf32>
    %reduce_sum3A_792 = arith.constant true
    %reduce_sum3A_793 = vector.broadcast %reduce_sum3A_792 : i1 to vector<16xi1>
    %reduce_sum3A_794 = tpu.scan <sum>, %select_n3A_791 masked %reduce_sum3A_793 : vector<16xf32>, vector<16xi1> -> vector<16xf32>
    %reduce_sum3A_795 = vector.extract %reduce_sum3A_794[15] : f32 from vector<16xf32>
    %add3A_796 = arith.constant 4 : i32
    %add3A_797 = arith.addi %mul3A_573, %add3A_796 : i32
    %eq3A_798 = vector.broadcast %add3A_797 : i32 to vector<16xi32>
    %eq3A_799 = arith.cmpi eq, %iota3A, %eq3A_798 : vector<16xi32>
    %jit3A_800 = arith.constant 0.000000e+00 : f32
    %broadcast_in_dim3A_801 = vector.broadcast %jit3A_800 : f32 to vector<16xf32>
    %select_n3A_802 = arith.select %eq3A_799, %get3A_586, %broadcast_in_dim3A_801 : vector<16xi1>, vector<16xf32>
    %reduce_sum3A_803 = arith.constant true
    %reduce_sum3A_804 = vector.broadcast %reduce_sum3A_803 : i1 to vector<16xi1>
    %reduce_sum3A_805 = tpu.scan <sum>, %select_n3A_802 masked %reduce_sum3A_804 : vector<16xf32>, vector<16xi1> -> vector<16xf32>
    %reduce_sum3A_806 = vector.extract %reduce_sum3A_805[15] : f32 from vector<16xf32>
    %add3A_807 = arith.constant 5 : i32
    %add3A_808 = arith.addi %mul3A_573, %add3A_807 : i32
    %eq3A_809 = vector.broadcast %add3A_808 : i32 to vector<16xi32>
    %eq3A_810 = arith.cmpi eq, %iota3A, %eq3A_809 : vector<16xi32>
    %jit3A_811 = arith.constant 0.000000e+00 : f32
    %broadcast_in_dim3A_812 = vector.broadcast %jit3A_811 : f32 to vector<16xf32>
    %select_n3A_813 = arith.select %eq3A_810, %get3A_576, %broadcast_in_dim3A_812 : vector<16xi1>, vector<16xf32>
    %reduce_sum3A_814 = arith.constant true
    %reduce_sum3A_815 = vector.broadcast %reduce_sum3A_814 : i1 to vector<16xi1>
    %reduce_sum3A_816 = tpu.scan <sum>, %select_n3A_813 masked %reduce_sum3A_815 : vector<16xf32>, vector<16xi1> -> vector<16xf32>
    %reduce_sum3A_817 = vector.extract %reduce_sum3A_816[15] : f32 from vector<16xf32>
    %add3A_818 = arith.constant 5 : i32
    %add3A_819 = arith.addi %mul3A_573, %add3A_818 : i32
    %eq3A_820 = vector.broadcast %add3A_819 : i32 to vector<16xi32>
    %eq3A_821 = arith.cmpi eq, %iota3A, %eq3A_820 : vector<16xi32>
    %jit3A_822 = arith.constant 0.000000e+00 : f32
    %broadcast_in_dim3A_823 = vector.broadcast %jit3A_822 : f32 to vector<16xf32>
    %select_n3A_824 = arith.select %eq3A_821, %get3A_580, %broadcast_in_dim3A_823 : vector<16xi1>, vector<16xf32>
    %reduce_sum3A_825 = arith.constant true
    %reduce_sum3A_826 = vector.broadcast %reduce_sum3A_825 : i1 to vector<16xi1>
    %reduce_sum3A_827 = tpu.scan <sum>, %select_n3A_824 masked %reduce_sum3A_826 : vector<16xf32>, vector<16xi1> -> vector<16xf32>
    %reduce_sum3A_828 = vector.extract %reduce_sum3A_827[15] : f32 from vector<16xf32>
    %add3A_829 = arith.constant 5 : i32
    %add3A_830 = arith.addi %mul3A_573, %add3A_829 : i32
    %eq3A_831 = vector.broadcast %add3A_830 : i32 to vector<16xi32>
    %eq3A_832 = arith.cmpi eq, %iota3A, %eq3A_831 : vector<16xi32>
    %jit3A_833 = arith.constant 0.000000e+00 : f32
    %broadcast_in_dim3A_834 = vector.broadcast %jit3A_833 : f32 to vector<16xf32>
    %select_n3A_835 = arith.select %eq3A_832, %get3A_584, %broadcast_in_dim3A_834 : vector<16xi1>, vector<16xf32>
    %reduce_sum3A_836 = arith.constant true
    %reduce_sum3A_837 = vector.broadcast %reduce_sum3A_836 : i1 to vector<16xi1>
    %reduce_sum3A_838 = tpu.scan <sum>, %select_n3A_835 masked %reduce_sum3A_837 : vector<16xf32>, vector<16xi1> -> vector<16xf32>
    %reduce_sum3A_839 = vector.extract %reduce_sum3A_838[15] : f32 from vector<16xf32>
    %add3A_840 = arith.constant 5 : i32
    %add3A_841 = arith.addi %mul3A_573, %add3A_840 : i32
    %eq3A_842 = vector.broadcast %add3A_841 : i32 to vector<16xi32>
    %eq3A_843 = arith.cmpi eq, %iota3A, %eq3A_842 : vector<16xi32>
    %jit3A_844 = arith.constant 0.000000e+00 : f32
    %broadcast_in_dim3A_845 = vector.broadcast %jit3A_844 : f32 to vector<16xf32>
    %select_n3A_846 = arith.select %eq3A_843, %get3A_586, %broadcast_in_dim3A_845 : vector<16xi1>, vector<16xf32>
    %reduce_sum3A_847 = arith.constant true
    %reduce_sum3A_848 = vector.broadcast %reduce_sum3A_847 : i1 to vector<16xi1>
    %reduce_sum3A_849 = tpu.scan <sum>, %select_n3A_846 masked %reduce_sum3A_848 : vector<16xf32>, vector<16xi1> -> vector<16xf32>
    %reduce_sum3A_850 = vector.extract %reduce_sum3A_849[15] : f32 from vector<16xf32>
    %add3A_851 = arith.constant 6 : i32
    %add3A_852 = arith.addi %mul3A_573, %add3A_851 : i32
    %eq3A_853 = vector.broadcast %add3A_852 : i32 to vector<16xi32>
    %eq3A_854 = arith.cmpi eq, %iota3A, %eq3A_853 : vector<16xi32>
    %jit3A_855 = arith.constant 0.000000e+00 : f32
    %broadcast_in_dim3A_856 = vector.broadcast %jit3A_855 : f32 to vector<16xf32>
    %select_n3A_857 = arith.select %eq3A_854, %get3A_576, %broadcast_in_dim3A_856 : vector<16xi1>, vector<16xf32>
    %reduce_sum3A_858 = arith.constant true
    %reduce_sum3A_859 = vector.broadcast %reduce_sum3A_858 : i1 to vector<16xi1>
    %reduce_sum3A_860 = tpu.scan <sum>, %select_n3A_857 masked %reduce_sum3A_859 : vector<16xf32>, vector<16xi1> -> vector<16xf32>
    %reduce_sum3A_861 = vector.extract %reduce_sum3A_860[15] : f32 from vector<16xf32>
    %add3A_862 = arith.constant 6 : i32
    %add3A_863 = arith.addi %mul3A_573, %add3A_862 : i32
    %eq3A_864 = vector.broadcast %add3A_863 : i32 to vector<16xi32>
    %eq3A_865 = arith.cmpi eq, %iota3A, %eq3A_864 : vector<16xi32>
    %jit3A_866 = arith.constant 0.000000e+00 : f32
    %broadcast_in_dim3A_867 = vector.broadcast %jit3A_866 : f32 to vector<16xf32>
    %select_n3A_868 = arith.select %eq3A_865, %get3A_580, %broadcast_in_dim3A_867 : vector<16xi1>, vector<16xf32>
    %reduce_sum3A_869 = arith.constant true
    %reduce_sum3A_870 = vector.broadcast %reduce_sum3A_869 : i1 to vector<16xi1>
    %reduce_sum3A_871 = tpu.scan <sum>, %select_n3A_868 masked %reduce_sum3A_870 : vector<16xf32>, vector<16xi1> -> vector<16xf32>
    %reduce_sum3A_872 = vector.extract %reduce_sum3A_871[15] : f32 from vector<16xf32>
    %add3A_873 = arith.constant 6 : i32
    %add3A_874 = arith.addi %mul3A_573, %add3A_873 : i32
    %eq3A_875 = vector.broadcast %add3A_874 : i32 to vector<16xi32>
    %eq3A_876 = arith.cmpi eq, %iota3A, %eq3A_875 : vector<16xi32>
    %jit3A_877 = arith.constant 0.000000e+00 : f32
    %broadcast_in_dim3A_878 = vector.broadcast %jit3A_877 : f32 to vector<16xf32>
    %select_n3A_879 = arith.select %eq3A_876, %get3A_584, %broadcast_in_dim3A_878 : vector<16xi1>, vector<16xf32>
    %reduce_sum3A_880 = arith.constant true
    %reduce_sum3A_881 = vector.broadcast %reduce_sum3A_880 : i1 to vector<16xi1>
    %reduce_sum3A_882 = tpu.scan <sum>, %select_n3A_879 masked %reduce_sum3A_881 : vector<16xf32>, vector<16xi1> -> vector<16xf32>
    %reduce_sum3A_883 = vector.extract %reduce_sum3A_882[15] : f32 from vector<16xf32>
    %add3A_884 = arith.constant 6 : i32
    %add3A_885 = arith.addi %mul3A_573, %add3A_884 : i32
    %eq3A_886 = vector.broadcast %add3A_885 : i32 to vector<16xi32>
    %eq3A_887 = arith.cmpi eq, %iota3A, %eq3A_886 : vector<16xi32>
    %jit3A_888 = arith.constant 0.000000e+00 : f32
    %broadcast_in_dim3A_889 = vector.broadcast %jit3A_888 : f32 to vector<16xf32>
    %select_n3A_890 = arith.select %eq3A_887, %get3A_586, %broadcast_in_dim3A_889 : vector<16xi1>, vector<16xf32>
    %reduce_sum3A_891 = arith.constant true
    %reduce_sum3A_892 = vector.broadcast %reduce_sum3A_891 : i1 to vector<16xi1>
    %reduce_sum3A_893 = tpu.scan <sum>, %select_n3A_890 masked %reduce_sum3A_892 : vector<16xf32>, vector<16xi1> -> vector<16xf32>
    %reduce_sum3A_894 = vector.extract %reduce_sum3A_893[15] : f32 from vector<16xf32>
    %add3A_895 = arith.constant 7 : i32
    %add3A_896 = arith.addi %mul3A_573, %add3A_895 : i32
    %eq3A_897 = vector.broadcast %add3A_896 : i32 to vector<16xi32>
    %eq3A_898 = arith.cmpi eq, %iota3A, %eq3A_897 : vector<16xi32>
    %jit3A_899 = arith.constant 0.000000e+00 : f32
    %broadcast_in_dim3A_900 = vector.broadcast %jit3A_899 : f32 to vector<16xf32>
    %select_n3A_901 = arith.select %eq3A_898, %get3A_576, %broadcast_in_dim3A_900 : vector<16xi1>, vector<16xf32>
    %reduce_sum3A_902 = arith.constant true
    %reduce_sum3A_903 = vector.broadcast %reduce_sum3A_902 : i1 to vector<16xi1>
    %reduce_sum3A_904 = tpu.scan <sum>, %select_n3A_901 masked %reduce_sum3A_903 : vector<16xf32>, vector<16xi1> -> vector<16xf32>
    %reduce_sum3A_905 = vector.extract %reduce_sum3A_904[15] : f32 from vector<16xf32>
    %add3A_906 = arith.constant 7 : i32
    %add3A_907 = arith.addi %mul3A_573, %add3A_906 : i32
    %eq3A_908 = vector.broadcast %add3A_907 : i32 to vector<16xi32>
    %eq3A_909 = arith.cmpi eq, %iota3A, %eq3A_908 : vector<16xi32>
    %jit3A_910 = arith.constant 0.000000e+00 : f32
    %broadcast_in_dim3A_911 = vector.broadcast %jit3A_910 : f32 to vector<16xf32>
    %select_n3A_912 = arith.select %eq3A_909, %get3A_580, %broadcast_in_dim3A_911 : vector<16xi1>, vector<16xf32>
    %reduce_sum3A_913 = arith.constant true
    %reduce_sum3A_914 = vector.broadcast %reduce_sum3A_913 : i1 to vector<16xi1>
    %reduce_sum3A_915 = tpu.scan <sum>, %select_n3A_912 masked %reduce_sum3A_914 : vector<16xf32>, vector<16xi1> -> vector<16xf32>
    %reduce_sum3A_916 = vector.extract %reduce_sum3A_915[15] : f32 from vector<16xf32>
    %add3A_917 = arith.constant 7 : i32
    %add3A_918 = arith.addi %mul3A_573, %add3A_917 : i32
    %eq3A_919 = vector.broadcast %add3A_918 : i32 to vector<16xi32>
    %eq3A_920 = arith.cmpi eq, %iota3A, %eq3A_919 : vector<16xi32>
    %jit3A_921 = arith.constant 0.000000e+00 : f32
    %broadcast_in_dim3A_922 = vector.broadcast %jit3A_921 : f32 to vector<16xf32>
    %select_n3A_923 = arith.select %eq3A_920, %get3A_584, %broadcast_in_dim3A_922 : vector<16xi1>, vector<16xf32>
    %reduce_sum3A_924 = arith.constant true
    %reduce_sum3A_925 = vector.broadcast %reduce_sum3A_924 : i1 to vector<16xi1>
    %reduce_sum3A_926 = tpu.scan <sum>, %select_n3A_923 masked %reduce_sum3A_925 : vector<16xf32>, vector<16xi1> -> vector<16xf32>
    %reduce_sum3A_927 = vector.extract %reduce_sum3A_926[15] : f32 from vector<16xf32>
    %add3A_928 = arith.constant 7 : i32
    %add3A_929 = arith.addi %mul3A_573, %add3A_928 : i32
    %eq3A_930 = vector.broadcast %add3A_929 : i32 to vector<16xi32>
    %eq3A_931 = arith.cmpi eq, %iota3A, %eq3A_930 : vector<16xi32>
    %jit3A_932 = arith.constant 0.000000e+00 : f32
    %broadcast_in_dim3A_933 = vector.broadcast %jit3A_932 : f32 to vector<16xf32>
    %select_n3A_934 = arith.select %eq3A_931, %get3A_586, %broadcast_in_dim3A_933 : vector<16xi1>, vector<16xf32>
    %reduce_sum3A_935 = arith.constant true
    %reduce_sum3A_936 = vector.broadcast %reduce_sum3A_935 : i1 to vector<16xi1>
    %reduce_sum3A_937 = tpu.scan <sum>, %select_n3A_934 masked %reduce_sum3A_936 : vector<16xf32>, vector<16xi1> -> vector<16xf32>
    %reduce_sum3A_938 = vector.extract %reduce_sum3A_937[15] : f32 from vector<16xf32>
    %add3A_939 = arith.constant 63 : i32
    %add3A_940 = arith.addi %min3A_564, %add3A_939 : i32
    %jit3A_941 = arith.constant 64 : i32
    %div3A_942 = arith.divsi %add3A_940, %jit3A_941 : i32
    %sign3A_943 = arith.constant 0 : i32
    %sign3A_944 = arith.cmpi sgt, %add3A_940, %sign3A_943 : i32
    %sign3A_945 = arith.extui %sign3A_944 : i1 to i32
    %sign3A_946 = arith.constant 0 : i32
    %sign3A_947 = arith.cmpi slt, %add3A_940, %sign3A_946 : i32
    %sign3A_948 = arith.extui %sign3A_947 : i1 to i32
    %sign3A_949 = arith.subi %sign3A_945, %sign3A_948 : i32
    %sign3A_950 = arith.constant 0 : i32
    %sign3A_951 = arith.cmpi sgt, %jit3A_941, %sign3A_950 : i32
    %sign3A_952 = arith.extui %sign3A_951 : i1 to i32
    %sign3A_953 = arith.constant 0 : i32
    %sign3A_954 = arith.cmpi slt, %jit3A_941, %sign3A_953 : i32
    %sign3A_955 = arith.extui %sign3A_954 : i1 to i32
    %sign3A_956 = arith.subi %sign3A_952, %sign3A_955 : i32
    %ne3A_957 = arith.cmpi ne, %sign3A_949, %sign3A_956 : i32
    %rem3A_958 = arith.remsi %add3A_940, %jit3A_941 : i32
    %ne3A_959 = arith.constant 0 : i32
    %ne3A_960 = arith.cmpi ne, %rem3A_958, %ne3A_959 : i32
    %and3A_961 = arith.andi %ne3A_957, %ne3A_960 : i1
    %sub3A_962 = arith.constant 1 : i32
    %sub3A_963 = arith.subi %div3A_942, %sub3A_962 : i32
    %select_n3A_964 = arith.select %and3A_961, %sub3A_963, %div3A_942 : i32
    %add3A_965 = arith.constant 0 : i32
    %add3A_966 = arith.addi %sub3A_569, %add3A_965 : i32
    %add3A_967 = vector.broadcast %add3A_966 : i32 to vector<16xi32>
    %add3A_968 = arith.addi %add3A_967, %iota3A : vector<16xi32>
    %min3A_969 = arith.constant 4351 : i32
    %min3A_970 = vector.broadcast %min3A_969 : i32 to vector<16xi32>
    %min3A_971 = arith.minsi %add3A_968, %min3A_970 : vector<16xi32>
    %add3A_972 = arith.constant 0 : i32
    %add3A_973 = vector.broadcast %add3A_972 : i32 to vector<16xi32>
    %add3A_974 = arith.addi %broadcast_in_dim3A_549, %add3A_973 : vector<16xi32>
    %gather3A_975 = tpu.vector_load_idx %arg10[%add3A_974, %min3A_971] : memref<3x4352xf32, #tpu.memory_space<vmem>>[vector<16xi32>, vector<16xi32>], vector<16xf32>,
    %add3A_976 = arith.constant 1 : i32
    %add3A_977 = vector.broadcast %add3A_976 : i32 to vector<16xi32>
    %add3A_978 = arith.addi %broadcast_in_dim3A_549, %add3A_977 : vector<16xi32>
    %gather3A_979 = tpu.vector_load_idx %arg10[%add3A_978, %min3A_971] : memref<3x4352xf32, #tpu.memory_space<vmem>>[vector<16xi32>, vector<16xi32>], vector<16xf32>,
    %add3A_980 = arith.constant 2 : i32
    %add3A_981 = vector.broadcast %add3A_980 : i32 to vector<16xi32>
    %add3A_982 = arith.addi %broadcast_in_dim3A_549, %add3A_981 : vector<16xi32>
    %gather3A_983 = tpu.vector_load_idx %arg10[%add3A_982, %min3A_971] : memref<3x4352xf32, #tpu.memory_space<vmem>>[vector<16xi32>, vector<16xi32>], vector<16xf32>,
    %while3A = arith.constant 0 : i32
    %while3A_984 = arith.subi %select_n3A_964, %while3A : i32
    %while3A_985 = arith.addi %while3A, %while3A_984 : i32
    %while3A_986 = arith.constant 1 : i32
    %while3A_987 = arith.divsi %while3A_984, %while3A_986 : i32
    %while3A_988 = arith.muli %while3A_987, %while3A_986 : i32
    %while3A_989 = arith.addi %while3A, %while3A_988 : i32
    %while3A_990 = arith.constant 1 : i32
    %while3A_991:11 = scf.for %while3A_1127 = %while3A to %while3A_989 step %while3A_990 iter_args(%while3A_1128 = %gather3A_975, %while3A_1129 = %gather3A_979, %while3A_1130 = %gather3A_983, %while3A_1131 = %broadcast_in_dim3A_571, %while3A_1132 = %broadcast_in_dim3A_571, %while3A_1133 = %broadcast_in_dim3A_571, %while3A_1134 = %broadcast_in_dim3A_571, %while3A_1135 = %broadcast_in_dim3A_571, %while3A_1136 = %broadcast_in_dim3A_571, %while3A_1137 = %broadcast_in_dim3A_571, %while3A_1138 = %broadcast_in_dim3A_571) -> (vector<16xf32>, vector<16xf32>, vector<16xf32>, vector<16xf32>, vector<16xf32>, vector<16xf32>, vector<16xf32>, vector<16xf32>, vector<16xf32>, vector<16xf32>, vector<16xf32>)  : i32 {
      %mul3A_1139 = arith.constant 4 : i32
      %mul3A_1140 = arith.muli %while3A_1127, %mul3A_1139 : i32
      %add3A_1141 = arith.constant 1 : i32
      %add3A_1142 = arith.addi %mul3A_1140, %add3A_1141 : i32
      %mul3A_1143 = arith.constant 16 : i32
      %mul3A_1144 = arith.muli %add3A_1142, %mul3A_1143 : i32
      %add3A_1145 = arith.addi %sub3A_569, %mul3A_1144 : i32
      %add3A_1146 = vector.broadcast %add3A_1145 : i32 to vector<16xi32>
      %add3A_1147 = arith.addi %add3A_1146, %iota3A : vector<16xi32>
      %min3A_1148 = arith.constant 4351 : i32
      %min3A_1149 = vector.broadcast %min3A_1148 : i32 to vector<16xi32>
      %min3A_1150 = arith.minsi %add3A_1147, %min3A_1149 : vector<16xi32>
      %add3A_1151 = arith.constant 0 : i32
      %add3A_1152 = vector.broadcast %add3A_1151 : i32 to vector<16xi32>
      %add3A_1153 = arith.addi %broadcast_in_dim3A_549, %add3A_1152 : vector<16xi32>
      %gather3A_1154 = tpu.vector_load_idx %arg10[%add3A_1153, %min3A_1150] : memref<3x4352xf32, #tpu.memory_space<vmem>>[vector<16xi32>, vector<16xi32>], vector<16xf32>,
      %add3A_1155 = arith.constant 1 : i32
      %add3A_1156 = vector.broadcast %add3A_1155 : i32 to vector<16xi32>
      %add3A_1157 = arith.addi %broadcast_in_dim3A_549, %add3A_1156 : vector<16xi32>
      %gather3A_1158 = tpu.vector_load_idx %arg10[%add3A_1157, %min3A_1150] : memref<3x4352xf32, #tpu.memory_space<vmem>>[vector<16xi32>, vector<16xi32>], vector<16xf32>,
      %add3A_1159 = arith.constant 2 : i32
      %add3A_1160 = vector.broadcast %add3A_1159 : i32 to vector<16xi32>
      %add3A_1161 = arith.addi %broadcast_in_dim3A_549, %add3A_1160 : vector<16xi32>
      %gather3A_1162 = tpu.vector_load_idx %arg10[%add3A_1161, %min3A_1150] : memref<3x4352xf32, #tpu.memory_space<vmem>>[vector<16xi32>, vector<16xi32>], vector<16xf32>,
      %add3A_1163 = arith.constant 2 : i32
      %add3A_1164 = arith.addi %mul3A_1140, %add3A_1163 : i32
      %mul3A_1165 = arith.constant 16 : i32
      %mul3A_1166 = arith.muli %add3A_1164, %mul3A_1165 : i32
      %add3A_1167 = arith.addi %sub3A_569, %mul3A_1166 : i32
      %add3A_1168 = vector.broadcast %add3A_1167 : i32 to vector<16xi32>
      %add3A_1169 = arith.addi %add3A_1168, %iota3A : vector<16xi32>
      %min3A_1170 = arith.constant 4351 : i32
      %min3A_1171 = vector.broadcast %min3A_1170 : i32 to vector<16xi32>
      %min3A_1172 = arith.minsi %add3A_1169, %min3A_1171 : vector<16xi32>
      %add3A_1173 = arith.constant 0 : i32
      %add3A_1174 = vector.broadcast %add3A_1173 : i32 to vector<16xi32>
      %add3A_1175 = arith.addi %broadcast_in_dim3A_549, %add3A_1174 : vector<16xi32>
      %gather3A_1176 = tpu.vector_load_idx %arg10[%add3A_1175, %min3A_1172] : memref<3x4352xf32, #tpu.memory_space<vmem>>[vector<16xi32>, vector<16xi32>], vector<16xf32>,
      %add3A_1177 = arith.constant 1 : i32
      %add3A_1178 = vector.broadcast %add3A_1177 : i32 to vector<16xi32>
      %add3A_1179 = arith.addi %broadcast_in_dim3A_549, %add3A_1178 : vector<16xi32>
      %gather3A_1180 = tpu.vector_load_idx %arg10[%add3A_1179, %min3A_1172] : memref<3x4352xf32, #tpu.memory_space<vmem>>[vector<16xi32>, vector<16xi32>], vector<16xf32>,
      %add3A_1181 = arith.constant 2 : i32
      %add3A_1182 = vector.broadcast %add3A_1181 : i32 to vector<16xi32>
      %add3A_1183 = arith.addi %broadcast_in_dim3A_549, %add3A_1182 : vector<16xi32>
      %gather3A_1184 = tpu.vector_load_idx %arg10[%add3A_1183, %min3A_1172] : memref<3x4352xf32, #tpu.memory_space<vmem>>[vector<16xi32>, vector<16xi32>], vector<16xf32>,
      %add3A_1185 = arith.constant 3 : i32
      %add3A_1186 = arith.addi %mul3A_1140, %add3A_1185 : i32
      %mul3A_1187 = arith.constant 16 : i32
      %mul3A_1188 = arith.muli %add3A_1186, %mul3A_1187 : i32
      %add3A_1189 = arith.addi %sub3A_569, %mul3A_1188 : i32
      %add3A_1190 = vector.broadcast %add3A_1189 : i32 to vector<16xi32>
      %add3A_1191 = arith.addi %add3A_1190, %iota3A : vector<16xi32>
      %min3A_1192 = arith.constant 4351 : i32
      %min3A_1193 = vector.broadcast %min3A_1192 : i32 to vector<16xi32>
      %min3A_1194 = arith.minsi %add3A_1191, %min3A_1193 : vector<16xi32>
      %add3A_1195 = arith.constant 0 : i32
      %add3A_1196 = vector.broadcast %add3A_1195 : i32 to vector<16xi32>
      %add3A_1197 = arith.addi %broadcast_in_dim3A_549, %add3A_1196 : vector<16xi32>
      %gather3A_1198 = tpu.vector_load_idx %arg10[%add3A_1197, %min3A_1194] : memref<3x4352xf32, #tpu.memory_space<vmem>>[vector<16xi32>, vector<16xi32>], vector<16xf32>,
      %add3A_1199 = arith.constant 1 : i32
      %add3A_1200 = vector.broadcast %add3A_1199 : i32 to vector<16xi32>
      %add3A_1201 = arith.addi %broadcast_in_dim3A_549, %add3A_1200 : vector<16xi32>
      %gather3A_1202 = tpu.vector_load_idx %arg10[%add3A_1201, %min3A_1194] : memref<3x4352xf32, #tpu.memory_space<vmem>>[vector<16xi32>, vector<16xi32>], vector<16xf32>,
      %add3A_1203 = arith.constant 2 : i32
      %add3A_1204 = vector.broadcast %add3A_1203 : i32 to vector<16xi32>
      %add3A_1205 = arith.addi %broadcast_in_dim3A_549, %add3A_1204 : vector<16xi32>
      %gather3A_1206 = tpu.vector_load_idx %arg10[%add3A_1205, %min3A_1194] : memref<3x4352xf32, #tpu.memory_space<vmem>>[vector<16xi32>, vector<16xi32>], vector<16xf32>,
      %add3A_1207 = arith.constant 4 : i32
      %add3A_1208 = arith.addi %mul3A_1140, %add3A_1207 : i32
      %mul3A_1209 = arith.constant 16 : i32
      %mul3A_1210 = arith.muli %add3A_1208, %mul3A_1209 : i32
      %add3A_1211 = arith.addi %sub3A_569, %mul3A_1210 : i32
      %add3A_1212 = vector.broadcast %add3A_1211 : i32 to vector<16xi32>
      %add3A_1213 = arith.addi %add3A_1212, %iota3A : vector<16xi32>
      %min3A_1214 = arith.constant 4351 : i32
      %min3A_1215 = vector.broadcast %min3A_1214 : i32 to vector<16xi32>
      %min3A_1216 = arith.minsi %add3A_1213, %min3A_1215 : vector<16xi32>
      %add3A_1217 = arith.constant 0 : i32
      %add3A_1218 = vector.broadcast %add3A_1217 : i32 to vector<16xi32>
      %add3A_1219 = arith.addi %broadcast_in_dim3A_549, %add3A_1218 : vector<16xi32>
      %gather3A_1220 = tpu.vector_load_idx %arg10[%add3A_1219, %min3A_1216] : memref<3x4352xf32, #tpu.memory_space<vmem>>[vector<16xi32>, vector<16xi32>], vector<16xf32>,
      %add3A_1221 = arith.constant 1 : i32
      %add3A_1222 = vector.broadcast %add3A_1221 : i32 to vector<16xi32>
      %add3A_1223 = arith.addi %broadcast_in_dim3A_549, %add3A_1222 : vector<16xi32>
      %gather3A_1224 = tpu.vector_load_idx %arg10[%add3A_1223, %min3A_1216] : memref<3x4352xf32, #tpu.memory_space<vmem>>[vector<16xi32>, vector<16xi32>], vector<16xf32>,
      %add3A_1225 = arith.constant 2 : i32
      %add3A_1226 = vector.broadcast %add3A_1225 : i32 to vector<16xi32>
      %add3A_1227 = arith.addi %broadcast_in_dim3A_549, %add3A_1226 : vector<16xi32>
      %gather3A_1228 = tpu.vector_load_idx %arg10[%add3A_1227, %min3A_1216] : memref<3x4352xf32, #tpu.memory_space<vmem>>[vector<16xi32>, vector<16xi32>], vector<16xf32>,
      %mul3A_1229 = arith.constant 16 : i32
      %mul3A_1230 = arith.muli %mul3A_1140, %mul3A_1229 : i32
      %add3A_1231 = vector.broadcast %mul3A_1230 : i32 to vector<16xi32>
      %add3A_1232 = arith.addi %add3A_1231, %iota3A : vector<16xi32>
      %lt3A_1233 = vector.broadcast %min3A_564 : i32 to vector<16xi32>
      %lt3A_1234 = arith.cmpi slt, %add3A_1232, %lt3A_1233 : vector<16xi32>
      %mul3A_1235 = vector.broadcast %reduce_sum3A_597 : f32 to vector<16xf32>
      %mul3A_1236 = arith.mulf %while3A_1128, %mul3A_1235 : vector<16xf32>
      %mul3A_1237 = vector.broadcast %reduce_sum3A_608 : f32 to vector<16xf32>
      %mul3A_1238 = arith.mulf %while3A_1129, %mul3A_1237 : vector<16xf32>
      %add3A_1239 = arith.addf %mul3A_1236, %mul3A_1238 : vector<16xf32>
      %mul3A_1240 = vector.broadcast %reduce_sum3A_619 : f32 to vector<16xf32>
      %mul3A_1241 = arith.mulf %while3A_1130, %mul3A_1240 : vector<16xf32>
      %add3A_1242 = arith.addf %add3A_1239, %mul3A_1241 : vector<16xf32>
      %add3A_1243 = vector.broadcast %reduce_sum3A_630 : f32 to vector<16xf32>
      %add3A_1244 = arith.addf %add3A_1242, %add3A_1243 : vector<16xf32>
      %max3A_1245 = arith.constant 0.000000e+00 : f32
      %max3A_1246 = vector.broadcast %max3A_1245 : f32 to vector<16xf32>
      %max3A_1247 = arith.maximumf %add3A_1244, %max3A_1246 : vector<16xf32>
      %jit3A_1248 = arith.constant 0.000000e+00 : f32
      %broadcast_in_dim3A_1249 = vector.broadcast %jit3A_1248 : f32 to vector<16xf32>
      %select_n3A_1250 = arith.select %lt3A_1234, %max3A_1247, %broadcast_in_dim3A_1249 : vector<16xi1>, vector<16xf32>
      %swap3A_1251 = arith.constant 0 : i32
      %swap3A_1252 = arith.index_cast %swap3A_1251 : i32 to index
      %swap3A_1253 = arith.index_cast %mul3A_1230 : i32 to index
      %swap3A_1254 = tpu.vector_load %arg13[%swap3A_1252, %swap3A_1253] {strides = array<i32>} : memref<8x4096xf32, #tpu.memory_space<vmem>>, vector<16xf32>,
      tpu.vector_store %arg13[%swap3A_1252, %swap3A_1253], %select_n3A_1250 {strides = array<i32>} : memref<8x4096xf32, #tpu.memory_space<vmem>>, vector<16xf32>,
      %add3A_1255 = arith.addf %while3A_1131, %select_n3A_1250 : vector<16xf32>
      %mul3A_1256 = vector.broadcast %reduce_sum3A_641 : f32 to vector<16xf32>
      %mul3A_1257 = arith.mulf %while3A_1128, %mul3A_1256 : vector<16xf32>
      %mul3A_1258 = vector.broadcast %reduce_sum3A_652 : f32 to vector<16xf32>
      %mul3A_1259 = arith.mulf %while3A_1129, %mul3A_1258 : vector<16xf32>
      %add3A_1260 = arith.addf %mul3A_1257, %mul3A_1259 : vector<16xf32>
      %mul3A_1261 = vector.broadcast %reduce_sum3A_663 : f32 to vector<16xf32>
      %mul3A_1262 = arith.mulf %while3A_1130, %mul3A_1261 : vector<16xf32>
      %add3A_1263 = arith.addf %add3A_1260, %mul3A_1262 : vector<16xf32>
      %add3A_1264 = vector.broadcast %reduce_sum3A_674 : f32 to vector<16xf32>
      %add3A_1265 = arith.addf %add3A_1263, %add3A_1264 : vector<16xf32>
      %max3A_1266 = arith.constant 0.000000e+00 : f32
      %max3A_1267 = vector.broadcast %max3A_1266 : f32 to vector<16xf32>
      %max3A_1268 = arith.maximumf %add3A_1265, %max3A_1267 : vector<16xf32>
      %jit3A_1269 = arith.constant 0.000000e+00 : f32
      %broadcast_in_dim3A_1270 = vector.broadcast %jit3A_1269 : f32 to vector<16xf32>
      %select_n3A_1271 = arith.select %lt3A_1234, %max3A_1268, %broadcast_in_dim3A_1270 : vector<16xi1>, vector<16xf32>
      %swap3A_1272 = arith.constant 1 : i32
      %swap3A_1273 = arith.index_cast %swap3A_1272 : i32 to index
      %swap3A_1274 = arith.index_cast %mul3A_1230 : i32 to index
      %swap3A_1275 = tpu.vector_load %arg13[%swap3A_1273, %swap3A_1274] {strides = array<i32>} : memref<8x4096xf32, #tpu.memory_space<vmem>>, vector<16xf32>,
      tpu.vector_store %arg13[%swap3A_1273, %swap3A_1274], %select_n3A_1271 {strides = array<i32>} : memref<8x4096xf32, #tpu.memory_space<vmem>>, vector<16xf32>,
      %add3A_1276 = arith.addf %while3A_1132, %select_n3A_1271 : vector<16xf32>
      %mul3A_1277 = vector.broadcast %reduce_sum3A_685 : f32 to vector<16xf32>
      %mul3A_1278 = arith.mulf %while3A_1128, %mul3A_1277 : vector<16xf32>
      %mul3A_1279 = vector.broadcast %reduce_sum3A_696 : f32 to vector<16xf32>
      %mul3A_1280 = arith.mulf %while3A_1129, %mul3A_1279 : vector<16xf32>
      %add3A_1281 = arith.addf %mul3A_1278, %mul3A_1280 : vector<16xf32>
      %mul3A_1282 = vector.broadcast %reduce_sum3A_707 : f32 to vector<16xf32>
      %mul3A_1283 = arith.mulf %while3A_1130, %mul3A_1282 : vector<16xf32>
      %add3A_1284 = arith.addf %add3A_1281, %mul3A_1283 : vector<16xf32>
      %add3A_1285 = vector.broadcast %reduce_sum3A_718 : f32 to vector<16xf32>
      %add3A_1286 = arith.addf %add3A_1284, %add3A_1285 : vector<16xf32>
      %max3A_1287 = arith.constant 0.000000e+00 : f32
      %max3A_1288 = vector.broadcast %max3A_1287 : f32 to vector<16xf32>
      %max3A_1289 = arith.maximumf %add3A_1286, %max3A_1288 : vector<16xf32>
      %jit3A_1290 = arith.constant 0.000000e+00 : f32
      %broadcast_in_dim3A_1291 = vector.broadcast %jit3A_1290 : f32 to vector<16xf32>
      %select_n3A_1292 = arith.select %lt3A_1234, %max3A_1289, %broadcast_in_dim3A_1291 : vector<16xi1>, vector<16xf32>
      %swap3A_1293 = arith.constant 2 : i32
      %swap3A_1294 = arith.index_cast %swap3A_1293 : i32 to index
      %swap3A_1295 = arith.index_cast %mul3A_1230 : i32 to index
      %swap3A_1296 = tpu.vector_load %arg13[%swap3A_1294, %swap3A_1295] {strides = array<i32>} : memref<8x4096xf32, #tpu.memory_space<vmem>>, vector<16xf32>,
      tpu.vector_store %arg13[%swap3A_1294, %swap3A_1295], %select_n3A_1292 {strides = array<i32>} : memref<8x4096xf32, #tpu.memory_space<vmem>>, vector<16xf32>,
      %add3A_1297 = arith.addf %while3A_1133, %select_n3A_1292 : vector<16xf32>
      %mul3A_1298 = vector.broadcast %reduce_sum3A_729 : f32 to vector<16xf32>
      %mul3A_1299 = arith.mulf %while3A_1128, %mul3A_1298 : vector<16xf32>
      %mul3A_1300 = vector.broadcast %reduce_sum3A_740 : f32 to vector<16xf32>
      %mul3A_1301 = arith.mulf %while3A_1129, %mul3A_1300 : vector<16xf32>
      %add3A_1302 = arith.addf %mul3A_1299, %mul3A_1301 : vector<16xf32>
      %mul3A_1303 = vector.broadcast %reduce_sum3A_751 : f32 to vector<16xf32>
      %mul3A_1304 = arith.mulf %while3A_1130, %mul3A_1303 : vector<16xf32>
      %add3A_1305 = arith.addf %add3A_1302, %mul3A_1304 : vector<16xf32>
      %add3A_1306 = vector.broadcast %reduce_sum3A_762 : f32 to vector<16xf32>
      %add3A_1307 = arith.addf %add3A_1305, %add3A_1306 : vector<16xf32>
      %max3A_1308 = arith.constant 0.000000e+00 : f32
      %max3A_1309 = vector.broadcast %max3A_1308 : f32 to vector<16xf32>
      %max3A_1310 = arith.maximumf %add3A_1307, %max3A_1309 : vector<16xf32>
      %jit3A_1311 = arith.constant 0.000000e+00 : f32
      %broadcast_in_dim3A_1312 = vector.broadcast %jit3A_1311 : f32 to vector<16xf32>
      %select_n3A_1313 = arith.select %lt3A_1234, %max3A_1310, %broadcast_in_dim3A_1312 : vector<16xi1>, vector<16xf32>
      %swap3A_1314 = arith.constant 3 : i32
      %swap3A_1315 = arith.index_cast %swap3A_1314 : i32 to index
      %swap3A_1316 = arith.index_cast %mul3A_1230 : i32 to index
      %swap3A_1317 = tpu.vector_load %arg13[%swap3A_1315, %swap3A_1316] {strides = array<i32>} : memref<8x4096xf32, #tpu.memory_space<vmem>>, vector<16xf32>,
      tpu.vector_store %arg13[%swap3A_1315, %swap3A_1316], %select_n3A_1313 {strides = array<i32>} : memref<8x4096xf32, #tpu.memory_space<vmem>>, vector<16xf32>,
      %add3A_1318 = arith.addf %while3A_1134, %select_n3A_1313 : vector<16xf32>
      %mul3A_1319 = vector.broadcast %reduce_sum3A_773 : f32 to vector<16xf32>
      %mul3A_1320 = arith.mulf %while3A_1128, %mul3A_1319 : vector<16xf32>
      %mul3A_1321 = vector.broadcast %reduce_sum3A_784 : f32 to vector<16xf32>
      %mul3A_1322 = arith.mulf %while3A_1129, %mul3A_1321 : vector<16xf32>
      %add3A_1323 = arith.addf %mul3A_1320, %mul3A_1322 : vector<16xf32>
      %mul3A_1324 = vector.broadcast %reduce_sum3A_795 : f32 to vector<16xf32>
      %mul3A_1325 = arith.mulf %while3A_1130, %mul3A_1324 : vector<16xf32>
      %add3A_1326 = arith.addf %add3A_1323, %mul3A_1325 : vector<16xf32>
      %add3A_1327 = vector.broadcast %reduce_sum3A_806 : f32 to vector<16xf32>
      %add3A_1328 = arith.addf %add3A_1326, %add3A_1327 : vector<16xf32>
      %max3A_1329 = arith.constant 0.000000e+00 : f32
      %max3A_1330 = vector.broadcast %max3A_1329 : f32 to vector<16xf32>
      %max3A_1331 = arith.maximumf %add3A_1328, %max3A_1330 : vector<16xf32>
      %jit3A_1332 = arith.constant 0.000000e+00 : f32
      %broadcast_in_dim3A_1333 = vector.broadcast %jit3A_1332 : f32 to vector<16xf32>
      %select_n3A_1334 = arith.select %lt3A_1234, %max3A_1331, %broadcast_in_dim3A_1333 : vector<16xi1>, vector<16xf32>
      %swap3A_1335 = arith.constant 4 : i32
      %swap3A_1336 = arith.index_cast %swap3A_1335 : i32 to index
      %swap3A_1337 = arith.index_cast %mul3A_1230 : i32 to index
      %swap3A_1338 = tpu.vector_load %arg13[%swap3A_1336, %swap3A_1337] {strides = array<i32>} : memref<8x4096xf32, #tpu.memory_space<vmem>>, vector<16xf32>,
      tpu.vector_store %arg13[%swap3A_1336, %swap3A_1337], %select_n3A_1334 {strides = array<i32>} : memref<8x4096xf32, #tpu.memory_space<vmem>>, vector<16xf32>,
      %add3A_1339 = arith.addf %while3A_1135, %select_n3A_1334 : vector<16xf32>
      %mul3A_1340 = vector.broadcast %reduce_sum3A_817 : f32 to vector<16xf32>
      %mul3A_1341 = arith.mulf %while3A_1128, %mul3A_1340 : vector<16xf32>
      %mul3A_1342 = vector.broadcast %reduce_sum3A_828 : f32 to vector<16xf32>
      %mul3A_1343 = arith.mulf %while3A_1129, %mul3A_1342 : vector<16xf32>
      %add3A_1344 = arith.addf %mul3A_1341, %mul3A_1343 : vector<16xf32>
      %mul3A_1345 = vector.broadcast %reduce_sum3A_839 : f32 to vector<16xf32>
      %mul3A_1346 = arith.mulf %while3A_1130, %mul3A_1345 : vector<16xf32>
      %add3A_1347 = arith.addf %add3A_1344, %mul3A_1346 : vector<16xf32>
      %add3A_1348 = vector.broadcast %reduce_sum3A_850 : f32 to vector<16xf32>
      %add3A_1349 = arith.addf %add3A_1347, %add3A_1348 : vector<16xf32>
      %max3A_1350 = arith.constant 0.000000e+00 : f32
      %max3A_1351 = vector.broadcast %max3A_1350 : f32 to vector<16xf32>
      %max3A_1352 = arith.maximumf %add3A_1349, %max3A_1351 : vector<16xf32>
      %jit3A_1353 = arith.constant 0.000000e+00 : f32
      %broadcast_in_dim3A_1354 = vector.broadcast %jit3A_1353 : f32 to vector<16xf32>
      %select_n3A_1355 = arith.select %lt3A_1234, %max3A_1352, %broadcast_in_dim3A_1354 : vector<16xi1>, vector<16xf32>
      %swap3A_1356 = arith.constant 5 : i32
      %swap3A_1357 = arith.index_cast %swap3A_1356 : i32 to index
      %swap3A_1358 = arith.index_cast %mul3A_1230 : i32 to index
      %swap3A_1359 = tpu.vector_load %arg13[%swap3A_1357, %swap3A_1358] {strides = array<i32>} : memref<8x4096xf32, #tpu.memory_space<vmem>>, vector<16xf32>,
      tpu.vector_store %arg13[%swap3A_1357, %swap3A_1358], %select_n3A_1355 {strides = array<i32>} : memref<8x4096xf32, #tpu.memory_space<vmem>>, vector<16xf32>,
      %add3A_1360 = arith.addf %while3A_1136, %select_n3A_1355 : vector<16xf32>
      %mul3A_1361 = vector.broadcast %reduce_sum3A_861 : f32 to vector<16xf32>
      %mul3A_1362 = arith.mulf %while3A_1128, %mul3A_1361 : vector<16xf32>
      %mul3A_1363 = vector.broadcast %reduce_sum3A_872 : f32 to vector<16xf32>
      %mul3A_1364 = arith.mulf %while3A_1129, %mul3A_1363 : vector<16xf32>
      %add3A_1365 = arith.addf %mul3A_1362, %mul3A_1364 : vector<16xf32>
      %mul3A_1366 = vector.broadcast %reduce_sum3A_883 : f32 to vector<16xf32>
      %mul3A_1367 = arith.mulf %while3A_1130, %mul3A_1366 : vector<16xf32>
      %add3A_1368 = arith.addf %add3A_1365, %mul3A_1367 : vector<16xf32>
      %add3A_1369 = vector.broadcast %reduce_sum3A_894 : f32 to vector<16xf32>
      %add3A_1370 = arith.addf %add3A_1368, %add3A_1369 : vector<16xf32>
      %max3A_1371 = arith.constant 0.000000e+00 : f32
      %max3A_1372 = vector.broadcast %max3A_1371 : f32 to vector<16xf32>
      %max3A_1373 = arith.maximumf %add3A_1370, %max3A_1372 : vector<16xf32>
      %jit3A_1374 = arith.constant 0.000000e+00 : f32
      %broadcast_in_dim3A_1375 = vector.broadcast %jit3A_1374 : f32 to vector<16xf32>
      %select_n3A_1376 = arith.select %lt3A_1234, %max3A_1373, %broadcast_in_dim3A_1375 : vector<16xi1>, vector<16xf32>
      %swap3A_1377 = arith.constant 6 : i32
      %swap3A_1378 = arith.index_cast %swap3A_1377 : i32 to index
      %swap3A_1379 = arith.index_cast %mul3A_1230 : i32 to index
      %swap3A_1380 = tpu.vector_load %arg13[%swap3A_1378, %swap3A_1379] {strides = array<i32>} : memref<8x4096xf32, #tpu.memory_space<vmem>>, vector<16xf32>,
      tpu.vector_store %arg13[%swap3A_1378, %swap3A_1379], %select_n3A_1376 {strides = array<i32>} : memref<8x4096xf32, #tpu.memory_space<vmem>>, vector<16xf32>,
      %add3A_1381 = arith.addf %while3A_1137, %select_n3A_1376 : vector<16xf32>
      %mul3A_1382 = vector.broadcast %reduce_sum3A_905 : f32 to vector<16xf32>
      %mul3A_1383 = arith.mulf %while3A_1128, %mul3A_1382 : vector<16xf32>
      %mul3A_1384 = vector.broadcast %reduce_sum3A_916 : f32 to vector<16xf32>
      %mul3A_1385 = arith.mulf %while3A_1129, %mul3A_1384 : vector<16xf32>
      %add3A_1386 = arith.addf %mul3A_1383, %mul3A_1385 : vector<16xf32>
      %mul3A_1387 = vector.broadcast %reduce_sum3A_927 : f32 to vector<16xf32>
      %mul3A_1388 = arith.mulf %while3A_1130, %mul3A_1387 : vector<16xf32>
      %add3A_1389 = arith.addf %add3A_1386, %mul3A_1388 : vector<16xf32>
      %add3A_1390 = vector.broadcast %reduce_sum3A_938 : f32 to vector<16xf32>
      %add3A_1391 = arith.addf %add3A_1389, %add3A_1390 : vector<16xf32>
      %max3A_1392 = arith.constant 0.000000e+00 : f32
      %max3A_1393 = vector.broadcast %max3A_1392 : f32 to vector<16xf32>
      %max3A_1394 = arith.maximumf %add3A_1391, %max3A_1393 : vector<16xf32>
      %jit3A_1395 = arith.constant 0.000000e+00 : f32
      %broadcast_in_dim3A_1396 = vector.broadcast %jit3A_1395 : f32 to vector<16xf32>
      %select_n3A_1397 = arith.select %lt3A_1234, %max3A_1394, %broadcast_in_dim3A_1396 : vector<16xi1>, vector<16xf32>
      %swap3A_1398 = arith.constant 7 : i32
      %swap3A_1399 = arith.index_cast %swap3A_1398 : i32 to index
      %swap3A_1400 = arith.index_cast %mul3A_1230 : i32 to index
      %swap3A_1401 = tpu.vector_load %arg13[%swap3A_1399, %swap3A_1400] {strides = array<i32>} : memref<8x4096xf32, #tpu.memory_space<vmem>>, vector<16xf32>,
      tpu.vector_store %arg13[%swap3A_1399, %swap3A_1400], %select_n3A_1397 {strides = array<i32>} : memref<8x4096xf32, #tpu.memory_space<vmem>>, vector<16xf32>,
      %add3A_1402 = arith.addf %while3A_1138, %select_n3A_1397 : vector<16xf32>
      %add3A_1403 = arith.constant 1 : i32
      %add3A_1404 = arith.addi %mul3A_1140, %add3A_1403 : i32
      %mul3A_1405 = arith.constant 16 : i32
      %mul3A_1406 = arith.muli %add3A_1404, %mul3A_1405 : i32
      %add3A_1407 = vector.broadcast %mul3A_1406 : i32 to vector<16xi32>
      %add3A_1408 = arith.addi %add3A_1407, %iota3A : vector<16xi32>
      %lt3A_1409 = vector.broadcast %min3A_564 : i32 to vector<16xi32>
      %lt3A_1410 = arith.cmpi slt, %add3A_1408, %lt3A_1409 : vector<16xi32>
      %mul3A_1411 = vector.broadcast %reduce_sum3A_597 : f32 to vector<16xf32>
      %mul3A_1412 = arith.mulf %gather3A_1154, %mul3A_1411 : vector<16xf32>
      %mul3A_1413 = vector.broadcast %reduce_sum3A_608 : f32 to vector<16xf32>
      %mul3A_1414 = arith.mulf %gather3A_1158, %mul3A_1413 : vector<16xf32>
      %add3A_1415 = arith.addf %mul3A_1412, %mul3A_1414 : vector<16xf32>
      %mul3A_1416 = vector.broadcast %reduce_sum3A_619 : f32 to vector<16xf32>
      %mul3A_1417 = arith.mulf %gather3A_1162, %mul3A_1416 : vector<16xf32>
      %add3A_1418 = arith.addf %add3A_1415, %mul3A_1417 : vector<16xf32>
      %add3A_1419 = vector.broadcast %reduce_sum3A_630 : f32 to vector<16xf32>
      %add3A_1420 = arith.addf %add3A_1418, %add3A_1419 : vector<16xf32>
      %max3A_1421 = arith.constant 0.000000e+00 : f32
      %max3A_1422 = vector.broadcast %max3A_1421 : f32 to vector<16xf32>
      %max3A_1423 = arith.maximumf %add3A_1420, %max3A_1422 : vector<16xf32>
      %jit3A_1424 = arith.constant 0.000000e+00 : f32
      %broadcast_in_dim3A_1425 = vector.broadcast %jit3A_1424 : f32 to vector<16xf32>
      %select_n3A_1426 = arith.select %lt3A_1410, %max3A_1423, %broadcast_in_dim3A_1425 : vector<16xi1>, vector<16xf32>
      %swap3A_1427 = arith.constant 0 : i32
      %swap3A_1428 = arith.index_cast %swap3A_1427 : i32 to index
      %swap3A_1429 = arith.index_cast %mul3A_1406 : i32 to index
      %swap3A_1430 = tpu.vector_load %arg13[%swap3A_1428, %swap3A_1429] {strides = array<i32>} : memref<8x4096xf32, #tpu.memory_space<vmem>>, vector<16xf32>,
      tpu.vector_store %arg13[%swap3A_1428, %swap3A_1429], %select_n3A_1426 {strides = array<i32>} : memref<8x4096xf32, #tpu.memory_space<vmem>>, vector<16xf32>,
      %add3A_1431 = arith.addf %add3A_1255, %select_n3A_1426 : vector<16xf32>
      %mul3A_1432 = vector.broadcast %reduce_sum3A_641 : f32 to vector<16xf32>
      %mul3A_1433 = arith.mulf %gather3A_1154, %mul3A_1432 : vector<16xf32>
      %mul3A_1434 = vector.broadcast %reduce_sum3A_652 : f32 to vector<16xf32>
      %mul3A_1435 = arith.mulf %gather3A_1158, %mul3A_1434 : vector<16xf32>
      %add3A_1436 = arith.addf %mul3A_1433, %mul3A_1435 : vector<16xf32>
      %mul3A_1437 = vector.broadcast %reduce_sum3A_663 : f32 to vector<16xf32>
      %mul3A_1438 = arith.mulf %gather3A_1162, %mul3A_1437 : vector<16xf32>
      %add3A_1439 = arith.addf %add3A_1436, %mul3A_1438 : vector<16xf32>
      %add3A_1440 = vector.broadcast %reduce_sum3A_674 : f32 to vector<16xf32>
      %add3A_1441 = arith.addf %add3A_1439, %add3A_1440 : vector<16xf32>
      %max3A_1442 = arith.constant 0.000000e+00 : f32
      %max3A_1443 = vector.broadcast %max3A_1442 : f32 to vector<16xf32>
      %max3A_1444 = arith.maximumf %add3A_1441, %max3A_1443 : vector<16xf32>
      %jit3A_1445 = arith.constant 0.000000e+00 : f32
      %broadcast_in_dim3A_1446 = vector.broadcast %jit3A_1445 : f32 to vector<16xf32>
      %select_n3A_1447 = arith.select %lt3A_1410, %max3A_1444, %broadcast_in_dim3A_1446 : vector<16xi1>, vector<16xf32>
      %swap3A_1448 = arith.constant 1 : i32
      %swap3A_1449 = arith.index_cast %swap3A_1448 : i32 to index
      %swap3A_1450 = arith.index_cast %mul3A_1406 : i32 to index
      %swap3A_1451 = tpu.vector_load %arg13[%swap3A_1449, %swap3A_1450] {strides = array<i32>} : memref<8x4096xf32, #tpu.memory_space<vmem>>, vector<16xf32>,
      tpu.vector_store %arg13[%swap3A_1449, %swap3A_1450], %select_n3A_1447 {strides = array<i32>} : memref<8x4096xf32, #tpu.memory_space<vmem>>, vector<16xf32>,
      %add3A_1452 = arith.addf %add3A_1276, %select_n3A_1447 : vector<16xf32>
      %mul3A_1453 = vector.broadcast %reduce_sum3A_685 : f32 to vector<16xf32>
      %mul3A_1454 = arith.mulf %gather3A_1154, %mul3A_1453 : vector<16xf32>
      %mul3A_1455 = vector.broadcast %reduce_sum3A_696 : f32 to vector<16xf32>
      %mul3A_1456 = arith.mulf %gather3A_1158, %mul3A_1455 : vector<16xf32>
      %add3A_1457 = arith.addf %mul3A_1454, %mul3A_1456 : vector<16xf32>
      %mul3A_1458 = vector.broadcast %reduce_sum3A_707 : f32 to vector<16xf32>
      %mul3A_1459 = arith.mulf %gather3A_1162, %mul3A_1458 : vector<16xf32>
      %add3A_1460 = arith.addf %add3A_1457, %mul3A_1459 : vector<16xf32>
      %add3A_1461 = vector.broadcast %reduce_sum3A_718 : f32 to vector<16xf32>
      %add3A_1462 = arith.addf %add3A_1460, %add3A_1461 : vector<16xf32>
      %max3A_1463 = arith.constant 0.000000e+00 : f32
      %max3A_1464 = vector.broadcast %max3A_1463 : f32 to vector<16xf32>
      %max3A_1465 = arith.maximumf %add3A_1462, %max3A_1464 : vector<16xf32>
      %jit3A_1466 = arith.constant 0.000000e+00 : f32
      %broadcast_in_dim3A_1467 = vector.broadcast %jit3A_1466 : f32 to vector<16xf32>
      %select_n3A_1468 = arith.select %lt3A_1410, %max3A_1465, %broadcast_in_dim3A_1467 : vector<16xi1>, vector<16xf32>
      %swap3A_1469 = arith.constant 2 : i32
      %swap3A_1470 = arith.index_cast %swap3A_1469 : i32 to index
      %swap3A_1471 = arith.index_cast %mul3A_1406 : i32 to index
      %swap3A_1472 = tpu.vector_load %arg13[%swap3A_1470, %swap3A_1471] {strides = array<i32>} : memref<8x4096xf32, #tpu.memory_space<vmem>>, vector<16xf32>,
      tpu.vector_store %arg13[%swap3A_1470, %swap3A_1471], %select_n3A_1468 {strides = array<i32>} : memref<8x4096xf32, #tpu.memory_space<vmem>>, vector<16xf32>,
      %add3A_1473 = arith.addf %add3A_1297, %select_n3A_1468 : vector<16xf32>
      %mul3A_1474 = vector.broadcast %reduce_sum3A_729 : f32 to vector<16xf32>
      %mul3A_1475 = arith.mulf %gather3A_1154, %mul3A_1474 : vector<16xf32>
      %mul3A_1476 = vector.broadcast %reduce_sum3A_740 : f32 to vector<16xf32>
      %mul3A_1477 = arith.mulf %gather3A_1158, %mul3A_1476 : vector<16xf32>
      %add3A_1478 = arith.addf %mul3A_1475, %mul3A_1477 : vector<16xf32>
      %mul3A_1479 = vector.broadcast %reduce_sum3A_751 : f32 to vector<16xf32>
      %mul3A_1480 = arith.mulf %gather3A_1162, %mul3A_1479 : vector<16xf32>
      %add3A_1481 = arith.addf %add3A_1478, %mul3A_1480 : vector<16xf32>
      %add3A_1482 = vector.broadcast %reduce_sum3A_762 : f32 to vector<16xf32>
      %add3A_1483 = arith.addf %add3A_1481, %add3A_1482 : vector<16xf32>
      %max3A_1484 = arith.constant 0.000000e+00 : f32
      %max3A_1485 = vector.broadcast %max3A_1484 : f32 to vector<16xf32>
      %max3A_1486 = arith.maximumf %add3A_1483, %max3A_1485 : vector<16xf32>
      %jit3A_1487 = arith.constant 0.000000e+00 : f32
      %broadcast_in_dim3A_1488 = vector.broadcast %jit3A_1487 : f32 to vector<16xf32>
      %select_n3A_1489 = arith.select %lt3A_1410, %max3A_1486, %broadcast_in_dim3A_1488 : vector<16xi1>, vector<16xf32>
      %swap3A_1490 = arith.constant 3 : i32
      %swap3A_1491 = arith.index_cast %swap3A_1490 : i32 to index
      %swap3A_1492 = arith.index_cast %mul3A_1406 : i32 to index
      %swap3A_1493 = tpu.vector_load %arg13[%swap3A_1491, %swap3A_1492] {strides = array<i32>} : memref<8x4096xf32, #tpu.memory_space<vmem>>, vector<16xf32>,
      tpu.vector_store %arg13[%swap3A_1491, %swap3A_1492], %select_n3A_1489 {strides = array<i32>} : memref<8x4096xf32, #tpu.memory_space<vmem>>, vector<16xf32>,
      %add3A_1494 = arith.addf %add3A_1318, %select_n3A_1489 : vector<16xf32>
      %mul3A_1495 = vector.broadcast %reduce_sum3A_773 : f32 to vector<16xf32>
      %mul3A_1496 = arith.mulf %gather3A_1154, %mul3A_1495 : vector<16xf32>
      %mul3A_1497 = vector.broadcast %reduce_sum3A_784 : f32 to vector<16xf32>
      %mul3A_1498 = arith.mulf %gather3A_1158, %mul3A_1497 : vector<16xf32>
      %add3A_1499 = arith.addf %mul3A_1496, %mul3A_1498 : vector<16xf32>
      %mul3A_1500 = vector.broadcast %reduce_sum3A_795 : f32 to vector<16xf32>
      %mul3A_1501 = arith.mulf %gather3A_1162, %mul3A_1500 : vector<16xf32>
      %add3A_1502 = arith.addf %add3A_1499, %mul3A_1501 : vector<16xf32>
      %add3A_1503 = vector.broadcast %reduce_sum3A_806 : f32 to vector<16xf32>
      %add3A_1504 = arith.addf %add3A_1502, %add3A_1503 : vector<16xf32>
      %max3A_1505 = arith.constant 0.000000e+00 : f32
      %max3A_1506 = vector.broadcast %max3A_1505 : f32 to vector<16xf32>
      %max3A_1507 = arith.maximumf %add3A_1504, %max3A_1506 : vector<16xf32>
      %jit3A_1508 = arith.constant 0.000000e+00 : f32
      %broadcast_in_dim3A_1509 = vector.broadcast %jit3A_1508 : f32 to vector<16xf32>
      %select_n3A_1510 = arith.select %lt3A_1410, %max3A_1507, %broadcast_in_dim3A_1509 : vector<16xi1>, vector<16xf32>
      %swap3A_1511 = arith.constant 4 : i32
      %swap3A_1512 = arith.index_cast %swap3A_1511 : i32 to index
      %swap3A_1513 = arith.index_cast %mul3A_1406 : i32 to index
      %swap3A_1514 = tpu.vector_load %arg13[%swap3A_1512, %swap3A_1513] {strides = array<i32>} : memref<8x4096xf32, #tpu.memory_space<vmem>>, vector<16xf32>,
      tpu.vector_store %arg13[%swap3A_1512, %swap3A_1513], %select_n3A_1510 {strides = array<i32>} : memref<8x4096xf32, #tpu.memory_space<vmem>>, vector<16xf32>,
      %add3A_1515 = arith.addf %add3A_1339, %select_n3A_1510 : vector<16xf32>
      %mul3A_1516 = vector.broadcast %reduce_sum3A_817 : f32 to vector<16xf32>
      %mul3A_1517 = arith.mulf %gather3A_1154, %mul3A_1516 : vector<16xf32>
      %mul3A_1518 = vector.broadcast %reduce_sum3A_828 : f32 to vector<16xf32>
      %mul3A_1519 = arith.mulf %gather3A_1158, %mul3A_1518 : vector<16xf32>
      %add3A_1520 = arith.addf %mul3A_1517, %mul3A_1519 : vector<16xf32>
      %mul3A_1521 = vector.broadcast %reduce_sum3A_839 : f32 to vector<16xf32>
      %mul3A_1522 = arith.mulf %gather3A_1162, %mul3A_1521 : vector<16xf32>
      %add3A_1523 = arith.addf %add3A_1520, %mul3A_1522 : vector<16xf32>
      %add3A_1524 = vector.broadcast %reduce_sum3A_850 : f32 to vector<16xf32>
      %add3A_1525 = arith.addf %add3A_1523, %add3A_1524 : vector<16xf32>
      %max3A_1526 = arith.constant 0.000000e+00 : f32
      %max3A_1527 = vector.broadcast %max3A_1526 : f32 to vector<16xf32>
      %max3A_1528 = arith.maximumf %add3A_1525, %max3A_1527 : vector<16xf32>
      %jit3A_1529 = arith.constant 0.000000e+00 : f32
      %broadcast_in_dim3A_1530 = vector.broadcast %jit3A_1529 : f32 to vector<16xf32>
      %select_n3A_1531 = arith.select %lt3A_1410, %max3A_1528, %broadcast_in_dim3A_1530 : vector<16xi1>, vector<16xf32>
      %swap3A_1532 = arith.constant 5 : i32
      %swap3A_1533 = arith.index_cast %swap3A_1532 : i32 to index
      %swap3A_1534 = arith.index_cast %mul3A_1406 : i32 to index
      %swap3A_1535 = tpu.vector_load %arg13[%swap3A_1533, %swap3A_1534] {strides = array<i32>} : memref<8x4096xf32, #tpu.memory_space<vmem>>, vector<16xf32>,
      tpu.vector_store %arg13[%swap3A_1533, %swap3A_1534], %select_n3A_1531 {strides = array<i32>} : memref<8x4096xf32, #tpu.memory_space<vmem>>, vector<16xf32>,
      %add3A_1536 = arith.addf %add3A_1360, %select_n3A_1531 : vector<16xf32>
      %mul3A_1537 = vector.broadcast %reduce_sum3A_861 : f32 to vector<16xf32>
      %mul3A_1538 = arith.mulf %gather3A_1154, %mul3A_1537 : vector<16xf32>
      %mul3A_1539 = vector.broadcast %reduce_sum3A_872 : f32 to vector<16xf32>
      %mul3A_1540 = arith.mulf %gather3A_1158, %mul3A_1539 : vector<16xf32>
      %add3A_1541 = arith.addf %mul3A_1538, %mul3A_1540 : vector<16xf32>
      %mul3A_1542 = vector.broadcast %reduce_sum3A_883 : f32 to vector<16xf32>
      %mul3A_1543 = arith.mulf %gather3A_1162, %mul3A_1542 : vector<16xf32>
      %add3A_1544 = arith.addf %add3A_1541, %mul3A_1543 : vector<16xf32>
      %add3A_1545 = vector.broadcast %reduce_sum3A_894 : f32 to vector<16xf32>
      %add3A_1546 = arith.addf %add3A_1544, %add3A_1545 : vector<16xf32>
      %max3A_1547 = arith.constant 0.000000e+00 : f32
      %max3A_1548 = vector.broadcast %max3A_1547 : f32 to vector<16xf32>
      %max3A_1549 = arith.maximumf %add3A_1546, %max3A_1548 : vector<16xf32>
      %jit3A_1550 = arith.constant 0.000000e+00 : f32
      %broadcast_in_dim3A_1551 = vector.broadcast %jit3A_1550 : f32 to vector<16xf32>
      %select_n3A_1552 = arith.select %lt3A_1410, %max3A_1549, %broadcast_in_dim3A_1551 : vector<16xi1>, vector<16xf32>
      %swap3A_1553 = arith.constant 6 : i32
      %swap3A_1554 = arith.index_cast %swap3A_1553 : i32 to index
      %swap3A_1555 = arith.index_cast %mul3A_1406 : i32 to index
      %swap3A_1556 = tpu.vector_load %arg13[%swap3A_1554, %swap3A_1555] {strides = array<i32>} : memref<8x4096xf32, #tpu.memory_space<vmem>>, vector<16xf32>,
      tpu.vector_store %arg13[%swap3A_1554, %swap3A_1555], %select_n3A_1552 {strides = array<i32>} : memref<8x4096xf32, #tpu.memory_space<vmem>>, vector<16xf32>,
      %add3A_1557 = arith.addf %add3A_1381, %select_n3A_1552 : vector<16xf32>
      %mul3A_1558 = vector.broadcast %reduce_sum3A_905 : f32 to vector<16xf32>
      %mul3A_1559 = arith.mulf %gather3A_1154, %mul3A_1558 : vector<16xf32>
      %mul3A_1560 = vector.broadcast %reduce_sum3A_916 : f32 to vector<16xf32>
      %mul3A_1561 = arith.mulf %gather3A_1158, %mul3A_1560 : vector<16xf32>
      %add3A_1562 = arith.addf %mul3A_1559, %mul3A_1561 : vector<16xf32>
      %mul3A_1563 = vector.broadcast %reduce_sum3A_927 : f32 to vector<16xf32>
      %mul3A_1564 = arith.mulf %gather3A_1162, %mul3A_1563 : vector<16xf32>
      %add3A_1565 = arith.addf %add3A_1562, %mul3A_1564 : vector<16xf32>
      %add3A_1566 = vector.broadcast %reduce_sum3A_938 : f32 to vector<16xf32>
      %add3A_1567 = arith.addf %add3A_1565, %add3A_1566 : vector<16xf32>
      %max3A_1568 = arith.constant 0.000000e+00 : f32
      %max3A_1569 = vector.broadcast %max3A_1568 : f32 to vector<16xf32>
      %max3A_1570 = arith.maximumf %add3A_1567, %max3A_1569 : vector<16xf32>
      %jit3A_1571 = arith.constant 0.000000e+00 : f32
      %broadcast_in_dim3A_1572 = vector.broadcast %jit3A_1571 : f32 to vector<16xf32>
      %select_n3A_1573 = arith.select %lt3A_1410, %max3A_1570, %broadcast_in_dim3A_1572 : vector<16xi1>, vector<16xf32>
      %swap3A_1574 = arith.constant 7 : i32
      %swap3A_1575 = arith.index_cast %swap3A_1574 : i32 to index
      %swap3A_1576 = arith.index_cast %mul3A_1406 : i32 to index
      %swap3A_1577 = tpu.vector_load %arg13[%swap3A_1575, %swap3A_1576] {strides = array<i32>} : memref<8x4096xf32, #tpu.memory_space<vmem>>, vector<16xf32>,
      tpu.vector_store %arg13[%swap3A_1575, %swap3A_1576], %select_n3A_1573 {strides = array<i32>} : memref<8x4096xf32, #tpu.memory_space<vmem>>, vector<16xf32>,
      %add3A_1578 = arith.addf %add3A_1402, %select_n3A_1573 : vector<16xf32>
      %add3A_1579 = arith.constant 2 : i32
      %add3A_1580 = arith.addi %mul3A_1140, %add3A_1579 : i32
      %mul3A_1581 = arith.constant 16 : i32
      %mul3A_1582 = arith.muli %add3A_1580, %mul3A_1581 : i32
      %add3A_1583 = vector.broadcast %mul3A_1582 : i32 to vector<16xi32>
      %add3A_1584 = arith.addi %add3A_1583, %iota3A : vector<16xi32>
      %lt3A_1585 = vector.broadcast %min3A_564 : i32 to vector<16xi32>
      %lt3A_1586 = arith.cmpi slt, %add3A_1584, %lt3A_1585 : vector<16xi32>
      %mul3A_1587 = vector.broadcast %reduce_sum3A_597 : f32 to vector<16xf32>
      %mul3A_1588 = arith.mulf %gather3A_1176, %mul3A_1587 : vector<16xf32>
      %mul3A_1589 = vector.broadcast %reduce_sum3A_608 : f32 to vector<16xf32>
      %mul3A_1590 = arith.mulf %gather3A_1180, %mul3A_1589 : vector<16xf32>
      %add3A_1591 = arith.addf %mul3A_1588, %mul3A_1590 : vector<16xf32>
      %mul3A_1592 = vector.broadcast %reduce_sum3A_619 : f32 to vector<16xf32>
      %mul3A_1593 = arith.mulf %gather3A_1184, %mul3A_1592 : vector<16xf32>
      %add3A_1594 = arith.addf %add3A_1591, %mul3A_1593 : vector<16xf32>
      %add3A_1595 = vector.broadcast %reduce_sum3A_630 : f32 to vector<16xf32>
      %add3A_1596 = arith.addf %add3A_1594, %add3A_1595 : vector<16xf32>
      %max3A_1597 = arith.constant 0.000000e+00 : f32
      %max3A_1598 = vector.broadcast %max3A_1597 : f32 to vector<16xf32>
      %max3A_1599 = arith.maximumf %add3A_1596, %max3A_1598 : vector<16xf32>
      %jit3A_1600 = arith.constant 0.000000e+00 : f32
      %broadcast_in_dim3A_1601 = vector.broadcast %jit3A_1600 : f32 to vector<16xf32>
      %select_n3A_1602 = arith.select %lt3A_1586, %max3A_1599, %broadcast_in_dim3A_1601 : vector<16xi1>, vector<16xf32>
      %swap3A_1603 = arith.constant 0 : i32
      %swap3A_1604 = arith.index_cast %swap3A_1603 : i32 to index
      %swap3A_1605 = arith.index_cast %mul3A_1582 : i32 to index
      %swap3A_1606 = tpu.vector_load %arg13[%swap3A_1604, %swap3A_1605] {strides = array<i32>} : memref<8x4096xf32, #tpu.memory_space<vmem>>, vector<16xf32>,
      tpu.vector_store %arg13[%swap3A_1604, %swap3A_1605], %select_n3A_1602 {strides = array<i32>} : memref<8x4096xf32, #tpu.memory_space<vmem>>, vector<16xf32>,
      %add3A_1607 = arith.addf %add3A_1431, %select_n3A_1602 : vector<16xf32>
      %mul3A_1608 = vector.broadcast %reduce_sum3A_641 : f32 to vector<16xf32>
      %mul3A_1609 = arith.mulf %gather3A_1176, %mul3A_1608 : vector<16xf32>
      %mul3A_1610 = vector.broadcast %reduce_sum3A_652 : f32 to vector<16xf32>
      %mul3A_1611 = arith.mulf %gather3A_1180, %mul3A_1610 : vector<16xf32>
      %add3A_1612 = arith.addf %mul3A_1609, %mul3A_1611 : vector<16xf32>
      %mul3A_1613 = vector.broadcast %reduce_sum3A_663 : f32 to vector<16xf32>
      %mul3A_1614 = arith.mulf %gather3A_1184, %mul3A_1613 : vector<16xf32>
      %add3A_1615 = arith.addf %add3A_1612, %mul3A_1614 : vector<16xf32>
      %add3A_1616 = vector.broadcast %reduce_sum3A_674 : f32 to vector<16xf32>
      %add3A_1617 = arith.addf %add3A_1615, %add3A_1616 : vector<16xf32>
      %max3A_1618 = arith.constant 0.000000e+00 : f32
      %max3A_1619 = vector.broadcast %max3A_1618 : f32 to vector<16xf32>
      %max3A_1620 = arith.maximumf %add3A_1617, %max3A_1619 : vector<16xf32>
      %jit3A_1621 = arith.constant 0.000000e+00 : f32
      %broadcast_in_dim3A_1622 = vector.broadcast %jit3A_1621 : f32 to vector<16xf32>
      %select_n3A_1623 = arith.select %lt3A_1586, %max3A_1620, %broadcast_in_dim3A_1622 : vector<16xi1>, vector<16xf32>
      %swap3A_1624 = arith.constant 1 : i32
      %swap3A_1625 = arith.index_cast %swap3A_1624 : i32 to index
      %swap3A_1626 = arith.index_cast %mul3A_1582 : i32 to index
      %swap3A_1627 = tpu.vector_load %arg13[%swap3A_1625, %swap3A_1626] {strides = array<i32>} : memref<8x4096xf32, #tpu.memory_space<vmem>>, vector<16xf32>,
      tpu.vector_store %arg13[%swap3A_1625, %swap3A_1626], %select_n3A_1623 {strides = array<i32>} : memref<8x4096xf32, #tpu.memory_space<vmem>>, vector<16xf32>,
      %add3A_1628 = arith.addf %add3A_1452, %select_n3A_1623 : vector<16xf32>
      %mul3A_1629 = vector.broadcast %reduce_sum3A_685 : f32 to vector<16xf32>
      %mul3A_1630 = arith.mulf %gather3A_1176, %mul3A_1629 : vector<16xf32>
      %mul3A_1631 = vector.broadcast %reduce_sum3A_696 : f32 to vector<16xf32>
      %mul3A_1632 = arith.mulf %gather3A_1180, %mul3A_1631 : vector<16xf32>
      %add3A_1633 = arith.addf %mul3A_1630, %mul3A_1632 : vector<16xf32>
      %mul3A_1634 = vector.broadcast %reduce_sum3A_707 : f32 to vector<16xf32>
      %mul3A_1635 = arith.mulf %gather3A_1184, %mul3A_1634 : vector<16xf32>
      %add3A_1636 = arith.addf %add3A_1633, %mul3A_1635 : vector<16xf32>
      %add3A_1637 = vector.broadcast %reduce_sum3A_718 : f32 to vector<16xf32>
      %add3A_1638 = arith.addf %add3A_1636, %add3A_1637 : vector<16xf32>
      %max3A_1639 = arith.constant 0.000000e+00 : f32
      %max3A_1640 = vector.broadcast %max3A_1639 : f32 to vector<16xf32>
      %max3A_1641 = arith.maximumf %add3A_1638, %max3A_1640 : vector<16xf32>
      %jit3A_1642 = arith.constant 0.000000e+00 : f32
      %broadcast_in_dim3A_1643 = vector.broadcast %jit3A_1642 : f32 to vector<16xf32>
      %select_n3A_1644 = arith.select %lt3A_1586, %max3A_1641, %broadcast_in_dim3A_1643 : vector<16xi1>, vector<16xf32>
      %swap3A_1645 = arith.constant 2 : i32
      %swap3A_1646 = arith.index_cast %swap3A_1645 : i32 to index
      %swap3A_1647 = arith.index_cast %mul3A_1582 : i32 to index
      %swap3A_1648 = tpu.vector_load %arg13[%swap3A_1646, %swap3A_1647] {strides = array<i32>} : memref<8x4096xf32, #tpu.memory_space<vmem>>, vector<16xf32>,
      tpu.vector_store %arg13[%swap3A_1646, %swap3A_1647], %select_n3A_1644 {strides = array<i32>} : memref<8x4096xf32, #tpu.memory_space<vmem>>, vector<16xf32>,
      %add3A_1649 = arith.addf %add3A_1473, %select_n3A_1644 : vector<16xf32>
      %mul3A_1650 = vector.broadcast %reduce_sum3A_729 : f32 to vector<16xf32>
      %mul3A_1651 = arith.mulf %gather3A_1176, %mul3A_1650 : vector<16xf32>
      %mul3A_1652 = vector.broadcast %reduce_sum3A_740 : f32 to vector<16xf32>
      %mul3A_1653 = arith.mulf %gather3A_1180, %mul3A_1652 : vector<16xf32>
      %add3A_1654 = arith.addf %mul3A_1651, %mul3A_1653 : vector<16xf32>
      %mul3A_1655 = vector.broadcast %reduce_sum3A_751 : f32 to vector<16xf32>
      %mul3A_1656 = arith.mulf %gather3A_1184, %mul3A_1655 : vector<16xf32>
      %add3A_1657 = arith.addf %add3A_1654, %mul3A_1656 : vector<16xf32>
      %add3A_1658 = vector.broadcast %reduce_sum3A_762 : f32 to vector<16xf32>
      %add3A_1659 = arith.addf %add3A_1657, %add3A_1658 : vector<16xf32>
      %max3A_1660 = arith.constant 0.000000e+00 : f32
      %max3A_1661 = vector.broadcast %max3A_1660 : f32 to vector<16xf32>
      %max3A_1662 = arith.maximumf %add3A_1659, %max3A_1661 : vector<16xf32>
      %jit3A_1663 = arith.constant 0.000000e+00 : f32
      %broadcast_in_dim3A_1664 = vector.broadcast %jit3A_1663 : f32 to vector<16xf32>
      %select_n3A_1665 = arith.select %lt3A_1586, %max3A_1662, %broadcast_in_dim3A_1664 : vector<16xi1>, vector<16xf32>
      %swap3A_1666 = arith.constant 3 : i32
      %swap3A_1667 = arith.index_cast %swap3A_1666 : i32 to index
      %swap3A_1668 = arith.index_cast %mul3A_1582 : i32 to index
      %swap3A_1669 = tpu.vector_load %arg13[%swap3A_1667, %swap3A_1668] {strides = array<i32>} : memref<8x4096xf32, #tpu.memory_space<vmem>>, vector<16xf32>,
      tpu.vector_store %arg13[%swap3A_1667, %swap3A_1668], %select_n3A_1665 {strides = array<i32>} : memref<8x4096xf32, #tpu.memory_space<vmem>>, vector<16xf32>,
      %add3A_1670 = arith.addf %add3A_1494, %select_n3A_1665 : vector<16xf32>
      %mul3A_1671 = vector.broadcast %reduce_sum3A_773 : f32 to vector<16xf32>
      %mul3A_1672 = arith.mulf %gather3A_1176, %mul3A_1671 : vector<16xf32>
      %mul3A_1673 = vector.broadcast %reduce_sum3A_784 : f32 to vector<16xf32>
      %mul3A_1674 = arith.mulf %gather3A_1180, %mul3A_1673 : vector<16xf32>
      %add3A_1675 = arith.addf %mul3A_1672, %mul3A_1674 : vector<16xf32>
      %mul3A_1676 = vector.broadcast %reduce_sum3A_795 : f32 to vector<16xf32>
      %mul3A_1677 = arith.mulf %gather3A_1184, %mul3A_1676 : vector<16xf32>
      %add3A_1678 = arith.addf %add3A_1675, %mul3A_1677 : vector<16xf32>
      %add3A_1679 = vector.broadcast %reduce_sum3A_806 : f32 to vector<16xf32>
      %add3A_1680 = arith.addf %add3A_1678, %add3A_1679 : vector<16xf32>
      %max3A_1681 = arith.constant 0.000000e+00 : f32
      %max3A_1682 = vector.broadcast %max3A_1681 : f32 to vector<16xf32>
      %max3A_1683 = arith.maximumf %add3A_1680, %max3A_1682 : vector<16xf32>
      %jit3A_1684 = arith.constant 0.000000e+00 : f32
      %broadcast_in_dim3A_1685 = vector.broadcast %jit3A_1684 : f32 to vector<16xf32>
      %select_n3A_1686 = arith.select %lt3A_1586, %max3A_1683, %broadcast_in_dim3A_1685 : vector<16xi1>, vector<16xf32>
      %swap3A_1687 = arith.constant 4 : i32
      %swap3A_1688 = arith.index_cast %swap3A_1687 : i32 to index
      %swap3A_1689 = arith.index_cast %mul3A_1582 : i32 to index
      %swap3A_1690 = tpu.vector_load %arg13[%swap3A_1688, %swap3A_1689] {strides = array<i32>} : memref<8x4096xf32, #tpu.memory_space<vmem>>, vector<16xf32>,
      tpu.vector_store %arg13[%swap3A_1688, %swap3A_1689], %select_n3A_1686 {strides = array<i32>} : memref<8x4096xf32, #tpu.memory_space<vmem>>, vector<16xf32>,
      %add3A_1691 = arith.addf %add3A_1515, %select_n3A_1686 : vector<16xf32>
      %mul3A_1692 = vector.broadcast %reduce_sum3A_817 : f32 to vector<16xf32>
      %mul3A_1693 = arith.mulf %gather3A_1176, %mul3A_1692 : vector<16xf32>
      %mul3A_1694 = vector.broadcast %reduce_sum3A_828 : f32 to vector<16xf32>
      %mul3A_1695 = arith.mulf %gather3A_1180, %mul3A_1694 : vector<16xf32>
      %add3A_1696 = arith.addf %mul3A_1693, %mul3A_1695 : vector<16xf32>
      %mul3A_1697 = vector.broadcast %reduce_sum3A_839 : f32 to vector<16xf32>
      %mul3A_1698 = arith.mulf %gather3A_1184, %mul3A_1697 : vector<16xf32>
      %add3A_1699 = arith.addf %add3A_1696, %mul3A_1698 : vector<16xf32>
      %add3A_1700 = vector.broadcast %reduce_sum3A_850 : f32 to vector<16xf32>
      %add3A_1701 = arith.addf %add3A_1699, %add3A_1700 : vector<16xf32>
      %max3A_1702 = arith.constant 0.000000e+00 : f32
      %max3A_1703 = vector.broadcast %max3A_1702 : f32 to vector<16xf32>
      %max3A_1704 = arith.maximumf %add3A_1701, %max3A_1703 : vector<16xf32>
      %jit3A_1705 = arith.constant 0.000000e+00 : f32
      %broadcast_in_dim3A_1706 = vector.broadcast %jit3A_1705 : f32 to vector<16xf32>
      %select_n3A_1707 = arith.select %lt3A_1586, %max3A_1704, %broadcast_in_dim3A_1706 : vector<16xi1>, vector<16xf32>
      %swap3A_1708 = arith.constant 5 : i32
      %swap3A_1709 = arith.index_cast %swap3A_1708 : i32 to index
      %swap3A_1710 = arith.index_cast %mul3A_1582 : i32 to index
      %swap3A_1711 = tpu.vector_load %arg13[%swap3A_1709, %swap3A_1710] {strides = array<i32>} : memref<8x4096xf32, #tpu.memory_space<vmem>>, vector<16xf32>,
      tpu.vector_store %arg13[%swap3A_1709, %swap3A_1710], %select_n3A_1707 {strides = array<i32>} : memref<8x4096xf32, #tpu.memory_space<vmem>>, vector<16xf32>,
      %add3A_1712 = arith.addf %add3A_1536, %select_n3A_1707 : vector<16xf32>
      %mul3A_1713 = vector.broadcast %reduce_sum3A_861 : f32 to vector<16xf32>
      %mul3A_1714 = arith.mulf %gather3A_1176, %mul3A_1713 : vector<16xf32>
      %mul3A_1715 = vector.broadcast %reduce_sum3A_872 : f32 to vector<16xf32>
      %mul3A_1716 = arith.mulf %gather3A_1180, %mul3A_1715 : vector<16xf32>
      %add3A_1717 = arith.addf %mul3A_1714, %mul3A_1716 : vector<16xf32>
      %mul3A_1718 = vector.broadcast %reduce_sum3A_883 : f32 to vector<16xf32>
      %mul3A_1719 = arith.mulf %gather3A_1184, %mul3A_1718 : vector<16xf32>
      %add3A_1720 = arith.addf %add3A_1717, %mul3A_1719 : vector<16xf32>
      %add3A_1721 = vector.broadcast %reduce_sum3A_894 : f32 to vector<16xf32>
      %add3A_1722 = arith.addf %add3A_1720, %add3A_1721 : vector<16xf32>
      %max3A_1723 = arith.constant 0.000000e+00 : f32
      %max3A_1724 = vector.broadcast %max3A_1723 : f32 to vector<16xf32>
      %max3A_1725 = arith.maximumf %add3A_1722, %max3A_1724 : vector<16xf32>
      %jit3A_1726 = arith.constant 0.000000e+00 : f32
      %broadcast_in_dim3A_1727 = vector.broadcast %jit3A_1726 : f32 to vector<16xf32>
      %select_n3A_1728 = arith.select %lt3A_1586, %max3A_1725, %broadcast_in_dim3A_1727 : vector<16xi1>, vector<16xf32>
      %swap3A_1729 = arith.constant 6 : i32
      %swap3A_1730 = arith.index_cast %swap3A_1729 : i32 to index
      %swap3A_1731 = arith.index_cast %mul3A_1582 : i32 to index
      %swap3A_1732 = tpu.vector_load %arg13[%swap3A_1730, %swap3A_1731] {strides = array<i32>} : memref<8x4096xf32, #tpu.memory_space<vmem>>, vector<16xf32>,
      tpu.vector_store %arg13[%swap3A_1730, %swap3A_1731], %select_n3A_1728 {strides = array<i32>} : memref<8x4096xf32, #tpu.memory_space<vmem>>, vector<16xf32>,
      %add3A_1733 = arith.addf %add3A_1557, %select_n3A_1728 : vector<16xf32>
      %mul3A_1734 = vector.broadcast %reduce_sum3A_905 : f32 to vector<16xf32>
      %mul3A_1735 = arith.mulf %gather3A_1176, %mul3A_1734 : vector<16xf32>
      %mul3A_1736 = vector.broadcast %reduce_sum3A_916 : f32 to vector<16xf32>
      %mul3A_1737 = arith.mulf %gather3A_1180, %mul3A_1736 : vector<16xf32>
      %add3A_1738 = arith.addf %mul3A_1735, %mul3A_1737 : vector<16xf32>
      %mul3A_1739 = vector.broadcast %reduce_sum3A_927 : f32 to vector<16xf32>
      %mul3A_1740 = arith.mulf %gather3A_1184, %mul3A_1739 : vector<16xf32>
      %add3A_1741 = arith.addf %add3A_1738, %mul3A_1740 : vector<16xf32>
      %add3A_1742 = vector.broadcast %reduce_sum3A_938 : f32 to vector<16xf32>
      %add3A_1743 = arith.addf %add3A_1741, %add3A_1742 : vector<16xf32>
      %max3A_1744 = arith.constant 0.000000e+00 : f32
      %max3A_1745 = vector.broadcast %max3A_1744 : f32 to vector<16xf32>
      %max3A_1746 = arith.maximumf %add3A_1743, %max3A_1745 : vector<16xf32>
      %jit3A_1747 = arith.constant 0.000000e+00 : f32
      %broadcast_in_dim3A_1748 = vector.broadcast %jit3A_1747 : f32 to vector<16xf32>
      %select_n3A_1749 = arith.select %lt3A_1586, %max3A_1746, %broadcast_in_dim3A_1748 : vector<16xi1>, vector<16xf32>
      %swap3A_1750 = arith.constant 7 : i32
      %swap3A_1751 = arith.index_cast %swap3A_1750 : i32 to index
      %swap3A_1752 = arith.index_cast %mul3A_1582 : i32 to index
      %swap3A_1753 = tpu.vector_load %arg13[%swap3A_1751, %swap3A_1752] {strides = array<i32>} : memref<8x4096xf32, #tpu.memory_space<vmem>>, vector<16xf32>,
      tpu.vector_store %arg13[%swap3A_1751, %swap3A_1752], %select_n3A_1749 {strides = array<i32>} : memref<8x4096xf32, #tpu.memory_space<vmem>>, vector<16xf32>,
      %add3A_1754 = arith.addf %add3A_1578, %select_n3A_1749 : vector<16xf32>
      %add3A_1755 = arith.constant 3 : i32
      %add3A_1756 = arith.addi %mul3A_1140, %add3A_1755 : i32
      %mul3A_1757 = arith.constant 16 : i32
      %mul3A_1758 = arith.muli %add3A_1756, %mul3A_1757 : i32
      %add3A_1759 = vector.broadcast %mul3A_1758 : i32 to vector<16xi32>
      %add3A_1760 = arith.addi %add3A_1759, %iota3A : vector<16xi32>
      %lt3A_1761 = vector.broadcast %min3A_564 : i32 to vector<16xi32>
      %lt3A_1762 = arith.cmpi slt, %add3A_1760, %lt3A_1761 : vector<16xi32>
      %mul3A_1763 = vector.broadcast %reduce_sum3A_597 : f32 to vector<16xf32>
      %mul3A_1764 = arith.mulf %gather3A_1198, %mul3A_1763 : vector<16xf32>
      %mul3A_1765 = vector.broadcast %reduce_sum3A_608 : f32 to vector<16xf32>
      %mul3A_1766 = arith.mulf %gather3A_1202, %mul3A_1765 : vector<16xf32>
      %add3A_1767 = arith.addf %mul3A_1764, %mul3A_1766 : vector<16xf32>
      %mul3A_1768 = vector.broadcast %reduce_sum3A_619 : f32 to vector<16xf32>
      %mul3A_1769 = arith.mulf %gather3A_1206, %mul3A_1768 : vector<16xf32>
      %add3A_1770 = arith.addf %add3A_1767, %mul3A_1769 : vector<16xf32>
      %add3A_1771 = vector.broadcast %reduce_sum3A_630 : f32 to vector<16xf32>
      %add3A_1772 = arith.addf %add3A_1770, %add3A_1771 : vector<16xf32>
      %max3A_1773 = arith.constant 0.000000e+00 : f32
      %max3A_1774 = vector.broadcast %max3A_1773 : f32 to vector<16xf32>
      %max3A_1775 = arith.maximumf %add3A_1772, %max3A_1774 : vector<16xf32>
      %jit3A_1776 = arith.constant 0.000000e+00 : f32
      %broadcast_in_dim3A_1777 = vector.broadcast %jit3A_1776 : f32 to vector<16xf32>
      %select_n3A_1778 = arith.select %lt3A_1762, %max3A_1775, %broadcast_in_dim3A_1777 : vector<16xi1>, vector<16xf32>
      %swap3A_1779 = arith.constant 0 : i32
      %swap3A_1780 = arith.index_cast %swap3A_1779 : i32 to index
      %swap3A_1781 = arith.index_cast %mul3A_1758 : i32 to index
      %swap3A_1782 = tpu.vector_load %arg13[%swap3A_1780, %swap3A_1781] {strides = array<i32>} : memref<8x4096xf32, #tpu.memory_space<vmem>>, vector<16xf32>,
      tpu.vector_store %arg13[%swap3A_1780, %swap3A_1781], %select_n3A_1778 {strides = array<i32>} : memref<8x4096xf32, #tpu.memory_space<vmem>>, vector<16xf32>,
      %add3A_1783 = arith.addf %add3A_1607, %select_n3A_1778 : vector<16xf32>
      %mul3A_1784 = vector.broadcast %reduce_sum3A_641 : f32 to vector<16xf32>
      %mul3A_1785 = arith.mulf %gather3A_1198, %mul3A_1784 : vector<16xf32>
      %mul3A_1786 = vector.broadcast %reduce_sum3A_652 : f32 to vector<16xf32>
      %mul3A_1787 = arith.mulf %gather3A_1202, %mul3A_1786 : vector<16xf32>
      %add3A_1788 = arith.addf %mul3A_1785, %mul3A_1787 : vector<16xf32>
      %mul3A_1789 = vector.broadcast %reduce_sum3A_663 : f32 to vector<16xf32>
      %mul3A_1790 = arith.mulf %gather3A_1206, %mul3A_1789 : vector<16xf32>
      %add3A_1791 = arith.addf %add3A_1788, %mul3A_1790 : vector<16xf32>
      %add3A_1792 = vector.broadcast %reduce_sum3A_674 : f32 to vector<16xf32>
      %add3A_1793 = arith.addf %add3A_1791, %add3A_1792 : vector<16xf32>
      %max3A_1794 = arith.constant 0.000000e+00 : f32
      %max3A_1795 = vector.broadcast %max3A_1794 : f32 to vector<16xf32>
      %max3A_1796 = arith.maximumf %add3A_1793, %max3A_1795 : vector<16xf32>
      %jit3A_1797 = arith.constant 0.000000e+00 : f32
      %broadcast_in_dim3A_1798 = vector.broadcast %jit3A_1797 : f32 to vector<16xf32>
      %select_n3A_1799 = arith.select %lt3A_1762, %max3A_1796, %broadcast_in_dim3A_1798 : vector<16xi1>, vector<16xf32>
      %swap3A_1800 = arith.constant 1 : i32
      %swap3A_1801 = arith.index_cast %swap3A_1800 : i32 to index
      %swap3A_1802 = arith.index_cast %mul3A_1758 : i32 to index
      %swap3A_1803 = tpu.vector_load %arg13[%swap3A_1801, %swap3A_1802] {strides = array<i32>} : memref<8x4096xf32, #tpu.memory_space<vmem>>, vector<16xf32>,
      tpu.vector_store %arg13[%swap3A_1801, %swap3A_1802], %select_n3A_1799 {strides = array<i32>} : memref<8x4096xf32, #tpu.memory_space<vmem>>, vector<16xf32>,
      %add3A_1804 = arith.addf %add3A_1628, %select_n3A_1799 : vector<16xf32>
      %mul3A_1805 = vector.broadcast %reduce_sum3A_685 : f32 to vector<16xf32>
      %mul3A_1806 = arith.mulf %gather3A_1198, %mul3A_1805 : vector<16xf32>
      %mul3A_1807 = vector.broadcast %reduce_sum3A_696 : f32 to vector<16xf32>
      %mul3A_1808 = arith.mulf %gather3A_1202, %mul3A_1807 : vector<16xf32>
      %add3A_1809 = arith.addf %mul3A_1806, %mul3A_1808 : vector<16xf32>
      %mul3A_1810 = vector.broadcast %reduce_sum3A_707 : f32 to vector<16xf32>
      %mul3A_1811 = arith.mulf %gather3A_1206, %mul3A_1810 : vector<16xf32>
      %add3A_1812 = arith.addf %add3A_1809, %mul3A_1811 : vector<16xf32>
      %add3A_1813 = vector.broadcast %reduce_sum3A_718 : f32 to vector<16xf32>
      %add3A_1814 = arith.addf %add3A_1812, %add3A_1813 : vector<16xf32>
      %max3A_1815 = arith.constant 0.000000e+00 : f32
      %max3A_1816 = vector.broadcast %max3A_1815 : f32 to vector<16xf32>
      %max3A_1817 = arith.maximumf %add3A_1814, %max3A_1816 : vector<16xf32>
      %jit3A_1818 = arith.constant 0.000000e+00 : f32
      %broadcast_in_dim3A_1819 = vector.broadcast %jit3A_1818 : f32 to vector<16xf32>
      %select_n3A_1820 = arith.select %lt3A_1762, %max3A_1817, %broadcast_in_dim3A_1819 : vector<16xi1>, vector<16xf32>
      %swap3A_1821 = arith.constant 2 : i32
      %swap3A_1822 = arith.index_cast %swap3A_1821 : i32 to index
      %swap3A_1823 = arith.index_cast %mul3A_1758 : i32 to index
      %swap3A_1824 = tpu.vector_load %arg13[%swap3A_1822, %swap3A_1823] {strides = array<i32>} : memref<8x4096xf32, #tpu.memory_space<vmem>>, vector<16xf32>,
      tpu.vector_store %arg13[%swap3A_1822, %swap3A_1823], %select_n3A_1820 {strides = array<i32>} : memref<8x4096xf32, #tpu.memory_space<vmem>>, vector<16xf32>,
      %add3A_1825 = arith.addf %add3A_1649, %select_n3A_1820 : vector<16xf32>
      %mul3A_1826 = vector.broadcast %reduce_sum3A_729 : f32 to vector<16xf32>
      %mul3A_1827 = arith.mulf %gather3A_1198, %mul3A_1826 : vector<16xf32>
      %mul3A_1828 = vector.broadcast %reduce_sum3A_740 : f32 to vector<16xf32>
      %mul3A_1829 = arith.mulf %gather3A_1202, %mul3A_1828 : vector<16xf32>
      %add3A_1830 = arith.addf %mul3A_1827, %mul3A_1829 : vector<16xf32>
      %mul3A_1831 = vector.broadcast %reduce_sum3A_751 : f32 to vector<16xf32>
      %mul3A_1832 = arith.mulf %gather3A_1206, %mul3A_1831 : vector<16xf32>
      %add3A_1833 = arith.addf %add3A_1830, %mul3A_1832 : vector<16xf32>
      %add3A_1834 = vector.broadcast %reduce_sum3A_762 : f32 to vector<16xf32>
      %add3A_1835 = arith.addf %add3A_1833, %add3A_1834 : vector<16xf32>
      %max3A_1836 = arith.constant 0.000000e+00 : f32
      %max3A_1837 = vector.broadcast %max3A_1836 : f32 to vector<16xf32>
      %max3A_1838 = arith.maximumf %add3A_1835, %max3A_1837 : vector<16xf32>
      %jit3A_1839 = arith.constant 0.000000e+00 : f32
      %broadcast_in_dim3A_1840 = vector.broadcast %jit3A_1839 : f32 to vector<16xf32>
      %select_n3A_1841 = arith.select %lt3A_1762, %max3A_1838, %broadcast_in_dim3A_1840 : vector<16xi1>, vector<16xf32>
      %swap3A_1842 = arith.constant 3 : i32
      %swap3A_1843 = arith.index_cast %swap3A_1842 : i32 to index
      %swap3A_1844 = arith.index_cast %mul3A_1758 : i32 to index
      %swap3A_1845 = tpu.vector_load %arg13[%swap3A_1843, %swap3A_1844] {strides = array<i32>} : memref<8x4096xf32, #tpu.memory_space<vmem>>, vector<16xf32>,
      tpu.vector_store %arg13[%swap3A_1843, %swap3A_1844], %select_n3A_1841 {strides = array<i32>} : memref<8x4096xf32, #tpu.memory_space<vmem>>, vector<16xf32>,
      %add3A_1846 = arith.addf %add3A_1670, %select_n3A_1841 : vector<16xf32>
      %mul3A_1847 = vector.broadcast %reduce_sum3A_773 : f32 to vector<16xf32>
      %mul3A_1848 = arith.mulf %gather3A_1198, %mul3A_1847 : vector<16xf32>
      %mul3A_1849 = vector.broadcast %reduce_sum3A_784 : f32 to vector<16xf32>
      %mul3A_1850 = arith.mulf %gather3A_1202, %mul3A_1849 : vector<16xf32>
      %add3A_1851 = arith.addf %mul3A_1848, %mul3A_1850 : vector<16xf32>
      %mul3A_1852 = vector.broadcast %reduce_sum3A_795 : f32 to vector<16xf32>
      %mul3A_1853 = arith.mulf %gather3A_1206, %mul3A_1852 : vector<16xf32>
      %add3A_1854 = arith.addf %add3A_1851, %mul3A_1853 : vector<16xf32>
      %add3A_1855 = vector.broadcast %reduce_sum3A_806 : f32 to vector<16xf32>
      %add3A_1856 = arith.addf %add3A_1854, %add3A_1855 : vector<16xf32>
      %max3A_1857 = arith.constant 0.000000e+00 : f32
      %max3A_1858 = vector.broadcast %max3A_1857 : f32 to vector<16xf32>
      %max3A_1859 = arith.maximumf %add3A_1856, %max3A_1858 : vector<16xf32>
      %jit3A_1860 = arith.constant 0.000000e+00 : f32
      %broadcast_in_dim3A_1861 = vector.broadcast %jit3A_1860 : f32 to vector<16xf32>
      %select_n3A_1862 = arith.select %lt3A_1762, %max3A_1859, %broadcast_in_dim3A_1861 : vector<16xi1>, vector<16xf32>
      %swap3A_1863 = arith.constant 4 : i32
      %swap3A_1864 = arith.index_cast %swap3A_1863 : i32 to index
      %swap3A_1865 = arith.index_cast %mul3A_1758 : i32 to index
      %swap3A_1866 = tpu.vector_load %arg13[%swap3A_1864, %swap3A_1865] {strides = array<i32>} : memref<8x4096xf32, #tpu.memory_space<vmem>>, vector<16xf32>,
      tpu.vector_store %arg13[%swap3A_1864, %swap3A_1865], %select_n3A_1862 {strides = array<i32>} : memref<8x4096xf32, #tpu.memory_space<vmem>>, vector<16xf32>,
      %add3A_1867 = arith.addf %add3A_1691, %select_n3A_1862 : vector<16xf32>
      %mul3A_1868 = vector.broadcast %reduce_sum3A_817 : f32 to vector<16xf32>
      %mul3A_1869 = arith.mulf %gather3A_1198, %mul3A_1868 : vector<16xf32>
      %mul3A_1870 = vector.broadcast %reduce_sum3A_828 : f32 to vector<16xf32>
      %mul3A_1871 = arith.mulf %gather3A_1202, %mul3A_1870 : vector<16xf32>
      %add3A_1872 = arith.addf %mul3A_1869, %mul3A_1871 : vector<16xf32>
      %mul3A_1873 = vector.broadcast %reduce_sum3A_839 : f32 to vector<16xf32>
      %mul3A_1874 = arith.mulf %gather3A_1206, %mul3A_1873 : vector<16xf32>
      %add3A_1875 = arith.addf %add3A_1872, %mul3A_1874 : vector<16xf32>
      %add3A_1876 = vector.broadcast %reduce_sum3A_850 : f32 to vector<16xf32>
      %add3A_1877 = arith.addf %add3A_1875, %add3A_1876 : vector<16xf32>
      %max3A_1878 = arith.constant 0.000000e+00 : f32
      %max3A_1879 = vector.broadcast %max3A_1878 : f32 to vector<16xf32>
      %max3A_1880 = arith.maximumf %add3A_1877, %max3A_1879 : vector<16xf32>
      %jit3A_1881 = arith.constant 0.000000e+00 : f32
      %broadcast_in_dim3A_1882 = vector.broadcast %jit3A_1881 : f32 to vector<16xf32>
      %select_n3A_1883 = arith.select %lt3A_1762, %max3A_1880, %broadcast_in_dim3A_1882 : vector<16xi1>, vector<16xf32>
      %swap3A_1884 = arith.constant 5 : i32
      %swap3A_1885 = arith.index_cast %swap3A_1884 : i32 to index
      %swap3A_1886 = arith.index_cast %mul3A_1758 : i32 to index
      %swap3A_1887 = tpu.vector_load %arg13[%swap3A_1885, %swap3A_1886] {strides = array<i32>} : memref<8x4096xf32, #tpu.memory_space<vmem>>, vector<16xf32>,
      tpu.vector_store %arg13[%swap3A_1885, %swap3A_1886], %select_n3A_1883 {strides = array<i32>} : memref<8x4096xf32, #tpu.memory_space<vmem>>, vector<16xf32>,
      %add3A_1888 = arith.addf %add3A_1712, %select_n3A_1883 : vector<16xf32>
      %mul3A_1889 = vector.broadcast %reduce_sum3A_861 : f32 to vector<16xf32>
      %mul3A_1890 = arith.mulf %gather3A_1198, %mul3A_1889 : vector<16xf32>
      %mul3A_1891 = vector.broadcast %reduce_sum3A_872 : f32 to vector<16xf32>
      %mul3A_1892 = arith.mulf %gather3A_1202, %mul3A_1891 : vector<16xf32>
      %add3A_1893 = arith.addf %mul3A_1890, %mul3A_1892 : vector<16xf32>
      %mul3A_1894 = vector.broadcast %reduce_sum3A_883 : f32 to vector<16xf32>
      %mul3A_1895 = arith.mulf %gather3A_1206, %mul3A_1894 : vector<16xf32>
      %add3A_1896 = arith.addf %add3A_1893, %mul3A_1895 : vector<16xf32>
      %add3A_1897 = vector.broadcast %reduce_sum3A_894 : f32 to vector<16xf32>
      %add3A_1898 = arith.addf %add3A_1896, %add3A_1897 : vector<16xf32>
      %max3A_1899 = arith.constant 0.000000e+00 : f32
      %max3A_1900 = vector.broadcast %max3A_1899 : f32 to vector<16xf32>
      %max3A_1901 = arith.maximumf %add3A_1898, %max3A_1900 : vector<16xf32>
      %jit3A_1902 = arith.constant 0.000000e+00 : f32
      %broadcast_in_dim3A_1903 = vector.broadcast %jit3A_1902 : f32 to vector<16xf32>
      %select_n3A_1904 = arith.select %lt3A_1762, %max3A_1901, %broadcast_in_dim3A_1903 : vector<16xi1>, vector<16xf32>
      %swap3A_1905 = arith.constant 6 : i32
      %swap3A_1906 = arith.index_cast %swap3A_1905 : i32 to index
      %swap3A_1907 = arith.index_cast %mul3A_1758 : i32 to index
      %swap3A_1908 = tpu.vector_load %arg13[%swap3A_1906, %swap3A_1907] {strides = array<i32>} : memref<8x4096xf32, #tpu.memory_space<vmem>>, vector<16xf32>,
      tpu.vector_store %arg13[%swap3A_1906, %swap3A_1907], %select_n3A_1904 {strides = array<i32>} : memref<8x4096xf32, #tpu.memory_space<vmem>>, vector<16xf32>,
      %add3A_1909 = arith.addf %add3A_1733, %select_n3A_1904 : vector<16xf32>
      %mul3A_1910 = vector.broadcast %reduce_sum3A_905 : f32 to vector<16xf32>
      %mul3A_1911 = arith.mulf %gather3A_1198, %mul3A_1910 : vector<16xf32>
      %mul3A_1912 = vector.broadcast %reduce_sum3A_916 : f32 to vector<16xf32>
      %mul3A_1913 = arith.mulf %gather3A_1202, %mul3A_1912 : vector<16xf32>
      %add3A_1914 = arith.addf %mul3A_1911, %mul3A_1913 : vector<16xf32>
      %mul3A_1915 = vector.broadcast %reduce_sum3A_927 : f32 to vector<16xf32>
      %mul3A_1916 = arith.mulf %gather3A_1206, %mul3A_1915 : vector<16xf32>
      %add3A_1917 = arith.addf %add3A_1914, %mul3A_1916 : vector<16xf32>
      %add3A_1918 = vector.broadcast %reduce_sum3A_938 : f32 to vector<16xf32>
      %add3A_1919 = arith.addf %add3A_1917, %add3A_1918 : vector<16xf32>
      %max3A_1920 = arith.constant 0.000000e+00 : f32
      %max3A_1921 = vector.broadcast %max3A_1920 : f32 to vector<16xf32>
      %max3A_1922 = arith.maximumf %add3A_1919, %max3A_1921 : vector<16xf32>
      %jit3A_1923 = arith.constant 0.000000e+00 : f32
      %broadcast_in_dim3A_1924 = vector.broadcast %jit3A_1923 : f32 to vector<16xf32>
      %select_n3A_1925 = arith.select %lt3A_1762, %max3A_1922, %broadcast_in_dim3A_1924 : vector<16xi1>, vector<16xf32>
      %swap3A_1926 = arith.constant 7 : i32
      %swap3A_1927 = arith.index_cast %swap3A_1926 : i32 to index
      %swap3A_1928 = arith.index_cast %mul3A_1758 : i32 to index
      %swap3A_1929 = tpu.vector_load %arg13[%swap3A_1927, %swap3A_1928] {strides = array<i32>} : memref<8x4096xf32, #tpu.memory_space<vmem>>, vector<16xf32>,
      tpu.vector_store %arg13[%swap3A_1927, %swap3A_1928], %select_n3A_1925 {strides = array<i32>} : memref<8x4096xf32, #tpu.memory_space<vmem>>, vector<16xf32>,
      %add3A_1930 = arith.addf %add3A_1754, %select_n3A_1925 : vector<16xf32>
      scf.yield %gather3A_1220, %gather3A_1224, %gather3A_1228, %add3A_1783, %add3A_1804, %add3A_1825, %add3A_1846, %add3A_1867, %add3A_1888, %add3A_1909, %add3A_1930 : vector<16xf32>, vector<16xf32>, vector<16xf32>, vector<16xf32>, vector<16xf32>, vector<16xf32>, vector<16xf32>, vector<16xf32>, vector<16xf32>, vector<16xf32>, vector<16xf32>
    }
    %while3A_992 = arith.constant 1 : i32
    %while3A_993:11 = scf.for %while3A_1127 = %while3A_989 to %while3A_985 step %while3A_992 iter_args(%while3A_1128 = %while3A_991#0, %while3A_1129 = %while3A_991#1, %while3A_1130 = %while3A_991#2, %while3A_1131 = %while3A_991#3, %while3A_1132 = %while3A_991#4, %while3A_1133 = %while3A_991#5, %while3A_1134 = %while3A_991#6, %while3A_1135 = %while3A_991#7, %while3A_1136 = %while3A_991#8, %while3A_1137 = %while3A_991#9, %while3A_1138 = %while3A_991#10) -> (vector<16xf32>, vector<16xf32>, vector<16xf32>, vector<16xf32>, vector<16xf32>, vector<16xf32>, vector<16xf32>, vector<16xf32>, vector<16xf32>, vector<16xf32>, vector<16xf32>)  : i32 {
      %mul3A_1139 = arith.constant 4 : i32
      %mul3A_1140 = arith.muli %while3A_1127, %mul3A_1139 : i32
      %add3A_1141 = arith.constant 1 : i32
      %add3A_1142 = arith.addi %mul3A_1140, %add3A_1141 : i32
      %mul3A_1143 = arith.constant 16 : i32
      %mul3A_1144 = arith.muli %add3A_1142, %mul3A_1143 : i32
      %add3A_1145 = arith.addi %sub3A_569, %mul3A_1144 : i32
      %add3A_1146 = vector.broadcast %add3A_1145 : i32 to vector<16xi32>
      %add3A_1147 = arith.addi %add3A_1146, %iota3A : vector<16xi32>
      %min3A_1148 = arith.constant 4351 : i32
      %min3A_1149 = vector.broadcast %min3A_1148 : i32 to vector<16xi32>
      %min3A_1150 = arith.minsi %add3A_1147, %min3A_1149 : vector<16xi32>
      %add3A_1151 = arith.constant 0 : i32
      %add3A_1152 = vector.broadcast %add3A_1151 : i32 to vector<16xi32>
      %add3A_1153 = arith.addi %broadcast_in_dim3A_549, %add3A_1152 : vector<16xi32>
      %gather3A_1154 = tpu.vector_load_idx %arg10[%add3A_1153, %min3A_1150] : memref<3x4352xf32, #tpu.memory_space<vmem>>[vector<16xi32>, vector<16xi32>], vector<16xf32>,
      %add3A_1155 = arith.constant 1 : i32
      %add3A_1156 = vector.broadcast %add3A_1155 : i32 to vector<16xi32>
      %add3A_1157 = arith.addi %broadcast_in_dim3A_549, %add3A_1156 : vector<16xi32>
      %gather3A_1158 = tpu.vector_load_idx %arg10[%add3A_1157, %min3A_1150] : memref<3x4352xf32, #tpu.memory_space<vmem>>[vector<16xi32>, vector<16xi32>], vector<16xf32>,
      %add3A_1159 = arith.constant 2 : i32
      %add3A_1160 = vector.broadcast %add3A_1159 : i32 to vector<16xi32>
      %add3A_1161 = arith.addi %broadcast_in_dim3A_549, %add3A_1160 : vector<16xi32>
      %gather3A_1162 = tpu.vector_load_idx %arg10[%add3A_1161, %min3A_1150] : memref<3x4352xf32, #tpu.memory_space<vmem>>[vector<16xi32>, vector<16xi32>], vector<16xf32>,
      %add3A_1163 = arith.constant 2 : i32
      %add3A_1164 = arith.addi %mul3A_1140, %add3A_1163 : i32
      %mul3A_1165 = arith.constant 16 : i32
      %mul3A_1166 = arith.muli %add3A_1164, %mul3A_1165 : i32
      %add3A_1167 = arith.addi %sub3A_569, %mul3A_1166 : i32
      %add3A_1168 = vector.broadcast %add3A_1167 : i32 to vector<16xi32>
      %add3A_1169 = arith.addi %add3A_1168, %iota3A : vector<16xi32>
      %min3A_1170 = arith.constant 4351 : i32
      %min3A_1171 = vector.broadcast %min3A_1170 : i32 to vector<16xi32>
      %min3A_1172 = arith.minsi %add3A_1169, %min3A_1171 : vector<16xi32>
      %add3A_1173 = arith.constant 0 : i32
      %add3A_1174 = vector.broadcast %add3A_1173 : i32 to vector<16xi32>
      %add3A_1175 = arith.addi %broadcast_in_dim3A_549, %add3A_1174 : vector<16xi32>
      %gather3A_1176 = tpu.vector_load_idx %arg10[%add3A_1175, %min3A_1172] : memref<3x4352xf32, #tpu.memory_space<vmem>>[vector<16xi32>, vector<16xi32>], vector<16xf32>,
      %add3A_1177 = arith.constant 1 : i32
      %add3A_1178 = vector.broadcast %add3A_1177 : i32 to vector<16xi32>
      %add3A_1179 = arith.addi %broadcast_in_dim3A_549, %add3A_1178 : vector<16xi32>
      %gather3A_1180 = tpu.vector_load_idx %arg10[%add3A_1179, %min3A_1172] : memref<3x4352xf32, #tpu.memory_space<vmem>>[vector<16xi32>, vector<16xi32>], vector<16xf32>,
      %add3A_1181 = arith.constant 2 : i32
      %add3A_1182 = vector.broadcast %add3A_1181 : i32 to vector<16xi32>
      %add3A_1183 = arith.addi %broadcast_in_dim3A_549, %add3A_1182 : vector<16xi32>
      %gather3A_1184 = tpu.vector_load_idx %arg10[%add3A_1183, %min3A_1172] : memref<3x4352xf32, #tpu.memory_space<vmem>>[vector<16xi32>, vector<16xi32>], vector<16xf32>,
      %add3A_1185 = arith.constant 3 : i32
      %add3A_1186 = arith.addi %mul3A_1140, %add3A_1185 : i32
      %mul3A_1187 = arith.constant 16 : i32
      %mul3A_1188 = arith.muli %add3A_1186, %mul3A_1187 : i32
      %add3A_1189 = arith.addi %sub3A_569, %mul3A_1188 : i32
      %add3A_1190 = vector.broadcast %add3A_1189 : i32 to vector<16xi32>
      %add3A_1191 = arith.addi %add3A_1190, %iota3A : vector<16xi32>
      %min3A_1192 = arith.constant 4351 : i32
      %min3A_1193 = vector.broadcast %min3A_1192 : i32 to vector<16xi32>
      %min3A_1194 = arith.minsi %add3A_1191, %min3A_1193 : vector<16xi32>
      %add3A_1195 = arith.constant 0 : i32
      %add3A_1196 = vector.broadcast %add3A_1195 : i32 to vector<16xi32>
      %add3A_1197 = arith.addi %broadcast_in_dim3A_549, %add3A_1196 : vector<16xi32>
      %gather3A_1198 = tpu.vector_load_idx %arg10[%add3A_1197, %min3A_1194] : memref<3x4352xf32, #tpu.memory_space<vmem>>[vector<16xi32>, vector<16xi32>], vector<16xf32>,
      %add3A_1199 = arith.constant 1 : i32
      %add3A_1200 = vector.broadcast %add3A_1199 : i32 to vector<16xi32>
      %add3A_1201 = arith.addi %broadcast_in_dim3A_549, %add3A_1200 : vector<16xi32>
      %gather3A_1202 = tpu.vector_load_idx %arg10[%add3A_1201, %min3A_1194] : memref<3x4352xf32, #tpu.memory_space<vmem>>[vector<16xi32>, vector<16xi32>], vector<16xf32>,
      %add3A_1203 = arith.constant 2 : i32
      %add3A_1204 = vector.broadcast %add3A_1203 : i32 to vector<16xi32>
      %add3A_1205 = arith.addi %broadcast_in_dim3A_549, %add3A_1204 : vector<16xi32>
      %gather3A_1206 = tpu.vector_load_idx %arg10[%add3A_1205, %min3A_1194] : memref<3x4352xf32, #tpu.memory_space<vmem>>[vector<16xi32>, vector<16xi32>], vector<16xf32>,
      %add3A_1207 = arith.constant 4 : i32
      %add3A_1208 = arith.addi %mul3A_1140, %add3A_1207 : i32
      %mul3A_1209 = arith.constant 16 : i32
      %mul3A_1210 = arith.muli %add3A_1208, %mul3A_1209 : i32
      %add3A_1211 = arith.addi %sub3A_569, %mul3A_1210 : i32
      %add3A_1212 = vector.broadcast %add3A_1211 : i32 to vector<16xi32>
      %add3A_1213 = arith.addi %add3A_1212, %iota3A : vector<16xi32>
      %min3A_1214 = arith.constant 4351 : i32
      %min3A_1215 = vector.broadcast %min3A_1214 : i32 to vector<16xi32>
      %min3A_1216 = arith.minsi %add3A_1213, %min3A_1215 : vector<16xi32>
      %add3A_1217 = arith.constant 0 : i32
      %add3A_1218 = vector.broadcast %add3A_1217 : i32 to vector<16xi32>
      %add3A_1219 = arith.addi %broadcast_in_dim3A_549, %add3A_1218 : vector<16xi32>
      %gather3A_1220 = tpu.vector_load_idx %arg10[%add3A_1219, %min3A_1216] : memref<3x4352xf32, #tpu.memory_space<vmem>>[vector<16xi32>, vector<16xi32>], vector<16xf32>,
      %add3A_1221 = arith.constant 1 : i32
      %add3A_1222 = vector.broadcast %add3A_1221 : i32 to vector<16xi32>
      %add3A_1223 = arith.addi %broadcast_in_dim3A_549, %add3A_1222 : vector<16xi32>
      %gather3A_1224 = tpu.vector_load_idx %arg10[%add3A_1223, %min3A_1216] : memref<3x4352xf32, #tpu.memory_space<vmem>>[vector<16xi32>, vector<16xi32>], vector<16xf32>,
      %add3A_1225 = arith.constant 2 : i32
      %add3A_1226 = vector.broadcast %add3A_1225 : i32 to vector<16xi32>
      %add3A_1227 = arith.addi %broadcast_in_dim3A_549, %add3A_1226 : vector<16xi32>
      %gather3A_1228 = tpu.vector_load_idx %arg10[%add3A_1227, %min3A_1216] : memref<3x4352xf32, #tpu.memory_space<vmem>>[vector<16xi32>, vector<16xi32>], vector<16xf32>,
      %mul3A_1229 = arith.constant 16 : i32
      %mul3A_1230 = arith.muli %mul3A_1140, %mul3A_1229 : i32
      %add3A_1231 = vector.broadcast %mul3A_1230 : i32 to vector<16xi32>
      %add3A_1232 = arith.addi %add3A_1231, %iota3A : vector<16xi32>
      %lt3A_1233 = vector.broadcast %min3A_564 : i32 to vector<16xi32>
      %lt3A_1234 = arith.cmpi slt, %add3A_1232, %lt3A_1233 : vector<16xi32>
      %mul3A_1235 = vector.broadcast %reduce_sum3A_597 : f32 to vector<16xf32>
      %mul3A_1236 = arith.mulf %while3A_1128, %mul3A_1235 : vector<16xf32>
      %mul3A_1237 = vector.broadcast %reduce_sum3A_608 : f32 to vector<16xf32>
      %mul3A_1238 = arith.mulf %while3A_1129, %mul3A_1237 : vector<16xf32>
      %add3A_1239 = arith.addf %mul3A_1236, %mul3A_1238 : vector<16xf32>
      %mul3A_1240 = vector.broadcast %reduce_sum3A_619 : f32 to vector<16xf32>
      %mul3A_1241 = arith.mulf %while3A_1130, %mul3A_1240 : vector<16xf32>
      %add3A_1242 = arith.addf %add3A_1239, %mul3A_1241 : vector<16xf32>
      %add3A_1243 = vector.broadcast %reduce_sum3A_630 : f32 to vector<16xf32>
      %add3A_1244 = arith.addf %add3A_1242, %add3A_1243 : vector<16xf32>
      %max3A_1245 = arith.constant 0.000000e+00 : f32
      %max3A_1246 = vector.broadcast %max3A_1245 : f32 to vector<16xf32>
      %max3A_1247 = arith.maximumf %add3A_1244, %max3A_1246 : vector<16xf32>
      %jit3A_1248 = arith.constant 0.000000e+00 : f32
      %broadcast_in_dim3A_1249 = vector.broadcast %jit3A_1248 : f32 to vector<16xf32>
      %select_n3A_1250 = arith.select %lt3A_1234, %max3A_1247, %broadcast_in_dim3A_1249 : vector<16xi1>, vector<16xf32>
      %swap3A_1251 = arith.constant 0 : i32
      %swap3A_1252 = arith.index_cast %swap3A_1251 : i32 to index
      %swap3A_1253 = arith.index_cast %mul3A_1230 : i32 to index
      %swap3A_1254 = tpu.vector_load %arg13[%swap3A_1252, %swap3A_1253] {strides = array<i32>} : memref<8x4096xf32, #tpu.memory_space<vmem>>, vector<16xf32>,
      tpu.vector_store %arg13[%swap3A_1252, %swap3A_1253], %select_n3A_1250 {strides = array<i32>} : memref<8x4096xf32, #tpu.memory_space<vmem>>, vector<16xf32>,
      %add3A_1255 = arith.addf %while3A_1131, %select_n3A_1250 : vector<16xf32>
      %mul3A_1256 = vector.broadcast %reduce_sum3A_641 : f32 to vector<16xf32>
      %mul3A_1257 = arith.mulf %while3A_1128, %mul3A_1256 : vector<16xf32>
      %mul3A_1258 = vector.broadcast %reduce_sum3A_652 : f32 to vector<16xf32>
      %mul3A_1259 = arith.mulf %while3A_1129, %mul3A_1258 : vector<16xf32>
      %add3A_1260 = arith.addf %mul3A_1257, %mul3A_1259 : vector<16xf32>
      %mul3A_1261 = vector.broadcast %reduce_sum3A_663 : f32 to vector<16xf32>
      %mul3A_1262 = arith.mulf %while3A_1130, %mul3A_1261 : vector<16xf32>
      %add3A_1263 = arith.addf %add3A_1260, %mul3A_1262 : vector<16xf32>
      %add3A_1264 = vector.broadcast %reduce_sum3A_674 : f32 to vector<16xf32>
      %add3A_1265 = arith.addf %add3A_1263, %add3A_1264 : vector<16xf32>
      %max3A_1266 = arith.constant 0.000000e+00 : f32
      %max3A_1267 = vector.broadcast %max3A_1266 : f32 to vector<16xf32>
      %max3A_1268 = arith.maximumf %add3A_1265, %max3A_1267 : vector<16xf32>
      %jit3A_1269 = arith.constant 0.000000e+00 : f32
      %broadcast_in_dim3A_1270 = vector.broadcast %jit3A_1269 : f32 to vector<16xf32>
      %select_n3A_1271 = arith.select %lt3A_1234, %max3A_1268, %broadcast_in_dim3A_1270 : vector<16xi1>, vector<16xf32>
      %swap3A_1272 = arith.constant 1 : i32
      %swap3A_1273 = arith.index_cast %swap3A_1272 : i32 to index
      %swap3A_1274 = arith.index_cast %mul3A_1230 : i32 to index
      %swap3A_1275 = tpu.vector_load %arg13[%swap3A_1273, %swap3A_1274] {strides = array<i32>} : memref<8x4096xf32, #tpu.memory_space<vmem>>, vector<16xf32>,
      tpu.vector_store %arg13[%swap3A_1273, %swap3A_1274], %select_n3A_1271 {strides = array<i32>} : memref<8x4096xf32, #tpu.memory_space<vmem>>, vector<16xf32>,
      %add3A_1276 = arith.addf %while3A_1132, %select_n3A_1271 : vector<16xf32>
      %mul3A_1277 = vector.broadcast %reduce_sum3A_685 : f32 to vector<16xf32>
      %mul3A_1278 = arith.mulf %while3A_1128, %mul3A_1277 : vector<16xf32>
      %mul3A_1279 = vector.broadcast %reduce_sum3A_696 : f32 to vector<16xf32>
      %mul3A_1280 = arith.mulf %while3A_1129, %mul3A_1279 : vector<16xf32>
      %add3A_1281 = arith.addf %mul3A_1278, %mul3A_1280 : vector<16xf32>
      %mul3A_1282 = vector.broadcast %reduce_sum3A_707 : f32 to vector<16xf32>
      %mul3A_1283 = arith.mulf %while3A_1130, %mul3A_1282 : vector<16xf32>
      %add3A_1284 = arith.addf %add3A_1281, %mul3A_1283 : vector<16xf32>
      %add3A_1285 = vector.broadcast %reduce_sum3A_718 : f32 to vector<16xf32>
      %add3A_1286 = arith.addf %add3A_1284, %add3A_1285 : vector<16xf32>
      %max3A_1287 = arith.constant 0.000000e+00 : f32
      %max3A_1288 = vector.broadcast %max3A_1287 : f32 to vector<16xf32>
      %max3A_1289 = arith.maximumf %add3A_1286, %max3A_1288 : vector<16xf32>
      %jit3A_1290 = arith.constant 0.000000e+00 : f32
      %broadcast_in_dim3A_1291 = vector.broadcast %jit3A_1290 : f32 to vector<16xf32>
      %select_n3A_1292 = arith.select %lt3A_1234, %max3A_1289, %broadcast_in_dim3A_1291 : vector<16xi1>, vector<16xf32>
      %swap3A_1293 = arith.constant 2 : i32
      %swap3A_1294 = arith.index_cast %swap3A_1293 : i32 to index
      %swap3A_1295 = arith.index_cast %mul3A_1230 : i32 to index
      %swap3A_1296 = tpu.vector_load %arg13[%swap3A_1294, %swap3A_1295] {strides = array<i32>} : memref<8x4096xf32, #tpu.memory_space<vmem>>, vector<16xf32>,
      tpu.vector_store %arg13[%swap3A_1294, %swap3A_1295], %select_n3A_1292 {strides = array<i32>} : memref<8x4096xf32, #tpu.memory_space<vmem>>, vector<16xf32>,
      %add3A_1297 = arith.addf %while3A_1133, %select_n3A_1292 : vector<16xf32>
      %mul3A_1298 = vector.broadcast %reduce_sum3A_729 : f32 to vector<16xf32>
      %mul3A_1299 = arith.mulf %while3A_1128, %mul3A_1298 : vector<16xf32>
      %mul3A_1300 = vector.broadcast %reduce_sum3A_740 : f32 to vector<16xf32>
      %mul3A_1301 = arith.mulf %while3A_1129, %mul3A_1300 : vector<16xf32>
      %add3A_1302 = arith.addf %mul3A_1299, %mul3A_1301 : vector<16xf32>
      %mul3A_1303 = vector.broadcast %reduce_sum3A_751 : f32 to vector<16xf32>
      %mul3A_1304 = arith.mulf %while3A_1130, %mul3A_1303 : vector<16xf32>
      %add3A_1305 = arith.addf %add3A_1302, %mul3A_1304 : vector<16xf32>
      %add3A_1306 = vector.broadcast %reduce_sum3A_762 : f32 to vector<16xf32>
      %add3A_1307 = arith.addf %add3A_1305, %add3A_1306 : vector<16xf32>
      %max3A_1308 = arith.constant 0.000000e+00 : f32
      %max3A_1309 = vector.broadcast %max3A_1308 : f32 to vector<16xf32>
      %max3A_1310 = arith.maximumf %add3A_1307, %max3A_1309 : vector<16xf32>
      %jit3A_1311 = arith.constant 0.000000e+00 : f32
      %broadcast_in_dim3A_1312 = vector.broadcast %jit3A_1311 : f32 to vector<16xf32>
      %select_n3A_1313 = arith.select %lt3A_1234, %max3A_1310, %broadcast_in_dim3A_1312 : vector<16xi1>, vector<16xf32>
      %swap3A_1314 = arith.constant 3 : i32
      %swap3A_1315 = arith.index_cast %swap3A_1314 : i32 to index
      %swap3A_1316 = arith.index_cast %mul3A_1230 : i32 to index
      %swap3A_1317 = tpu.vector_load %arg13[%swap3A_1315, %swap3A_1316] {strides = array<i32>} : memref<8x4096xf32, #tpu.memory_space<vmem>>, vector<16xf32>,
      tpu.vector_store %arg13[%swap3A_1315, %swap3A_1316], %select_n3A_1313 {strides = array<i32>} : memref<8x4096xf32, #tpu.memory_space<vmem>>, vector<16xf32>,
      %add3A_1318 = arith.addf %while3A_1134, %select_n3A_1313 : vector<16xf32>
      %mul3A_1319 = vector.broadcast %reduce_sum3A_773 : f32 to vector<16xf32>
      %mul3A_1320 = arith.mulf %while3A_1128, %mul3A_1319 : vector<16xf32>
      %mul3A_1321 = vector.broadcast %reduce_sum3A_784 : f32 to vector<16xf32>
      %mul3A_1322 = arith.mulf %while3A_1129, %mul3A_1321 : vector<16xf32>
      %add3A_1323 = arith.addf %mul3A_1320, %mul3A_1322 : vector<16xf32>
      %mul3A_1324 = vector.broadcast %reduce_sum3A_795 : f32 to vector<16xf32>
      %mul3A_1325 = arith.mulf %while3A_1130, %mul3A_1324 : vector<16xf32>
      %add3A_1326 = arith.addf %add3A_1323, %mul3A_1325 : vector<16xf32>
      %add3A_1327 = vector.broadcast %reduce_sum3A_806 : f32 to vector<16xf32>
      %add3A_1328 = arith.addf %add3A_1326, %add3A_1327 : vector<16xf32>
      %max3A_1329 = arith.constant 0.000000e+00 : f32
      %max3A_1330 = vector.broadcast %max3A_1329 : f32 to vector<16xf32>
      %max3A_1331 = arith.maximumf %add3A_1328, %max3A_1330 : vector<16xf32>
      %jit3A_1332 = arith.constant 0.000000e+00 : f32
      %broadcast_in_dim3A_1333 = vector.broadcast %jit3A_1332 : f32 to vector<16xf32>
      %select_n3A_1334 = arith.select %lt3A_1234, %max3A_1331, %broadcast_in_dim3A_1333 : vector<16xi1>, vector<16xf32>
      %swap3A_1335 = arith.constant 4 : i32
      %swap3A_1336 = arith.index_cast %swap3A_1335 : i32 to index
      %swap3A_1337 = arith.index_cast %mul3A_1230 : i32 to index
      %swap3A_1338 = tpu.vector_load %arg13[%swap3A_1336, %swap3A_1337] {strides = array<i32>} : memref<8x4096xf32, #tpu.memory_space<vmem>>, vector<16xf32>,
      tpu.vector_store %arg13[%swap3A_1336, %swap3A_1337], %select_n3A_1334 {strides = array<i32>} : memref<8x4096xf32, #tpu.memory_space<vmem>>, vector<16xf32>,
      %add3A_1339 = arith.addf %while3A_1135, %select_n3A_1334 : vector<16xf32>
      %mul3A_1340 = vector.broadcast %reduce_sum3A_817 : f32 to vector<16xf32>
      %mul3A_1341 = arith.mulf %while3A_1128, %mul3A_1340 : vector<16xf32>
      %mul3A_1342 = vector.broadcast %reduce_sum3A_828 : f32 to vector<16xf32>
      %mul3A_1343 = arith.mulf %while3A_1129, %mul3A_1342 : vector<16xf32>
      %add3A_1344 = arith.addf %mul3A_1341, %mul3A_1343 : vector<16xf32>
      %mul3A_1345 = vector.broadcast %reduce_sum3A_839 : f32 to vector<16xf32>
      %mul3A_1346 = arith.mulf %while3A_1130, %mul3A_1345 : vector<16xf32>
      %add3A_1347 = arith.addf %add3A_1344, %mul3A_1346 : vector<16xf32>
      %add3A_1348 = vector.broadcast %reduce_sum3A_850 : f32 to vector<16xf32>
      %add3A_1349 = arith.addf %add3A_1347, %add3A_1348 : vector<16xf32>
      %max3A_1350 = arith.constant 0.000000e+00 : f32
      %max3A_1351 = vector.broadcast %max3A_1350 : f32 to vector<16xf32>
      %max3A_1352 = arith.maximumf %add3A_1349, %max3A_1351 : vector<16xf32>
      %jit3A_1353 = arith.constant 0.000000e+00 : f32
      %broadcast_in_dim3A_1354 = vector.broadcast %jit3A_1353 : f32 to vector<16xf32>
      %select_n3A_1355 = arith.select %lt3A_1234, %max3A_1352, %broadcast_in_dim3A_1354 : vector<16xi1>, vector<16xf32>
      %swap3A_1356 = arith.constant 5 : i32
      %swap3A_1357 = arith.index_cast %swap3A_1356 : i32 to index
      %swap3A_1358 = arith.index_cast %mul3A_1230 : i32 to index
      %swap3A_1359 = tpu.vector_load %arg13[%swap3A_1357, %swap3A_1358] {strides = array<i32>} : memref<8x4096xf32, #tpu.memory_space<vmem>>, vector<16xf32>,
      tpu.vector_store %arg13[%swap3A_1357, %swap3A_1358], %select_n3A_1355 {strides = array<i32>} : memref<8x4096xf32, #tpu.memory_space<vmem>>, vector<16xf32>,
      %add3A_1360 = arith.addf %while3A_1136, %select_n3A_1355 : vector<16xf32>
      %mul3A_1361 = vector.broadcast %reduce_sum3A_861 : f32 to vector<16xf32>
      %mul3A_1362 = arith.mulf %while3A_1128, %mul3A_1361 : vector<16xf32>
      %mul3A_1363 = vector.broadcast %reduce_sum3A_872 : f32 to vector<16xf32>
      %mul3A_1364 = arith.mulf %while3A_1129, %mul3A_1363 : vector<16xf32>
      %add3A_1365 = arith.addf %mul3A_1362, %mul3A_1364 : vector<16xf32>
      %mul3A_1366 = vector.broadcast %reduce_sum3A_883 : f32 to vector<16xf32>
      %mul3A_1367 = arith.mulf %while3A_1130, %mul3A_1366 : vector<16xf32>
      %add3A_1368 = arith.addf %add3A_1365, %mul3A_1367 : vector<16xf32>
      %add3A_1369 = vector.broadcast %reduce_sum3A_894 : f32 to vector<16xf32>
      %add3A_1370 = arith.addf %add3A_1368, %add3A_1369 : vector<16xf32>
      %max3A_1371 = arith.constant 0.000000e+00 : f32
      %max3A_1372 = vector.broadcast %max3A_1371 : f32 to vector<16xf32>
      %max3A_1373 = arith.maximumf %add3A_1370, %max3A_1372 : vector<16xf32>
      %jit3A_1374 = arith.constant 0.000000e+00 : f32
      %broadcast_in_dim3A_1375 = vector.broadcast %jit3A_1374 : f32 to vector<16xf32>
      %select_n3A_1376 = arith.select %lt3A_1234, %max3A_1373, %broadcast_in_dim3A_1375 : vector<16xi1>, vector<16xf32>
      %swap3A_1377 = arith.constant 6 : i32
      %swap3A_1378 = arith.index_cast %swap3A_1377 : i32 to index
      %swap3A_1379 = arith.index_cast %mul3A_1230 : i32 to index
      %swap3A_1380 = tpu.vector_load %arg13[%swap3A_1378, %swap3A_1379] {strides = array<i32>} : memref<8x4096xf32, #tpu.memory_space<vmem>>, vector<16xf32>,
      tpu.vector_store %arg13[%swap3A_1378, %swap3A_1379], %select_n3A_1376 {strides = array<i32>} : memref<8x4096xf32, #tpu.memory_space<vmem>>, vector<16xf32>,
      %add3A_1381 = arith.addf %while3A_1137, %select_n3A_1376 : vector<16xf32>
      %mul3A_1382 = vector.broadcast %reduce_sum3A_905 : f32 to vector<16xf32>
      %mul3A_1383 = arith.mulf %while3A_1128, %mul3A_1382 : vector<16xf32>
      %mul3A_1384 = vector.broadcast %reduce_sum3A_916 : f32 to vector<16xf32>
      %mul3A_1385 = arith.mulf %while3A_1129, %mul3A_1384 : vector<16xf32>
      %add3A_1386 = arith.addf %mul3A_1383, %mul3A_1385 : vector<16xf32>
      %mul3A_1387 = vector.broadcast %reduce_sum3A_927 : f32 to vector<16xf32>
      %mul3A_1388 = arith.mulf %while3A_1130, %mul3A_1387 : vector<16xf32>
      %add3A_1389 = arith.addf %add3A_1386, %mul3A_1388 : vector<16xf32>
      %add3A_1390 = vector.broadcast %reduce_sum3A_938 : f32 to vector<16xf32>
      %add3A_1391 = arith.addf %add3A_1389, %add3A_1390 : vector<16xf32>
      %max3A_1392 = arith.constant 0.000000e+00 : f32
      %max3A_1393 = vector.broadcast %max3A_1392 : f32 to vector<16xf32>
      %max3A_1394 = arith.maximumf %add3A_1391, %max3A_1393 : vector<16xf32>
      %jit3A_1395 = arith.constant 0.000000e+00 : f32
      %broadcast_in_dim3A_1396 = vector.broadcast %jit3A_1395 : f32 to vector<16xf32>
      %select_n3A_1397 = arith.select %lt3A_1234, %max3A_1394, %broadcast_in_dim3A_1396 : vector<16xi1>, vector<16xf32>
      %swap3A_1398 = arith.constant 7 : i32
      %swap3A_1399 = arith.index_cast %swap3A_1398 : i32 to index
      %swap3A_1400 = arith.index_cast %mul3A_1230 : i32 to index
      %swap3A_1401 = tpu.vector_load %arg13[%swap3A_1399, %swap3A_1400] {strides = array<i32>} : memref<8x4096xf32, #tpu.memory_space<vmem>>, vector<16xf32>,
      tpu.vector_store %arg13[%swap3A_1399, %swap3A_1400], %select_n3A_1397 {strides = array<i32>} : memref<8x4096xf32, #tpu.memory_space<vmem>>, vector<16xf32>,
      %add3A_1402 = arith.addf %while3A_1138, %select_n3A_1397 : vector<16xf32>
      %add3A_1403 = arith.constant 1 : i32
      %add3A_1404 = arith.addi %mul3A_1140, %add3A_1403 : i32
      %mul3A_1405 = arith.constant 16 : i32
      %mul3A_1406 = arith.muli %add3A_1404, %mul3A_1405 : i32
      %add3A_1407 = vector.broadcast %mul3A_1406 : i32 to vector<16xi32>
      %add3A_1408 = arith.addi %add3A_1407, %iota3A : vector<16xi32>
      %lt3A_1409 = vector.broadcast %min3A_564 : i32 to vector<16xi32>
      %lt3A_1410 = arith.cmpi slt, %add3A_1408, %lt3A_1409 : vector<16xi32>
      %mul3A_1411 = vector.broadcast %reduce_sum3A_597 : f32 to vector<16xf32>
      %mul3A_1412 = arith.mulf %gather3A_1154, %mul3A_1411 : vector<16xf32>
      %mul3A_1413 = vector.broadcast %reduce_sum3A_608 : f32 to vector<16xf32>
      %mul3A_1414 = arith.mulf %gather3A_1158, %mul3A_1413 : vector<16xf32>
      %add3A_1415 = arith.addf %mul3A_1412, %mul3A_1414 : vector<16xf32>
      %mul3A_1416 = vector.broadcast %reduce_sum3A_619 : f32 to vector<16xf32>
      %mul3A_1417 = arith.mulf %gather3A_1162, %mul3A_1416 : vector<16xf32>
      %add3A_1418 = arith.addf %add3A_1415, %mul3A_1417 : vector<16xf32>
      %add3A_1419 = vector.broadcast %reduce_sum3A_630 : f32 to vector<16xf32>
      %add3A_1420 = arith.addf %add3A_1418, %add3A_1419 : vector<16xf32>
      %max3A_1421 = arith.constant 0.000000e+00 : f32
      %max3A_1422 = vector.broadcast %max3A_1421 : f32 to vector<16xf32>
      %max3A_1423 = arith.maximumf %add3A_1420, %max3A_1422 : vector<16xf32>
      %jit3A_1424 = arith.constant 0.000000e+00 : f32
      %broadcast_in_dim3A_1425 = vector.broadcast %jit3A_1424 : f32 to vector<16xf32>
      %select_n3A_1426 = arith.select %lt3A_1410, %max3A_1423, %broadcast_in_dim3A_1425 : vector<16xi1>, vector<16xf32>
      %swap3A_1427 = arith.constant 0 : i32
      %swap3A_1428 = arith.index_cast %swap3A_1427 : i32 to index
      %swap3A_1429 = arith.index_cast %mul3A_1406 : i32 to index
      %swap3A_1430 = tpu.vector_load %arg13[%swap3A_1428, %swap3A_1429] {strides = array<i32>} : memref<8x4096xf32, #tpu.memory_space<vmem>>, vector<16xf32>,
      tpu.vector_store %arg13[%swap3A_1428, %swap3A_1429], %select_n3A_1426 {strides = array<i32>} : memref<8x4096xf32, #tpu.memory_space<vmem>>, vector<16xf32>,
      %add3A_1431 = arith.addf %add3A_1255, %select_n3A_1426 : vector<16xf32>
      %mul3A_1432 = vector.broadcast %reduce_sum3A_641 : f32 to vector<16xf32>
      %mul3A_1433 = arith.mulf %gather3A_1154, %mul3A_1432 : vector<16xf32>
      %mul3A_1434 = vector.broadcast %reduce_sum3A_652 : f32 to vector<16xf32>
      %mul3A_1435 = arith.mulf %gather3A_1158, %mul3A_1434 : vector<16xf32>
      %add3A_1436 = arith.addf %mul3A_1433, %mul3A_1435 : vector<16xf32>
      %mul3A_1437 = vector.broadcast %reduce_sum3A_663 : f32 to vector<16xf32>
      %mul3A_1438 = arith.mulf %gather3A_1162, %mul3A_1437 : vector<16xf32>
      %add3A_1439 = arith.addf %add3A_1436, %mul3A_1438 : vector<16xf32>
      %add3A_1440 = vector.broadcast %reduce_sum3A_674 : f32 to vector<16xf32>
      %add3A_1441 = arith.addf %add3A_1439, %add3A_1440 : vector<16xf32>
      %max3A_1442 = arith.constant 0.000000e+00 : f32
      %max3A_1443 = vector.broadcast %max3A_1442 : f32 to vector<16xf32>
      %max3A_1444 = arith.maximumf %add3A_1441, %max3A_1443 : vector<16xf32>
      %jit3A_1445 = arith.constant 0.000000e+00 : f32
      %broadcast_in_dim3A_1446 = vector.broadcast %jit3A_1445 : f32 to vector<16xf32>
      %select_n3A_1447 = arith.select %lt3A_1410, %max3A_1444, %broadcast_in_dim3A_1446 : vector<16xi1>, vector<16xf32>
      %swap3A_1448 = arith.constant 1 : i32
      %swap3A_1449 = arith.index_cast %swap3A_1448 : i32 to index
      %swap3A_1450 = arith.index_cast %mul3A_1406 : i32 to index
      %swap3A_1451 = tpu.vector_load %arg13[%swap3A_1449, %swap3A_1450] {strides = array<i32>} : memref<8x4096xf32, #tpu.memory_space<vmem>>, vector<16xf32>,
      tpu.vector_store %arg13[%swap3A_1449, %swap3A_1450], %select_n3A_1447 {strides = array<i32>} : memref<8x4096xf32, #tpu.memory_space<vmem>>, vector<16xf32>,
      %add3A_1452 = arith.addf %add3A_1276, %select_n3A_1447 : vector<16xf32>
      %mul3A_1453 = vector.broadcast %reduce_sum3A_685 : f32 to vector<16xf32>
      %mul3A_1454 = arith.mulf %gather3A_1154, %mul3A_1453 : vector<16xf32>
      %mul3A_1455 = vector.broadcast %reduce_sum3A_696 : f32 to vector<16xf32>
      %mul3A_1456 = arith.mulf %gather3A_1158, %mul3A_1455 : vector<16xf32>
      %add3A_1457 = arith.addf %mul3A_1454, %mul3A_1456 : vector<16xf32>
      %mul3A_1458 = vector.broadcast %reduce_sum3A_707 : f32 to vector<16xf32>
      %mul3A_1459 = arith.mulf %gather3A_1162, %mul3A_1458 : vector<16xf32>
      %add3A_1460 = arith.addf %add3A_1457, %mul3A_1459 : vector<16xf32>
      %add3A_1461 = vector.broadcast %reduce_sum3A_718 : f32 to vector<16xf32>
      %add3A_1462 = arith.addf %add3A_1460, %add3A_1461 : vector<16xf32>
      %max3A_1463 = arith.constant 0.000000e+00 : f32
      %max3A_1464 = vector.broadcast %max3A_1463 : f32 to vector<16xf32>
      %max3A_1465 = arith.maximumf %add3A_1462, %max3A_1464 : vector<16xf32>
      %jit3A_1466 = arith.constant 0.000000e+00 : f32
      %broadcast_in_dim3A_1467 = vector.broadcast %jit3A_1466 : f32 to vector<16xf32>
      %select_n3A_1468 = arith.select %lt3A_1410, %max3A_1465, %broadcast_in_dim3A_1467 : vector<16xi1>, vector<16xf32>
      %swap3A_1469 = arith.constant 2 : i32
      %swap3A_1470 = arith.index_cast %swap3A_1469 : i32 to index
      %swap3A_1471 = arith.index_cast %mul3A_1406 : i32 to index
      %swap3A_1472 = tpu.vector_load %arg13[%swap3A_1470, %swap3A_1471] {strides = array<i32>} : memref<8x4096xf32, #tpu.memory_space<vmem>>, vector<16xf32>,
      tpu.vector_store %arg13[%swap3A_1470, %swap3A_1471], %select_n3A_1468 {strides = array<i32>} : memref<8x4096xf32, #tpu.memory_space<vmem>>, vector<16xf32>,
      %add3A_1473 = arith.addf %add3A_1297, %select_n3A_1468 : vector<16xf32>
      %mul3A_1474 = vector.broadcast %reduce_sum3A_729 : f32 to vector<16xf32>
      %mul3A_1475 = arith.mulf %gather3A_1154, %mul3A_1474 : vector<16xf32>
      %mul3A_1476 = vector.broadcast %reduce_sum3A_740 : f32 to vector<16xf32>
      %mul3A_1477 = arith.mulf %gather3A_1158, %mul3A_1476 : vector<16xf32>
      %add3A_1478 = arith.addf %mul3A_1475, %mul3A_1477 : vector<16xf32>
      %mul3A_1479 = vector.broadcast %reduce_sum3A_751 : f32 to vector<16xf32>
      %mul3A_1480 = arith.mulf %gather3A_1162, %mul3A_1479 : vector<16xf32>
      %add3A_1481 = arith.addf %add3A_1478, %mul3A_1480 : vector<16xf32>
      %add3A_1482 = vector.broadcast %reduce_sum3A_762 : f32 to vector<16xf32>
      %add3A_1483 = arith.addf %add3A_1481, %add3A_1482 : vector<16xf32>
      %max3A_1484 = arith.constant 0.000000e+00 : f32
      %max3A_1485 = vector.broadcast %max3A_1484 : f32 to vector<16xf32>
      %max3A_1486 = arith.maximumf %add3A_1483, %max3A_1485 : vector<16xf32>
      %jit3A_1487 = arith.constant 0.000000e+00 : f32
      %broadcast_in_dim3A_1488 = vector.broadcast %jit3A_1487 : f32 to vector<16xf32>
      %select_n3A_1489 = arith.select %lt3A_1410, %max3A_1486, %broadcast_in_dim3A_1488 : vector<16xi1>, vector<16xf32>
      %swap3A_1490 = arith.constant 3 : i32
      %swap3A_1491 = arith.index_cast %swap3A_1490 : i32 to index
      %swap3A_1492 = arith.index_cast %mul3A_1406 : i32 to index
      %swap3A_1493 = tpu.vector_load %arg13[%swap3A_1491, %swap3A_1492] {strides = array<i32>} : memref<8x4096xf32, #tpu.memory_space<vmem>>, vector<16xf32>,
      tpu.vector_store %arg13[%swap3A_1491, %swap3A_1492], %select_n3A_1489 {strides = array<i32>} : memref<8x4096xf32, #tpu.memory_space<vmem>>, vector<16xf32>,
      %add3A_1494 = arith.addf %add3A_1318, %select_n3A_1489 : vector<16xf32>
      %mul3A_1495 = vector.broadcast %reduce_sum3A_773 : f32 to vector<16xf32>
      %mul3A_1496 = arith.mulf %gather3A_1154, %mul3A_1495 : vector<16xf32>
      %mul3A_1497 = vector.broadcast %reduce_sum3A_784 : f32 to vector<16xf32>
      %mul3A_1498 = arith.mulf %gather3A_1158, %mul3A_1497 : vector<16xf32>
      %add3A_1499 = arith.addf %mul3A_1496, %mul3A_1498 : vector<16xf32>
      %mul3A_1500 = vector.broadcast %reduce_sum3A_795 : f32 to vector<16xf32>
      %mul3A_1501 = arith.mulf %gather3A_1162, %mul3A_1500 : vector<16xf32>
      %add3A_1502 = arith.addf %add3A_1499, %mul3A_1501 : vector<16xf32>
      %add3A_1503 = vector.broadcast %reduce_sum3A_806 : f32 to vector<16xf32>
      %add3A_1504 = arith.addf %add3A_1502, %add3A_1503 : vector<16xf32>
      %max3A_1505 = arith.constant 0.000000e+00 : f32
      %max3A_1506 = vector.broadcast %max3A_1505 : f32 to vector<16xf32>
      %max3A_1507 = arith.maximumf %add3A_1504, %max3A_1506 : vector<16xf32>
      %jit3A_1508 = arith.constant 0.000000e+00 : f32
      %broadcast_in_dim3A_1509 = vector.broadcast %jit3A_1508 : f32 to vector<16xf32>
      %select_n3A_1510 = arith.select %lt3A_1410, %max3A_1507, %broadcast_in_dim3A_1509 : vector<16xi1>, vector<16xf32>
      %swap3A_1511 = arith.constant 4 : i32
      %swap3A_1512 = arith.index_cast %swap3A_1511 : i32 to index
      %swap3A_1513 = arith.index_cast %mul3A_1406 : i32 to index
      %swap3A_1514 = tpu.vector_load %arg13[%swap3A_1512, %swap3A_1513] {strides = array<i32>} : memref<8x4096xf32, #tpu.memory_space<vmem>>, vector<16xf32>,
      tpu.vector_store %arg13[%swap3A_1512, %swap3A_1513], %select_n3A_1510 {strides = array<i32>} : memref<8x4096xf32, #tpu.memory_space<vmem>>, vector<16xf32>,
      %add3A_1515 = arith.addf %add3A_1339, %select_n3A_1510 : vector<16xf32>
      %mul3A_1516 = vector.broadcast %reduce_sum3A_817 : f32 to vector<16xf32>
      %mul3A_1517 = arith.mulf %gather3A_1154, %mul3A_1516 : vector<16xf32>
      %mul3A_1518 = vector.broadcast %reduce_sum3A_828 : f32 to vector<16xf32>
      %mul3A_1519 = arith.mulf %gather3A_1158, %mul3A_1518 : vector<16xf32>
      %add3A_1520 = arith.addf %mul3A_1517, %mul3A_1519 : vector<16xf32>
      %mul3A_1521 = vector.broadcast %reduce_sum3A_839 : f32 to vector<16xf32>
      %mul3A_1522 = arith.mulf %gather3A_1162, %mul3A_1521 : vector<16xf32>
      %add3A_1523 = arith.addf %add3A_1520, %mul3A_1522 : vector<16xf32>
      %add3A_1524 = vector.broadcast %reduce_sum3A_850 : f32 to vector<16xf32>
      %add3A_1525 = arith.addf %add3A_1523, %add3A_1524 : vector<16xf32>
      %max3A_1526 = arith.constant 0.000000e+00 : f32
      %max3A_1527 = vector.broadcast %max3A_1526 : f32 to vector<16xf32>
      %max3A_1528 = arith.maximumf %add3A_1525, %max3A_1527 : vector<16xf32>
      %jit3A_1529 = arith.constant 0.000000e+00 : f32
      %broadcast_in_dim3A_1530 = vector.broadcast %jit3A_1529 : f32 to vector<16xf32>
      %select_n3A_1531 = arith.select %lt3A_1410, %max3A_1528, %broadcast_in_dim3A_1530 : vector<16xi1>, vector<16xf32>
      %swap3A_1532 = arith.constant 5 : i32
      %swap3A_1533 = arith.index_cast %swap3A_1532 : i32 to index
      %swap3A_1534 = arith.index_cast %mul3A_1406 : i32 to index
      %swap3A_1535 = tpu.vector_load %arg13[%swap3A_1533, %swap3A_1534] {strides = array<i32>} : memref<8x4096xf32, #tpu.memory_space<vmem>>, vector<16xf32>,
      tpu.vector_store %arg13[%swap3A_1533, %swap3A_1534], %select_n3A_1531 {strides = array<i32>} : memref<8x4096xf32, #tpu.memory_space<vmem>>, vector<16xf32>,
      %add3A_1536 = arith.addf %add3A_1360, %select_n3A_1531 : vector<16xf32>
      %mul3A_1537 = vector.broadcast %reduce_sum3A_861 : f32 to vector<16xf32>
      %mul3A_1538 = arith.mulf %gather3A_1154, %mul3A_1537 : vector<16xf32>
      %mul3A_1539 = vector.broadcast %reduce_sum3A_872 : f32 to vector<16xf32>
      %mul3A_1540 = arith.mulf %gather3A_1158, %mul3A_1539 : vector<16xf32>
      %add3A_1541 = arith.addf %mul3A_1538, %mul3A_1540 : vector<16xf32>
      %mul3A_1542 = vector.broadcast %reduce_sum3A_883 : f32 to vector<16xf32>
      %mul3A_1543 = arith.mulf %gather3A_1162, %mul3A_1542 : vector<16xf32>
      %add3A_1544 = arith.addf %add3A_1541, %mul3A_1543 : vector<16xf32>
      %add3A_1545 = vector.broadcast %reduce_sum3A_894 : f32 to vector<16xf32>
      %add3A_1546 = arith.addf %add3A_1544, %add3A_1545 : vector<16xf32>
      %max3A_1547 = arith.constant 0.000000e+00 : f32
      %max3A_1548 = vector.broadcast %max3A_1547 : f32 to vector<16xf32>
      %max3A_1549 = arith.maximumf %add3A_1546, %max3A_1548 : vector<16xf32>
      %jit3A_1550 = arith.constant 0.000000e+00 : f32
      %broadcast_in_dim3A_1551 = vector.broadcast %jit3A_1550 : f32 to vector<16xf32>
      %select_n3A_1552 = arith.select %lt3A_1410, %max3A_1549, %broadcast_in_dim3A_1551 : vector<16xi1>, vector<16xf32>
      %swap3A_1553 = arith.constant 6 : i32
      %swap3A_1554 = arith.index_cast %swap3A_1553 : i32 to index
      %swap3A_1555 = arith.index_cast %mul3A_1406 : i32 to index
      %swap3A_1556 = tpu.vector_load %arg13[%swap3A_1554, %swap3A_1555] {strides = array<i32>} : memref<8x4096xf32, #tpu.memory_space<vmem>>, vector<16xf32>,
      tpu.vector_store %arg13[%swap3A_1554, %swap3A_1555], %select_n3A_1552 {strides = array<i32>} : memref<8x4096xf32, #tpu.memory_space<vmem>>, vector<16xf32>,
      %add3A_1557 = arith.addf %add3A_1381, %select_n3A_1552 : vector<16xf32>
      %mul3A_1558 = vector.broadcast %reduce_sum3A_905 : f32 to vector<16xf32>
      %mul3A_1559 = arith.mulf %gather3A_1154, %mul3A_1558 : vector<16xf32>
      %mul3A_1560 = vector.broadcast %reduce_sum3A_916 : f32 to vector<16xf32>
      %mul3A_1561 = arith.mulf %gather3A_1158, %mul3A_1560 : vector<16xf32>
      %add3A_1562 = arith.addf %mul3A_1559, %mul3A_1561 : vector<16xf32>
      %mul3A_1563 = vector.broadcast %reduce_sum3A_927 : f32 to vector<16xf32>
      %mul3A_1564 = arith.mulf %gather3A_1162, %mul3A_1563 : vector<16xf32>
      %add3A_1565 = arith.addf %add3A_1562, %mul3A_1564 : vector<16xf32>
      %add3A_1566 = vector.broadcast %reduce_sum3A_938 : f32 to vector<16xf32>
      %add3A_1567 = arith.addf %add3A_1565, %add3A_1566 : vector<16xf32>
      %max3A_1568 = arith.constant 0.000000e+00 : f32
      %max3A_1569 = vector.broadcast %max3A_1568 : f32 to vector<16xf32>
      %max3A_1570 = arith.maximumf %add3A_1567, %max3A_1569 : vector<16xf32>
      %jit3A_1571 = arith.constant 0.000000e+00 : f32
      %broadcast_in_dim3A_1572 = vector.broadcast %jit3A_1571 : f32 to vector<16xf32>
      %select_n3A_1573 = arith.select %lt3A_1410, %max3A_1570, %broadcast_in_dim3A_1572 : vector<16xi1>, vector<16xf32>
      %swap3A_1574 = arith.constant 7 : i32
      %swap3A_1575 = arith.index_cast %swap3A_1574 : i32 to index
      %swap3A_1576 = arith.index_cast %mul3A_1406 : i32 to index
      %swap3A_1577 = tpu.vector_load %arg13[%swap3A_1575, %swap3A_1576] {strides = array<i32>} : memref<8x4096xf32, #tpu.memory_space<vmem>>, vector<16xf32>,
      tpu.vector_store %arg13[%swap3A_1575, %swap3A_1576], %select_n3A_1573 {strides = array<i32>} : memref<8x4096xf32, #tpu.memory_space<vmem>>, vector<16xf32>,
      %add3A_1578 = arith.addf %add3A_1402, %select_n3A_1573 : vector<16xf32>
      %add3A_1579 = arith.constant 2 : i32
      %add3A_1580 = arith.addi %mul3A_1140, %add3A_1579 : i32
      %mul3A_1581 = arith.constant 16 : i32
      %mul3A_1582 = arith.muli %add3A_1580, %mul3A_1581 : i32
      %add3A_1583 = vector.broadcast %mul3A_1582 : i32 to vector<16xi32>
      %add3A_1584 = arith.addi %add3A_1583, %iota3A : vector<16xi32>
      %lt3A_1585 = vector.broadcast %min3A_564 : i32 to vector<16xi32>
      %lt3A_1586 = arith.cmpi slt, %add3A_1584, %lt3A_1585 : vector<16xi32>
      %mul3A_1587 = vector.broadcast %reduce_sum3A_597 : f32 to vector<16xf32>
      %mul3A_1588 = arith.mulf %gather3A_1176, %mul3A_1587 : vector<16xf32>
      %mul3A_1589 = vector.broadcast %reduce_sum3A_608 : f32 to vector<16xf32>
      %mul3A_1590 = arith.mulf %gather3A_1180, %mul3A_1589 : vector<16xf32>
      %add3A_1591 = arith.addf %mul3A_1588, %mul3A_1590 : vector<16xf32>
      %mul3A_1592 = vector.broadcast %reduce_sum3A_619 : f32 to vector<16xf32>
      %mul3A_1593 = arith.mulf %gather3A_1184, %mul3A_1592 : vector<16xf32>
      %add3A_1594 = arith.addf %add3A_1591, %mul3A_1593 : vector<16xf32>
      %add3A_1595 = vector.broadcast %reduce_sum3A_630 : f32 to vector<16xf32>
      %add3A_1596 = arith.addf %add3A_1594, %add3A_1595 : vector<16xf32>
      %max3A_1597 = arith.constant 0.000000e+00 : f32
      %max3A_1598 = vector.broadcast %max3A_1597 : f32 to vector<16xf32>
      %max3A_1599 = arith.maximumf %add3A_1596, %max3A_1598 : vector<16xf32>
      %jit3A_1600 = arith.constant 0.000000e+00 : f32
      %broadcast_in_dim3A_1601 = vector.broadcast %jit3A_1600 : f32 to vector<16xf32>
      %select_n3A_1602 = arith.select %lt3A_1586, %max3A_1599, %broadcast_in_dim3A_1601 : vector<16xi1>, vector<16xf32>
      %swap3A_1603 = arith.constant 0 : i32
      %swap3A_1604 = arith.index_cast %swap3A_1603 : i32 to index
      %swap3A_1605 = arith.index_cast %mul3A_1582 : i32 to index
      %swap3A_1606 = tpu.vector_load %arg13[%swap3A_1604, %swap3A_1605] {strides = array<i32>} : memref<8x4096xf32, #tpu.memory_space<vmem>>, vector<16xf32>,
      tpu.vector_store %arg13[%swap3A_1604, %swap3A_1605], %select_n3A_1602 {strides = array<i32>} : memref<8x4096xf32, #tpu.memory_space<vmem>>, vector<16xf32>,
      %add3A_1607 = arith.addf %add3A_1431, %select_n3A_1602 : vector<16xf32>
      %mul3A_1608 = vector.broadcast %reduce_sum3A_641 : f32 to vector<16xf32>
      %mul3A_1609 = arith.mulf %gather3A_1176, %mul3A_1608 : vector<16xf32>
      %mul3A_1610 = vector.broadcast %reduce_sum3A_652 : f32 to vector<16xf32>
      %mul3A_1611 = arith.mulf %gather3A_1180, %mul3A_1610 : vector<16xf32>
      %add3A_1612 = arith.addf %mul3A_1609, %mul3A_1611 : vector<16xf32>
      %mul3A_1613 = vector.broadcast %reduce_sum3A_663 : f32 to vector<16xf32>
      %mul3A_1614 = arith.mulf %gather3A_1184, %mul3A_1613 : vector<16xf32>
      %add3A_1615 = arith.addf %add3A_1612, %mul3A_1614 : vector<16xf32>
      %add3A_1616 = vector.broadcast %reduce_sum3A_674 : f32 to vector<16xf32>
      %add3A_1617 = arith.addf %add3A_1615, %add3A_1616 : vector<16xf32>
      %max3A_1618 = arith.constant 0.000000e+00 : f32
      %max3A_1619 = vector.broadcast %max3A_1618 : f32 to vector<16xf32>
      %max3A_1620 = arith.maximumf %add3A_1617, %max3A_1619 : vector<16xf32>
      %jit3A_1621 = arith.constant 0.000000e+00 : f32
      %broadcast_in_dim3A_1622 = vector.broadcast %jit3A_1621 : f32 to vector<16xf32>
      %select_n3A_1623 = arith.select %lt3A_1586, %max3A_1620, %broadcast_in_dim3A_1622 : vector<16xi1>, vector<16xf32>
      %swap3A_1624 = arith.constant 1 : i32
      %swap3A_1625 = arith.index_cast %swap3A_1624 : i32 to index
      %swap3A_1626 = arith.index_cast %mul3A_1582 : i32 to index
      %swap3A_1627 = tpu.vector_load %arg13[%swap3A_1625, %swap3A_1626] {strides = array<i32>} : memref<8x4096xf32, #tpu.memory_space<vmem>>, vector<16xf32>,
      tpu.vector_store %arg13[%swap3A_1625, %swap3A_1626], %select_n3A_1623 {strides = array<i32>} : memref<8x4096xf32, #tpu.memory_space<vmem>>, vector<16xf32>,
      %add3A_1628 = arith.addf %add3A_1452, %select_n3A_1623 : vector<16xf32>
      %mul3A_1629 = vector.broadcast %reduce_sum3A_685 : f32 to vector<16xf32>
      %mul3A_1630 = arith.mulf %gather3A_1176, %mul3A_1629 : vector<16xf32>
      %mul3A_1631 = vector.broadcast %reduce_sum3A_696 : f32 to vector<16xf32>
      %mul3A_1632 = arith.mulf %gather3A_1180, %mul3A_1631 : vector<16xf32>
      %add3A_1633 = arith.addf %mul3A_1630, %mul3A_1632 : vector<16xf32>
      %mul3A_1634 = vector.broadcast %reduce_sum3A_707 : f32 to vector<16xf32>
      %mul3A_1635 = arith.mulf %gather3A_1184, %mul3A_1634 : vector<16xf32>
      %add3A_1636 = arith.addf %add3A_1633, %mul3A_1635 : vector<16xf32>
      %add3A_1637 = vector.broadcast %reduce_sum3A_718 : f32 to vector<16xf32>
      %add3A_1638 = arith.addf %add3A_1636, %add3A_1637 : vector<16xf32>
      %max3A_1639 = arith.constant 0.000000e+00 : f32
      %max3A_1640 = vector.broadcast %max3A_1639 : f32 to vector<16xf32>
      %max3A_1641 = arith.maximumf %add3A_1638, %max3A_1640 : vector<16xf32>
      %jit3A_1642 = arith.constant 0.000000e+00 : f32
      %broadcast_in_dim3A_1643 = vector.broadcast %jit3A_1642 : f32 to vector<16xf32>
      %select_n3A_1644 = arith.select %lt3A_1586, %max3A_1641, %broadcast_in_dim3A_1643 : vector<16xi1>, vector<16xf32>
      %swap3A_1645 = arith.constant 2 : i32
      %swap3A_1646 = arith.index_cast %swap3A_1645 : i32 to index
      %swap3A_1647 = arith.index_cast %mul3A_1582 : i32 to index
      %swap3A_1648 = tpu.vector_load %arg13[%swap3A_1646, %swap3A_1647] {strides = array<i32>} : memref<8x4096xf32, #tpu.memory_space<vmem>>, vector<16xf32>,
      tpu.vector_store %arg13[%swap3A_1646, %swap3A_1647], %select_n3A_1644 {strides = array<i32>} : memref<8x4096xf32, #tpu.memory_space<vmem>>, vector<16xf32>,
      %add3A_1649 = arith.addf %add3A_1473, %select_n3A_1644 : vector<16xf32>
      %mul3A_1650 = vector.broadcast %reduce_sum3A_729 : f32 to vector<16xf32>
      %mul3A_1651 = arith.mulf %gather3A_1176, %mul3A_1650 : vector<16xf32>
      %mul3A_1652 = vector.broadcast %reduce_sum3A_740 : f32 to vector<16xf32>
      %mul3A_1653 = arith.mulf %gather3A_1180, %mul3A_1652 : vector<16xf32>
      %add3A_1654 = arith.addf %mul3A_1651, %mul3A_1653 : vector<16xf32>
      %mul3A_1655 = vector.broadcast %reduce_sum3A_751 : f32 to vector<16xf32>
      %mul3A_1656 = arith.mulf %gather3A_1184, %mul3A_1655 : vector<16xf32>
      %add3A_1657 = arith.addf %add3A_1654, %mul3A_1656 : vector<16xf32>
      %add3A_1658 = vector.broadcast %reduce_sum3A_762 : f32 to vector<16xf32>
      %add3A_1659 = arith.addf %add3A_1657, %add3A_1658 : vector<16xf32>
      %max3A_1660 = arith.constant 0.000000e+00 : f32
      %max3A_1661 = vector.broadcast %max3A_1660 : f32 to vector<16xf32>
      %max3A_1662 = arith.maximumf %add3A_1659, %max3A_1661 : vector<16xf32>
      %jit3A_1663 = arith.constant 0.000000e+00 : f32
      %broadcast_in_dim3A_1664 = vector.broadcast %jit3A_1663 : f32 to vector<16xf32>
      %select_n3A_1665 = arith.select %lt3A_1586, %max3A_1662, %broadcast_in_dim3A_1664 : vector<16xi1>, vector<16xf32>
      %swap3A_1666 = arith.constant 3 : i32
      %swap3A_1667 = arith.index_cast %swap3A_1666 : i32 to index
      %swap3A_1668 = arith.index_cast %mul3A_1582 : i32 to index
      %swap3A_1669 = tpu.vector_load %arg13[%swap3A_1667, %swap3A_1668] {strides = array<i32>} : memref<8x4096xf32, #tpu.memory_space<vmem>>, vector<16xf32>,
      tpu.vector_store %arg13[%swap3A_1667, %swap3A_1668], %select_n3A_1665 {strides = array<i32>} : memref<8x4096xf32, #tpu.memory_space<vmem>>, vector<16xf32>,
      %add3A_1670 = arith.addf %add3A_1494, %select_n3A_1665 : vector<16xf32>
      %mul3A_1671 = vector.broadcast %reduce_sum3A_773 : f32 to vector<16xf32>
      %mul3A_1672 = arith.mulf %gather3A_1176, %mul3A_1671 : vector<16xf32>
      %mul3A_1673 = vector.broadcast %reduce_sum3A_784 : f32 to vector<16xf32>
      %mul3A_1674 = arith.mulf %gather3A_1180, %mul3A_1673 : vector<16xf32>
      %add3A_1675 = arith.addf %mul3A_1672, %mul3A_1674 : vector<16xf32>
      %mul3A_1676 = vector.broadcast %reduce_sum3A_795 : f32 to vector<16xf32>
      %mul3A_1677 = arith.mulf %gather3A_1184, %mul3A_1676 : vector<16xf32>
      %add3A_1678 = arith.addf %add3A_1675, %mul3A_1677 : vector<16xf32>
      %add3A_1679 = vector.broadcast %reduce_sum3A_806 : f32 to vector<16xf32>
      %add3A_1680 = arith.addf %add3A_1678, %add3A_1679 : vector<16xf32>
      %max3A_1681 = arith.constant 0.000000e+00 : f32
      %max3A_1682 = vector.broadcast %max3A_1681 : f32 to vector<16xf32>
      %max3A_1683 = arith.maximumf %add3A_1680, %max3A_1682 : vector<16xf32>
      %jit3A_1684 = arith.constant 0.000000e+00 : f32
      %broadcast_in_dim3A_1685 = vector.broadcast %jit3A_1684 : f32 to vector<16xf32>
      %select_n3A_1686 = arith.select %lt3A_1586, %max3A_1683, %broadcast_in_dim3A_1685 : vector<16xi1>, vector<16xf32>
      %swap3A_1687 = arith.constant 4 : i32
      %swap3A_1688 = arith.index_cast %swap3A_1687 : i32 to index
      %swap3A_1689 = arith.index_cast %mul3A_1582 : i32 to index
      %swap3A_1690 = tpu.vector_load %arg13[%swap3A_1688, %swap3A_1689] {strides = array<i32>} : memref<8x4096xf32, #tpu.memory_space<vmem>>, vector<16xf32>,
      tpu.vector_store %arg13[%swap3A_1688, %swap3A_1689], %select_n3A_1686 {strides = array<i32>} : memref<8x4096xf32, #tpu.memory_space<vmem>>, vector<16xf32>,
      %add3A_1691 = arith.addf %add3A_1515, %select_n3A_1686 : vector<16xf32>
      %mul3A_1692 = vector.broadcast %reduce_sum3A_817 : f32 to vector<16xf32>
      %mul3A_1693 = arith.mulf %gather3A_1176, %mul3A_1692 : vector<16xf32>
      %mul3A_1694 = vector.broadcast %reduce_sum3A_828 : f32 to vector<16xf32>
      %mul3A_1695 = arith.mulf %gather3A_1180, %mul3A_1694 : vector<16xf32>
      %add3A_1696 = arith.addf %mul3A_1693, %mul3A_1695 : vector<16xf32>
      %mul3A_1697 = vector.broadcast %reduce_sum3A_839 : f32 to vector<16xf32>
      %mul3A_1698 = arith.mulf %gather3A_1184, %mul3A_1697 : vector<16xf32>
      %add3A_1699 = arith.addf %add3A_1696, %mul3A_1698 : vector<16xf32>
      %add3A_1700 = vector.broadcast %reduce_sum3A_850 : f32 to vector<16xf32>
      %add3A_1701 = arith.addf %add3A_1699, %add3A_1700 : vector<16xf32>
      %max3A_1702 = arith.constant 0.000000e+00 : f32
      %max3A_1703 = vector.broadcast %max3A_1702 : f32 to vector<16xf32>
      %max3A_1704 = arith.maximumf %add3A_1701, %max3A_1703 : vector<16xf32>
      %jit3A_1705 = arith.constant 0.000000e+00 : f32
      %broadcast_in_dim3A_1706 = vector.broadcast %jit3A_1705 : f32 to vector<16xf32>
      %select_n3A_1707 = arith.select %lt3A_1586, %max3A_1704, %broadcast_in_dim3A_1706 : vector<16xi1>, vector<16xf32>
      %swap3A_1708 = arith.constant 5 : i32
      %swap3A_1709 = arith.index_cast %swap3A_1708 : i32 to index
      %swap3A_1710 = arith.index_cast %mul3A_1582 : i32 to index
      %swap3A_1711 = tpu.vector_load %arg13[%swap3A_1709, %swap3A_1710] {strides = array<i32>} : memref<8x4096xf32, #tpu.memory_space<vmem>>, vector<16xf32>,
      tpu.vector_store %arg13[%swap3A_1709, %swap3A_1710], %select_n3A_1707 {strides = array<i32>} : memref<8x4096xf32, #tpu.memory_space<vmem>>, vector<16xf32>,
      %add3A_1712 = arith.addf %add3A_1536, %select_n3A_1707 : vector<16xf32>
      %mul3A_1713 = vector.broadcast %reduce_sum3A_861 : f32 to vector<16xf32>
      %mul3A_1714 = arith.mulf %gather3A_1176, %mul3A_1713 : vector<16xf32>
      %mul3A_1715 = vector.broadcast %reduce_sum3A_872 : f32 to vector<16xf32>
      %mul3A_1716 = arith.mulf %gather3A_1180, %mul3A_1715 : vector<16xf32>
      %add3A_1717 = arith.addf %mul3A_1714, %mul3A_1716 : vector<16xf32>
      %mul3A_1718 = vector.broadcast %reduce_sum3A_883 : f32 to vector<16xf32>
      %mul3A_1719 = arith.mulf %gather3A_1184, %mul3A_1718 : vector<16xf32>
      %add3A_1720 = arith.addf %add3A_1717, %mul3A_1719 : vector<16xf32>
      %add3A_1721 = vector.broadcast %reduce_sum3A_894 : f32 to vector<16xf32>
      %add3A_1722 = arith.addf %add3A_1720, %add3A_1721 : vector<16xf32>
      %max3A_1723 = arith.constant 0.000000e+00 : f32
      %max3A_1724 = vector.broadcast %max3A_1723 : f32 to vector<16xf32>
      %max3A_1725 = arith.maximumf %add3A_1722, %max3A_1724 : vector<16xf32>
      %jit3A_1726 = arith.constant 0.000000e+00 : f32
      %broadcast_in_dim3A_1727 = vector.broadcast %jit3A_1726 : f32 to vector<16xf32>
      %select_n3A_1728 = arith.select %lt3A_1586, %max3A_1725, %broadcast_in_dim3A_1727 : vector<16xi1>, vector<16xf32>
      %swap3A_1729 = arith.constant 6 : i32
      %swap3A_1730 = arith.index_cast %swap3A_1729 : i32 to index
      %swap3A_1731 = arith.index_cast %mul3A_1582 : i32 to index
      %swap3A_1732 = tpu.vector_load %arg13[%swap3A_1730, %swap3A_1731] {strides = array<i32>} : memref<8x4096xf32, #tpu.memory_space<vmem>>, vector<16xf32>,
      tpu.vector_store %arg13[%swap3A_1730, %swap3A_1731], %select_n3A_1728 {strides = array<i32>} : memref<8x4096xf32, #tpu.memory_space<vmem>>, vector<16xf32>,
      %add3A_1733 = arith.addf %add3A_1557, %select_n3A_1728 : vector<16xf32>
      %mul3A_1734 = vector.broadcast %reduce_sum3A_905 : f32 to vector<16xf32>
      %mul3A_1735 = arith.mulf %gather3A_1176, %mul3A_1734 : vector<16xf32>
      %mul3A_1736 = vector.broadcast %reduce_sum3A_916 : f32 to vector<16xf32>
      %mul3A_1737 = arith.mulf %gather3A_1180, %mul3A_1736 : vector<16xf32>
      %add3A_1738 = arith.addf %mul3A_1735, %mul3A_1737 : vector<16xf32>
      %mul3A_1739 = vector.broadcast %reduce_sum3A_927 : f32 to vector<16xf32>
      %mul3A_1740 = arith.mulf %gather3A_1184, %mul3A_1739 : vector<16xf32>
      %add3A_1741 = arith.addf %add3A_1738, %mul3A_1740 : vector<16xf32>
      %add3A_1742 = vector.broadcast %reduce_sum3A_938 : f32 to vector<16xf32>
      %add3A_1743 = arith.addf %add3A_1741, %add3A_1742 : vector<16xf32>
      %max3A_1744 = arith.constant 0.000000e+00 : f32
      %max3A_1745 = vector.broadcast %max3A_1744 : f32 to vector<16xf32>
      %max3A_1746 = arith.maximumf %add3A_1743, %max3A_1745 : vector<16xf32>
      %jit3A_1747 = arith.constant 0.000000e+00 : f32
      %broadcast_in_dim3A_1748 = vector.broadcast %jit3A_1747 : f32 to vector<16xf32>
      %select_n3A_1749 = arith.select %lt3A_1586, %max3A_1746, %broadcast_in_dim3A_1748 : vector<16xi1>, vector<16xf32>
      %swap3A_1750 = arith.constant 7 : i32
      %swap3A_1751 = arith.index_cast %swap3A_1750 : i32 to index
      %swap3A_1752 = arith.index_cast %mul3A_1582 : i32 to index
      %swap3A_1753 = tpu.vector_load %arg13[%swap3A_1751, %swap3A_1752] {strides = array<i32>} : memref<8x4096xf32, #tpu.memory_space<vmem>>, vector<16xf32>,
      tpu.vector_store %arg13[%swap3A_1751, %swap3A_1752], %select_n3A_1749 {strides = array<i32>} : memref<8x4096xf32, #tpu.memory_space<vmem>>, vector<16xf32>,
      %add3A_1754 = arith.addf %add3A_1578, %select_n3A_1749 : vector<16xf32>
      %add3A_1755 = arith.constant 3 : i32
      %add3A_1756 = arith.addi %mul3A_1140, %add3A_1755 : i32
      %mul3A_1757 = arith.constant 16 : i32
      %mul3A_1758 = arith.muli %add3A_1756, %mul3A_1757 : i32
      %add3A_1759 = vector.broadcast %mul3A_1758 : i32 to vector<16xi32>
      %add3A_1760 = arith.addi %add3A_1759, %iota3A : vector<16xi32>
      %lt3A_1761 = vector.broadcast %min3A_564 : i32 to vector<16xi32>
      %lt3A_1762 = arith.cmpi slt, %add3A_1760, %lt3A_1761 : vector<16xi32>
      %mul3A_1763 = vector.broadcast %reduce_sum3A_597 : f32 to vector<16xf32>
      %mul3A_1764 = arith.mulf %gather3A_1198, %mul3A_1763 : vector<16xf32>
      %mul3A_1765 = vector.broadcast %reduce_sum3A_608 : f32 to vector<16xf32>
      %mul3A_1766 = arith.mulf %gather3A_1202, %mul3A_1765 : vector<16xf32>
      %add3A_1767 = arith.addf %mul3A_1764, %mul3A_1766 : vector<16xf32>
      %mul3A_1768 = vector.broadcast %reduce_sum3A_619 : f32 to vector<16xf32>
      %mul3A_1769 = arith.mulf %gather3A_1206, %mul3A_1768 : vector<16xf32>
      %add3A_1770 = arith.addf %add3A_1767, %mul3A_1769 : vector<16xf32>
      %add3A_1771 = vector.broadcast %reduce_sum3A_630 : f32 to vector<16xf32>
      %add3A_1772 = arith.addf %add3A_1770, %add3A_1771 : vector<16xf32>
      %max3A_1773 = arith.constant 0.000000e+00 : f32
      %max3A_1774 = vector.broadcast %max3A_1773 : f32 to vector<16xf32>
      %max3A_1775 = arith.maximumf %add3A_1772, %max3A_1774 : vector<16xf32>
      %jit3A_1776 = arith.constant 0.000000e+00 : f32
      %broadcast_in_dim3A_1777 = vector.broadcast %jit3A_1776 : f32 to vector<16xf32>
      %select_n3A_1778 = arith.select %lt3A_1762, %max3A_1775, %broadcast_in_dim3A_1777 : vector<16xi1>, vector<16xf32>
      %swap3A_1779 = arith.constant 0 : i32
      %swap3A_1780 = arith.index_cast %swap3A_1779 : i32 to index
      %swap3A_1781 = arith.index_cast %mul3A_1758 : i32 to index
      %swap3A_1782 = tpu.vector_load %arg13[%swap3A_1780, %swap3A_1781] {strides = array<i32>} : memref<8x4096xf32, #tpu.memory_space<vmem>>, vector<16xf32>,
      tpu.vector_store %arg13[%swap3A_1780, %swap3A_1781], %select_n3A_1778 {strides = array<i32>} : memref<8x4096xf32, #tpu.memory_space<vmem>>, vector<16xf32>,
      %add3A_1783 = arith.addf %add3A_1607, %select_n3A_1778 : vector<16xf32>
      %mul3A_1784 = vector.broadcast %reduce_sum3A_641 : f32 to vector<16xf32>
      %mul3A_1785 = arith.mulf %gather3A_1198, %mul3A_1784 : vector<16xf32>
      %mul3A_1786 = vector.broadcast %reduce_sum3A_652 : f32 to vector<16xf32>
      %mul3A_1787 = arith.mulf %gather3A_1202, %mul3A_1786 : vector<16xf32>
      %add3A_1788 = arith.addf %mul3A_1785, %mul3A_1787 : vector<16xf32>
      %mul3A_1789 = vector.broadcast %reduce_sum3A_663 : f32 to vector<16xf32>
      %mul3A_1790 = arith.mulf %gather3A_1206, %mul3A_1789 : vector<16xf32>
      %add3A_1791 = arith.addf %add3A_1788, %mul3A_1790 : vector<16xf32>
      %add3A_1792 = vector.broadcast %reduce_sum3A_674 : f32 to vector<16xf32>
      %add3A_1793 = arith.addf %add3A_1791, %add3A_1792 : vector<16xf32>
      %max3A_1794 = arith.constant 0.000000e+00 : f32
      %max3A_1795 = vector.broadcast %max3A_1794 : f32 to vector<16xf32>
      %max3A_1796 = arith.maximumf %add3A_1793, %max3A_1795 : vector<16xf32>
      %jit3A_1797 = arith.constant 0.000000e+00 : f32
      %broadcast_in_dim3A_1798 = vector.broadcast %jit3A_1797 : f32 to vector<16xf32>
      %select_n3A_1799 = arith.select %lt3A_1762, %max3A_1796, %broadcast_in_dim3A_1798 : vector<16xi1>, vector<16xf32>
      %swap3A_1800 = arith.constant 1 : i32
      %swap3A_1801 = arith.index_cast %swap3A_1800 : i32 to index
      %swap3A_1802 = arith.index_cast %mul3A_1758 : i32 to index
      %swap3A_1803 = tpu.vector_load %arg13[%swap3A_1801, %swap3A_1802] {strides = array<i32>} : memref<8x4096xf32, #tpu.memory_space<vmem>>, vector<16xf32>,
      tpu.vector_store %arg13[%swap3A_1801, %swap3A_1802], %select_n3A_1799 {strides = array<i32>} : memref<8x4096xf32, #tpu.memory_space<vmem>>, vector<16xf32>,
      %add3A_1804 = arith.addf %add3A_1628, %select_n3A_1799 : vector<16xf32>
      %mul3A_1805 = vector.broadcast %reduce_sum3A_685 : f32 to vector<16xf32>
      %mul3A_1806 = arith.mulf %gather3A_1198, %mul3A_1805 : vector<16xf32>
      %mul3A_1807 = vector.broadcast %reduce_sum3A_696 : f32 to vector<16xf32>
      %mul3A_1808 = arith.mulf %gather3A_1202, %mul3A_1807 : vector<16xf32>
      %add3A_1809 = arith.addf %mul3A_1806, %mul3A_1808 : vector<16xf32>
      %mul3A_1810 = vector.broadcast %reduce_sum3A_707 : f32 to vector<16xf32>
      %mul3A_1811 = arith.mulf %gather3A_1206, %mul3A_1810 : vector<16xf32>
      %add3A_1812 = arith.addf %add3A_1809, %mul3A_1811 : vector<16xf32>
      %add3A_1813 = vector.broadcast %reduce_sum3A_718 : f32 to vector<16xf32>
      %add3A_1814 = arith.addf %add3A_1812, %add3A_1813 : vector<16xf32>
      %max3A_1815 = arith.constant 0.000000e+00 : f32
      %max3A_1816 = vector.broadcast %max3A_1815 : f32 to vector<16xf32>
      %max3A_1817 = arith.maximumf %add3A_1814, %max3A_1816 : vector<16xf32>
      %jit3A_1818 = arith.constant 0.000000e+00 : f32
      %broadcast_in_dim3A_1819 = vector.broadcast %jit3A_1818 : f32 to vector<16xf32>
      %select_n3A_1820 = arith.select %lt3A_1762, %max3A_1817, %broadcast_in_dim3A_1819 : vector<16xi1>, vector<16xf32>
      %swap3A_1821 = arith.constant 2 : i32
      %swap3A_1822 = arith.index_cast %swap3A_1821 : i32 to index
      %swap3A_1823 = arith.index_cast %mul3A_1758 : i32 to index
      %swap3A_1824 = tpu.vector_load %arg13[%swap3A_1822, %swap3A_1823] {strides = array<i32>} : memref<8x4096xf32, #tpu.memory_space<vmem>>, vector<16xf32>,
      tpu.vector_store %arg13[%swap3A_1822, %swap3A_1823], %select_n3A_1820 {strides = array<i32>} : memref<8x4096xf32, #tpu.memory_space<vmem>>, vector<16xf32>,
      %add3A_1825 = arith.addf %add3A_1649, %select_n3A_1820 : vector<16xf32>
      %mul3A_1826 = vector.broadcast %reduce_sum3A_729 : f32 to vector<16xf32>
      %mul3A_1827 = arith.mulf %gather3A_1198, %mul3A_1826 : vector<16xf32>
      %mul3A_1828 = vector.broadcast %reduce_sum3A_740 : f32 to vector<16xf32>
      %mul3A_1829 = arith.mulf %gather3A_1202, %mul3A_1828 : vector<16xf32>
      %add3A_1830 = arith.addf %mul3A_1827, %mul3A_1829 : vector<16xf32>
      %mul3A_1831 = vector.broadcast %reduce_sum3A_751 : f32 to vector<16xf32>
      %mul3A_1832 = arith.mulf %gather3A_1206, %mul3A_1831 : vector<16xf32>
      %add3A_1833 = arith.addf %add3A_1830, %mul3A_1832 : vector<16xf32>
      %add3A_1834 = vector.broadcast %reduce_sum3A_762 : f32 to vector<16xf32>
      %add3A_1835 = arith.addf %add3A_1833, %add3A_1834 : vector<16xf32>
      %max3A_1836 = arith.constant 0.000000e+00 : f32
      %max3A_1837 = vector.broadcast %max3A_1836 : f32 to vector<16xf32>
      %max3A_1838 = arith.maximumf %add3A_1835, %max3A_1837 : vector<16xf32>
      %jit3A_1839 = arith.constant 0.000000e+00 : f32
      %broadcast_in_dim3A_1840 = vector.broadcast %jit3A_1839 : f32 to vector<16xf32>
      %select_n3A_1841 = arith.select %lt3A_1762, %max3A_1838, %broadcast_in_dim3A_1840 : vector<16xi1>, vector<16xf32>
      %swap3A_1842 = arith.constant 3 : i32
      %swap3A_1843 = arith.index_cast %swap3A_1842 : i32 to index
      %swap3A_1844 = arith.index_cast %mul3A_1758 : i32 to index
      %swap3A_1845 = tpu.vector_load %arg13[%swap3A_1843, %swap3A_1844] {strides = array<i32>} : memref<8x4096xf32, #tpu.memory_space<vmem>>, vector<16xf32>,
      tpu.vector_store %arg13[%swap3A_1843, %swap3A_1844], %select_n3A_1841 {strides = array<i32>} : memref<8x4096xf32, #tpu.memory_space<vmem>>, vector<16xf32>,
      %add3A_1846 = arith.addf %add3A_1670, %select_n3A_1841 : vector<16xf32>
      %mul3A_1847 = vector.broadcast %reduce_sum3A_773 : f32 to vector<16xf32>
      %mul3A_1848 = arith.mulf %gather3A_1198, %mul3A_1847 : vector<16xf32>
      %mul3A_1849 = vector.broadcast %reduce_sum3A_784 : f32 to vector<16xf32>
      %mul3A_1850 = arith.mulf %gather3A_1202, %mul3A_1849 : vector<16xf32>
      %add3A_1851 = arith.addf %mul3A_1848, %mul3A_1850 : vector<16xf32>
      %mul3A_1852 = vector.broadcast %reduce_sum3A_795 : f32 to vector<16xf32>
      %mul3A_1853 = arith.mulf %gather3A_1206, %mul3A_1852 : vector<16xf32>
      %add3A_1854 = arith.addf %add3A_1851, %mul3A_1853 : vector<16xf32>
      %add3A_1855 = vector.broadcast %reduce_sum3A_806 : f32 to vector<16xf32>
      %add3A_1856 = arith.addf %add3A_1854, %add3A_1855 : vector<16xf32>
      %max3A_1857 = arith.constant 0.000000e+00 : f32
      %max3A_1858 = vector.broadcast %max3A_1857 : f32 to vector<16xf32>
      %max3A_1859 = arith.maximumf %add3A_1856, %max3A_1858 : vector<16xf32>
      %jit3A_1860 = arith.constant 0.000000e+00 : f32
      %broadcast_in_dim3A_1861 = vector.broadcast %jit3A_1860 : f32 to vector<16xf32>
      %select_n3A_1862 = arith.select %lt3A_1762, %max3A_1859, %broadcast_in_dim3A_1861 : vector<16xi1>, vector<16xf32>
      %swap3A_1863 = arith.constant 4 : i32
      %swap3A_1864 = arith.index_cast %swap3A_1863 : i32 to index
      %swap3A_1865 = arith.index_cast %mul3A_1758 : i32 to index
      %swap3A_1866 = tpu.vector_load %arg13[%swap3A_1864, %swap3A_1865] {strides = array<i32>} : memref<8x4096xf32, #tpu.memory_space<vmem>>, vector<16xf32>,
      tpu.vector_store %arg13[%swap3A_1864, %swap3A_1865], %select_n3A_1862 {strides = array<i32>} : memref<8x4096xf32, #tpu.memory_space<vmem>>, vector<16xf32>,
      %add3A_1867 = arith.addf %add3A_1691, %select_n3A_1862 : vector<16xf32>
      %mul3A_1868 = vector.broadcast %reduce_sum3A_817 : f32 to vector<16xf32>
      %mul3A_1869 = arith.mulf %gather3A_1198, %mul3A_1868 : vector<16xf32>
      %mul3A_1870 = vector.broadcast %reduce_sum3A_828 : f32 to vector<16xf32>
      %mul3A_1871 = arith.mulf %gather3A_1202, %mul3A_1870 : vector<16xf32>
      %add3A_1872 = arith.addf %mul3A_1869, %mul3A_1871 : vector<16xf32>
      %mul3A_1873 = vector.broadcast %reduce_sum3A_839 : f32 to vector<16xf32>
      %mul3A_1874 = arith.mulf %gather3A_1206, %mul3A_1873 : vector<16xf32>
      %add3A_1875 = arith.addf %add3A_1872, %mul3A_1874 : vector<16xf32>
      %add3A_1876 = vector.broadcast %reduce_sum3A_850 : f32 to vector<16xf32>
      %add3A_1877 = arith.addf %add3A_1875, %add3A_1876 : vector<16xf32>
      %max3A_1878 = arith.constant 0.000000e+00 : f32
      %max3A_1879 = vector.broadcast %max3A_1878 : f32 to vector<16xf32>
      %max3A_1880 = arith.maximumf %add3A_1877, %max3A_1879 : vector<16xf32>
      %jit3A_1881 = arith.constant 0.000000e+00 : f32
      %broadcast_in_dim3A_1882 = vector.broadcast %jit3A_1881 : f32 to vector<16xf32>
      %select_n3A_1883 = arith.select %lt3A_1762, %max3A_1880, %broadcast_in_dim3A_1882 : vector<16xi1>, vector<16xf32>
      %swap3A_1884 = arith.constant 5 : i32
      %swap3A_1885 = arith.index_cast %swap3A_1884 : i32 to index
      %swap3A_1886 = arith.index_cast %mul3A_1758 : i32 to index
      %swap3A_1887 = tpu.vector_load %arg13[%swap3A_1885, %swap3A_1886] {strides = array<i32>} : memref<8x4096xf32, #tpu.memory_space<vmem>>, vector<16xf32>,
      tpu.vector_store %arg13[%swap3A_1885, %swap3A_1886], %select_n3A_1883 {strides = array<i32>} : memref<8x4096xf32, #tpu.memory_space<vmem>>, vector<16xf32>,
      %add3A_1888 = arith.addf %add3A_1712, %select_n3A_1883 : vector<16xf32>
      %mul3A_1889 = vector.broadcast %reduce_sum3A_861 : f32 to vector<16xf32>
      %mul3A_1890 = arith.mulf %gather3A_1198, %mul3A_1889 : vector<16xf32>
      %mul3A_1891 = vector.broadcast %reduce_sum3A_872 : f32 to vector<16xf32>
      %mul3A_1892 = arith.mulf %gather3A_1202, %mul3A_1891 : vector<16xf32>
      %add3A_1893 = arith.addf %mul3A_1890, %mul3A_1892 : vector<16xf32>
      %mul3A_1894 = vector.broadcast %reduce_sum3A_883 : f32 to vector<16xf32>
      %mul3A_1895 = arith.mulf %gather3A_1206, %mul3A_1894 : vector<16xf32>
      %add3A_1896 = arith.addf %add3A_1893, %mul3A_1895 : vector<16xf32>
      %add3A_1897 = vector.broadcast %reduce_sum3A_894 : f32 to vector<16xf32>
      %add3A_1898 = arith.addf %add3A_1896, %add3A_1897 : vector<16xf32>
      %max3A_1899 = arith.constant 0.000000e+00 : f32
      %max3A_1900 = vector.broadcast %max3A_1899 : f32 to vector<16xf32>
      %max3A_1901 = arith.maximumf %add3A_1898, %max3A_1900 : vector<16xf32>
      %jit3A_1902 = arith.constant 0.000000e+00 : f32
      %broadcast_in_dim3A_1903 = vector.broadcast %jit3A_1902 : f32 to vector<16xf32>
      %select_n3A_1904 = arith.select %lt3A_1762, %max3A_1901, %broadcast_in_dim3A_1903 : vector<16xi1>, vector<16xf32>
      %swap3A_1905 = arith.constant 6 : i32
      %swap3A_1906 = arith.index_cast %swap3A_1905 : i32 to index
      %swap3A_1907 = arith.index_cast %mul3A_1758 : i32 to index
      %swap3A_1908 = tpu.vector_load %arg13[%swap3A_1906, %swap3A_1907] {strides = array<i32>} : memref<8x4096xf32, #tpu.memory_space<vmem>>, vector<16xf32>,
      tpu.vector_store %arg13[%swap3A_1906, %swap3A_1907], %select_n3A_1904 {strides = array<i32>} : memref<8x4096xf32, #tpu.memory_space<vmem>>, vector<16xf32>,
      %add3A_1909 = arith.addf %add3A_1733, %select_n3A_1904 : vector<16xf32>
      %mul3A_1910 = vector.broadcast %reduce_sum3A_905 : f32 to vector<16xf32>
      %mul3A_1911 = arith.mulf %gather3A_1198, %mul3A_1910 : vector<16xf32>
      %mul3A_1912 = vector.broadcast %reduce_sum3A_916 : f32 to vector<16xf32>
      %mul3A_1913 = arith.mulf %gather3A_1202, %mul3A_1912 : vector<16xf32>
      %add3A_1914 = arith.addf %mul3A_1911, %mul3A_1913 : vector<16xf32>
      %mul3A_1915 = vector.broadcast %reduce_sum3A_927 : f32 to vector<16xf32>
      %mul3A_1916 = arith.mulf %gather3A_1206, %mul3A_1915 : vector<16xf32>
      %add3A_1917 = arith.addf %add3A_1914, %mul3A_1916 : vector<16xf32>
      %add3A_1918 = vector.broadcast %reduce_sum3A_938 : f32 to vector<16xf32>
      %add3A_1919 = arith.addf %add3A_1917, %add3A_1918 : vector<16xf32>
      %max3A_1920 = arith.constant 0.000000e+00 : f32
      %max3A_1921 = vector.broadcast %max3A_1920 : f32 to vector<16xf32>
      %max3A_1922 = arith.maximumf %add3A_1919, %max3A_1921 : vector<16xf32>
      %jit3A_1923 = arith.constant 0.000000e+00 : f32
      %broadcast_in_dim3A_1924 = vector.broadcast %jit3A_1923 : f32 to vector<16xf32>
      %select_n3A_1925 = arith.select %lt3A_1762, %max3A_1922, %broadcast_in_dim3A_1924 : vector<16xi1>, vector<16xf32>
      %swap3A_1926 = arith.constant 7 : i32
      %swap3A_1927 = arith.index_cast %swap3A_1926 : i32 to index
      %swap3A_1928 = arith.index_cast %mul3A_1758 : i32 to index
      %swap3A_1929 = tpu.vector_load %arg13[%swap3A_1927, %swap3A_1928] {strides = array<i32>} : memref<8x4096xf32, #tpu.memory_space<vmem>>, vector<16xf32>,
      tpu.vector_store %arg13[%swap3A_1927, %swap3A_1928], %select_n3A_1925 {strides = array<i32>} : memref<8x4096xf32, #tpu.memory_space<vmem>>, vector<16xf32>,
      %add3A_1930 = arith.addf %add3A_1754, %select_n3A_1925 : vector<16xf32>
      scf.yield %gather3A_1220, %gather3A_1224, %gather3A_1228, %add3A_1783, %add3A_1804, %add3A_1825, %add3A_1846, %add3A_1867, %add3A_1888, %add3A_1909, %add3A_1930 : vector<16xf32>, vector<16xf32>, vector<16xf32>, vector<16xf32>, vector<16xf32>, vector<16xf32>, vector<16xf32>, vector<16xf32>, vector<16xf32>, vector<16xf32>, vector<16xf32>
    }
    %mul3A_994 = arith.constant 4 : i32
    %mul3A_995 = arith.muli %select_n3A_964, %mul3A_994 : i32
    %while3A_996 = arith.constant 0 : i32
    %while3A_997 = arith.constant 256 : i32
    %while3A_998 = arith.subi %while3A_997, %mul3A_995 : i32
    %while3A_999 = arith.addi %mul3A_995, %while3A_998 : i32
    %while3A_1000 = arith.constant 1 : i32
    %while3A_1001 = arith.divsi %while3A_998, %while3A_1000 : i32
    %while3A_1002 = arith.muli %while3A_1001, %while3A_1000 : i32
    %while3A_1003 = arith.addi %mul3A_995, %while3A_1002 : i32
    %while3A_1004 = arith.constant 1 : i32
    scf.for %while3A_1127 = %mul3A_995 to %while3A_1003 step %while3A_1004  : i32 {
      %mul3A_1128 = arith.constant 16 : i32
      %mul3A_1129 = arith.muli %while3A_1127, %mul3A_1128 : i32
      %swap3A_1130 = arith.constant 0 : i32
      %swap3A_1131 = arith.index_cast %swap3A_1130 : i32 to index
      %swap3A_1132 = arith.index_cast %mul3A_1129 : i32 to index
      %swap3A_1133 = tpu.vector_load %arg13[%swap3A_1131, %swap3A_1132] {strides = array<i32>} : memref<8x4096xf32, #tpu.memory_space<vmem>>, vector<16xf32>,
      tpu.vector_store %arg13[%swap3A_1131, %swap3A_1132], %broadcast_in_dim3A_571 {strides = array<i32>} : memref<8x4096xf32, #tpu.memory_space<vmem>>, vector<16xf32>,
      %swap3A_1134 = arith.constant 1 : i32
      %swap3A_1135 = arith.index_cast %swap3A_1134 : i32 to index
      %swap3A_1136 = arith.index_cast %mul3A_1129 : i32 to index
      %swap3A_1137 = tpu.vector_load %arg13[%swap3A_1135, %swap3A_1136] {strides = array<i32>} : memref<8x4096xf32, #tpu.memory_space<vmem>>, vector<16xf32>,
      tpu.vector_store %arg13[%swap3A_1135, %swap3A_1136], %broadcast_in_dim3A_571 {strides = array<i32>} : memref<8x4096xf32, #tpu.memory_space<vmem>>, vector<16xf32>,
      %swap3A_1138 = arith.constant 2 : i32
      %swap3A_1139 = arith.index_cast %swap3A_1138 : i32 to index
      %swap3A_1140 = arith.index_cast %mul3A_1129 : i32 to index
      %swap3A_1141 = tpu.vector_load %arg13[%swap3A_1139, %swap3A_1140] {strides = array<i32>} : memref<8x4096xf32, #tpu.memory_space<vmem>>, vector<16xf32>,
      tpu.vector_store %arg13[%swap3A_1139, %swap3A_1140], %broadcast_in_dim3A_571 {strides = array<i32>} : memref<8x4096xf32, #tpu.memory_space<vmem>>, vector<16xf32>,
      %swap3A_1142 = arith.constant 3 : i32
      %swap3A_1143 = arith.index_cast %swap3A_1142 : i32 to index
      %swap3A_1144 = arith.index_cast %mul3A_1129 : i32 to index
      %swap3A_1145 = tpu.vector_load %arg13[%swap3A_1143, %swap3A_1144] {strides = array<i32>} : memref<8x4096xf32, #tpu.memory_space<vmem>>, vector<16xf32>,
      tpu.vector_store %arg13[%swap3A_1143, %swap3A_1144], %broadcast_in_dim3A_571 {strides = array<i32>} : memref<8x4096xf32, #tpu.memory_space<vmem>>, vector<16xf32>,
      %swap3A_1146 = arith.constant 4 : i32
      %swap3A_1147 = arith.index_cast %swap3A_1146 : i32 to index
      %swap3A_1148 = arith.index_cast %mul3A_1129 : i32 to index
      %swap3A_1149 = tpu.vector_load %arg13[%swap3A_1147, %swap3A_1148] {strides = array<i32>} : memref<8x4096xf32, #tpu.memory_space<vmem>>, vector<16xf32>,
      tpu.vector_store %arg13[%swap3A_1147, %swap3A_1148], %broadcast_in_dim3A_571 {strides = array<i32>} : memref<8x4096xf32, #tpu.memory_space<vmem>>, vector<16xf32>,
      %swap3A_1150 = arith.constant 5 : i32
      %swap3A_1151 = arith.index_cast %swap3A_1150 : i32 to index
      %swap3A_1152 = arith.index_cast %mul3A_1129 : i32 to index
      %swap3A_1153 = tpu.vector_load %arg13[%swap3A_1151, %swap3A_1152] {strides = array<i32>} : memref<8x4096xf32, #tpu.memory_space<vmem>>, vector<16xf32>,
      tpu.vector_store %arg13[%swap3A_1151, %swap3A_1152], %broadcast_in_dim3A_571 {strides = array<i32>} : memref<8x4096xf32, #tpu.memory_space<vmem>>, vector<16xf32>,
      %swap3A_1154 = arith.constant 6 : i32
      %swap3A_1155 = arith.index_cast %swap3A_1154 : i32 to index
      %swap3A_1156 = arith.index_cast %mul3A_1129 : i32 to index
      %swap3A_1157 = tpu.vector_load %arg13[%swap3A_1155, %swap3A_1156] {strides = array<i32>} : memref<8x4096xf32, #tpu.memory_space<vmem>>, vector<16xf32>,
      tpu.vector_store %arg13[%swap3A_1155, %swap3A_1156], %broadcast_in_dim3A_571 {strides = array<i32>} : memref<8x4096xf32, #tpu.memory_space<vmem>>, vector<16xf32>,
      %swap3A_1158 = arith.constant 7 : i32
      %swap3A_1159 = arith.index_cast %swap3A_1158 : i32 to index
      %swap3A_1160 = arith.index_cast %mul3A_1129 : i32 to index
      %swap3A_1161 = tpu.vector_load %arg13[%swap3A_1159, %swap3A_1160] {strides = array<i32>} : memref<8x4096xf32, #tpu.memory_space<vmem>>, vector<16xf32>,
      tpu.vector_store %arg13[%swap3A_1159, %swap3A_1160], %broadcast_in_dim3A_571 {strides = array<i32>} : memref<8x4096xf32, #tpu.memory_space<vmem>>, vector<16xf32>,
    }
    %while3A_1005 = arith.constant 1 : i32
    scf.for %while3A_1127 = %while3A_1003 to %while3A_999 step %while3A_1005  : i32 {
      %mul3A_1128 = arith.constant 16 : i32
      %mul3A_1129 = arith.muli %while3A_1127, %mul3A_1128 : i32
      %swap3A_1130 = arith.constant 0 : i32
      %swap3A_1131 = arith.index_cast %swap3A_1130 : i32 to index
      %swap3A_1132 = arith.index_cast %mul3A_1129 : i32 to index
      %swap3A_1133 = tpu.vector_load %arg13[%swap3A_1131, %swap3A_1132] {strides = array<i32>} : memref<8x4096xf32, #tpu.memory_space<vmem>>, vector<16xf32>,
      tpu.vector_store %arg13[%swap3A_1131, %swap3A_1132], %broadcast_in_dim3A_571 {strides = array<i32>} : memref<8x4096xf32, #tpu.memory_space<vmem>>, vector<16xf32>,
      %swap3A_1134 = arith.constant 1 : i32
      %swap3A_1135 = arith.index_cast %swap3A_1134 : i32 to index
      %swap3A_1136 = arith.index_cast %mul3A_1129 : i32 to index
      %swap3A_1137 = tpu.vector_load %arg13[%swap3A_1135, %swap3A_1136] {strides = array<i32>} : memref<8x4096xf32, #tpu.memory_space<vmem>>, vector<16xf32>,
      tpu.vector_store %arg13[%swap3A_1135, %swap3A_1136], %broadcast_in_dim3A_571 {strides = array<i32>} : memref<8x4096xf32, #tpu.memory_space<vmem>>, vector<16xf32>,
      %swap3A_1138 = arith.constant 2 : i32
      %swap3A_1139 = arith.index_cast %swap3A_1138 : i32 to index
      %swap3A_1140 = arith.index_cast %mul3A_1129 : i32 to index
      %swap3A_1141 = tpu.vector_load %arg13[%swap3A_1139, %swap3A_1140] {strides = array<i32>} : memref<8x4096xf32, #tpu.memory_space<vmem>>, vector<16xf32>,
      tpu.vector_store %arg13[%swap3A_1139, %swap3A_1140], %broadcast_in_dim3A_571 {strides = array<i32>} : memref<8x4096xf32, #tpu.memory_space<vmem>>, vector<16xf32>,
      %swap3A_1142 = arith.constant 3 : i32
      %swap3A_1143 = arith.index_cast %swap3A_1142 : i32 to index
      %swap3A_1144 = arith.index_cast %mul3A_1129 : i32 to index
      %swap3A_1145 = tpu.vector_load %arg13[%swap3A_1143, %swap3A_1144] {strides = array<i32>} : memref<8x4096xf32, #tpu.memory_space<vmem>>, vector<16xf32>,
      tpu.vector_store %arg13[%swap3A_1143, %swap3A_1144], %broadcast_in_dim3A_571 {strides = array<i32>} : memref<8x4096xf32, #tpu.memory_space<vmem>>, vector<16xf32>,
      %swap3A_1146 = arith.constant 4 : i32
      %swap3A_1147 = arith.index_cast %swap3A_1146 : i32 to index
      %swap3A_1148 = arith.index_cast %mul3A_1129 : i32 to index
      %swap3A_1149 = tpu.vector_load %arg13[%swap3A_1147, %swap3A_1148] {strides = array<i32>} : memref<8x4096xf32, #tpu.memory_space<vmem>>, vector<16xf32>,
      tpu.vector_store %arg13[%swap3A_1147, %swap3A_1148], %broadcast_in_dim3A_571 {strides = array<i32>} : memref<8x4096xf32, #tpu.memory_space<vmem>>, vector<16xf32>,
      %swap3A_1150 = arith.constant 5 : i32
      %swap3A_1151 = arith.index_cast %swap3A_1150 : i32 to index
      %swap3A_1152 = arith.index_cast %mul3A_1129 : i32 to index
      %swap3A_1153 = tpu.vector_load %arg13[%swap3A_1151, %swap3A_1152] {strides = array<i32>} : memref<8x4096xf32, #tpu.memory_space<vmem>>, vector<16xf32>,
      tpu.vector_store %arg13[%swap3A_1151, %swap3A_1152], %broadcast_in_dim3A_571 {strides = array<i32>} : memref<8x4096xf32, #tpu.memory_space<vmem>>, vector<16xf32>,
      %swap3A_1154 = arith.constant 6 : i32
      %swap3A_1155 = arith.index_cast %swap3A_1154 : i32 to index
      %swap3A_1156 = arith.index_cast %mul3A_1129 : i32 to index
      %swap3A_1157 = tpu.vector_load %arg13[%swap3A_1155, %swap3A_1156] {strides = array<i32>} : memref<8x4096xf32, #tpu.memory_space<vmem>>, vector<16xf32>,
      tpu.vector_store %arg13[%swap3A_1155, %swap3A_1156], %broadcast_in_dim3A_571 {strides = array<i32>} : memref<8x4096xf32, #tpu.memory_space<vmem>>, vector<16xf32>,
      %swap3A_1158 = arith.constant 7 : i32
      %swap3A_1159 = arith.index_cast %swap3A_1158 : i32 to index
      %swap3A_1160 = arith.index_cast %mul3A_1129 : i32 to index
      %swap3A_1161 = tpu.vector_load %arg13[%swap3A_1159, %swap3A_1160] {strides = array<i32>} : memref<8x4096xf32, #tpu.memory_space<vmem>>, vector<16xf32>,
      tpu.vector_store %arg13[%swap3A_1159, %swap3A_1160], %broadcast_in_dim3A_571 {strides = array<i32>} : memref<8x4096xf32, #tpu.memory_space<vmem>>, vector<16xf32>,
    }
    %swap3A_1006 = arith.constant 0 : i32
    %swap3A_1007 = arith.index_cast %swap3A_1006 : i32 to index
    %swap3A_1008 = arith.constant 0 : index
    %swap3A_1009 = tpu.vector_load %arg14[%swap3A_1007, %swap3A_1008] {strides = array<i32>} : memref<8x16xf32, #tpu.memory_space<vmem>>, vector<16xf32>,
    tpu.vector_store %arg14[%swap3A_1007, %swap3A_1008], %while3A_993#3 {strides = array<i32>} : memref<8x16xf32, #tpu.memory_space<vmem>>, vector<16xf32>,
    %swap3A_1010 = arith.constant 1 : i32
    %swap3A_1011 = arith.index_cast %swap3A_1010 : i32 to index
    %swap3A_1012 = arith.constant 0 : index
    %swap3A_1013 = tpu.vector_load %arg14[%swap3A_1011, %swap3A_1012] {strides = array<i32>} : memref<8x16xf32, #tpu.memory_space<vmem>>, vector<16xf32>,
    tpu.vector_store %arg14[%swap3A_1011, %swap3A_1012], %while3A_993#4 {strides = array<i32>} : memref<8x16xf32, #tpu.memory_space<vmem>>, vector<16xf32>,
    %swap3A_1014 = arith.constant 2 : i32
    %swap3A_1015 = arith.index_cast %swap3A_1014 : i32 to index
    %swap3A_1016 = arith.constant 0 : index
    %swap3A_1017 = tpu.vector_load %arg14[%swap3A_1015, %swap3A_1016] {strides = array<i32>} : memref<8x16xf32, #tpu.memory_space<vmem>>, vector<16xf32>,
    tpu.vector_store %arg14[%swap3A_1015, %swap3A_1016], %while3A_993#5 {strides = array<i32>} : memref<8x16xf32, #tpu.memory_space<vmem>>, vector<16xf32>,
    %swap3A_1018 = arith.constant 3 : i32
    %swap3A_1019 = arith.index_cast %swap3A_1018 : i32 to index
    %swap3A_1020 = arith.constant 0 : index
    %swap3A_1021 = tpu.vector_load %arg14[%swap3A_1019, %swap3A_1020] {strides = array<i32>} : memref<8x16xf32, #tpu.memory_space<vmem>>, vector<16xf32>,
    tpu.vector_store %arg14[%swap3A_1019, %swap3A_1020], %while3A_993#6 {strides = array<i32>} : memref<8x16xf32, #tpu.memory_space<vmem>>, vector<16xf32>,
    %swap3A_1022 = arith.constant 4 : i32
    %swap3A_1023 = arith.index_cast %swap3A_1022 : i32 to index
    %swap3A_1024 = arith.constant 0 : index
    %swap3A_1025 = tpu.vector_load %arg14[%swap3A_1023, %swap3A_1024] {strides = array<i32>} : memref<8x16xf32, #tpu.memory_space<vmem>>, vector<16xf32>,
    tpu.vector_store %arg14[%swap3A_1023, %swap3A_1024], %while3A_993#7 {strides = array<i32>} : memref<8x16xf32, #tpu.memory_space<vmem>>, vector<16xf32>,
    %swap3A_1026 = arith.constant 5 : i32
    %swap3A_1027 = arith.index_cast %swap3A_1026 : i32 to index
    %swap3A_1028 = arith.constant 0 : index
    %swap3A_1029 = tpu.vector_load %arg14[%swap3A_1027, %swap3A_1028] {strides = array<i32>} : memref<8x16xf32, #tpu.memory_space<vmem>>, vector<16xf32>,
    tpu.vector_store %arg14[%swap3A_1027, %swap3A_1028], %while3A_993#8 {strides = array<i32>} : memref<8x16xf32, #tpu.memory_space<vmem>>, vector<16xf32>,
    %swap3A_1030 = arith.constant 6 : i32
    %swap3A_1031 = arith.index_cast %swap3A_1030 : i32 to index
    %swap3A_1032 = arith.constant 0 : index
    %swap3A_1033 = tpu.vector_load %arg14[%swap3A_1031, %swap3A_1032] {strides = array<i32>} : memref<8x16xf32, #tpu.memory_space<vmem>>, vector<16xf32>,
    tpu.vector_store %arg14[%swap3A_1031, %swap3A_1032], %while3A_993#9 {strides = array<i32>} : memref<8x16xf32, #tpu.memory_space<vmem>>, vector<16xf32>,
    %swap3A_1034 = arith.constant 7 : i32
    %swap3A_1035 = arith.index_cast %swap3A_1034 : i32 to index
    %swap3A_1036 = arith.constant 0 : index
    %swap3A_1037 = tpu.vector_load %arg14[%swap3A_1035, %swap3A_1036] {strides = array<i32>} : memref<8x16xf32, #tpu.memory_space<vmem>>, vector<16xf32>,
    tpu.vector_store %arg14[%swap3A_1035, %swap3A_1036], %while3A_993#10 {strides = array<i32>} : memref<8x16xf32, #tpu.memory_space<vmem>>, vector<16xf32>,
    %multiple_of3A_1038 = tpu.assume_multiple %mul3A_573, 8 : i32
    "tpu.region"() ({
      %run_scoped3A = tpu.sem_alloc : memref<!tpu.dma_semaphore, #tpu.memory_space<semaphore_mem>>
      %dma_start3A = arith.constant 0 : i32
      %dma_start3A_1127 = tpu.memref_slice %arg6[%select_n3A, %multiple_of3A_1038, %dma_start3A] : memref<16x16x4096xf32, #tpu.memory_space<hbm>> -> memref<1x8x4096xf32, #tpu.memory_space<hbm>>
      %dma_start3A_1128 = tpu.memref_squeeze %dma_start3A_1127 : memref<1x8x4096xf32, #tpu.memory_space<hbm>> -> memref<8x4096xf32, #tpu.memory_space<hbm>>
      %dma_start3A_1129 = arith.constant 0 : i32
      %dma_start3A_1130 = tpu.memref_slice %arg6[%select_n3A, %multiple_of3A_1038, %dma_start3A_1129] : memref<16x16x4096xf32, #tpu.memory_space<hbm>> -> memref<1x8x4096xf32, #tpu.memory_space<hbm>>
      %dma_start3A_1131 = tpu.memref_squeeze %dma_start3A_1130 : memref<1x8x4096xf32, #tpu.memory_space<hbm>> -> memref<8x4096xf32, #tpu.memory_space<hbm>>
      tpu.enqueue_dma source(%arg13 : memref<8x4096xf32, #tpu.memory_space<vmem>>) target(%dma_start3A_1131 : memref<8x4096xf32, #tpu.memory_space<hbm>>) target_semaphore(%run_scoped3A : memref<!tpu.dma_semaphore, #tpu.memory_space<semaphore_mem>>)
      %dma_wait3A = arith.constant 0 : i32
      %dma_wait3A_1132 = tpu.memref_slice %arg6[%select_n3A, %multiple_of3A_1038, %dma_wait3A] : memref<16x16x4096xf32, #tpu.memory_space<hbm>> -> memref<1x8x4096xf32, #tpu.memory_space<hbm>>
      %dma_wait3A_1133 = tpu.memref_squeeze %dma_wait3A_1132 : memref<1x8x4096xf32, #tpu.memory_space<hbm>> -> memref<8x4096xf32, #tpu.memory_space<hbm>>
      %dma_wait3A_1134 = arith.constant 0 : i32
      %dma_wait3A_1135 = tpu.memref_slice %arg6[%select_n3A, %multiple_of3A_1038, %dma_wait3A_1134] : memref<16x16x4096xf32, #tpu.memory_space<hbm>> -> memref<1x8x4096xf32, #tpu.memory_space<hbm>>
      %dma_wait3A_1136 = tpu.memref_squeeze %dma_wait3A_1135 : memref<1x8x4096xf32, #tpu.memory_space<hbm>> -> memref<8x4096xf32, #tpu.memory_space<hbm>>
      tpu.wait_dma2 semaphore(%run_scoped3A : memref<!tpu.dma_semaphore, #tpu.memory_space<semaphore_mem>>) src(%arg13 : memref<8x4096xf32, #tpu.memory_space<vmem>>) dst(%dma_wait3A_1136 : memref<8x4096xf32, #tpu.memory_space<hbm>>)
      tpu.yield
    }) : () -> ()
    %sub3A_1039 = vector.broadcast %mul3A_573 : i32 to vector<16xi32>
    %sub3A_1040 = arith.subi %iota3A, %sub3A_1039 : vector<16xi32>
    %jit3A_1041 = arith.constant 0 : i32
    %jit3A_1042 = arith.constant 7 : i32
    %max3A = vector.broadcast %jit3A_1041 : i32 to vector<16xi32>
    %max3A_1043 = arith.maxsi %max3A, %sub3A_1040 : vector<16xi32>
    %min3A_1044 = vector.broadcast %jit3A_1042 : i32 to vector<16xi32>
    %min3A_1045 = arith.minsi %min3A_1044, %max3A_1043 : vector<16xi32>
    %ge3A = vector.broadcast %mul3A_573 : i32 to vector<16xi32>
    %ge3A_1046 = arith.cmpi sge, %iota3A, %ge3A : vector<16xi32>
    %add3A_1047 = arith.constant 8 : i32
    %add3A_1048 = arith.addi %mul3A_573, %add3A_1047 : i32
    %lt3A_1049 = vector.broadcast %add3A_1048 : i32 to vector<16xi32>
    %lt3A_1050 = arith.cmpi slt, %iota3A, %lt3A_1049 : vector<16xi32>
    %and3A_1051 = arith.andi %ge3A_1046, %lt3A_1050 : vector<16xi1>
    %broadcast_in_dim3A_1052 = arith.constant 0.000000e+00 : f32
    %broadcast_in_dim3A_1053 = vector.broadcast %broadcast_in_dim3A_1052 : f32 to vector<16xf32>
    %broadcast_in_dim3A_1054 = arith.constant 0 : i32
    %broadcast_in_dim3A_1055 = vector.broadcast %broadcast_in_dim3A_1054 : i32 to vector<16xi32>
    %gather3A_1056 = tpu.vector_load_idx %arg14[%min3A_1045, %broadcast_in_dim3A_1055] : memref<8x16xf32, #tpu.memory_space<vmem>>[vector<16xi32>, vector<16xi32>], vector<16xf32>,
    %add3A_1057 = arith.addf %broadcast_in_dim3A_1053, %gather3A_1056 : vector<16xf32>
    %broadcast_in_dim3A_1058 = arith.constant 1 : i32
    %broadcast_in_dim3A_1059 = vector.broadcast %broadcast_in_dim3A_1058 : i32 to vector<16xi32>
    %gather3A_1060 = tpu.vector_load_idx %arg14[%min3A_1045, %broadcast_in_dim3A_1059] : memref<8x16xf32, #tpu.memory_space<vmem>>[vector<16xi32>, vector<16xi32>], vector<16xf32>,
    %add3A_1061 = arith.addf %add3A_1057, %gather3A_1060 : vector<16xf32>
    %broadcast_in_dim3A_1062 = arith.constant 2 : i32
    %broadcast_in_dim3A_1063 = vector.broadcast %broadcast_in_dim3A_1062 : i32 to vector<16xi32>
    %gather3A_1064 = tpu.vector_load_idx %arg14[%min3A_1045, %broadcast_in_dim3A_1063] : memref<8x16xf32, #tpu.memory_space<vmem>>[vector<16xi32>, vector<16xi32>], vector<16xf32>,
    %add3A_1065 = arith.addf %add3A_1061, %gather3A_1064 : vector<16xf32>
    %broadcast_in_dim3A_1066 = arith.constant 3 : i32
    %broadcast_in_dim3A_1067 = vector.broadcast %broadcast_in_dim3A_1066 : i32 to vector<16xi32>
    %gather3A_1068 = tpu.vector_load_idx %arg14[%min3A_1045, %broadcast_in_dim3A_1067] : memref<8x16xf32, #tpu.memory_space<vmem>>[vector<16xi32>, vector<16xi32>], vector<16xf32>,
    %add3A_1069 = arith.addf %add3A_1065, %gather3A_1068 : vector<16xf32>
    %broadcast_in_dim3A_1070 = arith.constant 4 : i32
    %broadcast_in_dim3A_1071 = vector.broadcast %broadcast_in_dim3A_1070 : i32 to vector<16xi32>
    %gather3A_1072 = tpu.vector_load_idx %arg14[%min3A_1045, %broadcast_in_dim3A_1071] : memref<8x16xf32, #tpu.memory_space<vmem>>[vector<16xi32>, vector<16xi32>], vector<16xf32>,
    %add3A_1073 = arith.addf %add3A_1069, %gather3A_1072 : vector<16xf32>
    %broadcast_in_dim3A_1074 = arith.constant 5 : i32
    %broadcast_in_dim3A_1075 = vector.broadcast %broadcast_in_dim3A_1074 : i32 to vector<16xi32>
    %gather3A_1076 = tpu.vector_load_idx %arg14[%min3A_1045, %broadcast_in_dim3A_1075] : memref<8x16xf32, #tpu.memory_space<vmem>>[vector<16xi32>, vector<16xi32>], vector<16xf32>,
    %add3A_1077 = arith.addf %add3A_1073, %gather3A_1076 : vector<16xf32>
    %broadcast_in_dim3A_1078 = arith.constant 6 : i32
    %broadcast_in_dim3A_1079 = vector.broadcast %broadcast_in_dim3A_1078 : i32 to vector<16xi32>
    %gather3A_1080 = tpu.vector_load_idx %arg14[%min3A_1045, %broadcast_in_dim3A_1079] : memref<8x16xf32, #tpu.memory_space<vmem>>[vector<16xi32>, vector<16xi32>], vector<16xf32>,
    %add3A_1081 = arith.addf %add3A_1077, %gather3A_1080 : vector<16xf32>
    %broadcast_in_dim3A_1082 = arith.constant 7 : i32
    %broadcast_in_dim3A_1083 = vector.broadcast %broadcast_in_dim3A_1082 : i32 to vector<16xi32>
    %gather3A_1084 = tpu.vector_load_idx %arg14[%min3A_1045, %broadcast_in_dim3A_1083] : memref<8x16xf32, #tpu.memory_space<vmem>>[vector<16xi32>, vector<16xi32>], vector<16xf32>,
    %add3A_1085 = arith.addf %add3A_1081, %gather3A_1084 : vector<16xf32>
    %broadcast_in_dim3A_1086 = arith.constant 8 : i32
    %broadcast_in_dim3A_1087 = vector.broadcast %broadcast_in_dim3A_1086 : i32 to vector<16xi32>
    %gather3A_1088 = tpu.vector_load_idx %arg14[%min3A_1045, %broadcast_in_dim3A_1087] : memref<8x16xf32, #tpu.memory_space<vmem>>[vector<16xi32>, vector<16xi32>], vector<16xf32>,
    %add3A_1089 = arith.addf %add3A_1085, %gather3A_1088 : vector<16xf32>
    %broadcast_in_dim3A_1090 = arith.constant 9 : i32
    %broadcast_in_dim3A_1091 = vector.broadcast %broadcast_in_dim3A_1090 : i32 to vector<16xi32>
    %gather3A_1092 = tpu.vector_load_idx %arg14[%min3A_1045, %broadcast_in_dim3A_1091] : memref<8x16xf32, #tpu.memory_space<vmem>>[vector<16xi32>, vector<16xi32>], vector<16xf32>,
    %add3A_1093 = arith.addf %add3A_1089, %gather3A_1092 : vector<16xf32>
    %broadcast_in_dim3A_1094 = arith.constant 10 : i32
    %broadcast_in_dim3A_1095 = vector.broadcast %broadcast_in_dim3A_1094 : i32 to vector<16xi32>
    %gather3A_1096 = tpu.vector_load_idx %arg14[%min3A_1045, %broadcast_in_dim3A_1095] : memref<8x16xf32, #tpu.memory_space<vmem>>[vector<16xi32>, vector<16xi32>], vector<16xf32>,
    %add3A_1097 = arith.addf %add3A_1093, %gather3A_1096 : vector<16xf32>
    %broadcast_in_dim3A_1098 = arith.constant 11 : i32
    %broadcast_in_dim3A_1099 = vector.broadcast %broadcast_in_dim3A_1098 : i32 to vector<16xi32>
    %gather3A_1100 = tpu.vector_load_idx %arg14[%min3A_1045, %broadcast_in_dim3A_1099] : memref<8x16xf32, #tpu.memory_space<vmem>>[vector<16xi32>, vector<16xi32>], vector<16xf32>,
    %add3A_1101 = arith.addf %add3A_1097, %gather3A_1100 : vector<16xf32>
    %broadcast_in_dim3A_1102 = arith.constant 12 : i32
    %broadcast_in_dim3A_1103 = vector.broadcast %broadcast_in_dim3A_1102 : i32 to vector<16xi32>
    %gather3A_1104 = tpu.vector_load_idx %arg14[%min3A_1045, %broadcast_in_dim3A_1103] : memref<8x16xf32, #tpu.memory_space<vmem>>[vector<16xi32>, vector<16xi32>], vector<16xf32>,
    %add3A_1105 = arith.addf %add3A_1101, %gather3A_1104 : vector<16xf32>
    %broadcast_in_dim3A_1106 = arith.constant 13 : i32
    %broadcast_in_dim3A_1107 = vector.broadcast %broadcast_in_dim3A_1106 : i32 to vector<16xi32>
    %gather3A_1108 = tpu.vector_load_idx %arg14[%min3A_1045, %broadcast_in_dim3A_1107] : memref<8x16xf32, #tpu.memory_space<vmem>>[vector<16xi32>, vector<16xi32>], vector<16xf32>,
    %add3A_1109 = arith.addf %add3A_1105, %gather3A_1108 : vector<16xf32>
    %broadcast_in_dim3A_1110 = arith.constant 14 : i32
    %broadcast_in_dim3A_1111 = vector.broadcast %broadcast_in_dim3A_1110 : i32 to vector<16xi32>
    %gather3A_1112 = tpu.vector_load_idx %arg14[%min3A_1045, %broadcast_in_dim3A_1111] : memref<8x16xf32, #tpu.memory_space<vmem>>[vector<16xi32>, vector<16xi32>], vector<16xf32>,
    %add3A_1113 = arith.addf %add3A_1109, %gather3A_1112 : vector<16xf32>
    %broadcast_in_dim3A_1114 = arith.constant 15 : i32
    %broadcast_in_dim3A_1115 = vector.broadcast %broadcast_in_dim3A_1114 : i32 to vector<16xi32>
    %gather3A_1116 = tpu.vector_load_idx %arg14[%min3A_1045, %broadcast_in_dim3A_1115] : memref<8x16xf32, #tpu.memory_space<vmem>>[vector<16xi32>, vector<16xi32>], vector<16xf32>,
    %add3A_1117 = arith.addf %add3A_1113, %gather3A_1116 : vector<16xf32>
    %jit3A_1118 = arith.constant 0.000000e+00 : f32
    %broadcast_in_dim3A_1119 = vector.broadcast %jit3A_1118 : f32 to vector<16xf32>
    %select_n3A_1120 = arith.select %and3A_1051, %add3A_1117, %broadcast_in_dim3A_1119 : vector<16xi1>, vector<16xf32>
    %swap3A_1121 = arith.constant 0 : index
    %swap3A_1122 = tpu.vector_load %arg15[%swap3A_1121] {strides = array<i32>} : memref<16xf32, #tpu.memory_space<vmem>>, vector<16xf32>,
    tpu.vector_store %arg15[%swap3A_1121], %select_n3A_1120 {strides = array<i32>} : memref<16xf32, #tpu.memory_space<vmem>>, vector<16xf32>,
    "tpu.region"() ({
      %run_scoped3A = tpu.sem_alloc : memref<!tpu.dma_semaphore, #tpu.memory_space<semaphore_mem>>
      %dma_start3A = arith.constant 0 : i32
      %dma_start3A_1127 = tpu.memref_slice %arg7[%select_n3A_30, %select_n3A, %dma_start3A] : memref<2x16x16xf32, #tpu.memory_space<hbm>> -> memref<1x1x16xf32, #tpu.memory_space<hbm>>
      %dma_start3A_1128 = tpu.memref_squeeze %dma_start3A_1127 : memref<1x1x16xf32, #tpu.memory_space<hbm>> -> memref<16xf32, #tpu.memory_space<hbm>>
      %dma_start3A_1129 = arith.constant 0 : i32
      %dma_start3A_1130 = tpu.memref_slice %arg7[%select_n3A_30, %select_n3A, %dma_start3A_1129] : memref<2x16x16xf32, #tpu.memory_space<hbm>> -> memref<1x1x16xf32, #tpu.memory_space<hbm>>
      %dma_start3A_1131 = tpu.memref_squeeze %dma_start3A_1130 : memref<1x1x16xf32, #tpu.memory_space<hbm>> -> memref<16xf32, #tpu.memory_space<hbm>>
      tpu.enqueue_dma source(%arg15 : memref<16xf32, #tpu.memory_space<vmem>>) target(%dma_start3A_1131 : memref<16xf32, #tpu.memory_space<hbm>>) target_semaphore(%run_scoped3A : memref<!tpu.dma_semaphore, #tpu.memory_space<semaphore_mem>>)
      %dma_wait3A = arith.constant 0 : i32
      %dma_wait3A_1132 = tpu.memref_slice %arg7[%select_n3A_30, %select_n3A, %dma_wait3A] : memref<2x16x16xf32, #tpu.memory_space<hbm>> -> memref<1x1x16xf32, #tpu.memory_space<hbm>>
      %dma_wait3A_1133 = tpu.memref_squeeze %dma_wait3A_1132 : memref<1x1x16xf32, #tpu.memory_space<hbm>> -> memref<16xf32, #tpu.memory_space<hbm>>
      %dma_wait3A_1134 = arith.constant 0 : i32
      %dma_wait3A_1135 = tpu.memref_slice %arg7[%select_n3A_30, %select_n3A, %dma_wait3A_1134] : memref<2x16x16xf32, #tpu.memory_space<hbm>> -> memref<1x1x16xf32, #tpu.memory_space<hbm>>
      %dma_wait3A_1136 = tpu.memref_squeeze %dma_wait3A_1135 : memref<1x1x16xf32, #tpu.memory_space<hbm>> -> memref<16xf32, #tpu.memory_space<hbm>>
      tpu.wait_dma2 semaphore(%run_scoped3A : memref<!tpu.dma_semaphore, #tpu.memory_space<semaphore_mem>>) src(%arg15 : memref<16xf32, #tpu.memory_space<vmem>>) dst(%dma_wait3A_1136 : memref<16xf32, #tpu.memory_space<hbm>>)
      tpu.yield
    }) : () -> ()
    %eq3A_1123 = arith.constant 0 : i32
    %eq3A_1124 = arith.cmpi eq, %add3A, %eq3A_1123 : i32
    %convert_element_type3A_1125 = arith.extui %eq3A_1124 : i1 to i32
    %cond3A = arith.constant 0 : i32
    %cond3A_1126 = arith.cmpi ne, %convert_element_type3A_1125, %cond3A : i32
    scf.if %cond3A_1126 {
      %broadcast_in_dim3A_1127 = arith.constant 0 : i32
      %broadcast_in_dim3A_1128 = vector.broadcast %broadcast_in_dim3A_1127 : i32 to vector<16xi32>
      %gather3A_1129 = tpu.vector_load_idx %arg16[%broadcast_in_dim3A_1128] : memref<16xf32, #tpu.memory_space<vmem>>[vector<16xi32>], vector<16xf32>,
      %swap3A_1130 = arith.constant 0 : i32
      %swap3A_1131 = arith.index_cast %swap3A_1130 : i32 to index
      %swap3A_1132 = arith.constant 0 : index
      %swap3A_1133 = tpu.vector_load %arg17[%swap3A_1131, %swap3A_1132] {strides = array<i32>} : memref<16x16xf32, #tpu.memory_space<vmem>>, vector<16xf32>,
      tpu.vector_store %arg17[%swap3A_1131, %swap3A_1132], %gather3A_1129 {strides = array<i32>} : memref<16x16xf32, #tpu.memory_space<vmem>>, vector<16xf32>,
      %broadcast_in_dim3A_1134 = arith.constant 1 : i32
      %broadcast_in_dim3A_1135 = vector.broadcast %broadcast_in_dim3A_1134 : i32 to vector<16xi32>
      %gather3A_1136 = tpu.vector_load_idx %arg16[%broadcast_in_dim3A_1135] : memref<16xf32, #tpu.memory_space<vmem>>[vector<16xi32>], vector<16xf32>,
      %swap3A_1137 = arith.constant 1 : i32
      %swap3A_1138 = arith.index_cast %swap3A_1137 : i32 to index
      %swap3A_1139 = arith.constant 0 : index
      %swap3A_1140 = tpu.vector_load %arg17[%swap3A_1138, %swap3A_1139] {strides = array<i32>} : memref<16x16xf32, #tpu.memory_space<vmem>>, vector<16xf32>,
      tpu.vector_store %arg17[%swap3A_1138, %swap3A_1139], %gather3A_1136 {strides = array<i32>} : memref<16x16xf32, #tpu.memory_space<vmem>>, vector<16xf32>,
      %broadcast_in_dim3A_1141 = arith.constant 2 : i32
      %broadcast_in_dim3A_1142 = vector.broadcast %broadcast_in_dim3A_1141 : i32 to vector<16xi32>
      %gather3A_1143 = tpu.vector_load_idx %arg16[%broadcast_in_dim3A_1142] : memref<16xf32, #tpu.memory_space<vmem>>[vector<16xi32>], vector<16xf32>,
      %swap3A_1144 = arith.constant 2 : i32
      %swap3A_1145 = arith.index_cast %swap3A_1144 : i32 to index
      %swap3A_1146 = arith.constant 0 : index
      %swap3A_1147 = tpu.vector_load %arg17[%swap3A_1145, %swap3A_1146] {strides = array<i32>} : memref<16x16xf32, #tpu.memory_space<vmem>>, vector<16xf32>,
      tpu.vector_store %arg17[%swap3A_1145, %swap3A_1146], %gather3A_1143 {strides = array<i32>} : memref<16x16xf32, #tpu.memory_space<vmem>>, vector<16xf32>,
      %broadcast_in_dim3A_1148 = arith.constant 3 : i32
      %broadcast_in_dim3A_1149 = vector.broadcast %broadcast_in_dim3A_1148 : i32 to vector<16xi32>
      %gather3A_1150 = tpu.vector_load_idx %arg16[%broadcast_in_dim3A_1149] : memref<16xf32, #tpu.memory_space<vmem>>[vector<16xi32>], vector<16xf32>,
      %swap3A_1151 = arith.constant 3 : i32
      %swap3A_1152 = arith.index_cast %swap3A_1151 : i32 to index
      %swap3A_1153 = arith.constant 0 : index
      %swap3A_1154 = tpu.vector_load %arg17[%swap3A_1152, %swap3A_1153] {strides = array<i32>} : memref<16x16xf32, #tpu.memory_space<vmem>>, vector<16xf32>,
      tpu.vector_store %arg17[%swap3A_1152, %swap3A_1153], %gather3A_1150 {strides = array<i32>} : memref<16x16xf32, #tpu.memory_space<vmem>>, vector<16xf32>,
      %broadcast_in_dim3A_1155 = arith.constant 4 : i32
      %broadcast_in_dim3A_1156 = vector.broadcast %broadcast_in_dim3A_1155 : i32 to vector<16xi32>
      %gather3A_1157 = tpu.vector_load_idx %arg16[%broadcast_in_dim3A_1156] : memref<16xf32, #tpu.memory_space<vmem>>[vector<16xi32>], vector<16xf32>,
      %swap3A_1158 = arith.constant 4 : i32
      %swap3A_1159 = arith.index_cast %swap3A_1158 : i32 to index
      %swap3A_1160 = arith.constant 0 : index
      %swap3A_1161 = tpu.vector_load %arg17[%swap3A_1159, %swap3A_1160] {strides = array<i32>} : memref<16x16xf32, #tpu.memory_space<vmem>>, vector<16xf32>,
      tpu.vector_store %arg17[%swap3A_1159, %swap3A_1160], %gather3A_1157 {strides = array<i32>} : memref<16x16xf32, #tpu.memory_space<vmem>>, vector<16xf32>,
      %broadcast_in_dim3A_1162 = arith.constant 5 : i32
      %broadcast_in_dim3A_1163 = vector.broadcast %broadcast_in_dim3A_1162 : i32 to vector<16xi32>
      %gather3A_1164 = tpu.vector_load_idx %arg16[%broadcast_in_dim3A_1163] : memref<16xf32, #tpu.memory_space<vmem>>[vector<16xi32>], vector<16xf32>,
      %swap3A_1165 = arith.constant 5 : i32
      %swap3A_1166 = arith.index_cast %swap3A_1165 : i32 to index
      %swap3A_1167 = arith.constant 0 : index
      %swap3A_1168 = tpu.vector_load %arg17[%swap3A_1166, %swap3A_1167] {strides = array<i32>} : memref<16x16xf32, #tpu.memory_space<vmem>>, vector<16xf32>,
      tpu.vector_store %arg17[%swap3A_1166, %swap3A_1167], %gather3A_1164 {strides = array<i32>} : memref<16x16xf32, #tpu.memory_space<vmem>>, vector<16xf32>,
      %broadcast_in_dim3A_1169 = arith.constant 6 : i32
      %broadcast_in_dim3A_1170 = vector.broadcast %broadcast_in_dim3A_1169 : i32 to vector<16xi32>
      %gather3A_1171 = tpu.vector_load_idx %arg16[%broadcast_in_dim3A_1170] : memref<16xf32, #tpu.memory_space<vmem>>[vector<16xi32>], vector<16xf32>,
      %swap3A_1172 = arith.constant 6 : i32
      %swap3A_1173 = arith.index_cast %swap3A_1172 : i32 to index
      %swap3A_1174 = arith.constant 0 : index
      %swap3A_1175 = tpu.vector_load %arg17[%swap3A_1173, %swap3A_1174] {strides = array<i32>} : memref<16x16xf32, #tpu.memory_space<vmem>>, vector<16xf32>,
      tpu.vector_store %arg17[%swap3A_1173, %swap3A_1174], %gather3A_1171 {strides = array<i32>} : memref<16x16xf32, #tpu.memory_space<vmem>>, vector<16xf32>,
      %broadcast_in_dim3A_1176 = arith.constant 7 : i32
      %broadcast_in_dim3A_1177 = vector.broadcast %broadcast_in_dim3A_1176 : i32 to vector<16xi32>
      %gather3A_1178 = tpu.vector_load_idx %arg16[%broadcast_in_dim3A_1177] : memref<16xf32, #tpu.memory_space<vmem>>[vector<16xi32>], vector<16xf32>,
      %swap3A_1179 = arith.constant 7 : i32
      %swap3A_1180 = arith.index_cast %swap3A_1179 : i32 to index
      %swap3A_1181 = arith.constant 0 : index
      %swap3A_1182 = tpu.vector_load %arg17[%swap3A_1180, %swap3A_1181] {strides = array<i32>} : memref<16x16xf32, #tpu.memory_space<vmem>>, vector<16xf32>,
      tpu.vector_store %arg17[%swap3A_1180, %swap3A_1181], %gather3A_1178 {strides = array<i32>} : memref<16x16xf32, #tpu.memory_space<vmem>>, vector<16xf32>,
      %broadcast_in_dim3A_1183 = arith.constant 8 : i32
      %broadcast_in_dim3A_1184 = vector.broadcast %broadcast_in_dim3A_1183 : i32 to vector<16xi32>
      %gather3A_1185 = tpu.vector_load_idx %arg16[%broadcast_in_dim3A_1184] : memref<16xf32, #tpu.memory_space<vmem>>[vector<16xi32>], vector<16xf32>,
      %swap3A_1186 = arith.constant 8 : i32
      %swap3A_1187 = arith.index_cast %swap3A_1186 : i32 to index
      %swap3A_1188 = arith.constant 0 : index
      %swap3A_1189 = tpu.vector_load %arg17[%swap3A_1187, %swap3A_1188] {strides = array<i32>} : memref<16x16xf32, #tpu.memory_space<vmem>>, vector<16xf32>,
      tpu.vector_store %arg17[%swap3A_1187, %swap3A_1188], %gather3A_1185 {strides = array<i32>} : memref<16x16xf32, #tpu.memory_space<vmem>>, vector<16xf32>,
      %broadcast_in_dim3A_1190 = arith.constant 9 : i32
      %broadcast_in_dim3A_1191 = vector.broadcast %broadcast_in_dim3A_1190 : i32 to vector<16xi32>
      %gather3A_1192 = tpu.vector_load_idx %arg16[%broadcast_in_dim3A_1191] : memref<16xf32, #tpu.memory_space<vmem>>[vector<16xi32>], vector<16xf32>,
      %swap3A_1193 = arith.constant 9 : i32
      %swap3A_1194 = arith.index_cast %swap3A_1193 : i32 to index
      %swap3A_1195 = arith.constant 0 : index
      %swap3A_1196 = tpu.vector_load %arg17[%swap3A_1194, %swap3A_1195] {strides = array<i32>} : memref<16x16xf32, #tpu.memory_space<vmem>>, vector<16xf32>,
      tpu.vector_store %arg17[%swap3A_1194, %swap3A_1195], %gather3A_1192 {strides = array<i32>} : memref<16x16xf32, #tpu.memory_space<vmem>>, vector<16xf32>,
      %broadcast_in_dim3A_1197 = arith.constant 10 : i32
      %broadcast_in_dim3A_1198 = vector.broadcast %broadcast_in_dim3A_1197 : i32 to vector<16xi32>
      %gather3A_1199 = tpu.vector_load_idx %arg16[%broadcast_in_dim3A_1198] : memref<16xf32, #tpu.memory_space<vmem>>[vector<16xi32>], vector<16xf32>,
      %swap3A_1200 = arith.constant 10 : i32
      %swap3A_1201 = arith.index_cast %swap3A_1200 : i32 to index
      %swap3A_1202 = arith.constant 0 : index
      %swap3A_1203 = tpu.vector_load %arg17[%swap3A_1201, %swap3A_1202] {strides = array<i32>} : memref<16x16xf32, #tpu.memory_space<vmem>>, vector<16xf32>,
      tpu.vector_store %arg17[%swap3A_1201, %swap3A_1202], %gather3A_1199 {strides = array<i32>} : memref<16x16xf32, #tpu.memory_space<vmem>>, vector<16xf32>,
      %broadcast_in_dim3A_1204 = arith.constant 11 : i32
      %broadcast_in_dim3A_1205 = vector.broadcast %broadcast_in_dim3A_1204 : i32 to vector<16xi32>
      %gather3A_1206 = tpu.vector_load_idx %arg16[%broadcast_in_dim3A_1205] : memref<16xf32, #tpu.memory_space<vmem>>[vector<16xi32>], vector<16xf32>,
      %swap3A_1207 = arith.constant 11 : i32
      %swap3A_1208 = arith.index_cast %swap3A_1207 : i32 to index
      %swap3A_1209 = arith.constant 0 : index
      %swap3A_1210 = tpu.vector_load %arg17[%swap3A_1208, %swap3A_1209] {strides = array<i32>} : memref<16x16xf32, #tpu.memory_space<vmem>>, vector<16xf32>,
      tpu.vector_store %arg17[%swap3A_1208, %swap3A_1209], %gather3A_1206 {strides = array<i32>} : memref<16x16xf32, #tpu.memory_space<vmem>>, vector<16xf32>,
      %broadcast_in_dim3A_1211 = arith.constant 12 : i32
      %broadcast_in_dim3A_1212 = vector.broadcast %broadcast_in_dim3A_1211 : i32 to vector<16xi32>
      %gather3A_1213 = tpu.vector_load_idx %arg16[%broadcast_in_dim3A_1212] : memref<16xf32, #tpu.memory_space<vmem>>[vector<16xi32>], vector<16xf32>,
      %swap3A_1214 = arith.constant 12 : i32
      %swap3A_1215 = arith.index_cast %swap3A_1214 : i32 to index
      %swap3A_1216 = arith.constant 0 : index
      %swap3A_1217 = tpu.vector_load %arg17[%swap3A_1215, %swap3A_1216] {strides = array<i32>} : memref<16x16xf32, #tpu.memory_space<vmem>>, vector<16xf32>,
      tpu.vector_store %arg17[%swap3A_1215, %swap3A_1216], %gather3A_1213 {strides = array<i32>} : memref<16x16xf32, #tpu.memory_space<vmem>>, vector<16xf32>,
      %broadcast_in_dim3A_1218 = arith.constant 13 : i32
      %broadcast_in_dim3A_1219 = vector.broadcast %broadcast_in_dim3A_1218 : i32 to vector<16xi32>
      %gather3A_1220 = tpu.vector_load_idx %arg16[%broadcast_in_dim3A_1219] : memref<16xf32, #tpu.memory_space<vmem>>[vector<16xi32>], vector<16xf32>,
      %swap3A_1221 = arith.constant 13 : i32
      %swap3A_1222 = arith.index_cast %swap3A_1221 : i32 to index
      %swap3A_1223 = arith.constant 0 : index
      %swap3A_1224 = tpu.vector_load %arg17[%swap3A_1222, %swap3A_1223] {strides = array<i32>} : memref<16x16xf32, #tpu.memory_space<vmem>>, vector<16xf32>,
      tpu.vector_store %arg17[%swap3A_1222, %swap3A_1223], %gather3A_1220 {strides = array<i32>} : memref<16x16xf32, #tpu.memory_space<vmem>>, vector<16xf32>,
      %broadcast_in_dim3A_1225 = arith.constant 14 : i32
      %broadcast_in_dim3A_1226 = vector.broadcast %broadcast_in_dim3A_1225 : i32 to vector<16xi32>
      %gather3A_1227 = tpu.vector_load_idx %arg16[%broadcast_in_dim3A_1226] : memref<16xf32, #tpu.memory_space<vmem>>[vector<16xi32>], vector<16xf32>,
      %swap3A_1228 = arith.constant 14 : i32
      %swap3A_1229 = arith.index_cast %swap3A_1228 : i32 to index
      %swap3A_1230 = arith.constant 0 : index
      %swap3A_1231 = tpu.vector_load %arg17[%swap3A_1229, %swap3A_1230] {strides = array<i32>} : memref<16x16xf32, #tpu.memory_space<vmem>>, vector<16xf32>,
      tpu.vector_store %arg17[%swap3A_1229, %swap3A_1230], %gather3A_1227 {strides = array<i32>} : memref<16x16xf32, #tpu.memory_space<vmem>>, vector<16xf32>,
      %broadcast_in_dim3A_1232 = arith.constant 15 : i32
      %broadcast_in_dim3A_1233 = vector.broadcast %broadcast_in_dim3A_1232 : i32 to vector<16xi32>
      %gather3A_1234 = tpu.vector_load_idx %arg16[%broadcast_in_dim3A_1233] : memref<16xf32, #tpu.memory_space<vmem>>[vector<16xi32>], vector<16xf32>,
      %swap3A_1235 = arith.constant 15 : i32
      %swap3A_1236 = arith.index_cast %swap3A_1235 : i32 to index
      %swap3A_1237 = arith.constant 0 : index
      %swap3A_1238 = tpu.vector_load %arg17[%swap3A_1236, %swap3A_1237] {strides = array<i32>} : memref<16x16xf32, #tpu.memory_space<vmem>>, vector<16xf32>,
      tpu.vector_store %arg17[%swap3A_1236, %swap3A_1237], %gather3A_1234 {strides = array<i32>} : memref<16x16xf32, #tpu.memory_space<vmem>>, vector<16xf32>,
      "tpu.region"() ({
        %run_scoped3A = tpu.sem_alloc : memref<!tpu.dma_semaphore, #tpu.memory_space<semaphore_mem>>
        tpu.enqueue_dma source(%arg17 : memref<16x16xf32, #tpu.memory_space<vmem>>) target(%arg8 : memref<16x16xf32, #tpu.memory_space<hbm>>) target_semaphore(%run_scoped3A : memref<!tpu.dma_semaphore, #tpu.memory_space<semaphore_mem>>)
        tpu.wait_dma2 semaphore(%run_scoped3A : memref<!tpu.dma_semaphore, #tpu.memory_space<semaphore_mem>>) src(%arg17 : memref<16x16xf32, #tpu.memory_space<vmem>>) dst(%arg8 : memref<16x16xf32, #tpu.memory_space<hbm>>)
        tpu.yield
      }) : () -> ()
    } else {
    }
    return
  }
}

module attributes {stable_mosaic.version = 14 : i64} {
  func.func @_tc_body(%arg0: memref<2x16x16xf32, #tpu.memory_space<vmem>>, %arg1: memref<16x16xf32, #tpu.memory_space<vmem>>, %arg2: memref<16x256xf32, #tpu.memory_space<vmem>>, %arg3: memref<1x256xf32, #tpu.memory_space<vmem>>, %arg4: memref<16x256xf32, #tpu.memory_space<vmem>>) attributes {dimension_semantics = [], scalar_prefetch = 0 : i64, scratch_operands = 0 : i64, tpu.core_type = #tpu.core_type<tc>} {
    %get3A = arith.constant 0 : index
    %get3A_0 = arith.constant 0 : index
    %get3A_1 = arith.constant 0 : index
    %get3A_2 = vector.load %arg0[%get3A, %get3A_0, %get3A_1] : memref<2x16x16xf32, #tpu.memory_space<vmem>>, vector<1x16x16xf32>
    %get3A_3 = vector.shape_cast %get3A_2 : vector<1x16x16xf32> to vector<16x16xf32>
    %get3A_4 = arith.constant 1 : index
    %get3A_5 = arith.constant 0 : index
    %get3A_6 = arith.constant 0 : index
    %get3A_7 = vector.load %arg0[%get3A_4, %get3A_5, %get3A_6] : memref<2x16x16xf32, #tpu.memory_space<vmem>>, vector<1x16x16xf32>
    %get3A_8 = vector.shape_cast %get3A_7 : vector<1x16x16xf32> to vector<16x16xf32>
    %add3A = arith.addf %get3A_3, %get3A_8 : vector<16x16xf32>
    %get3A_9 = arith.constant 0 : index
    %get3A_10 = arith.constant 0 : index
    %get3A_11 = vector.load %arg1[%get3A_9, %get3A_10] : memref<16x16xf32, #tpu.memory_space<vmem>>, vector<16x16xf32>
    %max3A = arith.constant 1.000000e+00 : f32
    %max3A_12 = vector.broadcast %max3A : f32 to vector<16x16xf32>
    %max3A_13 = arith.maximumf %get3A_11, %max3A_12 : vector<16x16xf32>
    %div3A = arith.divf %add3A, %max3A_13 : vector<16x16xf32>
    %get3A_14 = arith.constant 0 : index
    %get3A_15 = arith.constant 0 : index
    %get3A_16 = vector.load %arg2[%get3A_14, %get3A_15] : memref<16x256xf32, #tpu.memory_space<vmem>>, vector<16x256xf32>
    %dot_general3A = arith.constant dense<0.000000e+00> : vector<16x256xf32>
    %dot_general3A_17 = tpu.matmul %div3A, %get3A_16, %dot_general3A {dimension_numbers = #tpu.dot_dimension_numbers<[1], [0], [0], [1], [0, 0, 1, 1], [], []>, transpose_lhs_hint = false} : vector<16x16xf32>, vector<16x256xf32>, vector<16x256xf32> -> vector<16x256xf32>
    %get3A_18 = arith.constant 0 : index
    %get3A_19 = arith.constant 0 : index
    %get3A_20 = vector.load %arg3[%get3A_18, %get3A_19] : memref<1x256xf32, #tpu.memory_space<vmem>>, vector<1x256xf32>
    %add3A_21 = vector.broadcast %get3A_20 : vector<1x256xf32> to vector<16x256xf32>
    %add3A_22 = arith.addf %dot_general3A_17, %add3A_21 : vector<16x256xf32>
    %mul3A = arith.mulf %add3A_22, %add3A_22 : vector<16x256xf32>
    %reduce_sum3A = arith.constant dense<0.000000e+00> : vector<16xf32>
    %reduce_sum3A_23 = vector.multi_reduction <add>, %mul3A, %reduce_sum3A [1] : vector<16x256xf32> to vector<16xf32>
    %broadcast_in_dim3A = vector.shape_cast %reduce_sum3A_23 : vector<16xf32> to vector<16x1xf32>
    %sqrt3A = math.sqrt %broadcast_in_dim3A : vector<16x1xf32>
    %max3A_24 = arith.constant 9.99999996E-13 : f32
    %max3A_25 = vector.broadcast %max3A_24 : f32 to vector<16x1xf32>
    %max3A_26 = arith.maximumf %sqrt3A, %max3A_25 : vector<16x1xf32>
    %div3A_27 = vector.broadcast %max3A_26 : vector<16x1xf32> to vector<16x256xf32>
    %div3A_28 = arith.divf %add3A_22, %div3A_27 : vector<16x256xf32>
    %swap3A = arith.constant 0 : index
    %swap3A_29 = arith.constant 0 : index
    %swap3A_30 = vector.load %arg4[%swap3A, %swap3A_29] : memref<16x256xf32, #tpu.memory_space<vmem>>, vector<16x256xf32>
    tpu.vector_store %arg4[%swap3A, %swap3A_29], %div3A_28 {strides = array<i32>} : memref<16x256xf32, #tpu.memory_space<vmem>>, vector<16x256xf32>,
    return
  }
}

</mosaic_0001>

<sc_bundles>
// kernel: spgap_sc.3.cloned.1.call-start
scs
__scs_entry_jumppad:
0x0: {  	(pc) =	sbr.rel $0x88, $3  }
0x1: {  	(tag) =	ssettag $0x0;
	lr =	simm.s32 $0x1  }
0x2: {  	[smem:$0x3F9B] =	sst lr;
	_ =	strace $0xD0000000  }
0x3: {  	_ = 	snop  }
0x4: {  	_ = 	snop  }
0x5: {  	_ = 	snop  }
0x6: {  	_ = 	snop  }
0x7: {  	_ = 	snop  }
__scs_overlays_trampoline_lowered:
0x8: {  	[smem:$0x3FAA] =	sst s0  }
0x9: {  	[smem:$0x3FAB] =	sst s1  }
0xa: {  	[smem:$0x3FAC] =	sst s2  }
0xb: {  	[smem:$0x3FAD] =	sst s3  }
0xc: {  	[smem:$0x3FAE] =	sst s4  }
0xd: {  	[smem:$0x3FAF] =	sst s5  }
0xe: {  	[smem:$0x3FB0] =	sst s6  }
0xf: {  	[smem:$0x3FB1] =	sst s7  }
0x10: {  	[smem:$0x3FB2] =	sst s8  }
0x11: {  	[smem:$0x3FB3] =	sst s9;
	s0 =	simm.s32 @!p0 $0x0  }
0x12: {  	s1 =	sld [smem:$0x3F99];
	s0 =	simm.s32 @p0 $0x1  }
0x13: {  	[smem:$0x3FB4] =	sst s0;
	s0 =	simm.s32 @!p1 $0x0  }
0x14: {  	s2 =	sld [smem:$0x3F98];
	s0 =	simm.s32 @p1 $0x1  }
0x15: {  	[smem:$0x3FB5] =	sst s0;
	s0 =	simm.s32 @!p2 $0x0  }
0x16: {  	s3 =	sld [smem:$0x3FDB];
	s0 =	simm.s32 @p2 $0x1  }
0x17: {  	s4 =	simm.s32 $0x1BF5;
	[smem:$0x3FB7] =	sst s0  }
0x18: {  	s0 =	sld [smem:$0x3F9A];
	_ =	swait.ge [sflag:s4], $0x0  }
0x19: {  	s7 =	sld [smem:$0x3F9B]  }
0x1a: {  	s8 =	sadd.s32 $0xFFFFE003, lr  }
0x1b: {  	s9 =	sadd.s32 $0xFFFFFEF7, lr;
	s5 =	simm.s32 $0xFFFFFFFF;
	p2 =	slt.u32 s8, $0xFFFFF086  }
0x1c: {  	p1 =	slt.u32 s9, $0xF7A;
	s5 =	simm.s32 @!p2 $0x0  }
0x1d: {  	s5 =	simm.s32 @p1 $0x1;
	p0 =	seq.s32 s7, s2  }
0x1e: {  	s7 =	smul.u32 @!p0 $0xF7A, s2;
	p2 =	seq.s32 @!p0 s5, $0x0  }
0x1f: {  	s9 =	smul.u32 $0xF7A, s1;
	s8 =	simm.s32 @!p0 $0x1BF5;
	p2 =	por !p2, p0  }
0x20: {  	[sflag:s8] =	ssyncset.s32 @!p0 $0xFFFFF086;
	s6 =	sadd.s32 @!p0 s3, s7;
	s7 =	simm.s32 @!p0 $0x108  }
0x21: {  	s3 =	sadd.s32 s3, s9;
	s6 =	sadd.s32 @!p0 $0x88, s6;
	s7 =	simm.s32 @p2 $0x1082  }
0x22: {  	[simem:s7], [sflag:s8] =	dma.local @!p0 [hbm:s6], $0xF7A  }
0x23: {  	s9 =	sor.u32 $0xD0000000, s2;
	s6 =	simm.s32 $0x108;
	_ =	swait.ge @!p0 [sflag:s8], $0x0  }
0x24: {  	s3 =	sadd.s32 $0x88, s3;
	s6 =	simm.s32 @!p1 $0x1082;
	[sflag:s4] =	ssyncset.s32 $0xFFFFF086  }
0x25: {  	[simem:s6], [sflag:s4] =	dma.local [hbm:s3], $0xF7A  }
0x26: {  	[smem:$0x3F9B] =	sst s1;
	(tag) =	ssettag s2;
	_ =	strace s9  }
0x27: {  	s1 =	sld [smem:$0x3FAB]  }
0x28: {  	s2 =	sld [smem:$0x3FAC]  }
0x29: {  	s4 =	sld [smem:$0x3FAE]  }
0x2a: {  	p0 =	seq.s32 s5, $0x0;
	s5 =	sld [smem:$0x3FAF]  }
0x2b: {  	s6 =	sld [smem:$0x3FB0]  }
0x2c: {  	s7 =	sld [smem:$0x3FB1]  }
0x2d: {  	s3 =	simm.s32 $0x108;
	s8 =	sld [smem:$0x3FB2]  }
0x2e: {  	s3 =	simm.s32 @!p0 $0x1082;
	s9 =	sld [smem:$0x3FB3]  }
0x2f: {  	lr =	sadd.s32 s0, s3;
	s0 =	sld [smem:$0x3FAA]  }
0x30: {  	s3 =	sld [smem:$0x3FAD]  }
0x31: {  	[smem:$0x3FB6] =	sst s10  }
0x32: {  	s10 =	sld [smem:$0x3FB4];
	_ =	sdelay $0x3  }
0x33: {  	p0 =	seq.s32 s10, $0x1;
	s10 =	sld [smem:$0x3FB6];
	_ =	sdelay $0x3  }
0x34: {  	[smem:$0x3FB6] =	sst s10  }
0x35: {  	s10 =	sld [smem:$0x3FB5];
	_ =	sdelay $0x3  }
0x36: {  	p1 =	seq.s32 s10, $0x1;
	s10 =	sld [smem:$0x3FB6];
	_ =	sdelay $0x3  }
0x37: {  	[smem:$0x3FB6] =	sst s10  }
0x38: {  	s10 =	sld [smem:$0x3FB7]  }
0x39: {  	_ = 	snop;
	(pc) =	sbr.ind lr, $3  }
0x3a: {  	_ = 	snop  }
0x3b: {  	_ = 	snop  }
0x3c: {  	p2 =	seq.s32 s10, $0x1;
	s10 =	sld [smem:$0x3FB6]  }
0x3d: {  	_ =	shalt  }
0x3e: {  	_ =	shalt  }
0x3f: {  	_ =	shalt  }
0x40: {  	_ =	shalt  }
0x41: {  	_ =	shalt  }
0x42: {  	_ =	shalt  }
0x43: {  	_ =	shalt  }
0x44: {  	_ =	shalt  }
0x45: {  	_ =	shalt  }
0x46: {  	_ =	shalt  }
0x47: {  	_ =	shalt  }
0x48: {  	_ =	shalt  }
0x49: {  	_ =	shalt  }
0x4a: {  	_ =	shalt  }
0x4b: {  	_ =	shalt  }
0x4c: {  	_ =	shalt  }
0x4d: {  	_ =	shalt  }
0x4e: {  	_ =	shalt  }
0x4f: {  	_ =	shalt  }
0x50: {  	_ =	shalt  }
0x51: {  	_ =	shalt  }
0x52: {  	_ =	shalt  }
0x53: {  	_ =	shalt  }
0x54: {  	_ =	shalt  }
0x55: {  	_ =	shalt  }
0x56: {  	_ =	shalt  }
0x57: {  	_ =	shalt  }
0x58: {  	_ =	shalt  }
0x59: {  	_ =	shalt  }
0x5a: {  	_ =	shalt  }
0x5b: {  	_ =	shalt  }
0x5c: {  	_ =	shalt  }
0x5d: {  	_ =	shalt  }
0x5e: {  	_ =	shalt  }
0x5f: {  	_ =	shalt  }
0x60: {  	_ =	shalt  }
0x61: {  	_ =	shalt  }
0x62: {  	_ =	shalt  }
0x63: {  	_ =	shalt  }
0x64: {  	_ =	shalt  }
0x65: {  	_ =	shalt  }
0x66: {  	_ =	shalt  }
0x67: {  	_ =	shalt  }
0x68: {  	_ =	shalt  }
0x69: {  	_ =	shalt  }
0x6a: {  	_ =	shalt  }
0x6b: {  	_ =	shalt  }
0x6c: {  	_ =	shalt  }
0x6d: {  	_ =	shalt  }
0x6e: {  	_ =	shalt  }
0x6f: {  	_ =	shalt  }
0x70: {  	_ =	shalt  }
0x71: {  	_ =	shalt  }
0x72: {  	_ =	shalt  }
0x73: {  	_ =	shalt  }
0x74: {  	_ =	shalt  }
0x75: {  	_ =	shalt  }
0x76: {  	_ =	shalt  }
0x77: {  	_ =	shalt  }
0x78: {  	_ =	shalt  }
0x79: {  	_ =	shalt  }
0x7a: {  	_ =	shalt  }
0x7b: {  	_ =	shalt  }
0x7c: {  	_ =	shalt  }
0x7d: {  	_ =	shalt  }
0x7e: {  	_ =	shalt  }
0x7f: {  	_ =	shalt  }
0x80: {  	_ =	shalt  }
0x81: {  	_ =	shalt  }
0x82: {  	_ =	shalt  }
0x83: {  	_ =	shalt  }
0x84: {  	_ =	shalt  }
0x85: {  	_ =	shalt  }
0x86: {  	_ =	shalt  }
0x87: {  	_ =	shalt  }
.Lfunc_end0:
.L_simem_size_0:
called_computation_lowered:
.L_overlay_start_0:
0x88: {  	s2 =	sld [smem:$0x3FD9]  }
0x89: {  	s3 =	sld [smem:$0x3FFE];
	_ =	sdelay $0x1  }
0x8a: {  	s1 =	srdreg.scid  }
0x8b: {  	s0 =	sand.u32 $0x1, s1  }
0x8c: {  	s14 =	sshll.u32 s0, $0xA;
	s2 =	sadd.s32 s3, s2  }
0x8d: {  	s2 =	sadd.s32 s2, s14  }
0x8e: {  	[smem:$0x3FC2] =	sst s2  }
0x8f: {  	_ = 	snop  }
0x90: {  	s2 =	sld [smem:$0x3FC9]  }
0x91: {  	s15 =	sld [smem:$0x3FD0]  }
0x92: {  	s4 =	sld [smem:$0x3FC8]  }
0x93: {  	s5 =	sld [smem:$0x3FC7]  }
0x94: {  	s7 =	simm.s32 $0xA;
	s8 =	simm.s32 $0x10;
	s6 =	sld [smem:$0x3FC6]  }
0x95: {  	[smem:s8], [sflag:s7] =	dma.local [hbm:s15], $0x1  }
0x96: {  	_ =	swait.eq [sflag:s7], $0x1  }
0x97: {  	[sflag:s7] =	ssyncset.done $0x0  }
0x98: {  	s16 =	sld [smem:$0x10];
	[sflag:s7] =	ssyncadd.s32 $0xFFFFFFFF  }
0x99: {  	s17 =	sld [smem:$0x11];
	(tm) =	ssettm $0x1  }
0x9a: {  	s18 =	sld [smem:$0x3FFB];
	_ =	sdelay $0x3  }
0x9b: {  	_ =	strace s18  }
0x9c: {  	s8 =	sld [smem:$0x3FFC];
	_ =	sdelay $0x3  }
0x9d: {  	_ =	strace s8  }
0x9e: {  	s8 =	sld [smem:$0x3FFD];
	_ =	sdelay $0x3  }
0x9f: {  	_ =	strace s8  }
0xa0: {  	_ =	strace $0x8FFFFFFF  }
0xa1: {  	s19 =	sld [smem:$0x3FDB];
	_ =	sdelay $0x1  }
0xa2: {  	s9 =	simm.s32 $_scs_section_size  }
0xa3: {  	s10 =	simm.s32 $_size__tile_overlayer_lowered;
	s11 =	simm.s32 $_tile_overlayer_lowered  }
0xa4: {  	s22 =	simm.s32 $0x1BFF;
	s21 =	sshll.u32 s11, $0x1;
	s8 =	sadd.s32 s9, s19  }
0xa5: {  	s12 =	simm.s32 $0x0;
	s20 =	sshll.u32 s10, $0x1;
	s10 =	sadd.s32 s21, s8  }
0xa6: {  	[timem:s12], [sflag:s22] =	dma.local [hbm:s10], s20  }
0xa7: {  	_ =	swait.ge [sflag:s22], s20  }
0xa8: {  	s9 =	ssub.s32 $0x0, s20;
	[sflag:s22] =	ssyncset.done $0x0  }
0xa9: {  	[sflag:s22] =	ssyncadd.s32 s9;
	_ =	sdelay $0x1  }
0xaa: {  	s23 =	simm.s32 $0x1B8B  }
0xab: {  	_ =	swait.ge [sflag:s23], $0x1  }
0xac: {  	[sflag:s23] =	ssyncset.done $0x0  }
0xad: {  	s25 =	simm.s32 $0x1B8E;
	s24 =	sld [smem:$0x3FFE];
	[sflag:s23] =	ssyncadd.s32 $0xFFFFFFFF  }
0xae: {  	s26 =	simm.s32 $execute0_lowered;
	[smem:$0x3FD2] =	sst s25  }
0xaf: {  	s10 =	sshll.u32 s26, $0x1;
	_ =	strace $0x80000046;
	[dreg:$0x1] =	wrdreg $0xFFFFFFFF  }
0xb0: {  	s28 =	simm.s32 $_size_execute0_lowered;
	s8 =	sadd.s32 s8, s10;
	[dreg:$0x0] =	wrdreg $0x0  }
0xb1: {  	s10 =	sshll.u32 s28, $0x1;
	[dreg:$0x2] =	wrdreg s8  }
0xb2: {  	[dreg:$0x3] =	wrdreg s10  }
0xb3: {  	[dreg:$0x4] =	wrdreg $0xC0  }
0xb4: {  	_ =	task [dreg:s12], $0x5FFFF  }
0xb5: {  	[dreg:$0x1] =	wrdreg $0xFFFFFFFF  }
0xb6: {  	[dreg:$0x0] =	wrdreg $0x60  }
0xb7: {  	[dreg:$0x2] =	wrdreg s2  }
0xb8: {  	[dreg:$0x3] =	wrdreg s4  }
0xb9: {  	[dreg:$0x4] =	wrdreg s5  }
0xba: {  	[dreg:$0x5] =	wrdreg s6  }
0xbb: {  	[dreg:$0x6] =	wrdreg s17  }
0xbc: {  	[dreg:$0x7] =	wrdreg s16  }
0xbd: {  	[dreg:$0x8] =	wrdreg s24  }
0xbe: {  	[dreg:$0x9] =	wrdreg $0x9  }
0xbf: {  	_ =	task.clear_ibuf [dreg:s12], $0xAFFFF;
	_ =	strace $0x90000046  }
0xc0: {  	s29 =	simm.s32 $0x9;
	_ =	strace $0x80000048  }
0xc1: {  	_ =	swait.ge [sflag:s29], $0x1  }
0xc2: {  	[sflag:s29] =	ssyncadd.s32 $0xFFFFFFFF  }
0xc3: {  	_ =	strace $0x90000048  }
0xc4: {  	_ =	sfence  }
0xc5: {  	s30 =	sld [smem:$0x0];
	_ =	sdelay $0x2  }
0xc6: {  	s31 =	sshll.u32 s1, $0xD;
	s1 =	sshrl.u32 s1, $0x2  }
0xc7: {  	s3 =	sand.u32 $0x4000, s31;
	s1 =	sadd.s32 s1, s30  }
0xc8: {  	s0 =	sor.u32 s3, s0;
	s1 =	sshll.u32 s1, $0x11  }
0xc9: {  	s0 =	sor.u32 s1, s0  }
0xca: {  	s0 =	sadd.s32 $0x8F2B, s0  }
0xcb: {  	[sflag:s0] =	ssyncadd.remote.s32 $0x1  }
0xcc: {  	_ =	sfence.sel $0xFFFF  }
0xcd: {  	[dreg:$0x0] =	wrdreg $0xFFFFFFFF;
	(pc) =	sbr.abs _section_cstart, $3  }
0xce: {  	[dreg:$0x1] =	wrdreg $0xFFFFFFFF  }
0xcf: {  	_ =	task.clear_ibuf [dreg:s12], $0x2FFFF;
	_ =	strace $0x9FFFFFFF  }
0xd0: {  	(tm) =	ssettm $0x7FFFFFFF  }
0xd1: {  	_ =	shalt  }
tec
execute0_lowered:
.L_overlay_start_1:
0x0: {  	(tag) =	ssettag $0x1  }
0x1: {  	s1 =	srdreg.scid  }
0x2: {  	s0 =	stileid.u32;
	s2 =	rddreg [dreg:$0x1]  }
0x3: {  	s4 =	simm.s32 $0x1;
	s3 =	rddreg [dreg:$0x2];
	s8 =	sand.u32 $0x1, s1  }
0x4: {  	s9 =	rddreg [dreg:$0x4];
	s15 =	sor.u32 s8, s0;
	s7 =	sshll.u32 s8, $0x3  }
0x5: {  	v12 =	vlaneseq.u32;
	s11 =	rddreg [dreg:$0x5];
	p1 =	seq.s32 s8, $0x1;
	p0 =	seq.s32 s15, $0x0;
	v1 =	vmov s7  }
0x6: {  	s12 =	rddreg [dreg:$0x6];
	s6 =	sor.u32 $0x3, s7;
	p0 =	por !p0, !p1;
	v2 =	vsub.s32 v12, v1  }
0x7: {  	s1 =	rddreg [dreg:$0x0];
	v6 =	vmov s6;
	s6 =	simm.s32 $0x0;
	p0 =	por !p0, !p0;
	vm0 =	vgt.s32 v2, $0x0  }
0x8: {  	[smem:$0x7FF] =	sst s6;
	s4 =	simm.s32 @!p0 $0x0;
	v2 =	vnsel vm0, $0x0, v2  }
0x9: {  	v48 =	vadd.s32 $0x1, v12;
	s10 =	ssub.s32 s0, s4;
	s4 =	rddreg [dreg:$0x3];
	v3 =	vmin.u32 v2, $0x7;
	_ =	strace $0x80000047;
	[tilespmem:$0x1FEE0] =	vst v1  }
0xa: {  	[tilespmem:$0x1FEF0] =	vst v48;
	v49 =	vshll.u32 v3, $0x7  }
0xb: {  	v50 =	vor.u32 $0x1, v49;
	[tilespmem:$0x1FFE0] =	vst v49  }
0xc: {  	v51 =	vor.u32 $0x2, v49;
	[tilespmem:$0x1FF00] =	vst v50  }
0xd: {  	v52 =	vor.u32 $0x3, v49;
	[tilespmem:$0x1FF10] =	vst v51  }
0xe: {  	v53 =	vor.u32 $0x4, v49;
	[tilespmem:$0x1FF20] =	vst v52  }
0xf: {  	s17 =	simm.s32 $0x14A80;
	s18 =	simm.s32 $0x0;
	v54 =	vor.u32 $0x5, v49;
	[tilespmem:$0x1FF30] =	vst v53  }
0x10: {  	s14 =	sshllo.u32 s8, $0x3;
	s25 =	ssub.s32 $0x2, s8;
	s28 =	sshll.u32 s8, $0xB;
	v55 =	vor.u32 $0x6, v49;
	[tilespmem:$0x1FF40] =	vst v54  }
0x11: {  	v21 =	vimm.f32 $0.0e+00;
	s5 =	sor.u32 $0x1, s7;
	s22 =	sor.u32 $0x2, s7;
	s23 =	sor.u32 $0x4, s7;
	v56 =	vor.u32 $0x7, v49;
	[tilespmem:$0x1FF50] =	vst v55  }
0x12: {  	s24 =	sor.u32 $0x5, s7;
	s13 =	sor.u32 $0x6, s7;
	v10 =	vmov s14;
	s7 =	sadd.s32 $0x8, s7;
	v4 =	vmov s5;
	v57 =	vor.u32 $0x8, v49;
	[tilespmem:$0x1FF60] =	vst v56  }
0x13: {  	s8 =	sshll.u32 s8, $0xF;
	s29 =	sshrl.u32 s25, $0x1;
	v5 =	vmov s22;
	v11 =	vmov s7;
	s7 =	sadd.s32 $0x1000, s12;
	v58 =	vor.u32 $0x9, v49;
	[tilespmem:$0x1FF70] =	vst v57  }
0x14: {  	v7 =	vmov s23;
	v8 =	vmov s24;
	s12 =	ssub.s32 s25, s29;
	p0 =	sne.s32 s15, $0x0;
	s26 =	sshll.u32 s10, $0x7;
	v59 =	vor.u32 $0xA, v49;
	[tilespmem:$0x1FF80] =	vst v58  }
0x15: {  	v9 =	vmov s13;
	s15 =	simm.s32 $0xC680;
	v0 =	vmov s10;
	s10 =	sshll.u32 s10, $0x10;
	s16 =	sand.u32 $0xFFFFFC00, s26;
	v60 =	vor.u32 $0xB, v49;
	[tilespmem:$0x1FF90] =	vst v59  }
.Ltmp0:
0x16: {  	vm2 =	veq.s32 v10, v12;
	vm1 =	vgt.u32 v11, v12;
	s13 =	sand.u32 $0x380, s26;
	s8 =	sor.u32 s8, s10;
	v61 =	vor.u32 $0xC, v49;
	[tilespmem:$0x1FFA0] =	vst v60;
	(pc) =	sbr.rel .LBB2_1-.Ltmp0, $4  }
0x17: {  	vm3 =	veq.s32 v9, v12;
	vm4 =	veq.s32 v8, v12;
	v62 =	vor.u32 $0xD, v49;
	s14 =	sadd.s32 s28, s16;
	s31 =	sshrl.u32 s8, $0x3;
	[tilespmem:$0x1FFB0] =	vst v61;
	s8 =	simm.s32 $0x1  }
0x18: {  	vm5 =	veq.s32 v7, v12;
	vm6 =	veq.s32 v6, v12;
	v63 =	vor.u32 $0xE, v49;
	[tilespmem:$0x1FFC0] =	vst v62;
	s16 =	simm.s32 $0x14680;
	s30 =	sor.u32 s13, s14;
	s9 =	sadd.s32 s9, s31  }
0x19: {  	vm7 =	veq.s32 v5, v12;
	vm0 =	vlt.u32 v1, v48;
	v1 =	vor.u32 $0xF, v49;
	[tilespmem:$0x1FFD0] =	vst v63;
	s13 =	simm.s32 $0xC600;
	s14 =	simm.s32 $0x8000;
	s10 =	sshrl.u32 s30, $0x3  }
0x1a: {  	vm8 =	veq.s32 v4, v12;
	vm0 =	vmand vm0, vm1;
	vm1 =	veq.s32 v0, v12;
	[tilespmem:$0x1FFF0] =	vst v1;
	s10 =	sadd.s32 s11, s10;
	s11 =	smax.u32 s12, $0x1;
	s12 =	simm.s32 $0xC400  }
.LBB2_7:
0x1b: {  	s0 =	sadd.s32 s22, s23;
	[tilespmem:s21+$0xC980] =	vst v21  }
0x1c: {  	[tilespmem:s21+$0xC680] =	vst v21;
	s0 =	sor.u32 $0x380, s0  }
0x1d: {  	[tilespmem:s0+$0xC680] =	vst v21  }
.LBB2_8:
0x1e: {  	[tilespmem:$0x14680] =	vst v62  }
0x1f: {  	[tilespmem:$0x14700] =	vst v26  }
0x20: {  	[tilespmem:$0x14780] =	vst v22  }
0x21: {  	[tilespmem:$0x14800] =	vst v9  }
0x22: {  	[tilespmem:$0x14880] =	vst v59  }
0x23: {  	[tilespmem:$0x14900] =	vst v8  }
0x24: {  	[tilespmem:$0x14980] =	vst v0  }
0x25: {  	[tilespmem:$0x14A00] =	vst v2  }
0x26: {  	[hbm4b:s9+s6] =	stream.linear.scatter [tilespmem:s15], [sflag:$0x1], $0x8000, $0x38;
	[tilespmem:$0x15380] =	vst v63  }
0x27: {  	_ =	swait.ge [sflag:s8], $0x8000  }
0x28: {  	v50 =	vld [tilespmem:$0x1FFE0];
	_ =	sdelay $0x1  }
0x29: {  	v1 =	vld [tilespmem:$0x1FF00];
	_ =	sdelay $0x1  }
0x2a: {  	v51 =	vld [tilespmem:$0x1FF10];
	_ =	sdelay $0x1  }
0x2b: {  	[sflag:s8] =	ssyncset.done $0x0;
	v3 =	vld [tilespmem:$0x1FF20]  }
0x2c: {  	v52 =	vld [tilespmem:$0x1FF30];
	[sflag:s8] =	ssyncadd.s32 $0xFFFF8000  }
0x2d: {  	v0 =	vld.idx.msk [tilespmem:v50+s16+$0x0], $0xffff  }
0x2e: {  	v53 =	vld [tilespmem:$0x1FF40]  }
0x2f: {  	v1 =	vld.idx.msk [tilespmem:v1+s16+$0x0], $0xffff  }
0x30: {  	v54 =	vld [tilespmem:$0x1FF50]  }
0x31: {  	v2 =	vld.idx.msk [tilespmem:v51+s16+$0x0], $0xffff  }
0x32: {  	v55 =	vld [tilespmem:$0x1FF60];
	v0 =	vadd.f32 $0.0e+00, v0  }
0x33: {  	v3 =	vld.idx.msk [tilespmem:v3+s16+$0x0], $0xffff  }
0x34: {  	v56 =	vld [tilespmem:$0x1FF70];
	v0 =	vadd.f32 v1, v0  }
0x35: {  	v1 =	vld.idx.msk [tilespmem:v52+s16+$0x0], $0xffff  }
0x36: {  	v57 =	vld [tilespmem:$0x1FF80];
	v0 =	vadd.f32 v2, v0  }
0x37: {  	v2 =	vld.idx.msk [tilespmem:v53+s16+$0x0], $0xffff  }
0x38: {  	v58 =	vld [tilespmem:$0x1FF90];
	v0 =	vadd.f32 v3, v0  }
0x39: {  	v3 =	vld.idx.msk [tilespmem:v54+s16+$0x0], $0xffff  }
0x3a: {  	v59 =	vld [tilespmem:$0x1FFA0];
	v0 =	vadd.f32 v1, v0  }
0x3b: {  	v1 =	vld.idx.msk [tilespmem:v55+s16+$0x0], $0xffff  }
0x3c: {  	v60 =	vld [tilespmem:$0x1FFB0];
	v0 =	vadd.f32 v2, v0  }
0x3d: {  	v2 =	vld.idx.msk [tilespmem:v56+s16+$0x0], $0xffff  }
0x3e: {  	v61 =	vld [tilespmem:$0x1FFC0];
	v0 =	vadd.f32 v3, v0  }
0x3f: {  	v3 =	vld.idx.msk [tilespmem:v57+s16+$0x0], $0xffff  }
0x40: {  	v62 =	vld [tilespmem:$0x1FFD0];
	v0 =	vadd.f32 v1, v0  }
0x41: {  	v1 =	vld.idx.msk [tilespmem:v58+s16+$0x0], $0xffff  }
0x42: {  	v63 =	vld [tilespmem:$0x1FFF0];
	v0 =	vadd.f32 v2, v0  }
0x43: {  	v2 =	vld.idx.msk [tilespmem:v59+s16+$0x0], $0xffff  }
0x44: {  	v0 =	vadd.f32 v3, v0  }
0x45: {  	v3 =	vld.idx.msk [tilespmem:v60+s16+$0x0], $0xffff  }
0x46: {  	v0 =	vadd.f32 v1, v0  }
0x47: {  	v1 =	vld.idx.msk [tilespmem:v61+s16+$0x0], $0xffff  }
0x48: {  	v0 =	vadd.f32 v2, v0  }
0x49: {  	v2 =	vld.idx.msk [tilespmem:v62+s16+$0x0], $0xffff  }
0x4a: {  	v0 =	vadd.f32 v3, v0  }
0x4b: {  	v3 =	vld.idx.msk [tilespmem:v63+s16+$0x0], $0xffff  }
0x4c: {  	v0 =	vadd.f32 v1, v0;
	_ =	sdelay $0x1  }
0x4d: {  	v0 =	vadd.f32 v2, v0;
	_ =	sdelay $0x1  }
0x4e: {  	v0 =	vadd.f32 v3, v0;
	_ =	sdelay $0x1  }
0x4f: {  	v0 =	vnsel vm0, $0x0, v0  }
0x50: {  	[tilespmem:$0x14A80] =	vst v0  }
0x51: {  	[hbm4b:s10+s6] =	stream.linear.scatter [tilespmem:s17], [sflag:$0x1], $0x80, $0x38;
	[tilespmem:$0x15380] =	vst v63  }
0x52: {  	_ =	swait.ge [sflag:s8], $0x80  }
0x53: {  	[sflag:s8] =	ssyncset.done $0x0  }
0x54: {  	s0 =	simm.s32 @!p0 $0x14B00;
	[sflag:s8] =	ssyncadd.s32 $0xFFFFFF80  }
0x55: {  	v0 =	vld.msk @!p0 [tilespmem:s0+$0x0], $0xffff  }
0x56: {  	v1 =	vimm.s32 @!p0 $0x1;
	_ =	sdelay $0x3  }
0x57: {  	[tilespmem:$0x14B80] =	vst @!p0 v0  }
0x58: {  	v0 =	vld.idx.msk @!p0 [tilespmem:v1+s0+$0x0], $0xffff  }
0x59: {  	v1 =	vimm.s32 @!p0 $0x2;
	_ =	sdelay $0x3  }
0x5a: {  	[tilespmem:$0x14C00] =	vst @!p0 v0  }
0x5b: {  	v0 =	vld.idx.msk @!p0 [tilespmem:v1+s0+$0x0], $0xffff  }
0x5c: {  	v1 =	vimm.s32 @!p0 $0x3;
	_ =	sdelay $0x3  }
0x5d: {  	[tilespmem:$0x14C80] =	vst @!p0 v0  }
0x5e: {  	v0 =	vld.idx.msk @!p0 [tilespmem:v1+s0+$0x0], $0xffff  }
0x5f: {  	v1 =	vimm.s32 @!p0 $0x4;
	_ =	sdelay $0x3  }
0x60: {  	[tilespmem:$0x14D00] =	vst @!p0 v0  }
0x61: {  	v0 =	vld.idx.msk @!p0 [tilespmem:v1+s0+$0x0], $0xffff  }
0x62: {  	v1 =	vimm.s32 @!p0 $0x5;
	_ =	sdelay $0x3  }
0x63: {  	[tilespmem:$0x14D80] =	vst @!p0 v0  }
0x64: {  	v0 =	vld.idx.msk @!p0 [tilespmem:v1+s0+$0x0], $0xffff  }
0x65: {  	v1 =	vimm.s32 @!p0 $0x6;
	_ =	sdelay $0x3  }
0x66: {  	[tilespmem:$0x14E00] =	vst @!p0 v0  }
0x67: {  	v0 =	vld.idx.msk @!p0 [tilespmem:v1+s0+$0x0], $0xffff  }
0x68: {  	v1 =	vimm.s32 @!p0 $0x7;
	_ =	sdelay $0x3  }
0x69: {  	[tilespmem:$0x14E80] =	vst @!p0 v0  }
0x6a: {  	v0 =	vld.idx.msk @!p0 [tilespmem:v1+s0+$0x0], $0xffff  }
0x6b: {  	v1 =	vimm.s32 @!p0 $0x8;
	_ =	sdelay $0x3  }
0x6c: {  	[tilespmem:$0x14F00] =	vst @!p0 v0  }
0x6d: {  	v0 =	vld.idx.msk @!p0 [tilespmem:v1+s0+$0x0], $0xffff  }
0x6e: {  	v1 =	vimm.s32 @!p0 $0x9;
	_ =	sdelay $0x3  }
0x6f: {  	[tilespmem:$0x14F80] =	vst @!p0 v0  }
0x70: {  	v0 =	vld.idx.msk @!p0 [tilespmem:v1+s0+$0x0], $0xffff  }
0x71: {  	v1 =	vimm.s32 @!p0 $0xA;
	_ =	sdelay $0x3  }
0x72: {  	[tilespmem:$0x15000] =	vst @!p0 v0  }
0x73: {  	v0 =	vld.idx.msk @!p0 [tilespmem:v1+s0+$0x0], $0xffff  }
0x74: {  	v1 =	vimm.s32 @!p0 $0xB;
	_ =	sdelay $0x3  }
0x75: {  	[tilespmem:$0x15080] =	vst @!p0 v0  }
0x76: {  	v0 =	vld.idx.msk @!p0 [tilespmem:v1+s0+$0x0], $0xffff  }
0x77: {  	v1 =	vimm.s32 @!p0 $0xC;
	_ =	sdelay $0x3  }
0x78: {  	[tilespmem:$0x15100] =	vst @!p0 v0  }
0x79: {  	v0 =	vld.idx.msk @!p0 [tilespmem:v1+s0+$0x0], $0xffff  }
0x7a: {  	v1 =	vimm.s32 @!p0 $0xD;
	_ =	sdelay $0x3  }
0x7b: {  	[tilespmem:$0x15180] =	vst @!p0 v0  }
0x7c: {  	v0 =	vld.idx.msk @!p0 [tilespmem:v1+s0+$0x0], $0xffff  }
0x7d: {  	v1 =	vimm.s32 @!p0 $0xE;
	_ =	sdelay $0x3  }
0x7e: {  	[tilespmem:$0x15200] =	vst @!p0 v0  }
0x7f: {  	v0 =	vld.idx.msk @!p0 [tilespmem:v1+s0+$0x0], $0xffff  }
0x80: {  	v1 =	vimm.s32 @!p0 $0xF;
	_ =	sdelay $0x3  }
0x81: {  	[tilespmem:$0x15280] =	vst @!p0 v0  }
0x82: {  	v0 =	vld.idx.msk @!p0 [tilespmem:v1+s0+$0x0], $0xffff;
	_ =	sdelay $0x3  }
0x83: {  	s18 =	sadd.s32 $0x1, s18  }
0x84: {  	s5 =	simm.s32 @!p0 $0x14B80;
	p1 =	sne.s32 s18, s11;
	s0 =	simm.s32 @!p0 $0x0;
	[tilespmem:$0x15300] =	vst @!p0 v0  }
0x85: {  	[hbm4b:s7+s0] =	stream.linear.scatter @!p0 [tilespmem:s5], [sflag:$0x1], $0x800, $0x38;
	[tilespmem:$0x15380] =	vst v63  }
.Ltmp1:
0x86: {  	_ = 	snop;
	(pc) =	sbr.rel @!p1 .LBB2_9-.Ltmp1, $4  }
0x87: {  	s0 =	simm.s32 @!p0 $0x1  }
0x88: {  	_ =	swait.ge @!p0 [sflag:s0], $0x800  }
0x89: {  	[sflag:s0] =	ssyncset.done @!p0 $0x0  }
0x8a: {  	[sflag:s0] =	ssyncadd.s32 @!p0 $0xFFFFF800  }
.LBB2_1:
0x8b: {  	[tilespmem:s6], [sflag:$0x1] =	stream.linear.gather [hbm4b:s2+s6], $0x8000, $0x38;
	[tilespmem:$0x15380] =	vst v63  }
0x8c: {  	_ =	swait.ge [sflag:s8], $0x8000  }
0x8d: {  	[sflag:s8] =	ssyncset.done $0x0  }
0x8e: {  	[sflag:s8] =	ssyncadd.s32 $0xFFFF8000  }
0x8f: {  	[tilespmem:s12], [sflag:$0x1] =	stream.linear.gather [hbm4b:s3+s6], $0x180, $0x38;
	[tilespmem:$0x15380] =	vst v63  }
0x90: {  	_ =	swait.ge [sflag:s8], $0x180  }
0x91: {  	[sflag:s8] =	ssyncset.done $0x0  }
0x92: {  	v0 =	vimm.s32 $0x7FFF;
	[sflag:s8] =	ssyncadd.s32 $0xFFFFFE80  }
0x93: {  	[tilespmem:s13], [sflag:$0x1] =	stream.linear.gather [hbm4b:s4+s6], $0x80, $0x38;
	[tilespmem:$0x15380] =	vst v63  }
0x94: {  	_ =	swait.ge [sflag:s8], $0x80  }
0x95: {  	[sflag:s8] =	ssyncset.done $0x0  }
0x96: {  	[sflag:s8] =	ssyncadd.s32 $0xFFFFFF80  }
0x97: {  	v0 =	vld.idx.msk [tilespmem:v0+s6+$0x0], $0xffff;
	_ =	sdelay $0x1  }
0x98: {  	v1 =	vld [tilespmem:$0x1FEF0];
	_ =	sdelay $0x1  }
0x99: {  	v3 =	vlaneseq.u32  }
0x9a: {  	v2 =	vimm.s32 $0x0;
	vm9 =	vlt.s32 v0, v3  }
0x9b: {  	v4 =	vsel vm9, $0x8000, v2  }
0x9c: {  	vm9 =	vlt.s32 v0, v1;
	v5 =	vor.u32 $0x4000, v4  }
0x9d: {  	v6 =	vsel vm9, $0x8000, v2;
	v0 =	vmin.u32 v5, $0x8000  }
0x9e: {  	v7 =	vor.u32 $0x4000, v6;
	v0 =	vadd.s32 $0xFFFFFFFF, v0  }
0x9f: {  	v8 =	vmin.u32 v7, $0x8000  }
0xa0: {  	v8 =	vadd.s32 $0xFFFFFFFF, v8;
	_ =	sdelay $0x2  }
0xa1: {  	v0 =	vld.idx.msk [tilespmem:v0+s6+$0x0], $0xffff;
	_ =	sdelay $0x1  }
0xa2: {  	v8 =	vld.idx.msk [tilespmem:v8+s6+$0x0], $0xffff;
	_ =	sdelay $0x2  }
0xa3: {  	vm9 =	vlt.u32 v5, $0x8001;
	vm10 =	vlt.s32 v0, v3  }
0xa4: {  	vm9 =	vmand vm10, vm9  }
0xa5: {  	vm10 =	vlt.s32 v8, v1;
	v0 =	vsel vm9, v5, v4;
	vm9 =	vlt.u32 v7, $0x8001  }
0xa6: {  	v4 =	vor.u32 $0x2000, v0;
	vm9 =	vmand vm9, vm10  }
0xa7: {  	v46 =	vmin.u32 v4, $0x8000;
	v6 =	vsel vm9, v7, v6  }
0xa8: {  	v5 =	vadd.s32 $0xFFFFFFFF, v46;
	v7 =	vor.u32 $0x2000, v6  }
0xa9: {  	v8 =	vmin.u32 v7, $0x8000  }
0xaa: {  	v8 =	vadd.s32 $0xFFFFFFFF, v8;
	_ =	sdelay $0x2  }
0xab: {  	v5 =	vld.idx.msk [tilespmem:v5+s6+$0x0], $0xffff;
	_ =	sdelay $0x1  }
0xac: {  	v8 =	vld.idx.msk [tilespmem:v8+s6+$0x0], $0xffff;
	_ =	sdelay $0x2  }
0xad: {  	vm9 =	vlt.u32 v4, $0x8001;
	vm10 =	vlt.s32 v5, v3  }
0xae: {  	vm9 =	vmand vm10, vm9  }
0xaf: {  	v0 =	vsel vm9, v4, v0;
	vm9 =	vlt.u32 v7, $0x8001;
	vm10 =	vlt.s32 v8, v1  }
0xb0: {  	v4 =	vor.u32 $0x1000, v0;
	vm9 =	vmand vm10, vm9  }
0xb1: {  	v47 =	vmin.u32 v4, $0x8000;
	v6 =	vsel vm9, v7, v6  }
0xb2: {  	v5 =	vadd.s32 $0xFFFFFFFF, v47;
	v7 =	vor.u32 $0x1000, v6  }
0xb3: {  	v8 =	vmin.u32 v7, $0x8000  }
0xb4: {  	v8 =	vadd.s32 $0xFFFFFFFF, v8;
	_ =	sdelay $0x2  }
0xb5: {  	v5 =	vld.idx.msk [tilespmem:v5+s6+$0x0], $0xffff;
	_ =	sdelay $0x1  }
0xb6: {  	v8 =	vld.idx.msk [tilespmem:v8+s6+$0x0], $0xffff;
	_ =	sdelay $0x2  }
0xb7: {  	vm9 =	vlt.u32 v4, $0x8001;
	vm10 =	vlt.s32 v5, v3  }
0xb8: {  	vm9 =	vmand vm10, vm9  }
0xb9: {  	v0 =	vsel vm9, v4, v0;
	vm9 =	vlt.u32 v7, $0x8001;
	vm10 =	vlt.s32 v8, v1  }
0xba: {  	v4 =	vadd.s32 $0x800, v0;
	vm9 =	vmand vm10, vm9  }
0xbb: {  	v48 =	vmin.u32 v4, $0x8000;
	v6 =	vsel vm9, v7, v6  }
0xbc: {  	v5 =	vadd.s32 $0xFFFFFFFF, v48;
	v7 =	vadd.s32 $0x800, v6  }
0xbd: {  	v8 =	vmin.u32 v7, $0x8000  }
0xbe: {  	v8 =	vadd.s32 $0xFFFFFFFF, v8;
	_ =	sdelay $0x2  }
0xbf: {  	v5 =	vld.idx.msk [tilespmem:v5+s6+$0x0], $0xffff;
	_ =	sdelay $0x1  }
0xc0: {  	v8 =	vld.idx.msk [tilespmem:v8+s6+$0x0], $0xffff;
	_ =	sdelay $0x2  }
0xc1: {  	vm9 =	vlt.u32 v0, $0x7801;
	vm10 =	vlt.s32 v5, v3  }
0xc2: {  	vm9 =	vmand vm10, vm9  }
0xc3: {  	v0 =	vsel vm9, v4, v0;
	vm9 =	vlt.u32 v6, $0x7801;
	vm10 =	vlt.s32 v8, v1  }
0xc4: {  	v4 =	vadd.s32 $0x400, v0;
	vm9 =	vmand vm10, vm9  }
0xc5: {  	v49 =	vmin.u32 v4, $0x8000;
	v6 =	vsel vm9, v7, v6  }
0xc6: {  	v5 =	vadd.s32 $0xFFFFFFFF, v49;
	v7 =	vadd.s32 $0x400, v6  }
0xc7: {  	v8 =	vmin.u32 v7, $0x8000  }
0xc8: {  	v8 =	vadd.s32 $0xFFFFFFFF, v8;
	_ =	sdelay $0x2  }
0xc9: {  	v5 =	vld.idx.msk [tilespmem:v5+s6+$0x0], $0xffff;
	_ =	sdelay $0x1  }
0xca: {  	v8 =	vld.idx.msk [tilespmem:v8+s6+$0x0], $0xffff;
	_ =	sdelay $0x2  }
0xcb: {  	vm9 =	vlt.u32 v0, $0x7C01;
	vm10 =	vlt.s32 v5, v3  }
0xcc: {  	vm9 =	vmand vm10, vm9  }
0xcd: {  	v0 =	vsel vm9, v4, v0;
	vm9 =	vlt.u32 v6, $0x7C01;
	vm10 =	vlt.s32 v8, v1  }
0xce: {  	v4 =	vadd.s32 $0x200, v0;
	vm9 =	vmand vm10, vm9  }
0xcf: {  	v50 =	vmin.u32 v4, $0x8000;
	v6 =	vsel vm9, v7, v6  }
0xd0: {  	v5 =	vadd.s32 $0xFFFFFFFF, v50;
	v7 =	vadd.s32 $0x200, v6  }
0xd1: {  	v8 =	vmin.u32 v7, $0x8000  }
0xd2: {  	v8 =	vadd.s32 $0xFFFFFFFF, v8;
	_ =	sdelay $0x2  }
0xd3: {  	v5 =	vld.idx.msk [tilespmem:v5+s6+$0x0], $0xffff;
	_ =	sdelay $0x1  }
0xd4: {  	v8 =	vld.idx.msk [tilespmem:v8+s6+$0x0], $0xffff;
	_ =	sdelay $0x2  }
0xd5: {  	vm9 =	vlt.u32 v0, $0x7E01;
	vm10 =	vlt.s32 v5, v3  }
0xd6: {  	vm9 =	vmand vm10, vm9  }
0xd7: {  	v0 =	vsel vm9, v4, v0;
	vm9 =	vlt.u32 v6, $0x7E01;
	vm10 =	vlt.s32 v8, v1  }
0xd8: {  	v4 =	vadd.s32 $0x100, v0;
	vm9 =	vmand vm10, vm9  }
0xd9: {  	v51 =	vmin.u32 v4, $0x8000;
	v6 =	vsel vm9, v7, v6  }
0xda: {  	v5 =	vadd.s32 $0xFFFFFFFF, v51;
	v7 =	vadd.s32 $0x100, v6  }
0xdb: {  	v8 =	vmin.u32 v7, $0x8000  }
0xdc: {  	v8 =	vadd.s32 $0xFFFFFFFF, v8;
	_ =	sdelay $0x2  }
0xdd: {  	v5 =	vld.idx.msk [tilespmem:v5+s6+$0x0], $0xffff;
	_ =	sdelay $0x1  }
0xde: {  	v8 =	vld.idx.msk [tilespmem:v8+s6+$0x0], $0xffff;
	_ =	sdelay $0x2  }
0xdf: {  	vm9 =	vlt.u32 v0, $0x7F01;
	vm10 =	vlt.s32 v5, v3  }
0xe0: {  	vm9 =	vmand vm10, vm9  }
0xe1: {  	v0 =	vsel vm9, v4, v0;
	vm9 =	vlt.u32 v6, $0x7F01;
	vm10 =	vlt.s32 v8, v1  }
0xe2: {  	v4 =	vadd.s32 $0x80, v0;
	vm9 =	vmand vm10, vm9  }
0xe3: {  	v52 =	vmin.u32 v4, $0x8000;
	v6 =	vsel vm9, v7, v6  }
0xe4: {  	v5 =	vadd.s32 $0xFFFFFFFF, v52;
	v7 =	vadd.s32 $0x80, v6  }
0xe5: {  	v8 =	vmin.u32 v7, $0x8000  }
0xe6: {  	v8 =	vadd.s32 $0xFFFFFFFF, v8;
	_ =	sdelay $0x2  }
0xe7: {  	v5 =	vld.idx.msk [tilespmem:v5+s6+$0x0], $0xffff;
	_ =	sdelay $0x1  }
0xe8: {  	v8 =	vld.idx.msk [tilespmem:v8+s6+$0x0], $0xffff;
	_ =	sdelay $0x2  }
0xe9: {  	vm9 =	vlt.u32 v0, $0x7F81;
	vm10 =	vlt.s32 v5, v3  }
0xea: {  	vm9 =	vmand vm10, vm9  }
0xeb: {  	v0 =	vsel vm9, v4, v0;
	vm9 =	vlt.u32 v6, $0x7F81;
	vm10 =	vlt.s32 v8, v1  }
0xec: {  	v4 =	vadd.s32 $0x40, v0;
	vm9 =	vmand vm10, vm9  }
0xed: {  	v53 =	vmin.u32 v4, $0x8000;
	v6 =	vsel vm9, v7, v6  }
0xee: {  	v5 =	vadd.s32 $0xFFFFFFFF, v53;
	v7 =	vadd.s32 $0x40, v6  }
0xef: {  	v8 =	vmin.u32 v7, $0x8000  }
0xf0: {  	v8 =	vadd.s32 $0xFFFFFFFF, v8;
	_ =	sdelay $0x2  }
0xf1: {  	v5 =	vld.idx.msk [tilespmem:v5+s6+$0x0], $0xffff;
	_ =	sdelay $0x1  }
0xf2: {  	v8 =	vld.idx.msk [tilespmem:v8+s6+$0x0], $0xffff;
	_ =	sdelay $0x2  }
0xf3: {  	vm9 =	vlt.u32 v0, $0x7FC1;
	vm10 =	vlt.s32 v5, v3  }
0xf4: {  	vm9 =	vmand vm10, vm9  }
0xf5: {  	v0 =	vsel vm9, v4, v0;
	vm9 =	vlt.u32 v6, $0x7FC1;
	vm10 =	vlt.s32 v8, v1  }
0xf6: {  	v4 =	vadd.s32 $0x20, v0;
	vm9 =	vmand vm10, vm9  }
0xf7: {  	v54 =	vmin.u32 v4, $0x8000;
	v6 =	vsel vm9, v7, v6  }
0xf8: {  	v5 =	vadd.s32 $0xFFFFFFFF, v54;
	v7 =	vadd.s32 $0x20, v6  }
0xf9: {  	v8 =	vmin.u32 v7, $0x8000  }
0xfa: {  	v8 =	vadd.s32 $0xFFFFFFFF, v8;
	_ =	sdelay $0x2  }
0xfb: {  	v5 =	vld.idx.msk [tilespmem:v5+s6+$0x0], $0xffff;
	_ =	sdelay $0x1  }
0xfc: {  	v8 =	vld.idx.msk [tilespmem:v8+s6+$0x0], $0xffff;
	_ =	sdelay $0x2  }
0xfd: {  	vm9 =	vlt.u32 v0, $0x7FE1;
	vm10 =	vlt.s32 v5, v3  }
0xfe: {  	vm9 =	vmand vm10, vm9  }
0xff: {  	v0 =	vsel vm9, v4, v0;
	vm9 =	vlt.u32 v6, $0x7FE1;
	vm10 =	vlt.s32 v8, v1  }
0x100: {  	v4 =	vadd.s32 $0x10, v0;
	vm9 =	vmand vm10, vm9  }
0x101: {  	v55 =	vmin.u32 v4, $0x8000;
	v6 =	vsel vm9, v7, v6  }
0x102: {  	v5 =	vadd.s32 $0xFFFFFFFF, v55;
	v7 =	vadd.s32 $0x10, v6  }
0x103: {  	v8 =	vmin.u32 v7, $0x8000  }
0x104: {  	v8 =	vadd.s32 $0xFFFFFFFF, v8;
	_ =	sdelay $0x2  }
0x105: {  	v5 =	vld.idx.msk [tilespmem:v5+s6+$0x0], $0xffff;
	_ =	sdelay $0x1  }
0x106: {  	v8 =	vld.idx.msk [tilespmem:v8+s6+$0x0], $0xffff;
	_ =	sdelay $0x2  }
0x107: {  	vm9 =	vlt.u32 v0, $0x7FF1;
	vm10 =	vlt.s32 v5, v3  }
0x108: {  	vm9 =	vmand vm10, vm9  }
0x109: {  	v0 =	vsel vm9, v4, v0;
	vm9 =	vlt.u32 v6, $0x7FF1;
	vm10 =	vlt.s32 v8, v1  }
0x10a: {  	v4 =	vadd.s32 $0x8, v0;
	vm9 =	vmand vm10, vm9  }
0x10b: {  	v56 =	vmin.u32 v4, $0x8000;
	v6 =	vsel vm9, v7, v6  }
0x10c: {  	v5 =	vadd.s32 $0xFFFFFFFF, v56;
	v7 =	vadd.s32 $0x8, v6  }
0x10d: {  	v8 =	vmin.u32 v7, $0x8000  }
0x10e: {  	v8 =	vadd.s32 $0xFFFFFFFF, v8;
	_ =	sdelay $0x2  }
0x10f: {  	v5 =	vld.idx.msk [tilespmem:v5+s6+$0x0], $0xffff;
	_ =	sdelay $0x1  }
0x110: {  	v8 =	vld.idx.msk [tilespmem:v8+s6+$0x0], $0xffff;
	_ =	sdelay $0x2  }
0x111: {  	vm9 =	vlt.u32 v0, $0x7FF9;
	vm10 =	vlt.s32 v5, v3  }
0x112: {  	vm9 =	vmand vm10, vm9  }
0x113: {  	v0 =	vsel vm9, v4, v0;
	vm9 =	vlt.u32 v6, $0x7FF9;
	vm10 =	vlt.s32 v8, v1  }
0x114: {  	v4 =	vadd.s32 $0x4, v0;
	vm9 =	vmand vm10, vm9  }
0x115: {  	v57 =	vmin.u32 v4, $0x8000;
	v6 =	vsel vm9, v7, v6  }
0x116: {  	v5 =	vadd.s32 $0xFFFFFFFF, v57;
	v7 =	vadd.s32 $0x4, v6  }
0x117: {  	v8 =	vmin.u32 v7, $0x8000  }
0x118: {  	v8 =	vadd.s32 $0xFFFFFFFF, v8;
	_ =	sdelay $0x2  }
0x119: {  	v5 =	vld.idx.msk [tilespmem:v5+s6+$0x0], $0xffff;
	_ =	sdelay $0x1  }
0x11a: {  	v8 =	vld.idx.msk [tilespmem:v8+s6+$0x0], $0xffff;
	_ =	sdelay $0x2  }
0x11b: {  	vm9 =	vlt.u32 v0, $0x7FFD;
	vm10 =	vlt.s32 v5, v3  }
0x11c: {  	vm9 =	vmand vm10, vm9  }
0x11d: {  	v0 =	vsel vm9, v4, v0;
	vm9 =	vlt.u32 v6, $0x7FFD;
	vm10 =	vlt.s32 v8, v1  }
0x11e: {  	v4 =	vadd.s32 $0x2, v0;
	vm9 =	vmand vm10, vm9  }
0x11f: {  	v58 =	vmin.u32 v4, $0x8000;
	v6 =	vsel vm9, v7, v6  }
0x120: {  	v5 =	vadd.s32 $0xFFFFFFFF, v58;
	v7 =	vadd.s32 $0x2, v6  }
0x121: {  	v8 =	vmin.u32 v7, $0x8000  }
0x122: {  	v8 =	vadd.s32 $0xFFFFFFFF, v8;
	_ =	sdelay $0x2  }
0x123: {  	v5 =	vld.idx.msk [tilespmem:v5+s6+$0x0], $0xffff;
	_ =	sdelay $0x1  }
0x124: {  	v8 =	vld.idx.msk [tilespmem:v8+s6+$0x0], $0xffff;
	_ =	sdelay $0x2  }
0x125: {  	vm9 =	vlt.u32 v0, $0x7FFF;
	vm10 =	vlt.s32 v5, v3  }
0x126: {  	vm9 =	vmand vm10, vm9  }
0x127: {  	v0 =	vsel vm9, v4, v0;
	vm9 =	vlt.u32 v6, $0x7FFF;
	vm10 =	vlt.s32 v8, v1  }
0x128: {  	v4 =	vadd.s32 $0x1, v0;
	vm9 =	vmand vm10, vm9  }
0x129: {  	v59 =	vmin.u32 v4, $0x8000;
	v6 =	vsel vm9, v7, v6  }
0x12a: {  	v5 =	vadd.s32 $0xFFFFFFFF, v59;
	v7 =	vadd.s32 $0x1, v6  }
0x12b: {  	v8 =	vmin.u32 v7, $0x8000  }
0x12c: {  	v8 =	vadd.s32 $0xFFFFFFFF, v8;
	_ =	sdelay $0x2  }
0x12d: {  	v5 =	vld.idx.msk [tilespmem:v5+s6+$0x0], $0xffff;
	_ =	sdelay $0x1  }
0x12e: {  	v8 =	vld.idx.msk [tilespmem:v8+s6+$0x0], $0xffff;
	_ =	sdelay $0x2  }
0x12f: {  	vm9 =	vlt.u32 v0, $0x8000;
	vm10 =	vlt.s32 v5, v3  }
0x130: {  	vm9 =	vmand vm10, vm9  }
0x131: {  	v0 =	vsel vm9, v4, v0;
	vm9 =	vlt.u32 v6, $0x8000;
	vm10 =	vlt.s32 v8, v1  }
0x132: {  	vm9 =	vmand vm10, vm9;
	v4 =	vnsel vm1, $0x0, v0  }
0x133: {  	v60 =	vsel vm9, v7, v6;
	(xrf0) =	vadd.scan.msk.s32 $0xffff, v4  }
0x134: {  	v0 =	vsub.s32 v60, v0  }
0x135: {  	v61 =	vnsel vm1, $0x0, v0  }
0x136: {  	(xrf0) =	vadd.scan.msk.s32 $0xffff, v61;
	_ =	sdelay $0x2  }
0x137: {  	v62, _, _ =	vpop (xrf0)  }
0x138: {  	(v2sf) =	vpush v62, $0xF;
	_ =	sdelay $0x1  }
0x139: {  	v63, _, _ =	vpop (xrf0)  }
0x13a: {  	(v2sf) =	vpush v63, $0xF;
	_ =	sdelay $0xb  }
0x13b: {  	s20 =	spop (v2sf)  }
0x13c: {  	s22 =	sand.u32 $0xFFFFFF80, s20  }
0x13d: {  	p1 =	slt.s32 s22, $0x6F00  }
0x13e: {  	v0 =	vcvt.s32.f32 v0;
	s19 =	spop (v2sf);
	s22 =	simm.s32 @!p1 $0x6F00  }
0x13f: {  	p1 =	slt.s32 s19, $0x1000;
	s21 =	smov.u32 s19;
	s23 =	sshrl.u32 s22, $0x1  }
0x140: {  	[tilespmem:$0x14B00] =	vst v0;
	s21 =	simm.s32 @!p1 $0x1000;
	s23 =	sadd.s32 s1, s23  }
0x141: {  	[tilespmem:s14], [sflag:$0x1] =	stream.linear.gather [hbm4b:s23+s6], $0x4400, $0x38;
	[tilespmem:$0x15380] =	vst v63  }
0x142: {  	s30 =	sadd.s32 $0x3F, s21  }
0x143: {  	s24 =	sand.u32 $0x3F, s30  }
0x144: {  	p6 =	slt.s32 s19, $0xFFFFFFC2;
	s31 =	sshra.s32 s30, $0x1F;
	p2 =	sne.s32 s24, $0x0  }
0x145: {  	s19 =	sshrl.u32 s31, $0x1A;
	p1 =	por !p6, !p2  }
0x146: {  	s23 =	simm.s32 $0x1;
	s19 =	sadd.s32 s19, s30;
	p1 =	por !p1, !p1  }
0x147: {  	s19 =	sshra.s32 s19, $0x6;
	s23 =	simm.s32 @!p1 $0x0  }
0x148: {  	s19 =	ssub.s32 s19, s23  }
0x149: {  	p1 =	slt.s32 s19, $0x1  }
.Ltmp2:
0x14a: {  	_ = 	snop;
	(pc) =	sbr.rel @p1 .LBB2_5-.Ltmp2, $4  }
0x14b: {  	_ = 	snop  }
0x14c: {  	v9 =	vimm.f32 $0.0e+00;
	v22 =	vimm.f32 $0.0e+00;
	_ =	swait.ge [sflag:s8], $0x4400  }
0x14d: {  	v26 =	vimm.f32 $0.0e+00;
	v2 =	vimm.f32 $0.0e+00;
	v59 =	vimm.f32 $0.0e+00;
	[sflag:s8] =	ssyncset.done $0x0  }
0x14e: {  	v8 =	vimm.f32 $0.0e+00;
	v0 =	vimm.f32 $0.0e+00;
	v62 =	vimm.f32 $0.0e+00;
	[sflag:s8] =	ssyncadd.s32 $0xFFFFBC00  }
0x14f: {  	v0 =	vld [tilespmem:$0xC600]  }
0x150: {  	v4 =	vld [tilespmem:$0xC500]  }
0x151: {  	v5 =	vld [tilespmem:$0xC480]  }
0x152: {  	v6 =	vld [tilespmem:$0xC400];
	_ =	sdelay $0x1  }
0x153: {  	v7 =	vnsel vm2, $0x0, v0  }
0x154: {  	(xrf2) =	vadd.scan.msk.f32 $0xffff, v7;
	v7 =	vnsel vm2, $0x0, v4  }
0x155: {  	(xrf2) =	vadd.scan.msk.f32 $0xffff, v7;
	v7 =	vnsel vm2, $0x0, v5  }
0x156: {  	(xrf2) =	vadd.scan.msk.f32 $0xffff, v7;
	v7 =	vnsel vm2, $0x0, v6  }
0x157: {  	(xrf2) =	vadd.scan.msk.f32 $0xffff, v7;
	v7 =	vnsel vm3, $0x0, v0  }
0x158: {  	(xrf2) =	vadd.scan.msk.f32 $0xffff, v7;
	v7 =	vnsel vm3, $0x0, v4  }
0x159: {  	(xrf2) =	vadd.scan.msk.f32 $0xffff, v7;
	v7 =	vnsel vm3, $0x0, v5  }
0x15a: {  	(xrf2) =	vadd.scan.msk.f32 $0xffff, v7;
	v7 =	vnsel vm3, $0x0, v6  }
0x15b: {  	(xrf2) =	vadd.scan.msk.f32 $0xffff, v7;
	v7 =	vnsel vm4, $0x0, v0  }
0x15c: {  	(xrf2) =	vadd.scan.msk.f32 $0xffff, v7;
	v7 =	vnsel vm4, $0x0, v4  }
0x15d: {  	(xrf2) =	vadd.scan.msk.f32 $0xffff, v7;
	v7 =	vnsel vm4, $0x0, v5  }
0x15e: {  	v8, _, _ =	vpop (xrf2);
	(xrf2) =	vadd.scan.msk.f32 $0xffff, v7;
	v7 =	vnsel vm4, $0x0, v6  }
0x15f: {  	v9, _, _ =	vpop (xrf2);
	(xrf2) =	vadd.scan.msk.f32 $0xffff, v7;
	v7 =	vnsel vm5, $0x0, v0  }
0x160: {  	v10, _, _ =	vpop (xrf2);
	(xrf2) =	vadd.scan.msk.f32 $0xffff, v7;
	v7 =	vnsel vm5, $0x0, v4  }
0x161: {  	v11, _, _ =	vpop (xrf2);
	(xrf2) =	vadd.scan.msk.f32 $0xffff, v7;
	v7 =	vnsel vm5, $0x0, v5  }
0x162: {  	v12, _, _ =	vpop (xrf2);
	(xrf2) =	vadd.scan.msk.f32 $0xffff, v7;
	v7 =	vnsel vm5, $0x0, v6  }
0x163: {  	v13, _, _ =	vpop (xrf2);
	(xrf2) =	vadd.scan.msk.f32 $0xffff, v7;
	v7 =	vnsel vm6, $0x0, v0  }
0x164: {  	v14, _, _ =	vpop (xrf2);
	(xrf2) =	vadd.scan.msk.f32 $0xffff, v7;
	v7 =	vnsel vm6, $0x0, v4  }
0x165: {  	v15, _, _ =	vpop (xrf2);
	(xrf2) =	vadd.scan.msk.f32 $0xffff, v7;
	v7 =	vnsel vm6, $0x0, v5  }
0x166: {  	v16, _, _ =	vpop (xrf2);
	(xrf2) =	vadd.scan.msk.f32 $0xffff, v7;
	v7 =	vnsel vm6, $0x0, v6  }
0x167: {  	v19, _, _ =	vpop (xrf2);
	(xrf2) =	vadd.scan.msk.f32 $0xffff, v7;
	v7 =	vnsel vm7, $0x0, v0  }
0x168: {  	v20, _, _ =	vpop (xrf2);
	(xrf2) =	vadd.scan.msk.f32 $0xffff, v7;
	v7 =	vnsel vm7, $0x0, v4  }
0x169: {  	v42, _, _ =	vpop (xrf2);
	(xrf2) =	vadd.scan.msk.f32 $0xffff, v7;
	v7 =	vnsel vm7, $0x0, v5  }
0x16a: {  	v1 =	vld [tilespmem:$0x1FEE0];
	v41, _, _ =	vpop (xrf2);
	(xrf2) =	vadd.scan.msk.f32 $0xffff, v7;
	v7 =	vnsel vm7, $0x0, v6  }
0x16b: {  	v40, _, _ =	vpop (xrf2);
	(xrf2) =	vadd.scan.msk.f32 $0xffff, v7;
	v7 =	vnsel vm8, $0x0, v0  }
0x16c: {  	v39, _, _ =	vpop (xrf2);
	(xrf2) =	vadd.scan.msk.f32 $0xffff, v7;
	v7 =	vnsel vm8, $0x0, v4  }
0x16d: {  	v38, _, _ =	vpop (xrf2);
	(xrf2) =	vadd.scan.msk.f32 $0xffff, v7;
	v7 =	vnsel vm8, $0x0, v5  }
0x16e: {  	v2 =	vlaneseq.u32;
	v37, _, _ =	vpop (xrf2);
	(xrf2) =	vadd.scan.msk.f32 $0xffff, v7;
	v7 =	vnsel vm8, $0x0, v6  }
0x16f: {  	vm9 =	veq.s32 v1, v2  }
0x170: {  	v0 =	vnsel vm9, $0x0, v0;
	v36, _, _ =	vpop (xrf2);
	(xrf2) =	vadd.scan.msk.f32 $0xffff, v7  }
0x171: {  	v7, _, _ =	vpop (xrf2);
	(xrf2) =	vadd.scan.msk.f32 $0xffff, v0;
	v0 =	vnsel vm9, $0x0, v4  }
0x172: {  	v4, _, _ =	vpop (xrf2);
	(xrf2) =	vadd.scan.msk.f32 $0xffff, v0;
	v0 =	vnsel vm9, $0x0, v5  }
0x173: {  	v5, _, _ =	vpop (xrf2);
	(xrf2) =	vadd.scan.msk.f32 $0xffff, v0;
	v0 =	vnsel vm9, $0x0, v6;
	_ =	sdelay $0x1  }
0x174: {  	v6, _, _ =	vpop (xrf2);
	(xrf2) =	vadd.scan.msk.f32 $0xffff, v0  }
0x175: {  	v0, _, _ =	vpop (xrf2)  }
0x176: {  	v30, _, _ =	vpop (xrf2)  }
0x177: {  	v29, _, _ =	vpop (xrf2)  }
0x178: {  	v28, _, _ =	vpop (xrf2)  }
0x179: {  	v27, _, _ =	vpop (xrf2)  }
0x17a: {  	v26, _, _ =	vpop (xrf2)  }
0x17b: {  	v25, _, _ =	vpop (xrf2)  }
0x17c: {  	v24, _, _ =	vpop (xrf2)  }
0x17d: {  	v23, _, _ =	vpop (xrf2)  }
0x17e: {  	v22, _, _ =	vpop (xrf2)  }
0x17f: {  	v1 =	vbroadcast v22, $0xF;
	_ =	sdelay $0x1  }
0x180: {  	[tilespmem:$0x1FCD0] =	vst v1;
	v1 =	vbroadcast v23, $0xF;
	_ =	sdelay $0x1  }
0x181: {  	[tilespmem:$0x1FCE0] =	vst v1;
	v1 =	vbroadcast v24, $0xF;
	_ =	sdelay $0x1  }
0x182: {  	[tilespmem:$0x1FCF0] =	vst v1;
	v1 =	vbroadcast v25, $0xF;
	_ =	sdelay $0x1  }
0x183: {  	[tilespmem:$0x1FD00] =	vst v1;
	v1 =	vbroadcast v26, $0xF;
	_ =	sdelay $0x1  }
0x184: {  	[tilespmem:$0x1FD10] =	vst v1;
	v1 =	vbroadcast v27, $0xF;
	_ =	sdelay $0x1  }
0x185: {  	[tilespmem:$0x1FD20] =	vst v1;
	v1 =	vbroadcast v28, $0xF;
	_ =	sdelay $0x1  }
0x186: {  	[tilespmem:$0x1FD30] =	vst v1;
	v1 =	vbroadcast v29, $0xF;
	_ =	sdelay $0x1  }
0x187: {  	[tilespmem:$0x1FD40] =	vst v1;
	v1 =	vbroadcast v30, $0xF;
	_ =	sdelay $0x1  }
0x188: {  	[tilespmem:$0x1FD50] =	vst v1;
	v1 =	vbroadcast v4, $0xF;
	_ =	sdelay $0x1  }
0x189: {  	[tilespmem:$0x1FD90] =	vst v1;
	v1 =	vbroadcast v7, $0xF;
	_ =	sdelay $0x1  }
0x18a: {  	[tilespmem:$0x1FDA0] =	vst v1;
	v1 =	vbroadcast v36, $0xF;
	_ =	sdelay $0x1  }
0x18b: {  	[tilespmem:$0x1FDB0] =	vst v1;
	v1 =	vbroadcast v37, $0xF;
	_ =	sdelay $0x1  }
0x18c: {  	[tilespmem:$0x1FDC0] =	vst v1;
	v1 =	vbroadcast v38, $0xF;
	_ =	sdelay $0x1  }
0x18d: {  	[tilespmem:$0x1FDD0] =	vst v1;
	v1 =	vbroadcast v39, $0xF;
	_ =	sdelay $0x1  }
0x18e: {  	[tilespmem:$0x1FDE0] =	vst v1;
	v1 =	vbroadcast v40, $0xF;
	_ =	sdelay $0x1  }
0x18f: {  	[tilespmem:$0x1FDF0] =	vst v1;
	v1 =	vbroadcast v41, $0xF;
	_ =	sdelay $0x1  }
0x190: {  	[tilespmem:$0x1FE00] =	vst v1;
	v1 =	vbroadcast v42, $0xF  }
0x191: {  	v0 =	vbroadcast v0, $0xF  }
0x192: {  	[tilespmem:$0x1FE10] =	vst v1;
	v1 =	vbroadcast v20, $0xF  }
0x193: {  	[tilespmem:$0x1FD60] =	vst v0;
	v0 =	vbroadcast v6, $0xF  }
0x194: {  	[tilespmem:$0x1FE20] =	vst v1;
	v1 =	vbroadcast v19, $0xF  }
0x195: {  	s20 =	ssub.s32 s20, s22;
	[tilespmem:$0x1FD70] =	vst v0;
	v0 =	vbroadcast v5, $0xF  }
0x196: {  	v34 =	vadd.s32 s20, v2;
	[tilespmem:$0x1FE30] =	vst v1;
	v1 =	vbroadcast v16, $0xF  }
0x197: {  	vm9 =	vlt.s32 v34, $0x10FF;
	[tilespmem:$0x1FD80] =	vst v0  }
0x198: {  	v0 =	vnsel vm9, $0x10FF, v34;
	[tilespmem:$0x1FE40] =	vst v1;
	v1 =	vbroadcast v15, $0xF  }
0x199: {  	v4 =	vand.u32 $0x7F, v0;
	v0 =	vshll.u32 v0, $0x2  }
0x19a: {  	v0 =	vand.u32 $0xFFFFFE00, v0;
	[tilespmem:$0x1FE50] =	vst v1;
	v1 =	vbroadcast v14, $0xF  }
0x19b: {  	v0 =	vor.u32 v4, v0  }
0x19c: {  	[tilespmem:$0x1FE60] =	vst v1;
	v1 =	vbroadcast v13, $0xF;
	_ =	sdelay $0x1  }
0x19d: {  	[tilespmem:$0x1FE70] =	vst v1;
	v1 =	vbroadcast v12, $0xF  }
0x19e: {  	v5 =	vor.u32 $0x80, v0  }
0x19f: {  	v7 =	vor.u32 $0x100, v0;
	v4 =	vld.idx.msk [tilespmem:v0+s14+$0x0], $0xffff;
	v0 =	vbroadcast v9, $0xF;
	[tilespmem:$0x1FE80] =	vst v1;
	v1 =	vmov s21  }
0x1a0: {  	[tilespmem:$0x1FE90] =	vst v1;
	v1 =	vbroadcast v11, $0xF  }
0x1a1: {  	[tilespmem:$0x1FEC0] =	vst v0;
	v0 =	vbroadcast v8, $0xF  }
0x1a2: {  	s22 =	simm.s32 $0x20;
	v59 =	vimm.f32 $0.0e+00;
	v62 =	vimm.f32 $0.0e+00;
	[tilespmem:$0x1FEA0] =	vst v1;
	v1 =	vbroadcast v10, $0xF  }
0x1a3: {  	p1 =	por $0x0, $0x0;
	s23 =	simm.s32 $0x0;
	s24 =	simm.s32 $0x0;
	v2 =	vimm.f32 $0.0e+00;
	v22 =	vimm.f32 $0.0e+00;
	v26 =	vimm.f32 $0.0e+00;
	v6 =	vld.idx.msk [tilespmem:v5+s14+$0x0], $0xffff;
	[tilespmem:$0x1FED0] =	vst v0  }
0x1a4: {  	s25 =	simm.s32 $0x0;
	s26 =	smov.u32 s19;
	v9 =	vimm.f32 $0.0e+00;
	v5 =	vld.idx.msk [tilespmem:v7+s14+$0x0], $0xffff;
	v8 =	vimm.f32 $0.0e+00;
	v0 =	vimm.f32 $0.0e+00;
	s21 =	simm.s32 $0x0;
	[tilespmem:$0x1FEB0] =	vst v1  }
.LBB2_3:
0x1a5: {  	v34 =	vld [tilespmem:$0x1FCD0]  }
0x1a6: {  	v35 =	vld [tilespmem:$0x1FCE0]  }
0x1a7: {  	v36 =	vld [tilespmem:$0x1FCF0]  }
0x1a8: {  	v38 =	vld [tilespmem:$0x1FD10]  }
0x1a9: {  	v39 =	vld [tilespmem:$0x1FD20]  }
0x1aa: {  	s28 =	sadd.s32 s21, s20;
	v42 =	vld [tilespmem:$0x1FD50]  }
0x1ab: {  	v32 =	vlaneseq.u32;
	v43 =	vld [tilespmem:$0x1FD60];
	s29 =	sadd.s32 $0x10, s28  }
0x1ac: {  	v44 =	vld [tilespmem:$0x1FD70];
	[tilespmem:$0x1FC30] =	vst v0;
	s31 =	sadd.s32 $0x20, s28;
	s0 =	sadd.s32 $0x30, s28;
	v50 =	vor.u32 s21, v32;
	v0 =	vadd.s32 s29, v32  }
0x1ad: {  	[tilespmem:$0x1FC10] =	vst v8;
	v46 =	vld [tilespmem:$0x1FD90];
	s28 =	sadd.s32 $0x40, s28;
	v8 =	vadd.s32 s31, v32;
	v12 =	vadd.s32 s0, v32;
	vm9 =	vlt.s32 v0, $0x10FF  }
0x1ae: {  	v16 =	vadd.s32 s28, v32;
	v0 =	vnsel vm9, $0x10FF, v0;
	v48 =	vmul.f32 v4, v34  }
0x1af: {  	v40 =	vld [tilespmem:$0x1FD30];
	vm9 =	vlt.s32 v8, $0x10FF;
	v15 =	vmul.f32 v6, v35;
	v49 =	vmul.f32 v5, v36  }
0x1b0: {  	v45 =	vld [tilespmem:$0x1FD00];
	v7 =	vshll.u32 v0, $0x2;
	v20 =	vmul.f32 v4, v38;
	v63 =	vmul.f32 v6, v39  }
0x1b1: {  	v37 =	vld [tilespmem:$0x1FE90];
	v0 =	vand.u32 $0x7F, v0;
	v52 =	vmul.f32 v4, v42;
	v17 =	vmul.f32 v6, v43  }
0x1b2: {  	v47 =	vld [tilespmem:$0x1FDA0];
	v56 =	vmul.f32 v5, v44;
	v57 =	vmul.f32 v4, v46;
	v7 =	vand.u32 $0xFFFFFE00, v7  }
0x1b3: {  	v41 =	vld [tilespmem:$0x1FD40];
	v7 =	vor.u32 v0, v7;
	v0 =	vnsel vm9, $0x10FF, v8;
	vm9 =	vlt.s32 v12, $0x10FF  }
0x1b4: {  	[tilespmem:$0x1FC00] =	vst v9;
	v24 =	vld [tilespmem:$0x1FDF0];
	v51 =	vadd.f32 v63, v20;
	v20 =	vmul.f32 v5, v40;
	v9 =	vshll.u32 v0, $0x2  }
0x1b5: {  	v23 =	vld [tilespmem:$0x1FDC0];
	v54 =	vadd.f32 v17, v52;
	v0 =	vand.u32 $0x7F, v0;
	v9 =	vand.u32 $0xFFFFFE00, v9  }
0x1b6: {  	v52 =	vld [tilespmem:$0x1FDD0];
	v53 =	vadd.f32 v20, v51;
	v14 =	vor.u32 v0, v9;
	v0 =	vnsel vm9, $0x10FF, v12  }
0x1b7: {  	v20 =	vmul.f32 v6, v47;
	v51 =	vld [tilespmem:$0x1FDE0];
	v12 =	vadd.f32 v15, v48;
	v9 =	vshll.u32 v0, $0x2  }
0x1b8: {  	v15 =	vadd.f32 v56, v54;
	v54 =	vld [tilespmem:$0x1FE10];
	v0 =	vand.u32 $0x7F, v0;
	v9 =	vand.u32 $0xFFFFFE00, v9  }
0x1b9: {  	v30 =	vmul.f32 v5, v24;
	v56 =	vld [tilespmem:$0x1FE50];
	v55 =	vor.u32 v0, v9;
	v9 =	vadd.f32 v49, v12  }
0x1ba: {  	v8 =	vor.u32 $0x80, v7;
	vm9 =	vlt.s32 v16, $0x10FF;
	v58 =	vadd.f32 v20, v57;
	v57 =	vld [tilespmem:$0x1FE60]  }
0x1bb: {  	v16 =	vnsel vm9, $0x10FF, v16;
	vm9 =	vlt.s32 v50, v37;
	v49 =	vld [tilespmem:$0x1FD80];
	v9 =	vadd.f32 v9, v45  }
0x1bc: {  	v0 =	vand.u32 $0x7F, v16;
	v16 =	vshll.u32 v16, $0x2;
	v12 =	vadd.f32 v53, v41;
	v53 =	vld [tilespmem:$0x1FE20]  }
0x1bd: {  	v63 =	vld [tilespmem:$0x1FDB0];
	v20 =	vmul.f32 v4, v52;
	v16 =	vand.u32 $0xFFFFFE00, v16;
	v9 =	vmax.f32 v9, $0.0e+00  }
0x1be: {  	v60 =	vld [tilespmem:$0x1FEA0];
	v18 =	vmul.f32 v6, v51;
	v19 =	vor.u32 v0, v16;
	v1 =	vnsel vm9, $0x0, v9  }
0x1bf: {  	v48 =	vld [tilespmem:$0x1FE30];
	v12 =	vmax.f32 v12, $0.0e+00;
	v31 =	vmul.f32 v4, v54;
	v0 =	vadd.f32 v1, v62  }
0x1c0: {  	[tilespmem:$0x1FC40] =	vst v2;
	v50 =	vld [tilespmem:$0x1FEB0];
	v33 =	vmul.f32 v4, v56;
	v29 =	vadd.f32 v18, v20;
	v3 =	vmul.f32 v6, v57  }
0x1c1: {  	v2 =	vld.idx.msk [tilespmem:v7+s14+$0x0], $0xffff;
	v15 =	vadd.f32 v15, v49;
	v20 =	vmul.f32 v6, v53;
	[tilespmem:$0x1FC50] =	vst v0;
	v0 =	vnsel vm9, $0x0, v12  }
0x1c2: {  	v28 =	vmul.f32 v5, v63;
	v3 =	vadd.f32 v3, v33;
	v33 =	vld [tilespmem:$0x1FEC0];
	[tilespmem:$0x1FC80] =	vst v0;
	v0 =	vadd.f32 v0, v26  }
0x1c3: {  	v13 =	vor.u32 $0x100, v7;
	v15 =	vmax.f32 v15, $0.0e+00;
	v7 =	vadd.f32 v20, v31;
	v31 =	vld [tilespmem:$0x1FE40]  }
0x1c4: {  	v16 =	vadd.f32 v28, v58;
	[tilespmem:$0x1FC60] =	vst v0;
	v0 =	vnsel vm9, $0x0, v15;
	v15 =	vadd.f32 v30, v29;
	v29 =	vld [tilespmem:$0x1FE70]  }
0x1c5: {  	v27 =	vld [tilespmem:$0x1FE00];
	v58 =	vmul.f32 v5, v48  }
0x1c6: {  	v61 =	vld [tilespmem:$0x1FE80];
	v4 =	vmul.f32 v4, v60;
	v16 =	vadd.f32 v16, v23;
	v6 =	vmul.f32 v6, v50  }
0x1c7: {  	[tilespmem:$0x1FC70] =	vst v1;
	v1 =	vld.idx.msk [tilespmem:v8+s14+$0x0], $0xffff;
	v7 =	vadd.f32 v58, v7  }
0x1c8: {  	v8 =	vmax.f32 v16, $0.0e+00;
	v4 =	vadd.f32 v6, v4;
	v30 =	vld [tilespmem:$0x1FED0]  }
0x1c9: {  	s28 =	sadd.s32 $0x10, s21;
	v16 =	vld.idx.msk [tilespmem:v13+s14+$0x0], $0xffff;
	v6 =	vmul.f32 v5, v33;
	v7 =	vadd.f32 v7, v31;
	v20 =	vmul.f32 v5, v29  }
0x1ca: {  	v32 =	vor.u32 s28, v32  }
0x1cb: {  	v4 =	vadd.f32 v6, v4;
	v6 =	vmax.f32 v7, $0.0e+00;
	v3 =	vadd.f32 v20, v3  }
0x1cc: {  	v62 =	vmul.f32 v2, v34;
	v15 =	vadd.f32 v15, v27;
	v6 =	vnsel vm9, $0x0, v6  }
0x1cd: {  	v18 =	vmul.f32 v1, v35;
	[tilespmem:$0x1FC20] =	vst v6;
	v6 =	vadd.f32 v4, v30;
	v3 =	vadd.f32 v3, v61  }
0x1ce: {  	v58 =	vnsel vm9, $0x0, v8;
	v13 =	vmul.f32 v16, v36;
	v28 =	vmul.f32 v1, v39  }
0x1cf: {  	v5 =	vmax.f32 v15, $0.0e+00;
	v6 =	vmax.f32 v6, $0.0e+00;
	v3 =	vmax.f32 v3, $0.0e+00  }
0x1d0: {  	v8 =	vnsel vm9, $0x0, v3;
	v3 =	vadd.f32 v18, v62;
	v62 =	vmul.f32 v2, v38  }
0x1d1: {  	v11 =	vor.u32 $0x80, v14;
	v5 =	vnsel vm9, $0x0, v5;
	v12 =	vnsel vm9, $0x0, v6  }
0x1d2: {  	v3 =	vadd.f32 v13, v3;
	v13 =	vadd.f32 v28, v62;
	v62 =	vmul.f32 v16, v40  }
0x1d3: {  	vm9 =	vlt.s32 v32, v37;
	v32 =	vmul.f32 v1, v43;
	v28 =	vmul.f32 v2, v42  }
0x1d4: {  	v20 =	vmul.f32 v1, v47;
	v13 =	vadd.f32 v62, v13;
	v62 =	vmul.f32 v2, v46  }
0x1d5: {  	v25 =	vmul.f32 v1, v57;
	v3 =	vadd.f32 v3, v45;
	v17 =	vadd.f32 v32, v28  }
0x1d6: {  	v28 =	vmul.f32 v16, v44;
	v15 =	vadd.f32 v20, v62;
	v20 =	vmul.f32 v16, v63  }
0x1d7: {  	v10 =	vor.u32 $0x100, v14;
	v4 =	vmovc v52;
	v32 =	vmul.f32 v2, v52;
	v52 =	vmul.f32 v1, v51  }
0x1d8: {  	v3 =	vmax.f32 v3, $0.0e+00;
	v62 =	vmul.f32 v2, v56;
	v15 =	vadd.f32 v20, v15  }
0x1d9: {  	v9 =	vnsel vm9, $0x0, v3;
	v3 =	vadd.f32 v28, v17;
	v20 =	vmul.f32 v16, v24  }
0x1da: {  	v6 =	vmovc v24;
	v24 =	vmul.f32 v1, v53;
	v15 =	vadd.f32 v15, v23;
	v23 =	vmul.f32 v2, v54  }
0x1db: {  	v17 =	vadd.f32 v52, v32;
	v1 =	vmul.f32 v1, v50;
	v2 =	vmul.f32 v2, v60  }
0x1dc: {  	v26 =	vmul.f32 v16, v29;
	v18 =	vadd.f32 v25, v62;
	v23 =	vadd.f32 v24, v23  }
0x1dd: {  	v24 =	vmul.f32 v16, v48;
	v1 =	vadd.f32 v1, v2;
	v2 =	vmul.f32 v16, v33  }
0x1de: {  	v17 =	vadd.f32 v20, v17;
	v28 =	vadd.f32 v26, v18;
	v18 =	vld.idx.msk [tilespmem:v11+s14+$0x0], $0xffff  }
0x1df: {  	v20 =	vadd.f32 v24, v23;
	v23 =	vld.idx.msk [tilespmem:v14+s14+$0x0], $0xffff;
	v1 =	vadd.f32 v2, v1  }
0x1e0: {  	v3 =	vadd.f32 v3, v49  }
0x1e1: {  	v2 =	vld.idx.msk [tilespmem:v10+s14+$0x0], $0xffff;
	v1 =	vadd.f32 v1, v30  }
0x1e2: {  	v22 =	vadd.f32 v0, v22;
	v13 =	vadd.f32 v13, v41;
	v3 =	vmax.f32 v3, $0.0e+00  }
0x1e3: {  	v11 =	vadd.f32 v17, v27;
	v15 =	vmax.f32 v15, $0.0e+00;
	v1 =	vmax.f32 v1, $0.0e+00  }
0x1e4: {  	v24 =	vmul.f32 v18, v39;
	v62 =	vnsel vm9, $0x0, v1;
	v1 =	vmul.f32 v23, v38  }
0x1e5: {  	[tilespmem:$0x1FC90] =	vst v0;
	v0 =	vmovc v27;
	v16 =	vnsel vm9, $0x0, v3;
	v26 =	vmul.f32 v18, v43;
	v27 =	vmul.f32 v18, v47  }
0x1e6: {  	v32 =	vmovc v29;
	v29 =	vadd.f32 v20, v31;
	v25 =	vmul.f32 v2, v40;
	v1 =	vadd.f32 v24, v1  }
0x1e7: {  	v20 =	vadd.f32 v28, v61;
	v28 =	vmul.f32 v18, v51;
	v24 =	vmul.f32 v23, v42  }
0x1e8: {  	v17 =	vmul.f32 v23, v46;
	v1 =	vadd.f32 v25, v1;
	v25 =	vmul.f32 v23, v4;
	v4 =	vld [tilespmem:$0x1FC00]  }
0x1e9: {  	v51 =	vmul.f32 v18, v53;
	v24 =	vadd.f32 v26, v24;
	v26 =	vmul.f32 v2, v44  }
0x1ea: {  	v14 =	vnsel vm9, $0x0, v15;
	v17 =	vadd.f32 v27, v17;
	v27 =	vmul.f32 v2, v63  }
0x1eb: {  	v10 =	vmax.f32 v29, $0.0e+00;
	v24 =	vadd.f32 v26, v24;
	v26 =	vmul.f32 v23, v54  }
0x1ec: {  	v17 =	vadd.f32 v27, v17;
	v25 =	vadd.f32 v28, v25;
	v28 =	vmul.f32 v2, v6;
	v6 =	vld [tilespmem:$0x1FC10]  }
0x1ed: {  	v29 =	vmul.f32 v18, v57;
	v26 =	vadd.f32 v51, v26;
	v51 =	vmovc v58;
	v58 =	vadd.f32 v58, v4;
	v4 =	vld [tilespmem:$0x1FC20]  }
0x1ee: {  	v27 =	vmul.f32 v2, v48;
	v25 =	vadd.f32 v28, v25;
	v28 =	vmul.f32 v23, v56  }
0x1ef: {  	v3 =	vmax.f32 v11, $0.0e+00;
	v11 =	vmax.f32 v20, $0.0e+00;
	v20 =	vnsel vm9, $0x0, v10  }
0x1f0: {  	v10 =	vld [tilespmem:$0x1FC40];
	v26 =	vadd.f32 v27, v26;
	v27 =	vadd.f32 v29, v28;
	v28 =	vmul.f32 v2, v32  }
0x1f1: {  	v15 =	vnsel vm9, $0x0, v3;
	v30 =	vmul.f32 v18, v35;
	v3 =	vmul.f32 v23, v34  }
0x1f2: {  	v27 =	vadd.f32 v28, v27;
	v28 =	vor.u32 $0x80, v19;
	v57 =	vadd.f32 v6, v4;
	v6 =	vld [tilespmem:$0x1FC30]  }
0x1f3: {  	v13 =	vmax.f32 v13, $0.0e+00  }
0x1f4: {  	v7 =	vmovc v31;
	v13 =	vnsel vm9, $0x0, v13;
	v31 =	vmul.f32 v2, v36;
	v3 =	vadd.f32 v30, v3  }
0x1f5: {  	v18 =	vmul.f32 v18, v50;
	v23 =	vmul.f32 v23, v60;
	v32 =	vadd.f32 v10, v12;
	v10 =	vmovc v9;
	v9 =	vld [tilespmem:$0x1FC50]  }
0x1f6: {  	v52 =	vnsel vm9, $0x0, v11;
	v3 =	vadd.f32 v31, v3;
	v29 =	vor.u32 $0x100, v55  }
0x1f7: {  	v28 =	vld.idx.msk [tilespmem:v28+s14+$0x0], $0xffff;
	v31 =	vadd.f32 v6, v8;
	v6 =	vmovc v12;
	v12 =	vadd.f32 v18, v23;
	v18 =	vor.u32 $0x100, v19  }
0x1f8: {  	s30 =	sadd.s32 $0x20, s21;
	v30 =	vor.u32 $0x80, v55;
	v3 =	vadd.f32 v3, v45;
	v56 =	vlaneseq.u32  }
0x1f9: {  	v2 =	vmul.f32 v2, v33;
	v23 =	vadd.f32 v14, v58;
	v58 =	vor.u32 s30, v56  }
0x1fa: {  	v3 =	vmax.f32 v3, $0.0e+00;
	v9 =	vadd.f32 v10, v9;
	vm9 =	vlt.s32 v58, v37  }
0x1fb: {  	v24 =	vadd.f32 v24, v49;
	v2 =	vadd.f32 v2, v12;
	v12 =	vld.idx.msk [tilespmem:v29+s14+$0x0], $0xffff;
	v3 =	vnsel vm9, $0x0, v3  }
0x1fc: {  	v29 =	vadd.f32 v52, v31;
	[tilespmem:$0x1FCB0] =	vst v28;
	v28 =	vadd.f32 v3, v9;
	v9 =	vld.idx.msk [tilespmem:v18+s14+$0x0], $0xffff  }
0x1fd: {  	v31 =	vadd.f32 v62, v32;
	v32 =	vmovc v0;
	v18 =	vmax.f32 v24, $0.0e+00;
	v24 =	vadd.f32 v25, v0;
	v0 =	vld [tilespmem:$0x1FC70];
	_ =	sdelay $0x1  }
0x1fe: {  	s5 =	sand.u32 $0xFFFFFC00, s25;
	v55 =	vld.idx.msk [tilespmem:v55+s14+$0x0], $0xffff  }
0x1ff: {  	s31 =	sand.u32 $0x40, s21;
	s29 =	sadd.s32 $0xC680, s5;
	v56 =	vld.idx.msk [tilespmem:v30+s14+$0x0], $0xffff  }
0x200: {  	s31 =	sor.u32 s31, s29;
	v19 =	vld.idx.msk [tilespmem:v19+s14+$0x0], $0xffff  }
0x201: {  	[tilespmem:s31+$0x0] =	vst v0;
	v0 =	vld [tilespmem:$0x1FC80];
	_ =	sdelay $0x4  }
0x202: {  	[tilespmem:s31+$0x80] =	vst v0;
	v0 =	vld [tilespmem:$0x1FC90]  }
0x203: {  	s5 =	simm.s32 $0x1  }
0x204: {  	s5 =	simm.s32 @!p1 $0x0  }
0x205: {  	s5 =	sshll.u32 s5, $0x6;
	[tilespmem:s31+$0x180] =	vst v51  }
0x206: {  	s5 =	sadd.s32 s5, s25;
	[tilespmem:$0x1FCA0] =	vst v9  }
0x207: {  	s0 =	sor.u32 $0x200, s5;
	v22 =	vadd.f32 v16, v22;
	[tilespmem:s31+$0x100] =	vst v0  }
0x208: {  	v25 =	vadd.f32 v26, v7;
	v26 =	vadd.f32 v27, v61;
	[tilespmem:s0+$0xC680] =	vst v5;
	s0 =	sor.u32 $0x280, s5  }
0x209: {  	v11 =	vld [tilespmem:$0x1FC60];
	v27 =	vmul.f32 v56, v39;
	v9 =	vmov v7;
	v7 =	vmul.f32 v55, v38;
	[tilespmem:s0+$0xC680] =	vst v4;
	s0 =	sor.u32 $0x300, s5  }
0x20a: {  	v18 =	vnsel vm9, $0x0, v18;
	s5 =	sor.u32 $0x380, s5;
	[tilespmem:s0+$0xC680] =	vst v8  }
0x20b: {  	s28 =	sand.u32 $0x50, s28;
	v7 =	vadd.f32 v27, v7;
	[tilespmem:s5+$0xC680] =	vst v6;
	v6 =	vadd.f32 v18, v22;
	v22 =	vmul.f32 v12, v40  }
0x20c: {  	v59 =	vadd.f32 v5, v59;
	s0 =	sor.u32 s28, s29;
	s5 =	sand.u32 $0x7, s24  }
0x20d: {  	v42 =	vmul.f32 v55, v42;
	[tilespmem:s0+$0x0] =	vst v10;
	s5 =	sshll.u32 s5, $0x4;
	v7 =	vadd.f32 v22, v7;
	v22 =	vmul.f32 v56, v43  }
0x20e: {  	v11 =	vadd.f32 v13, v11;
	[tilespmem:s0+$0x80] =	vst v13;
	s28 =	sadd.s32 s5, s25  }
0x20f: {  	v30 =	vadd.f32 v15, v59;
	v59 =	vld [tilespmem:$0x1FDC0];
	[tilespmem:s0+$0x100] =	vst v16;
	s5 =	sadd.s32 $0x10, s28;
	v13 =	vadd.f32 v22, v42;
	v22 =	vmul.f32 v12, v44  }
0x210: {  	v1 =	vadd.f32 v1, v41;
	v8 =	vld [tilespmem:$0x1FDD0];
	[tilespmem:s0+$0x180] =	vst v14;
	s0 =	sor.u32 $0x200, s5  }
0x211: {  	[tilespmem:s0+$0xC680] =	vst v15;
	s0 =	sor.u32 $0x280, s5;
	v13 =	vadd.f32 v22, v13  }
0x212: {  	v1 =	vmax.f32 v1, $0.0e+00;
	[tilespmem:s0+$0xC680] =	vst v20;
	s0 =	sor.u32 $0x300, s5  }
0x213: {  	s30 =	sand.u32 $0x60, s30;
	v1 =	vnsel vm9, $0x0, v1;
	s5 =	sor.u32 $0x380, s5;
	[tilespmem:s0+$0xC680] =	vst v52;
	v10 =	vadd.f32 v13, v49  }
0x214: {  	v17 =	vadd.f32 v17, v59;
	v24 =	vmax.f32 v24, $0.0e+00;
	v25 =	vmax.f32 v25, $0.0e+00;
	s0 =	sor.u32 s30, s29;
	[tilespmem:s5+$0xC680] =	vst v62  }
0x215: {  	v4 =	vadd.f32 v1, v11;
	[tilespmem:s0+$0x80] =	vst v1;
	v1 =	vmax.f32 v10, $0.0e+00;
	v10 =	vmul.f32 v55, v8;
	v8 =	vld [tilespmem:$0x1FDE0]  }
0x216: {  	v58 =	vmovc v61;
	v26 =	vmax.f32 v26, $0.0e+00;
	v61 =	vnsel vm9, $0x0, v24;
	v24 =	vnsel vm9, $0x0, v25;
	v0 =	vld [tilespmem:$0x1FED0]  }
0x217: {  	v25 =	vnsel vm9, $0x0, v26;
	v26 =	vmul.f32 v56, v35;
	v5 =	vmul.f32 v55, v34  }
0x218: {  	v17 =	vmax.f32 v17, $0.0e+00;
	v11 =	vmul.f32 v55, v46;
	v22 =	vmul.f32 v56, v47  }
0x219: {  	v57 =	vadd.f32 v20, v57;
	v17 =	vnsel vm9, $0x0, v17;
	v5 =	vadd.f32 v26, v5  }
0x21a: {  	v26 =	vmul.f32 v12, v36;
	s30 =	sand.u32 $0x3, s23;
	[tilespmem:s0+$0x0] =	vst v3;
	v3 =	vadd.f32 v22, v11;
	v11 =	vmul.f32 v56, v8;
	v8 =	vld [tilespmem:$0x1FDF0]  }
0x21b: {  	[tilespmem:$0x1FCC0] =	vst v19;
	v19 =	vlaneseq.u32;
	v23 =	vadd.f32 v17, v23;
	s31 =	sadd.s32 $0x30, s21;
	v2 =	vadd.f32 v2, v0;
	s5 =	sshll.u32 s30, $0x5  }
0x21c: {  	v51 =	vadd.f32 v25, v29;
	v5 =	vadd.f32 v26, v5;
	v26 =	vor.u32 s31, v19;
	s5 =	sadd.s32 s5, s22;
	[tilespmem:s0+$0x100] =	vst v18  }
0x21d: {  	v43 =	vadd.f32 v61, v30;
	v2 =	vmax.f32 v2, $0.0e+00;
	v7 =	vadd.f32 v7, v41;
	[tilespmem:s0+$0x180] =	vst v17;
	s30 =	sor.u32 $0x200, s5  }
0x21e: {  	v5 =	vadd.f32 v5, v45;
	v2 =	vnsel vm9, $0x0, v2;
	vm9 =	vlt.s32 v26, v37;
	[tilespmem:s30+$0xC680] =	vst v61;
	v61 =	vld [tilespmem:$0x1FE60]  }
0x21f: {  	v7 =	vmax.f32 v7, $0.0e+00;
	v10 =	vadd.f32 v11, v10;
	v11 =	vmul.f32 v12, v8;
	v8 =	vld [tilespmem:$0x1FE50]  }
0x220: {  	v45 =	vadd.f32 v24, v57;
	v5 =	vmax.f32 v5, $0.0e+00;
	v7 =	vnsel vm9, $0x0, v7  }
0x221: {  	v26 =	vadd.f32 v7, v4;
	v4 =	vmul.f32 v12, v63;
	v10 =	vadd.f32 v11, v10;
	v11 =	vld [tilespmem:$0x1FE70]  }
0x222: {  	v57 =	vmul.f32 v12, v48;
	v20 =	vadd.f32 v2, v31;
	v5 =	vnsel vm9, $0x0, v5  }
0x223: {  	v3 =	vadd.f32 v4, v3;
	v4 =	vmul.f32 v55, v54;
	v54 =	vmul.f32 v56, v53  }
0x224: {  	v62 =	vadd.f32 v5, v28;
	s30 =	sor.u32 $0x280, s5;
	v13 =	vmul.f32 v56, v61;
	v8 =	vmul.f32 v55, v8  }
0x225: {  	v63 =	vmul.f32 v55, v60;
	v22 =	vmul.f32 v56, v50;
	[tilespmem:s30+$0xC680] =	vst v24;
	s30 =	sor.u32 $0x300, s5;
	v4 =	vadd.f32 v54, v4  }
0x226: {  	s31 =	sand.u32 $0x70, s31;
	v3 =	vadd.f32 v3, v59;
	[tilespmem:s30+$0xC680] =	vst v25;
	s30 =	sor.u32 $0x380, s5;
	v8 =	vadd.f32 v13, v8;
	v11 =	vmul.f32 v12, v11  }
0x227: {  	[tilespmem:s30+$0xC680] =	vst v2;
	s30 =	sor.u32 s31, s29;
	v2 =	vadd.f32 v57, v4;
	v4 =	vadd.f32 v22, v63;
	v12 =	vmul.f32 v12, v33  }
0x228: {  	v1 =	vnsel vm9, $0x0, v1;
	[tilespmem:s30+$0x0] =	vst v5;
	v5 =	vadd.f32 v10, v32;
	v8 =	vadd.f32 v11, v8  }
0x229: {  	[tilespmem:s30+$0x80] =	vst v7;
	v3 =	vmax.f32 v3, $0.0e+00;
	v2 =	vadd.f32 v2, v9;
	v4 =	vadd.f32 v12, v4  }
0x22a: {  	p2 =	sne.s32 s26, $0x1;
	s31 =	sadd.s32 $0x30, s28;
	[tilespmem:s30+$0x100] =	vst v1;
	v3 =	vnsel vm9, $0x0, v3;
	v5 =	vmax.f32 v5, $0.0e+00;
	v7 =	vadd.f32 v8, v58  }
.Ltmp3:
0x22b: {  	s29 =	sor.u32 $0x200, s31;
	[tilespmem:s30+$0x180] =	vst v3;
	v2 =	vmax.f32 v2, $0.0e+00;
	v5 =	vnsel vm9, $0x0, v5;
	v4 =	vadd.f32 v4, v0;
	(pc) =	sbr.rel @p2 .LBB2_3-.Ltmp3, $4  }
0x22c: {  	v22 =	vadd.f32 v1, v6;
	s30 =	sor.u32 $0x280, s31;
	v1 =	vnsel vm9, $0x0, v2;
	[tilespmem:s29+$0xC680] =	vst v5;
	v2 =	vmax.f32 v7, $0.0e+00  }
0x22d: {  	s26 =	sadd.s32 $0xFFFFFFFF, s26;
	p1 =	por !p1, !p1;
	s28 =	sor.u32 $0x300, s31;
	v6 =	vld [tilespmem:$0x1FCB0];
	v9 =	vadd.f32 v3, v23;
	[tilespmem:s30+$0xC680] =	vst v1;
	v3 =	vmax.f32 v4, $0.0e+00;
	v2 =	vnsel vm9, $0x0, v2  }
0x22e: {  	s21 =	sadd.s32 $0x40, s21;
	s24 =	sadd.s32 $0x4, s24;
	s31 =	sor.u32 $0x380, s31;
	v59 =	vadd.f32 v5, v43;
	v5 =	vld [tilespmem:$0x1FCA0];
	v8 =	vadd.f32 v1, v45;
	v1 =	vnsel vm9, $0x0, v3;
	[tilespmem:s28+$0xC680] =	vst v2  }
0x22f: {  	s25 =	sadd.s32 $0x200, s25;
	s23 =	sadd.s32 $0x2, s23;
	s22 =	sadd.s32 $0x200, s22;
	v4 =	vld [tilespmem:$0x1FCC0];
	v0 =	vadd.f32 v2, v51;
	v2 =	vadd.f32 v1, v20;
	[tilespmem:s31+$0xC680] =	vst v1  }
0x230: {  	p1 =	sgt.u32 s19, $0x3F  }
.Ltmp4:
0x231: {  	_ = 	snop;
	(pc) =	sbr.rel @p1 .LBB2_8-.Ltmp4, $1  }
0x232: {  	_ =	sdelay $0x3  }
.LBB2_5:
0x233: {  	s23 =	sshll.u32 s19, $0x9;
	s20 =	sshll.u32 s19, $0x6  }
0x234: {  	s31 =	sshll.u32 s19, $0x2;
	s22 =	sand.u32 $0x70, s20;
	s0 =	sand.u32 $0xFFFFFC00, s23  }
0x235: {  	s21 =	sor.u32 s22, s0;
	s0 =	ssub.s32 $0x100, s31  }
0x236: {  	p1 =	sne.s32 s0, $0x1  }
.Ltmp5:
0x237: {  	[tilespmem:s21+$0xC700] =	vst v21;
	(pc) =	sbr.rel @!p1 .LBB2_7-.Ltmp5, $4  }
0x238: {  	[tilespmem:s21+$0xC780] =	vst v21  }
0x239: {  	[tilespmem:s21+$0xC800] =	vst v21  }
0x23a: {  	[tilespmem:s21+$0xC880] =	vst v21  }
0x23b: {  	s19 =	sadd.s32 $0x80, s23;
	[tilespmem:s21+$0xC900] =	vst v21;
	s24 =	sadd.s32 $0xFFFFFFFF, s0  }
.LBB2_6:
0x23c: {  	p1 =	sne.s32 s24, $0x1;
	s0 =	sadd.s32 s22, s23;
	[tilespmem:s21+$0xC980] =	vst v21;
	s20 =	sadd.s32 $0x10, s20  }
0x23d: {  	s5 =	sand.u32 $0xFFFFFC00, s19;
	s22 =	sand.u32 $0x70, s20;
	[tilespmem:s21+$0xC680] =	vst v21;
	s0 =	sor.u32 $0x380, s0  }
0x23e: {  	s23 =	smov.u32 s19;
	s21 =	sor.u32 s22, s5;
	[tilespmem:s0+$0xC680] =	vst v21  }
.Ltmp6:
0x23f: {  	[tilespmem:s21+$0xC700] =	vst v21;
	(pc) =	sbr.rel @p1 .LBB2_6-.Ltmp6, $4  }
0x240: {  	[tilespmem:s21+$0xC780] =	vst v21  }
0x241: {  	[tilespmem:s21+$0xC800] =	vst v21  }
0x242: {  	[tilespmem:s21+$0xC880] =	vst v21  }
0x243: {  	s19 =	sadd.s32 $0x80, s19;
	s24 =	sadd.s32 $0xFFFFFFFF, s24;
	[tilespmem:s21+$0xC900] =	vst v21  }
.Ltmp7:
0x244: {  	_ = 	snop;
	(pc) =	sbr.rel .LBB2_7-.Ltmp7, $1  }
0x245: {  	_ =	sdelay $0x3  }
.LBB2_9:
0x246: {  	_ =	sfence.sel $0x180000  }
0x247: {  	[bflag:$0x0] =	sbarrier.arrive $0xFFFF  }
0x248: {  	_ =	strace $0x90000047  }
0x249: {  	s0 =	stileid.u32;
	[bflag:$0x2] =	sbarrier.arrive $0xFFFF  }
0x24a: {  	p0 =	sne.s32 s0, $0x0;
	s0 =	rddreg [dreg:$0x7]  }
0x24b: {  	s0 =	sadd.s32 @!p0 $0x100000, s0  }
0x24c: {  	[sflag:s0] =	ssyncadd.tile.s32 @!p0 $0x1;
	_ =	shalt  }
.Lfunc_end2:
_tile_overlayer_lowered:
.L_overlay_start_2:
0x24d: {  	(tag) =	ssettag $0x2  }
0x24e: {  	s0 =	rddreg [dreg:$0x0];
	s2 =	stileid.u32  }
0x24f: {  	s1 =	rddreg [dreg:$0x1];
	p0 =	sne.s32 s2, $0x0  }
0x250: {  	s3 =	rddreg [dreg:$0x2];
	[bflag:$0x3] =	sbarrier.arrive $0xFFFF;
	s2 =	simm.s32 @!p0 $0x1C01  }
0x251: {  	[timem:s3], [sflag:s2] =	dma.local @!p0 [hbm:s0], s1  }
0x252: {  	s0 =	simm.s32 @!p0 $0x1  }
0x253: {  	_ =	swait.ge @!p0 [sflag:s0], s1  }
0x254: {  	s1 =	ssub.s32 @!p0 $0x0, s1;
	[sflag:s0] =	ssyncset.done @!p0 $0x0  }
0x255: {  	[sflag:s0] =	ssyncadd.s32 @!p0 s1  }
0x256: {  	[bflag:$0x3] =	sbarrier.arrive $0xFFFF  }
0x257: {  	_ =	shalt  }

</sc_bundles>
